<compile_context>
chip_gen: v7x
topology: tpu7x:2x2x1
jax: 0.10.2.dev20260603
libtpu: 0.0.44.dev20260713+nightly
codegen_flags: <defaults>
</compile_context>

<pallas_src>
import jax
import jax.numpy as jnp
from jax import lax
from jax.experimental import pallas as pl
from jax.experimental.pallas import tpu as pltpu
from jax.experimental.pallas import tpu_sc as plsc

N = 65536
NQ = 1024
K = 16
L = 16
NC = 2
NS = 16
NW = NC * NS
QPW = NQ // NW
CHUNK = 16384
NCHUNKS = N // CHUNK
GROUP = 512
NGROUPS = CHUNK // GROUP
VPG = GROUP // L

_F32 = jnp.float32
_I32 = jnp.int32


def _bf16_round(x):
    u = plsc.bitcast(x, jnp.uint32)
    lsb = lax.shift_right_logical(u, jnp.uint32(16)) & jnp.uint32(1)
    u = (u + jnp.uint32(0x7FFF) + lsb) & jnp.uint32(0xFFFF0000)
    return plsc.bitcast(u, _F32)


def _knn_body(px_hbm, py_hbm, pz_hbm, qx_hbm, qy_hbm, qz_hbm,
              out_idx_hbm, out_dist_hbm,
              px_v, py_v, pz_v, psq_v, pxb_v, pyb_v, pzb_v,
              qx_v, qy_v, qz_v, best_d_v, best_i_v):
    wid = lax.axis_index("s") * NC + lax.axis_index("c")
    qbase = wid * QPW
    iota = lax.broadcasted_iota(_I32, (L,), 0)
    inf_vec = jnp.full((L,), jnp.inf, _F32)

    pltpu.sync_copy(qx_hbm.at[pl.ds(qbase, QPW)], qx_v)
    pltpu.sync_copy(qy_hbm.at[pl.ds(qbase, QPW)], qy_v)
    pltpu.sync_copy(qz_hbm.at[pl.ds(qbase, QPW)], qz_v)

    for j in range(QPW * K // L):
        best_d_v[pl.ds(j * L, L)] = inf_vec
        best_i_v[pl.ds(j * L, L)] = jnp.zeros((L,), _I32)

    def splat(ref, q):
        base = (q // L) * L
        v = ref[pl.ds(base, L)]
        lane = jnp.full((L,), q - base, _I32)
        return v.at[lane].get(mode="promise_in_bounds")

    def chunk_body(ci, _):
        pltpu.sync_copy(px_hbm.at[pl.ds(ci * CHUNK, CHUNK)], px_v)
        pltpu.sync_copy(py_hbm.at[pl.ds(ci * CHUNK, CHUNK)], py_v)
        pltpu.sync_copy(pz_hbm.at[pl.ds(ci * CHUNK, CHUNK)], pz_v)

        def prep(i, _):
            ws = []
            for h in range(2):
                x = px_v[pl.ds(i * 2 * L + h * L, L)]
                y = py_v[pl.ds(i * 2 * L + h * L, L)]
                z = pz_v[pl.ds(i * 2 * L + h * L, L)]
                psq_v[pl.ds(i * 2 * L + h * L, L)] = (x * x + z * z) + y * y
                ws.append((2.0 * _bf16_round(x),
                           2.0 * _bf16_round(y),
                           2.0 * _bf16_round(z)))
            fmt = plsc.PackFormat.INTERLEAVED
            pxb_v[pl.ds(i * L, L)] = plsc.bitcast(
                plsc.pack(ws[0][0], ws[1][0], format=fmt), _I32)
            pyb_v[pl.ds(i * L, L)] = plsc.bitcast(
                plsc.pack(ws[0][1], ws[1][1], format=fmt), _I32)
            pzb_v[pl.ds(i * L, L)] = plsc.bitcast(
                plsc.pack(ws[0][2], ws[1][2], format=fmt), _I32)
            return 0

        lax.fori_loop(0, CHUNK // (2 * L), prep, 0)

        def qbody(q, _):
            qxs = splat(qx_v, q)
            qys = splat(qy_v, q)
            qzs = splat(qz_v, q)
            qsq = (qxs * qxs + qzs * qzs) + qys * qys
            qxb = _bf16_round(qxs)
            qyb = _bf16_round(qys)
            qzb = _bf16_round(qzs)
            tvec0 = jnp.full((L,), jnp.max(best_d_v[pl.ds(q * K, K)]), _F32)

            def do_group(g, tvec):
                off = g * GROUP
                off2 = off // 2
                fmt = plsc.PackFormat.INTERLEAVED
                d = []
                for jp in range(VPG // 2):
                    xs = plsc.unpack(plsc.bitcast(
                        pxb_v[pl.ds(off2 + jp * L, L)], jnp.bfloat16), format=fmt)
                    ys = plsc.unpack(plsc.bitcast(
                        pyb_v[pl.ds(off2 + jp * L, L)], jnp.bfloat16), format=fmt)
                    zs = plsc.unpack(plsc.bitcast(
                        pzb_v[pl.ds(off2 + jp * L, L)], jnp.bfloat16), format=fmt)
                    for h in range(2):
                        j = jp * 2 + h
                        dot2 = xs[h] * qxb + ys[h] * qyb
                        dot2 = dot2 + zs[h] * qzb
                        a = qsq - dot2
                        d.append(a + psq_v[pl.ds(off + j * L, L)])
                gmin = d[0]
                for j in range(1, VPG):
                    gmin = jnp.minimum(gmin, d[j])
                hit = jnp.any(gmin < tvec)

                def merge(tvec):
                    del tvec
                    base = ci * CHUNK + g * GROUP
                    def bmerge(a, b):
                        rd = lax.rev(b[0], (0,))
                        ri = lax.rev(b[1], (0,))
                        m = rd < a[0]
                        md = jnp.where(m, rd, a[0])
                        mi = jnp.where(m, ri, a[1])
                        nd, ni = plsc.sort_key_val(md, mi)
                        return (nd, ni)

                    runs = []
                    for j in range(VPG):
                        ij = jnp.full((L,), base + j * L, _I32) + iota
                        sd, si = plsc.sort_key_val(d[j], ij)
                        runs.append((sd, si))
                    while len(runs) > 1:
                        runs = [bmerge(runs[2 * t], runs[2 * t + 1])
                                for t in range(len(runs) // 2)]
                    bd = best_d_v[pl.ds(q * K, K)]
                    bi = best_i_v[pl.ds(q * K, K)]
                    bd, bi = bmerge((bd, bi), runs[0])
                    best_d_v[pl.ds(q * K, K)] = bd
                    best_i_v[pl.ds(q * K, K)] = bi
                    return jnp.full((L,), jnp.max(bd), _F32)

                return lax.cond(hit, merge, lambda t: t, tvec)

            def gbody(g2, tvec):
                tvec = do_group(2 * g2, tvec)
                return do_group(2 * g2 + 1, tvec)

            lax.fori_loop(0, NGROUPS // 2, gbody, tvec0)
            return 0

        lax.fori_loop(0, QPW, qbody, 0)
        return 0

    lax.fori_loop(0, NCHUNKS, chunk_body, 0)

    one = jnp.full((L,), 1, _I32)
    part_even = lax.bitwise_xor(iota, one)
    part_odd = jnp.clip(lax.bitwise_xor(iota - one, one) + one, 0, L - 1)

    def tie_fix(q, _):
        bd = best_d_v[pl.ds(q * K, K)]
        bi = best_i_v[pl.ds(q * K, K)]
        for phase in range(K):
            partner = part_even if phase % 2 == 0 else part_odd
            pd = bd.at[partner].get(mode="promise_in_bounds")
            pi = bi.at[partner].get(mode="promise_in_bounds")
            is_lo = iota < partner
            swap = (bd == pd) & jnp.where(is_lo, bi > pi, bi < pi)
            bi = jnp.where(swap, pi, bi)
        best_i_v[pl.ds(q * K, K)] = bi
        return 0

    lax.fori_loop(0, QPW, tie_fix, 0)

    pltpu.sync_copy(best_i_v, out_idx_hbm.at[pl.ds(qbase * K, QPW * K)])
    pltpu.sync_copy(best_d_v, out_dist_hbm.at[pl.ds(qbase * K, QPW * K)])


@jax.jit
def _knn(px, py, pz, qx, qy, qz):
    mesh = plsc.VectorSubcoreMesh(core_axis_name="c", subcore_axis_name="s")
    f = pl.kernel(
        _knn_body,
        out_type=[
            jax.ShapeDtypeStruct((NQ * K,), _I32),
            jax.ShapeDtypeStruct((NQ * K,), _F32),
        ],
        mesh=mesh,
        compiler_params=pltpu.CompilerParams(needs_layout_passes=False),
        scratch_types=[
            pltpu.VMEM((CHUNK,), _F32),
            pltpu.VMEM((CHUNK,), _F32),
            pltpu.VMEM((CHUNK,), _F32),
            pltpu.VMEM((CHUNK,), _F32),
            pltpu.VMEM((CHUNK // 2,), _I32),
            pltpu.VMEM((CHUNK // 2,), _I32),
            pltpu.VMEM((CHUNK // 2,), _I32),
            pltpu.VMEM((QPW,), _F32),
            pltpu.VMEM((QPW,), _F32),
            pltpu.VMEM((QPW,), _F32),
            pltpu.VMEM((QPW * K,), _F32),
            pltpu.VMEM((QPW * K,), _I32),
        ],
    )
    return f(px, py, pz, qx, qy, qz)


def kernel(points, queries, k):
    del k
    assert points.shape == (N, 3) and queries.shape == (NQ, 3)
    px, py, pz = points[:, 0], points[:, 1], points[:, 2]
    qx, qy, qz = queries[:, 0], queries[:, 1], queries[:, 2]
    idx, dist = _knn(px, py, pz, qx, qy, qz)
    row_splits = jnp.arange(NQ + 1, dtype=_I32) * K
    return idx, row_splits, dist

# --- scband reference (transcript-rebuilt; emitter-appended) ---
"""Pipeline reference for scband-knnsearch-75660143886578 (READ-ONLY COPY).

The authoritative reference and input builder live on the scoring server;
editing this copy changes nothing except your own understanding.
"""

import jax, jax.numpy as jnp
import numpy as np


def setup_inputs(seed: int = 0) -> dict:
    key = jax.random.key(seed)
    k1, k2 = jax.random.split(key)
    points = jax.random.normal(k1, (65536, 3), dtype=jnp.float32)
    queries = jax.random.normal(k2, (1024, 3), dtype=jnp.float32)
    return {"points": points, "queries": queries, "k": 16}


def reference(points, queries, k):
    # Brute-force KNN with squared L2 metric (matches metric='L2', which
    # returns squared distances per the open3d docstring).
    # dist[i, j] = ||queries[i] - points[j]||^2
    p_sq = jnp.sum(points * points, axis=1)  # [N]
    q_sq = jnp.sum(queries * queries, axis=1)  # [Q]
    dist = q_sq[:, None] - 2.0 * (queries @ points.T) + p_sq[None, :]  # [Q, N]
    # k nearest = top-k of negated distances
    K_STATIC = 16
    neg_topk_vals, topk_idx = jax.lax.top_k(-dist, K_STATIC)  # [Q, k]
    num_queries = queries.shape[0]
    # Compact (flat) neighbor list, as in the open3d op
    neighbors_index = topk_idx.reshape(-1).astype(jnp.int32)  # [Q*k]
    # Exclusive prefix sum of neighbor counts (every query has exactly k)
    neighbors_row_splits = jnp.arange(num_queries + 1, dtype=jnp.int32) * k  # [Q+1]
    # return_distances=True -> squared L2 distances to each neighbor
    neighbors_distance = (-neg_topk_vals).reshape(-1)  # [Q*k]
    return neighbors_index, neighbors_row_splits, neighbors_distance

if __name__ == "__main__":
    import jax
    _d = setup_inputs()
    print(jax.jit(kernel)(*tuple(_d.values())))

</pallas_src>

<mosaic_0001>
#map = affine_map<(d0, d1) -> (0)>
module attributes {stable_mosaic.version = 14 : i64} {
  func.func @_knn_body(%arg0: i32, %arg1: i32, %arg2: memref<65536xf32, #tpu.memory_space<hbm>>, %arg3: memref<65536xf32, #tpu.memory_space<hbm>>, %arg4: memref<65536xf32, #tpu.memory_space<hbm>>, %arg5: memref<1024xf32, #tpu.memory_space<hbm>>, %arg6: memref<1024xf32, #tpu.memory_space<hbm>>, %arg7: memref<1024xf32, #tpu.memory_space<hbm>>, %arg8: memref<16384xi32, #tpu.memory_space<hbm>>, %arg9: memref<16384xf32, #tpu.memory_space<hbm>>, %arg10: memref<16384xf32, #tpu.memory_space<vmem>>, %arg11: memref<16384xf32, #tpu.memory_space<vmem>>, %arg12: memref<16384xf32, #tpu.memory_space<vmem>>, %arg13: memref<16384xf32, #tpu.memory_space<vmem>>, %arg14: memref<8192xi32, #tpu.memory_space<vmem>>, %arg15: memref<8192xi32, #tpu.memory_space<vmem>>, %arg16: memref<8192xi32, #tpu.memory_space<vmem>>, %arg17: memref<32xf32, #tpu.memory_space<vmem>>, %arg18: memref<32xf32, #tpu.memory_space<vmem>>, %arg19: memref<32xf32, #tpu.memory_space<vmem>>, %arg20: memref<512xf32, #tpu.memory_space<vmem>>, %arg21: memref<512xi32, #tpu.memory_space<vmem>>) attributes {dimension_semantics = [#tpu.dimension_semantics<core_parallel>, #tpu.dimension_semantics<subcore_parallel>], iteration_bounds = array<i64: 2, 16>, scalar_prefetch = 0 : i64, scratch_operands = 12 : i64, tpu.core_type = #tpu.core_type<sc_vector_subcore>, window_params = [{transform_indices = #map}, {transform_indices = #map}, {transform_indices = #map}, {transform_indices = #map}, {transform_indices = #map}, {transform_indices = #map}, {transform_indices = #map}, {transform_indices = #map}]} {
    %mul3A = arith.constant 2 : i32
    %mul3A_0 = arith.muli %arg1, %mul3A : i32
    %add3A = arith.addi %mul3A_0, %arg0 : i32
    %mul3A_1 = arith.constant 32 : i32
    %mul3A_2 = arith.muli %add3A, %mul3A_1 : i32
    %iota3A = tpu.iota {dimensions = array<i32: 0>} : vector<16xi32>
    %broadcast_in_dim3A = arith.constant 0x7F800000 : f32
    %broadcast_in_dim3A_3 = vector.broadcast %broadcast_in_dim3A : f32 to vector<16xf32>
    "tpu.region"() ({
      %run_scoped3A = tpu.sem_alloc : memref<!tpu.dma_semaphore, #tpu.memory_space<semaphore_mem>>
      %dma_start3A = tpu.memref_slice %arg5[%mul3A_2] : memref<1024xf32, #tpu.memory_space<hbm>> -> memref<32xf32, #tpu.memory_space<hbm>>
      %dma_start3A_219 = tpu.memref_slice %arg5[%mul3A_2] : memref<1024xf32, #tpu.memory_space<hbm>> -> memref<32xf32, #tpu.memory_space<hbm>>
      tpu.enqueue_dma source(%dma_start3A_219 : memref<32xf32, #tpu.memory_space<hbm>>) target(%arg17 : memref<32xf32, #tpu.memory_space<vmem>>) target_semaphore(%run_scoped3A : memref<!tpu.dma_semaphore, #tpu.memory_space<semaphore_mem>>)
      %dma_wait3A = tpu.memref_slice %arg5[%mul3A_2] : memref<1024xf32, #tpu.memory_space<hbm>> -> memref<32xf32, #tpu.memory_space<hbm>>
      %dma_wait3A_220 = tpu.memref_slice %arg5[%mul3A_2] : memref<1024xf32, #tpu.memory_space<hbm>> -> memref<32xf32, #tpu.memory_space<hbm>>
      tpu.wait_dma2 semaphore(%run_scoped3A : memref<!tpu.dma_semaphore, #tpu.memory_space<semaphore_mem>>) src(%dma_wait3A_220 : memref<32xf32, #tpu.memory_space<hbm>>) dst(%arg17 : memref<32xf32, #tpu.memory_space<vmem>>)
      tpu.yield
    }) : () -> ()
    "tpu.region"() ({
      %run_scoped3A = tpu.sem_alloc : memref<!tpu.dma_semaphore, #tpu.memory_space<semaphore_mem>>
      %dma_start3A = tpu.memref_slice %arg6[%mul3A_2] : memref<1024xf32, #tpu.memory_space<hbm>> -> memref<32xf32, #tpu.memory_space<hbm>>
      %dma_start3A_219 = tpu.memref_slice %arg6[%mul3A_2] : memref<1024xf32, #tpu.memory_space<hbm>> -> memref<32xf32, #tpu.memory_space<hbm>>
      tpu.enqueue_dma source(%dma_start3A_219 : memref<32xf32, #tpu.memory_space<hbm>>) target(%arg18 : memref<32xf32, #tpu.memory_space<vmem>>) target_semaphore(%run_scoped3A : memref<!tpu.dma_semaphore, #tpu.memory_space<semaphore_mem>>)
      %dma_wait3A = tpu.memref_slice %arg6[%mul3A_2] : memref<1024xf32, #tpu.memory_space<hbm>> -> memref<32xf32, #tpu.memory_space<hbm>>
      %dma_wait3A_220 = tpu.memref_slice %arg6[%mul3A_2] : memref<1024xf32, #tpu.memory_space<hbm>> -> memref<32xf32, #tpu.memory_space<hbm>>
      tpu.wait_dma2 semaphore(%run_scoped3A : memref<!tpu.dma_semaphore, #tpu.memory_space<semaphore_mem>>) src(%dma_wait3A_220 : memref<32xf32, #tpu.memory_space<hbm>>) dst(%arg18 : memref<32xf32, #tpu.memory_space<vmem>>)
      tpu.yield
    }) : () -> ()
    "tpu.region"() ({
      %run_scoped3A = tpu.sem_alloc : memref<!tpu.dma_semaphore, #tpu.memory_space<semaphore_mem>>
      %dma_start3A = tpu.memref_slice %arg7[%mul3A_2] : memref<1024xf32, #tpu.memory_space<hbm>> -> memref<32xf32, #tpu.memory_space<hbm>>
      %dma_start3A_219 = tpu.memref_slice %arg7[%mul3A_2] : memref<1024xf32, #tpu.memory_space<hbm>> -> memref<32xf32, #tpu.memory_space<hbm>>
      tpu.enqueue_dma source(%dma_start3A_219 : memref<32xf32, #tpu.memory_space<hbm>>) target(%arg19 : memref<32xf32, #tpu.memory_space<vmem>>) target_semaphore(%run_scoped3A : memref<!tpu.dma_semaphore, #tpu.memory_space<semaphore_mem>>)
      %dma_wait3A = tpu.memref_slice %arg7[%mul3A_2] : memref<1024xf32, #tpu.memory_space<hbm>> -> memref<32xf32, #tpu.memory_space<hbm>>
      %dma_wait3A_220 = tpu.memref_slice %arg7[%mul3A_2] : memref<1024xf32, #tpu.memory_space<hbm>> -> memref<32xf32, #tpu.memory_space<hbm>>
      tpu.wait_dma2 semaphore(%run_scoped3A : memref<!tpu.dma_semaphore, #tpu.memory_space<semaphore_mem>>) src(%dma_wait3A_220 : memref<32xf32, #tpu.memory_space<hbm>>) dst(%arg19 : memref<32xf32, #tpu.memory_space<vmem>>)
      tpu.yield
    }) : () -> ()
    %swap3A = arith.constant 0 : index
    %swap3A_4 = tpu.vector_load %arg20[%swap3A] {strides = array<i32>} : memref<512xf32, #tpu.memory_space<vmem>>, vector<16xf32>,
    tpu.vector_store %arg20[%swap3A], %broadcast_in_dim3A_3 {strides = array<i32>} : memref<512xf32, #tpu.memory_space<vmem>>, vector<16xf32>,
    %broadcast_in_dim3A_5 = arith.constant 0 : i32
    %broadcast_in_dim3A_6 = vector.broadcast %broadcast_in_dim3A_5 : i32 to vector<16xi32>
    %swap3A_7 = arith.constant 0 : index
    %swap3A_8 = tpu.vector_load %arg21[%swap3A_7] {strides = array<i32>} : memref<512xi32, #tpu.memory_space<vmem>>, vector<16xi32>,
    tpu.vector_store %arg21[%swap3A_7], %broadcast_in_dim3A_6 {strides = array<i32>} : memref<512xi32, #tpu.memory_space<vmem>>, vector<16xi32>,
    %swap3A_9 = arith.constant 16 : index
    %swap3A_10 = tpu.vector_load %arg20[%swap3A_9] {strides = array<i32>} : memref<512xf32, #tpu.memory_space<vmem>>, vector<16xf32>,
    tpu.vector_store %arg20[%swap3A_9], %broadcast_in_dim3A_3 {strides = array<i32>} : memref<512xf32, #tpu.memory_space<vmem>>, vector<16xf32>,
    %broadcast_in_dim3A_11 = arith.constant 0 : i32
    %broadcast_in_dim3A_12 = vector.broadcast %broadcast_in_dim3A_11 : i32 to vector<16xi32>
    %swap3A_13 = arith.constant 16 : index
    %swap3A_14 = tpu.vector_load %arg21[%swap3A_13] {strides = array<i32>} : memref<512xi32, #tpu.memory_space<vmem>>, vector<16xi32>,
    tpu.vector_store %arg21[%swap3A_13], %broadcast_in_dim3A_12 {strides = array<i32>} : memref<512xi32, #tpu.memory_space<vmem>>, vector<16xi32>,
    %swap3A_15 = arith.constant 32 : index
    %swap3A_16 = tpu.vector_load %arg20[%swap3A_15] {strides = array<i32>} : memref<512xf32, #tpu.memory_space<vmem>>, vector<16xf32>,
    tpu.vector_store %arg20[%swap3A_15], %broadcast_in_dim3A_3 {strides = array<i32>} : memref<512xf32, #tpu.memory_space<vmem>>, vector<16xf32>,
    %broadcast_in_dim3A_17 = arith.constant 0 : i32
    %broadcast_in_dim3A_18 = vector.broadcast %broadcast_in_dim3A_17 : i32 to vector<16xi32>
    %swap3A_19 = arith.constant 32 : index
    %swap3A_20 = tpu.vector_load %arg21[%swap3A_19] {strides = array<i32>} : memref<512xi32, #tpu.memory_space<vmem>>, vector<16xi32>,
    tpu.vector_store %arg21[%swap3A_19], %broadcast_in_dim3A_18 {strides = array<i32>} : memref<512xi32, #tpu.memory_space<vmem>>, vector<16xi32>,
    %swap3A_21 = arith.constant 48 : index
    %swap3A_22 = tpu.vector_load %arg20[%swap3A_21] {strides = array<i32>} : memref<512xf32, #tpu.memory_space<vmem>>, vector<16xf32>,
    tpu.vector_store %arg20[%swap3A_21], %broadcast_in_dim3A_3 {strides = array<i32>} : memref<512xf32, #tpu.memory_space<vmem>>, vector<16xf32>,
    %broadcast_in_dim3A_23 = arith.constant 0 : i32
    %broadcast_in_dim3A_24 = vector.broadcast %broadcast_in_dim3A_23 : i32 to vector<16xi32>
    %swap3A_25 = arith.constant 48 : index
    %swap3A_26 = tpu.vector_load %arg21[%swap3A_25] {strides = array<i32>} : memref<512xi32, #tpu.memory_space<vmem>>, vector<16xi32>,
    tpu.vector_store %arg21[%swap3A_25], %broadcast_in_dim3A_24 {strides = array<i32>} : memref<512xi32, #tpu.memory_space<vmem>>, vector<16xi32>,
    %swap3A_27 = arith.constant 64 : index
    %swap3A_28 = tpu.vector_load %arg20[%swap3A_27] {strides = array<i32>} : memref<512xf32, #tpu.memory_space<vmem>>, vector<16xf32>,
    tpu.vector_store %arg20[%swap3A_27], %broadcast_in_dim3A_3 {strides = array<i32>} : memref<512xf32, #tpu.memory_space<vmem>>, vector<16xf32>,
    %broadcast_in_dim3A_29 = arith.constant 0 : i32
    %broadcast_in_dim3A_30 = vector.broadcast %broadcast_in_dim3A_29 : i32 to vector<16xi32>
    %swap3A_31 = arith.constant 64 : index
    %swap3A_32 = tpu.vector_load %arg21[%swap3A_31] {strides = array<i32>} : memref<512xi32, #tpu.memory_space<vmem>>, vector<16xi32>,
    tpu.vector_store %arg21[%swap3A_31], %broadcast_in_dim3A_30 {strides = array<i32>} : memref<512xi32, #tpu.memory_space<vmem>>, vector<16xi32>,
    %swap3A_33 = arith.constant 80 : index
    %swap3A_34 = tpu.vector_load %arg20[%swap3A_33] {strides = array<i32>} : memref<512xf32, #tpu.memory_space<vmem>>, vector<16xf32>,
    tpu.vector_store %arg20[%swap3A_33], %broadcast_in_dim3A_3 {strides = array<i32>} : memref<512xf32, #tpu.memory_space<vmem>>, vector<16xf32>,
    %broadcast_in_dim3A_35 = arith.constant 0 : i32
    %broadcast_in_dim3A_36 = vector.broadcast %broadcast_in_dim3A_35 : i32 to vector<16xi32>
    %swap3A_37 = arith.constant 80 : index
    %swap3A_38 = tpu.vector_load %arg21[%swap3A_37] {strides = array<i32>} : memref<512xi32, #tpu.memory_space<vmem>>, vector<16xi32>,
    tpu.vector_store %arg21[%swap3A_37], %broadcast_in_dim3A_36 {strides = array<i32>} : memref<512xi32, #tpu.memory_space<vmem>>, vector<16xi32>,
    %swap3A_39 = arith.constant 96 : index
    %swap3A_40 = tpu.vector_load %arg20[%swap3A_39] {strides = array<i32>} : memref<512xf32, #tpu.memory_space<vmem>>, vector<16xf32>,
    tpu.vector_store %arg20[%swap3A_39], %broadcast_in_dim3A_3 {strides = array<i32>} : memref<512xf32, #tpu.memory_space<vmem>>, vector<16xf32>,
    %broadcast_in_dim3A_41 = arith.constant 0 : i32
    %broadcast_in_dim3A_42 = vector.broadcast %broadcast_in_dim3A_41 : i32 to vector<16xi32>
    %swap3A_43 = arith.constant 96 : index
    %swap3A_44 = tpu.vector_load %arg21[%swap3A_43] {strides = array<i32>} : memref<512xi32, #tpu.memory_space<vmem>>, vector<16xi32>,
    tpu.vector_store %arg21[%swap3A_43], %broadcast_in_dim3A_42 {strides = array<i32>} : memref<512xi32, #tpu.memory_space<vmem>>, vector<16xi32>,
    %swap3A_45 = arith.constant 112 : index
    %swap3A_46 = tpu.vector_load %arg20[%swap3A_45] {strides = array<i32>} : memref<512xf32, #tpu.memory_space<vmem>>, vector<16xf32>,
    tpu.vector_store %arg20[%swap3A_45], %broadcast_in_dim3A_3 {strides = array<i32>} : memref<512xf32, #tpu.memory_space<vmem>>, vector<16xf32>,
    %broadcast_in_dim3A_47 = arith.constant 0 : i32
    %broadcast_in_dim3A_48 = vector.broadcast %broadcast_in_dim3A_47 : i32 to vector<16xi32>
    %swap3A_49 = arith.constant 112 : index
    %swap3A_50 = tpu.vector_load %arg21[%swap3A_49] {strides = array<i32>} : memref<512xi32, #tpu.memory_space<vmem>>, vector<16xi32>,
    tpu.vector_store %arg21[%swap3A_49], %broadcast_in_dim3A_48 {strides = array<i32>} : memref<512xi32, #tpu.memory_space<vmem>>, vector<16xi32>,
    %swap3A_51 = arith.constant 128 : index
    %swap3A_52 = tpu.vector_load %arg20[%swap3A_51] {strides = array<i32>} : memref<512xf32, #tpu.memory_space<vmem>>, vector<16xf32>,
    tpu.vector_store %arg20[%swap3A_51], %broadcast_in_dim3A_3 {strides = array<i32>} : memref<512xf32, #tpu.memory_space<vmem>>, vector<16xf32>,
    %broadcast_in_dim3A_53 = arith.constant 0 : i32
    %broadcast_in_dim3A_54 = vector.broadcast %broadcast_in_dim3A_53 : i32 to vector<16xi32>
    %swap3A_55 = arith.constant 128 : index
    %swap3A_56 = tpu.vector_load %arg21[%swap3A_55] {strides = array<i32>} : memref<512xi32, #tpu.memory_space<vmem>>, vector<16xi32>,
    tpu.vector_store %arg21[%swap3A_55], %broadcast_in_dim3A_54 {strides = array<i32>} : memref<512xi32, #tpu.memory_space<vmem>>, vector<16xi32>,
    %swap3A_57 = arith.constant 144 : index
    %swap3A_58 = tpu.vector_load %arg20[%swap3A_57] {strides = array<i32>} : memref<512xf32, #tpu.memory_space<vmem>>, vector<16xf32>,
    tpu.vector_store %arg20[%swap3A_57], %broadcast_in_dim3A_3 {strides = array<i32>} : memref<512xf32, #tpu.memory_space<vmem>>, vector<16xf32>,
    %broadcast_in_dim3A_59 = arith.constant 0 : i32
    %broadcast_in_dim3A_60 = vector.broadcast %broadcast_in_dim3A_59 : i32 to vector<16xi32>
    %swap3A_61 = arith.constant 144 : index
    %swap3A_62 = tpu.vector_load %arg21[%swap3A_61] {strides = array<i32>} : memref<512xi32, #tpu.memory_space<vmem>>, vector<16xi32>,
    tpu.vector_store %arg21[%swap3A_61], %broadcast_in_dim3A_60 {strides = array<i32>} : memref<512xi32, #tpu.memory_space<vmem>>, vector<16xi32>,
    %swap3A_63 = arith.constant 160 : index
    %swap3A_64 = tpu.vector_load %arg20[%swap3A_63] {strides = array<i32>} : memref<512xf32, #tpu.memory_space<vmem>>, vector<16xf32>,
    tpu.vector_store %arg20[%swap3A_63], %broadcast_in_dim3A_3 {strides = array<i32>} : memref<512xf32, #tpu.memory_space<vmem>>, vector<16xf32>,
    %broadcast_in_dim3A_65 = arith.constant 0 : i32
    %broadcast_in_dim3A_66 = vector.broadcast %broadcast_in_dim3A_65 : i32 to vector<16xi32>
    %swap3A_67 = arith.constant 160 : index
    %swap3A_68 = tpu.vector_load %arg21[%swap3A_67] {strides = array<i32>} : memref<512xi32, #tpu.memory_space<vmem>>, vector<16xi32>,
    tpu.vector_store %arg21[%swap3A_67], %broadcast_in_dim3A_66 {strides = array<i32>} : memref<512xi32, #tpu.memory_space<vmem>>, vector<16xi32>,
    %swap3A_69 = arith.constant 176 : index
    %swap3A_70 = tpu.vector_load %arg20[%swap3A_69] {strides = array<i32>} : memref<512xf32, #tpu.memory_space<vmem>>, vector<16xf32>,
    tpu.vector_store %arg20[%swap3A_69], %broadcast_in_dim3A_3 {strides = array<i32>} : memref<512xf32, #tpu.memory_space<vmem>>, vector<16xf32>,
    %broadcast_in_dim3A_71 = arith.constant 0 : i32
    %broadcast_in_dim3A_72 = vector.broadcast %broadcast_in_dim3A_71 : i32 to vector<16xi32>
    %swap3A_73 = arith.constant 176 : index
    %swap3A_74 = tpu.vector_load %arg21[%swap3A_73] {strides = array<i32>} : memref<512xi32, #tpu.memory_space<vmem>>, vector<16xi32>,
    tpu.vector_store %arg21[%swap3A_73], %broadcast_in_dim3A_72 {strides = array<i32>} : memref<512xi32, #tpu.memory_space<vmem>>, vector<16xi32>,
    %swap3A_75 = arith.constant 192 : index
    %swap3A_76 = tpu.vector_load %arg20[%swap3A_75] {strides = array<i32>} : memref<512xf32, #tpu.memory_space<vmem>>, vector<16xf32>,
    tpu.vector_store %arg20[%swap3A_75], %broadcast_in_dim3A_3 {strides = array<i32>} : memref<512xf32, #tpu.memory_space<vmem>>, vector<16xf32>,
    %broadcast_in_dim3A_77 = arith.constant 0 : i32
    %broadcast_in_dim3A_78 = vector.broadcast %broadcast_in_dim3A_77 : i32 to vector<16xi32>
    %swap3A_79 = arith.constant 192 : index
    %swap3A_80 = tpu.vector_load %arg21[%swap3A_79] {strides = array<i32>} : memref<512xi32, #tpu.memory_space<vmem>>, vector<16xi32>,
    tpu.vector_store %arg21[%swap3A_79], %broadcast_in_dim3A_78 {strides = array<i32>} : memref<512xi32, #tpu.memory_space<vmem>>, vector<16xi32>,
    %swap3A_81 = arith.constant 208 : index
    %swap3A_82 = tpu.vector_load %arg20[%swap3A_81] {strides = array<i32>} : memref<512xf32, #tpu.memory_space<vmem>>, vector<16xf32>,
    tpu.vector_store %arg20[%swap3A_81], %broadcast_in_dim3A_3 {strides = array<i32>} : memref<512xf32, #tpu.memory_space<vmem>>, vector<16xf32>,
    %broadcast_in_dim3A_83 = arith.constant 0 : i32
    %broadcast_in_dim3A_84 = vector.broadcast %broadcast_in_dim3A_83 : i32 to vector<16xi32>
    %swap3A_85 = arith.constant 208 : index
    %swap3A_86 = tpu.vector_load %arg21[%swap3A_85] {strides = array<i32>} : memref<512xi32, #tpu.memory_space<vmem>>, vector<16xi32>,
    tpu.vector_store %arg21[%swap3A_85], %broadcast_in_dim3A_84 {strides = array<i32>} : memref<512xi32, #tpu.memory_space<vmem>>, vector<16xi32>,
    %swap3A_87 = arith.constant 224 : index
    %swap3A_88 = tpu.vector_load %arg20[%swap3A_87] {strides = array<i32>} : memref<512xf32, #tpu.memory_space<vmem>>, vector<16xf32>,
    tpu.vector_store %arg20[%swap3A_87], %broadcast_in_dim3A_3 {strides = array<i32>} : memref<512xf32, #tpu.memory_space<vmem>>, vector<16xf32>,
    %broadcast_in_dim3A_89 = arith.constant 0 : i32
    %broadcast_in_dim3A_90 = vector.broadcast %broadcast_in_dim3A_89 : i32 to vector<16xi32>
    %swap3A_91 = arith.constant 224 : index
    %swap3A_92 = tpu.vector_load %arg21[%swap3A_91] {strides = array<i32>} : memref<512xi32, #tpu.memory_space<vmem>>, vector<16xi32>,
    tpu.vector_store %arg21[%swap3A_91], %broadcast_in_dim3A_90 {strides = array<i32>} : memref<512xi32, #tpu.memory_space<vmem>>, vector<16xi32>,
    %swap3A_93 = arith.constant 240 : index
    %swap3A_94 = tpu.vector_load %arg20[%swap3A_93] {strides = array<i32>} : memref<512xf32, #tpu.memory_space<vmem>>, vector<16xf32>,
    tpu.vector_store %arg20[%swap3A_93], %broadcast_in_dim3A_3 {strides = array<i32>} : memref<512xf32, #tpu.memory_space<vmem>>, vector<16xf32>,
    %broadcast_in_dim3A_95 = arith.constant 0 : i32
    %broadcast_in_dim3A_96 = vector.broadcast %broadcast_in_dim3A_95 : i32 to vector<16xi32>
    %swap3A_97 = arith.constant 240 : index
    %swap3A_98 = tpu.vector_load %arg21[%swap3A_97] {strides = array<i32>} : memref<512xi32, #tpu.memory_space<vmem>>, vector<16xi32>,
    tpu.vector_store %arg21[%swap3A_97], %broadcast_in_dim3A_96 {strides = array<i32>} : memref<512xi32, #tpu.memory_space<vmem>>, vector<16xi32>,
    %swap3A_99 = arith.constant 256 : index
    %swap3A_100 = tpu.vector_load %arg20[%swap3A_99] {strides = array<i32>} : memref<512xf32, #tpu.memory_space<vmem>>, vector<16xf32>,
    tpu.vector_store %arg20[%swap3A_99], %broadcast_in_dim3A_3 {strides = array<i32>} : memref<512xf32, #tpu.memory_space<vmem>>, vector<16xf32>,
    %broadcast_in_dim3A_101 = arith.constant 0 : i32
    %broadcast_in_dim3A_102 = vector.broadcast %broadcast_in_dim3A_101 : i32 to vector<16xi32>
    %swap3A_103 = arith.constant 256 : index
    %swap3A_104 = tpu.vector_load %arg21[%swap3A_103] {strides = array<i32>} : memref<512xi32, #tpu.memory_space<vmem>>, vector<16xi32>,
    tpu.vector_store %arg21[%swap3A_103], %broadcast_in_dim3A_102 {strides = array<i32>} : memref<512xi32, #tpu.memory_space<vmem>>, vector<16xi32>,
    %swap3A_105 = arith.constant 272 : index
    %swap3A_106 = tpu.vector_load %arg20[%swap3A_105] {strides = array<i32>} : memref<512xf32, #tpu.memory_space<vmem>>, vector<16xf32>,
    tpu.vector_store %arg20[%swap3A_105], %broadcast_in_dim3A_3 {strides = array<i32>} : memref<512xf32, #tpu.memory_space<vmem>>, vector<16xf32>,
    %broadcast_in_dim3A_107 = arith.constant 0 : i32
    %broadcast_in_dim3A_108 = vector.broadcast %broadcast_in_dim3A_107 : i32 to vector<16xi32>
    %swap3A_109 = arith.constant 272 : index
    %swap3A_110 = tpu.vector_load %arg21[%swap3A_109] {strides = array<i32>} : memref<512xi32, #tpu.memory_space<vmem>>, vector<16xi32>,
    tpu.vector_store %arg21[%swap3A_109], %broadcast_in_dim3A_108 {strides = array<i32>} : memref<512xi32, #tpu.memory_space<vmem>>, vector<16xi32>,
    %swap3A_111 = arith.constant 288 : index
    %swap3A_112 = tpu.vector_load %arg20[%swap3A_111] {strides = array<i32>} : memref<512xf32, #tpu.memory_space<vmem>>, vector<16xf32>,
    tpu.vector_store %arg20[%swap3A_111], %broadcast_in_dim3A_3 {strides = array<i32>} : memref<512xf32, #tpu.memory_space<vmem>>, vector<16xf32>,
    %broadcast_in_dim3A_113 = arith.constant 0 : i32
    %broadcast_in_dim3A_114 = vector.broadcast %broadcast_in_dim3A_113 : i32 to vector<16xi32>
    %swap3A_115 = arith.constant 288 : index
    %swap3A_116 = tpu.vector_load %arg21[%swap3A_115] {strides = array<i32>} : memref<512xi32, #tpu.memory_space<vmem>>, vector<16xi32>,
    tpu.vector_store %arg21[%swap3A_115], %broadcast_in_dim3A_114 {strides = array<i32>} : memref<512xi32, #tpu.memory_space<vmem>>, vector<16xi32>,
    %swap3A_117 = arith.constant 304 : index
    %swap3A_118 = tpu.vector_load %arg20[%swap3A_117] {strides = array<i32>} : memref<512xf32, #tpu.memory_space<vmem>>, vector<16xf32>,
    tpu.vector_store %arg20[%swap3A_117], %broadcast_in_dim3A_3 {strides = array<i32>} : memref<512xf32, #tpu.memory_space<vmem>>, vector<16xf32>,
    %broadcast_in_dim3A_119 = arith.constant 0 : i32
    %broadcast_in_dim3A_120 = vector.broadcast %broadcast_in_dim3A_119 : i32 to vector<16xi32>
    %swap3A_121 = arith.constant 304 : index
    %swap3A_122 = tpu.vector_load %arg21[%swap3A_121] {strides = array<i32>} : memref<512xi32, #tpu.memory_space<vmem>>, vector<16xi32>,
    tpu.vector_store %arg21[%swap3A_121], %broadcast_in_dim3A_120 {strides = array<i32>} : memref<512xi32, #tpu.memory_space<vmem>>, vector<16xi32>,
    %swap3A_123 = arith.constant 320 : index
    %swap3A_124 = tpu.vector_load %arg20[%swap3A_123] {strides = array<i32>} : memref<512xf32, #tpu.memory_space<vmem>>, vector<16xf32>,
    tpu.vector_store %arg20[%swap3A_123], %broadcast_in_dim3A_3 {strides = array<i32>} : memref<512xf32, #tpu.memory_space<vmem>>, vector<16xf32>,
    %broadcast_in_dim3A_125 = arith.constant 0 : i32
    %broadcast_in_dim3A_126 = vector.broadcast %broadcast_in_dim3A_125 : i32 to vector<16xi32>
    %swap3A_127 = arith.constant 320 : index
    %swap3A_128 = tpu.vector_load %arg21[%swap3A_127] {strides = array<i32>} : memref<512xi32, #tpu.memory_space<vmem>>, vector<16xi32>,
    tpu.vector_store %arg21[%swap3A_127], %broadcast_in_dim3A_126 {strides = array<i32>} : memref<512xi32, #tpu.memory_space<vmem>>, vector<16xi32>,
    %swap3A_129 = arith.constant 336 : index
    %swap3A_130 = tpu.vector_load %arg20[%swap3A_129] {strides = array<i32>} : memref<512xf32, #tpu.memory_space<vmem>>, vector<16xf32>,
    tpu.vector_store %arg20[%swap3A_129], %broadcast_in_dim3A_3 {strides = array<i32>} : memref<512xf32, #tpu.memory_space<vmem>>, vector<16xf32>,
    %broadcast_in_dim3A_131 = arith.constant 0 : i32
    %broadcast_in_dim3A_132 = vector.broadcast %broadcast_in_dim3A_131 : i32 to vector<16xi32>
    %swap3A_133 = arith.constant 336 : index
    %swap3A_134 = tpu.vector_load %arg21[%swap3A_133] {strides = array<i32>} : memref<512xi32, #tpu.memory_space<vmem>>, vector<16xi32>,
    tpu.vector_store %arg21[%swap3A_133], %broadcast_in_dim3A_132 {strides = array<i32>} : memref<512xi32, #tpu.memory_space<vmem>>, vector<16xi32>,
    %swap3A_135 = arith.constant 352 : index
    %swap3A_136 = tpu.vector_load %arg20[%swap3A_135] {strides = array<i32>} : memref<512xf32, #tpu.memory_space<vmem>>, vector<16xf32>,
    tpu.vector_store %arg20[%swap3A_135], %broadcast_in_dim3A_3 {strides = array<i32>} : memref<512xf32, #tpu.memory_space<vmem>>, vector<16xf32>,
    %broadcast_in_dim3A_137 = arith.constant 0 : i32
    %broadcast_in_dim3A_138 = vector.broadcast %broadcast_in_dim3A_137 : i32 to vector<16xi32>
    %swap3A_139 = arith.constant 352 : index
    %swap3A_140 = tpu.vector_load %arg21[%swap3A_139] {strides = array<i32>} : memref<512xi32, #tpu.memory_space<vmem>>, vector<16xi32>,
    tpu.vector_store %arg21[%swap3A_139], %broadcast_in_dim3A_138 {strides = array<i32>} : memref<512xi32, #tpu.memory_space<vmem>>, vector<16xi32>,
    %swap3A_141 = arith.constant 368 : index
    %swap3A_142 = tpu.vector_load %arg20[%swap3A_141] {strides = array<i32>} : memref<512xf32, #tpu.memory_space<vmem>>, vector<16xf32>,
    tpu.vector_store %arg20[%swap3A_141], %broadcast_in_dim3A_3 {strides = array<i32>} : memref<512xf32, #tpu.memory_space<vmem>>, vector<16xf32>,
    %broadcast_in_dim3A_143 = arith.constant 0 : i32
    %broadcast_in_dim3A_144 = vector.broadcast %broadcast_in_dim3A_143 : i32 to vector<16xi32>
    %swap3A_145 = arith.constant 368 : index
    %swap3A_146 = tpu.vector_load %arg21[%swap3A_145] {strides = array<i32>} : memref<512xi32, #tpu.memory_space<vmem>>, vector<16xi32>,
    tpu.vector_store %arg21[%swap3A_145], %broadcast_in_dim3A_144 {strides = array<i32>} : memref<512xi32, #tpu.memory_space<vmem>>, vector<16xi32>,
    %swap3A_147 = arith.constant 384 : index
    %swap3A_148 = tpu.vector_load %arg20[%swap3A_147] {strides = array<i32>} : memref<512xf32, #tpu.memory_space<vmem>>, vector<16xf32>,
    tpu.vector_store %arg20[%swap3A_147], %broadcast_in_dim3A_3 {strides = array<i32>} : memref<512xf32, #tpu.memory_space<vmem>>, vector<16xf32>,
    %broadcast_in_dim3A_149 = arith.constant 0 : i32
    %broadcast_in_dim3A_150 = vector.broadcast %broadcast_in_dim3A_149 : i32 to vector<16xi32>
    %swap3A_151 = arith.constant 384 : index
    %swap3A_152 = tpu.vector_load %arg21[%swap3A_151] {strides = array<i32>} : memref<512xi32, #tpu.memory_space<vmem>>, vector<16xi32>,
    tpu.vector_store %arg21[%swap3A_151], %broadcast_in_dim3A_150 {strides = array<i32>} : memref<512xi32, #tpu.memory_space<vmem>>, vector<16xi32>,
    %swap3A_153 = arith.constant 400 : index
    %swap3A_154 = tpu.vector_load %arg20[%swap3A_153] {strides = array<i32>} : memref<512xf32, #tpu.memory_space<vmem>>, vector<16xf32>,
    tpu.vector_store %arg20[%swap3A_153], %broadcast_in_dim3A_3 {strides = array<i32>} : memref<512xf32, #tpu.memory_space<vmem>>, vector<16xf32>,
    %broadcast_in_dim3A_155 = arith.constant 0 : i32
    %broadcast_in_dim3A_156 = vector.broadcast %broadcast_in_dim3A_155 : i32 to vector<16xi32>
    %swap3A_157 = arith.constant 400 : index
    %swap3A_158 = tpu.vector_load %arg21[%swap3A_157] {strides = array<i32>} : memref<512xi32, #tpu.memory_space<vmem>>, vector<16xi32>,
    tpu.vector_store %arg21[%swap3A_157], %broadcast_in_dim3A_156 {strides = array<i32>} : memref<512xi32, #tpu.memory_space<vmem>>, vector<16xi32>,
    %swap3A_159 = arith.constant 416 : index
    %swap3A_160 = tpu.vector_load %arg20[%swap3A_159] {strides = array<i32>} : memref<512xf32, #tpu.memory_space<vmem>>, vector<16xf32>,
    tpu.vector_store %arg20[%swap3A_159], %broadcast_in_dim3A_3 {strides = array<i32>} : memref<512xf32, #tpu.memory_space<vmem>>, vector<16xf32>,
    %broadcast_in_dim3A_161 = arith.constant 0 : i32
    %broadcast_in_dim3A_162 = vector.broadcast %broadcast_in_dim3A_161 : i32 to vector<16xi32>
    %swap3A_163 = arith.constant 416 : index
    %swap3A_164 = tpu.vector_load %arg21[%swap3A_163] {strides = array<i32>} : memref<512xi32, #tpu.memory_space<vmem>>, vector<16xi32>,
    tpu.vector_store %arg21[%swap3A_163], %broadcast_in_dim3A_162 {strides = array<i32>} : memref<512xi32, #tpu.memory_space<vmem>>, vector<16xi32>,
    %swap3A_165 = arith.constant 432 : index
    %swap3A_166 = tpu.vector_load %arg20[%swap3A_165] {strides = array<i32>} : memref<512xf32, #tpu.memory_space<vmem>>, vector<16xf32>,
    tpu.vector_store %arg20[%swap3A_165], %broadcast_in_dim3A_3 {strides = array<i32>} : memref<512xf32, #tpu.memory_space<vmem>>, vector<16xf32>,
    %broadcast_in_dim3A_167 = arith.constant 0 : i32
    %broadcast_in_dim3A_168 = vector.broadcast %broadcast_in_dim3A_167 : i32 to vector<16xi32>
    %swap3A_169 = arith.constant 432 : index
    %swap3A_170 = tpu.vector_load %arg21[%swap3A_169] {strides = array<i32>} : memref<512xi32, #tpu.memory_space<vmem>>, vector<16xi32>,
    tpu.vector_store %arg21[%swap3A_169], %broadcast_in_dim3A_168 {strides = array<i32>} : memref<512xi32, #tpu.memory_space<vmem>>, vector<16xi32>,
    %swap3A_171 = arith.constant 448 : index
    %swap3A_172 = tpu.vector_load %arg20[%swap3A_171] {strides = array<i32>} : memref<512xf32, #tpu.memory_space<vmem>>, vector<16xf32>,
    tpu.vector_store %arg20[%swap3A_171], %broadcast_in_dim3A_3 {strides = array<i32>} : memref<512xf32, #tpu.memory_space<vmem>>, vector<16xf32>,
    %broadcast_in_dim3A_173 = arith.constant 0 : i32
    %broadcast_in_dim3A_174 = vector.broadcast %broadcast_in_dim3A_173 : i32 to vector<16xi32>
    %swap3A_175 = arith.constant 448 : index
    %swap3A_176 = tpu.vector_load %arg21[%swap3A_175] {strides = array<i32>} : memref<512xi32, #tpu.memory_space<vmem>>, vector<16xi32>,
    tpu.vector_store %arg21[%swap3A_175], %broadcast_in_dim3A_174 {strides = array<i32>} : memref<512xi32, #tpu.memory_space<vmem>>, vector<16xi32>,
    %swap3A_177 = arith.constant 464 : index
    %swap3A_178 = tpu.vector_load %arg20[%swap3A_177] {strides = array<i32>} : memref<512xf32, #tpu.memory_space<vmem>>, vector<16xf32>,
    tpu.vector_store %arg20[%swap3A_177], %broadcast_in_dim3A_3 {strides = array<i32>} : memref<512xf32, #tpu.memory_space<vmem>>, vector<16xf32>,
    %broadcast_in_dim3A_179 = arith.constant 0 : i32
    %broadcast_in_dim3A_180 = vector.broadcast %broadcast_in_dim3A_179 : i32 to vector<16xi32>
    %swap3A_181 = arith.constant 464 : index
    %swap3A_182 = tpu.vector_load %arg21[%swap3A_181] {strides = array<i32>} : memref<512xi32, #tpu.memory_space<vmem>>, vector<16xi32>,
    tpu.vector_store %arg21[%swap3A_181], %broadcast_in_dim3A_180 {strides = array<i32>} : memref<512xi32, #tpu.memory_space<vmem>>, vector<16xi32>,
    %swap3A_183 = arith.constant 480 : index
    %swap3A_184 = tpu.vector_load %arg20[%swap3A_183] {strides = array<i32>} : memref<512xf32, #tpu.memory_space<vmem>>, vector<16xf32>,
    tpu.vector_store %arg20[%swap3A_183], %broadcast_in_dim3A_3 {strides = array<i32>} : memref<512xf32, #tpu.memory_space<vmem>>, vector<16xf32>,
    %broadcast_in_dim3A_185 = arith.constant 0 : i32
    %broadcast_in_dim3A_186 = vector.broadcast %broadcast_in_dim3A_185 : i32 to vector<16xi32>
    %swap3A_187 = arith.constant 480 : index
    %swap3A_188 = tpu.vector_load %arg21[%swap3A_187] {strides = array<i32>} : memref<512xi32, #tpu.memory_space<vmem>>, vector<16xi32>,
    tpu.vector_store %arg21[%swap3A_187], %broadcast_in_dim3A_186 {strides = array<i32>} : memref<512xi32, #tpu.memory_space<vmem>>, vector<16xi32>,
    %swap3A_189 = arith.constant 496 : index
    %swap3A_190 = tpu.vector_load %arg20[%swap3A_189] {strides = array<i32>} : memref<512xf32, #tpu.memory_space<vmem>>, vector<16xf32>,
    tpu.vector_store %arg20[%swap3A_189], %broadcast_in_dim3A_3 {strides = array<i32>} : memref<512xf32, #tpu.memory_space<vmem>>, vector<16xf32>,
    %broadcast_in_dim3A_191 = arith.constant 0 : i32
    %broadcast_in_dim3A_192 = vector.broadcast %broadcast_in_dim3A_191 : i32 to vector<16xi32>
    %swap3A_193 = arith.constant 496 : index
    %swap3A_194 = tpu.vector_load %arg21[%swap3A_193] {strides = array<i32>} : memref<512xi32, #tpu.memory_space<vmem>>, vector<16xi32>,
    tpu.vector_store %arg21[%swap3A_193], %broadcast_in_dim3A_192 {strides = array<i32>} : memref<512xi32, #tpu.memory_space<vmem>>, vector<16xi32>,
    %scan3A = arith.constant 0 : i32
    %scan3A_195 = arith.constant 0 : i32
    %scan3A_196 = arith.constant 4 : i32
    %scan3A_197 = arith.addi %scan3A_195, %scan3A_196 : i32
    %scan3A_198 = arith.constant 1 : i32
    %scan3A_199 = scf.for %scan3A_219 = %scan3A_195 to %scan3A_197 step %scan3A_198 iter_args(%scan3A_220 = %scan3A) -> (i32)  : i32 {
      %mul3A_221 = arith.constant 16384 : i32
      %mul3A_222 = arith.muli %scan3A_219, %mul3A_221 : i32
      "tpu.region"() ({
        %run_scoped3A = tpu.sem_alloc : memref<!tpu.dma_semaphore, #tpu.memory_space<semaphore_mem>>
        %dma_start3A = tpu.memref_slice %arg2[%mul3A_222] : memref<65536xf32, #tpu.memory_space<hbm>> -> memref<16384xf32, #tpu.memory_space<hbm>>
        %dma_start3A_242 = tpu.memref_slice %arg2[%mul3A_222] : memref<65536xf32, #tpu.memory_space<hbm>> -> memref<16384xf32, #tpu.memory_space<hbm>>
        tpu.enqueue_dma source(%dma_start3A_242 : memref<16384xf32, #tpu.memory_space<hbm>>) target(%arg10 : memref<16384xf32, #tpu.memory_space<vmem>>) target_semaphore(%run_scoped3A : memref<!tpu.dma_semaphore, #tpu.memory_space<semaphore_mem>>)
        %dma_wait3A = tpu.memref_slice %arg2[%mul3A_222] : memref<65536xf32, #tpu.memory_space<hbm>> -> memref<16384xf32, #tpu.memory_space<hbm>>
        %dma_wait3A_243 = tpu.memref_slice %arg2[%mul3A_222] : memref<65536xf32, #tpu.memory_space<hbm>> -> memref<16384xf32, #tpu.memory_space<hbm>>
        tpu.wait_dma2 semaphore(%run_scoped3A : memref<!tpu.dma_semaphore, #tpu.memory_space<semaphore_mem>>) src(%dma_wait3A_243 : memref<16384xf32, #tpu.memory_space<hbm>>) dst(%arg10 : memref<16384xf32, #tpu.memory_space<vmem>>)
        tpu.yield
      }) : () -> ()
      %mul3A_223 = arith.constant 16384 : i32
      %mul3A_224 = arith.muli %scan3A_219, %mul3A_223 : i32
      "tpu.region"() ({
        %run_scoped3A = tpu.sem_alloc : memref<!tpu.dma_semaphore, #tpu.memory_space<semaphore_mem>>
        %dma_start3A = tpu.memref_slice %arg3[%mul3A_224] : memref<65536xf32, #tpu.memory_space<hbm>> -> memref<16384xf32, #tpu.memory_space<hbm>>
        %dma_start3A_242 = tpu.memref_slice %arg3[%mul3A_224] : memref<65536xf32, #tpu.memory_space<hbm>> -> memref<16384xf32, #tpu.memory_space<hbm>>
        tpu.enqueue_dma source(%dma_start3A_242 : memref<16384xf32, #tpu.memory_space<hbm>>) target(%arg11 : memref<16384xf32, #tpu.memory_space<vmem>>) target_semaphore(%run_scoped3A : memref<!tpu.dma_semaphore, #tpu.memory_space<semaphore_mem>>)
        %dma_wait3A = tpu.memref_slice %arg3[%mul3A_224] : memref<65536xf32, #tpu.memory_space<hbm>> -> memref<16384xf32, #tpu.memory_space<hbm>>
        %dma_wait3A_243 = tpu.memref_slice %arg3[%mul3A_224] : memref<65536xf32, #tpu.memory_space<hbm>> -> memref<16384xf32, #tpu.memory_space<hbm>>
        tpu.wait_dma2 semaphore(%run_scoped3A : memref<!tpu.dma_semaphore, #tpu.memory_space<semaphore_mem>>) src(%dma_wait3A_243 : memref<16384xf32, #tpu.memory_space<hbm>>) dst(%arg11 : memref<16384xf32, #tpu.memory_space<vmem>>)
        tpu.yield
      }) : () -> ()
      %mul3A_225 = arith.constant 16384 : i32
      %mul3A_226 = arith.muli %scan3A_219, %mul3A_225 : i32
      "tpu.region"() ({
        %run_scoped3A = tpu.sem_alloc : memref<!tpu.dma_semaphore, #tpu.memory_space<semaphore_mem>>
        %dma_start3A = tpu.memref_slice %arg4[%mul3A_226] : memref<65536xf32, #tpu.memory_space<hbm>> -> memref<16384xf32, #tpu.memory_space<hbm>>
        %dma_start3A_242 = tpu.memref_slice %arg4[%mul3A_226] : memref<65536xf32, #tpu.memory_space<hbm>> -> memref<16384xf32, #tpu.memory_space<hbm>>
        tpu.enqueue_dma source(%dma_start3A_242 : memref<16384xf32, #tpu.memory_space<hbm>>) target(%arg12 : memref<16384xf32, #tpu.memory_space<vmem>>) target_semaphore(%run_scoped3A : memref<!tpu.dma_semaphore, #tpu.memory_space<semaphore_mem>>)
        %dma_wait3A = tpu.memref_slice %arg4[%mul3A_226] : memref<65536xf32, #tpu.memory_space<hbm>> -> memref<16384xf32, #tpu.memory_space<hbm>>
        %dma_wait3A_243 = tpu.memref_slice %arg4[%mul3A_226] : memref<65536xf32, #tpu.memory_space<hbm>> -> memref<16384xf32, #tpu.memory_space<hbm>>
        tpu.wait_dma2 semaphore(%run_scoped3A : memref<!tpu.dma_semaphore, #tpu.memory_space<semaphore_mem>>) src(%dma_wait3A_243 : memref<16384xf32, #tpu.memory_space<hbm>>) dst(%arg12 : memref<16384xf32, #tpu.memory_space<vmem>>)
        tpu.yield
      }) : () -> ()
      %scan3A_227 = arith.constant 0 : i32
      %scan3A_228 = arith.constant 0 : i32
      %scan3A_229 = arith.constant 512 : i32
      %scan3A_230 = arith.addi %scan3A_228, %scan3A_229 : i32
      %scan3A_231 = arith.constant 1 : i32
      %scan3A_232 = scf.for %scan3A_242 = %scan3A_228 to %scan3A_230 step %scan3A_231 iter_args(%scan3A_243 = %scan3A_227) -> (i32)  : i32 {
        %mul3A_244 = arith.constant 2 : i32
        %mul3A_245 = arith.muli %scan3A_242, %mul3A_244 : i32
        %mul3A_246 = arith.constant 16 : i32
        %mul3A_247 = arith.muli %mul3A_245, %mul3A_246 : i32
        %add3A_248 = arith.constant 0 : i32
        %add3A_249 = arith.addi %mul3A_247, %add3A_248 : i32
        %get3A = arith.index_cast %add3A_249 : i32 to index
        %get3A_250 = tpu.vector_load %arg10[%get3A] {strides = array<i32>} : memref<16384xf32, #tpu.memory_space<vmem>>, vector<16xf32>,
        %mul3A_251 = arith.constant 2 : i32
        %mul3A_252 = arith.muli %scan3A_242, %mul3A_251 : i32
        %mul3A_253 = arith.constant 16 : i32
        %mul3A_254 = arith.muli %mul3A_252, %mul3A_253 : i32
        %add3A_255 = arith.constant 0 : i32
        %add3A_256 = arith.addi %mul3A_254, %add3A_255 : i32
        %get3A_257 = arith.index_cast %add3A_256 : i32 to index
        %get3A_258 = tpu.vector_load %arg11[%get3A_257] {strides = array<i32>} : memref<16384xf32, #tpu.memory_space<vmem>>, vector<16xf32>,
        %mul3A_259 = arith.constant 2 : i32
        %mul3A_260 = arith.muli %scan3A_242, %mul3A_259 : i32
        %mul3A_261 = arith.constant 16 : i32
        %mul3A_262 = arith.muli %mul3A_260, %mul3A_261 : i32
        %add3A_263 = arith.constant 0 : i32
        %add3A_264 = arith.addi %mul3A_262, %add3A_263 : i32
        %get3A_265 = arith.index_cast %add3A_264 : i32 to index
        %get3A_266 = tpu.vector_load %arg12[%get3A_265] {strides = array<i32>} : memref<16384xf32, #tpu.memory_space<vmem>>, vector<16xf32>,
        %mul3A_267 = arith.mulf %get3A_250, %get3A_250 : vector<16xf32>
        %mul3A_268 = arith.mulf %get3A_266, %get3A_266 : vector<16xf32>
        %add3A_269 = arith.addf %mul3A_267, %mul3A_268 : vector<16xf32>
        %mul3A_270 = arith.mulf %get3A_258, %get3A_258 : vector<16xf32>
        %add3A_271 = arith.addf %add3A_269, %mul3A_270 : vector<16xf32>
        %mul3A_272 = arith.constant 2 : i32
        %mul3A_273 = arith.muli %scan3A_242, %mul3A_272 : i32
        %mul3A_274 = arith.constant 16 : i32
        %mul3A_275 = arith.muli %mul3A_273, %mul3A_274 : i32
        %add3A_276 = arith.constant 0 : i32
        %add3A_277 = arith.addi %mul3A_275, %add3A_276 : i32
        %swap3A_278 = arith.index_cast %add3A_277 : i32 to index
        %swap3A_279 = tpu.vector_load %arg13[%swap3A_278] {strides = array<i32>} : memref<16384xf32, #tpu.memory_space<vmem>>, vector<16xf32>,
        tpu.vector_store %arg13[%swap3A_278], %add3A_271 {strides = array<i32>} : memref<16384xf32, #tpu.memory_space<vmem>>, vector<16xf32>,
        %bitcast3A = vector.bitcast %get3A_250 : vector<16xf32> to vector<16xi32>
        %shift_right_logical3A = arith.constant 16 : i32
        %shift_right_logical3A_280 = vector.broadcast %shift_right_logical3A : i32 to vector<16xi32>
        %shift_right_logical3A_281 = arith.shrui %bitcast3A, %shift_right_logical3A_280 : vector<16xi32>
        %and3A = arith.constant 1 : i32
        %and3A_282 = vector.broadcast %and3A : i32 to vector<16xi32>
        %and3A_283 = arith.andi %shift_right_logical3A_281, %and3A_282 : vector<16xi32>
        %add3A_284 = arith.constant 32767 : i32
        %add3A_285 = vector.broadcast %add3A_284 : i32 to vector<16xi32>
        %add3A_286 = arith.addi %bitcast3A, %add3A_285 : vector<16xi32>
        %add3A_287 = arith.addi %add3A_286, %and3A_283 : vector<16xi32>
        %and3A_288 = arith.constant -65536 : i32
        %and3A_289 = vector.broadcast %and3A_288 : i32 to vector<16xi32>
        %and3A_290 = arith.andi %add3A_287, %and3A_289 : vector<16xi32>
        %bitcast3A_291 = vector.bitcast %and3A_290 : vector<16xi32> to vector<16xf32>
        %mul3A_292 = arith.constant 2.000000e+00 : f32
        %mul3A_293 = vector.broadcast %mul3A_292 : f32 to vector<16xf32>
        %mul3A_294 = arith.mulf %mul3A_293, %bitcast3A_291 : vector<16xf32>
        %bitcast3A_295 = vector.bitcast %get3A_258 : vector<16xf32> to vector<16xi32>
        %shift_right_logical3A_296 = arith.constant 16 : i32
        %shift_right_logical3A_297 = vector.broadcast %shift_right_logical3A_296 : i32 to vector<16xi32>
        %shift_right_logical3A_298 = arith.shrui %bitcast3A_295, %shift_right_logical3A_297 : vector<16xi32>
        %and3A_299 = arith.constant 1 : i32
        %and3A_300 = vector.broadcast %and3A_299 : i32 to vector<16xi32>
        %and3A_301 = arith.andi %shift_right_logical3A_298, %and3A_300 : vector<16xi32>
        %add3A_302 = arith.constant 32767 : i32
        %add3A_303 = vector.broadcast %add3A_302 : i32 to vector<16xi32>
        %add3A_304 = arith.addi %bitcast3A_295, %add3A_303 : vector<16xi32>
        %add3A_305 = arith.addi %add3A_304, %and3A_301 : vector<16xi32>
        %and3A_306 = arith.constant -65536 : i32
        %and3A_307 = vector.broadcast %and3A_306 : i32 to vector<16xi32>
        %and3A_308 = arith.andi %add3A_305, %and3A_307 : vector<16xi32>
        %bitcast3A_309 = vector.bitcast %and3A_308 : vector<16xi32> to vector<16xf32>
        %mul3A_310 = arith.constant 2.000000e+00 : f32
        %mul3A_311 = vector.broadcast %mul3A_310 : f32 to vector<16xf32>
        %mul3A_312 = arith.mulf %mul3A_311, %bitcast3A_309 : vector<16xf32>
        %bitcast3A_313 = vector.bitcast %get3A_266 : vector<16xf32> to vector<16xi32>
        %shift_right_logical3A_314 = arith.constant 16 : i32
        %shift_right_logical3A_315 = vector.broadcast %shift_right_logical3A_314 : i32 to vector<16xi32>
        %shift_right_logical3A_316 = arith.shrui %bitcast3A_313, %shift_right_logical3A_315 : vector<16xi32>
        %and3A_317 = arith.constant 1 : i32
        %and3A_318 = vector.broadcast %and3A_317 : i32 to vector<16xi32>
        %and3A_319 = arith.andi %shift_right_logical3A_316, %and3A_318 : vector<16xi32>
        %add3A_320 = arith.constant 32767 : i32
        %add3A_321 = vector.broadcast %add3A_320 : i32 to vector<16xi32>
        %add3A_322 = arith.addi %bitcast3A_313, %add3A_321 : vector<16xi32>
        %add3A_323 = arith.addi %add3A_322, %and3A_319 : vector<16xi32>
        %and3A_324 = arith.constant -65536 : i32
        %and3A_325 = vector.broadcast %and3A_324 : i32 to vector<16xi32>
        %and3A_326 = arith.andi %add3A_323, %and3A_325 : vector<16xi32>
        %bitcast3A_327 = vector.bitcast %and3A_326 : vector<16xi32> to vector<16xf32>
        %mul3A_328 = arith.constant 2.000000e+00 : f32
        %mul3A_329 = vector.broadcast %mul3A_328 : f32 to vector<16xf32>
        %mul3A_330 = arith.mulf %mul3A_329, %bitcast3A_327 : vector<16xf32>
        %mul3A_331 = arith.constant 2 : i32
        %mul3A_332 = arith.muli %scan3A_242, %mul3A_331 : i32
        %mul3A_333 = arith.constant 16 : i32
        %mul3A_334 = arith.muli %mul3A_332, %mul3A_333 : i32
        %add3A_335 = arith.constant 16 : i32
        %add3A_336 = arith.addi %mul3A_334, %add3A_335 : i32
        %get3A_337 = arith.index_cast %add3A_336 : i32 to index
        %get3A_338 = tpu.vector_load %arg10[%get3A_337] {strides = array<i32>} : memref<16384xf32, #tpu.memory_space<vmem>>, vector<16xf32>,
        %mul3A_339 = arith.constant 2 : i32
        %mul3A_340 = arith.muli %scan3A_242, %mul3A_339 : i32
        %mul3A_341 = arith.constant 16 : i32
        %mul3A_342 = arith.muli %mul3A_340, %mul3A_341 : i32
        %add3A_343 = arith.constant 16 : i32
        %add3A_344 = arith.addi %mul3A_342, %add3A_343 : i32
        %get3A_345 = arith.index_cast %add3A_344 : i32 to index
        %get3A_346 = tpu.vector_load %arg11[%get3A_345] {strides = array<i32>} : memref<16384xf32, #tpu.memory_space<vmem>>, vector<16xf32>,
        %mul3A_347 = arith.constant 2 : i32
        %mul3A_348 = arith.muli %scan3A_242, %mul3A_347 : i32
        %mul3A_349 = arith.constant 16 : i32
        %mul3A_350 = arith.muli %mul3A_348, %mul3A_349 : i32
        %add3A_351 = arith.constant 16 : i32
        %add3A_352 = arith.addi %mul3A_350, %add3A_351 : i32
        %get3A_353 = arith.index_cast %add3A_352 : i32 to index
        %get3A_354 = tpu.vector_load %arg12[%get3A_353] {strides = array<i32>} : memref<16384xf32, #tpu.memory_space<vmem>>, vector<16xf32>,
        %mul3A_355 = arith.mulf %get3A_338, %get3A_338 : vector<16xf32>
        %mul3A_356 = arith.mulf %get3A_354, %get3A_354 : vector<16xf32>
        %add3A_357 = arith.addf %mul3A_355, %mul3A_356 : vector<16xf32>
        %mul3A_358 = arith.mulf %get3A_346, %get3A_346 : vector<16xf32>
        %add3A_359 = arith.addf %add3A_357, %mul3A_358 : vector<16xf32>
        %mul3A_360 = arith.constant 2 : i32
        %mul3A_361 = arith.muli %scan3A_242, %mul3A_360 : i32
        %mul3A_362 = arith.constant 16 : i32
        %mul3A_363 = arith.muli %mul3A_361, %mul3A_362 : i32
        %add3A_364 = arith.constant 16 : i32
        %add3A_365 = arith.addi %mul3A_363, %add3A_364 : i32
        %swap3A_366 = arith.index_cast %add3A_365 : i32 to index
        %swap3A_367 = tpu.vector_load %arg13[%swap3A_366] {strides = array<i32>} : memref<16384xf32, #tpu.memory_space<vmem>>, vector<16xf32>,
        tpu.vector_store %arg13[%swap3A_366], %add3A_359 {strides = array<i32>} : memref<16384xf32, #tpu.memory_space<vmem>>, vector<16xf32>,
        %bitcast3A_368 = vector.bitcast %get3A_338 : vector<16xf32> to vector<16xi32>
        %shift_right_logical3A_369 = arith.constant 16 : i32
        %shift_right_logical3A_370 = vector.broadcast %shift_right_logical3A_369 : i32 to vector<16xi32>
        %shift_right_logical3A_371 = arith.shrui %bitcast3A_368, %shift_right_logical3A_370 : vector<16xi32>
        %and3A_372 = arith.constant 1 : i32
        %and3A_373 = vector.broadcast %and3A_372 : i32 to vector<16xi32>
        %and3A_374 = arith.andi %shift_right_logical3A_371, %and3A_373 : vector<16xi32>
        %add3A_375 = arith.constant 32767 : i32
        %add3A_376 = vector.broadcast %add3A_375 : i32 to vector<16xi32>
        %add3A_377 = arith.addi %bitcast3A_368, %add3A_376 : vector<16xi32>
        %add3A_378 = arith.addi %add3A_377, %and3A_374 : vector<16xi32>
        %and3A_379 = arith.constant -65536 : i32
        %and3A_380 = vector.broadcast %and3A_379 : i32 to vector<16xi32>
        %and3A_381 = arith.andi %add3A_378, %and3A_380 : vector<16xi32>
        %bitcast3A_382 = vector.bitcast %and3A_381 : vector<16xi32> to vector<16xf32>
        %mul3A_383 = arith.constant 2.000000e+00 : f32
        %mul3A_384 = vector.broadcast %mul3A_383 : f32 to vector<16xf32>
        %mul3A_385 = arith.mulf %mul3A_384, %bitcast3A_382 : vector<16xf32>
        %bitcast3A_386 = vector.bitcast %get3A_346 : vector<16xf32> to vector<16xi32>
        %shift_right_logical3A_387 = arith.constant 16 : i32
        %shift_right_logical3A_388 = vector.broadcast %shift_right_logical3A_387 : i32 to vector<16xi32>
        %shift_right_logical3A_389 = arith.shrui %bitcast3A_386, %shift_right_logical3A_388 : vector<16xi32>
        %and3A_390 = arith.constant 1 : i32
        %and3A_391 = vector.broadcast %and3A_390 : i32 to vector<16xi32>
        %and3A_392 = arith.andi %shift_right_logical3A_389, %and3A_391 : vector<16xi32>
        %add3A_393 = arith.constant 32767 : i32
        %add3A_394 = vector.broadcast %add3A_393 : i32 to vector<16xi32>
        %add3A_395 = arith.addi %bitcast3A_386, %add3A_394 : vector<16xi32>
        %add3A_396 = arith.addi %add3A_395, %and3A_392 : vector<16xi32>
        %and3A_397 = arith.constant -65536 : i32
        %and3A_398 = vector.broadcast %and3A_397 : i32 to vector<16xi32>
        %and3A_399 = arith.andi %add3A_396, %and3A_398 : vector<16xi32>
        %bitcast3A_400 = vector.bitcast %and3A_399 : vector<16xi32> to vector<16xf32>
        %mul3A_401 = arith.constant 2.000000e+00 : f32
        %mul3A_402 = vector.broadcast %mul3A_401 : f32 to vector<16xf32>
        %mul3A_403 = arith.mulf %mul3A_402, %bitcast3A_400 : vector<16xf32>
        %bitcast3A_404 = vector.bitcast %get3A_354 : vector<16xf32> to vector<16xi32>
        %shift_right_logical3A_405 = arith.constant 16 : i32
        %shift_right_logical3A_406 = vector.broadcast %shift_right_logical3A_405 : i32 to vector<16xi32>
        %shift_right_logical3A_407 = arith.shrui %bitcast3A_404, %shift_right_logical3A_406 : vector<16xi32>
        %and3A_408 = arith.constant 1 : i32
        %and3A_409 = vector.broadcast %and3A_408 : i32 to vector<16xi32>
        %and3A_410 = arith.andi %shift_right_logical3A_407, %and3A_409 : vector<16xi32>
        %add3A_411 = arith.constant 32767 : i32
        %add3A_412 = vector.broadcast %add3A_411 : i32 to vector<16xi32>
        %add3A_413 = arith.addi %bitcast3A_404, %add3A_412 : vector<16xi32>
        %add3A_414 = arith.addi %add3A_413, %and3A_410 : vector<16xi32>
        %and3A_415 = arith.constant -65536 : i32
        %and3A_416 = vector.broadcast %and3A_415 : i32 to vector<16xi32>
        %and3A_417 = arith.andi %add3A_414, %and3A_416 : vector<16xi32>
        %bitcast3A_418 = vector.bitcast %and3A_417 : vector<16xi32> to vector<16xf32>
        %mul3A_419 = arith.constant 2.000000e+00 : f32
        %mul3A_420 = vector.broadcast %mul3A_419 : f32 to vector<16xf32>
        %mul3A_421 = arith.mulf %mul3A_420, %bitcast3A_418 : vector<16xf32>
        %pack3A = tpu.pack_subelements %mul3A_294, %mul3A_385 {pack_format = #tpu.pack_format<interleaved>, positions = array<i32: 0, 1>} : vector<16xf32>, vector<16xf32> -> vector<32xbf16>
        %bitcast3A_422 = vector.bitcast %pack3A : vector<32xbf16> to vector<16xi32>
        %mul3A_423 = arith.constant 16 : i32
        %mul3A_424 = arith.muli %scan3A_242, %mul3A_423 : i32
        %swap3A_425 = arith.index_cast %mul3A_424 : i32 to index
        %swap3A_426 = tpu.vector_load %arg14[%swap3A_425] {strides = array<i32>} : memref<8192xi32, #tpu.memory_space<vmem>>, vector<16xi32>,
        tpu.vector_store %arg14[%swap3A_425], %bitcast3A_422 {strides = array<i32>} : memref<8192xi32, #tpu.memory_space<vmem>>, vector<16xi32>,
        %pack3A_427 = tpu.pack_subelements %mul3A_312, %mul3A_403 {pack_format = #tpu.pack_format<interleaved>, positions = array<i32: 0, 1>} : vector<16xf32>, vector<16xf32> -> vector<32xbf16>
        %bitcast3A_428 = vector.bitcast %pack3A_427 : vector<32xbf16> to vector<16xi32>
        %mul3A_429 = arith.constant 16 : i32
        %mul3A_430 = arith.muli %scan3A_242, %mul3A_429 : i32
        %swap3A_431 = arith.index_cast %mul3A_430 : i32 to index
        %swap3A_432 = tpu.vector_load %arg15[%swap3A_431] {strides = array<i32>} : memref<8192xi32, #tpu.memory_space<vmem>>, vector<16xi32>,
        tpu.vector_store %arg15[%swap3A_431], %bitcast3A_428 {strides = array<i32>} : memref<8192xi32, #tpu.memory_space<vmem>>, vector<16xi32>,
        %pack3A_433 = tpu.pack_subelements %mul3A_330, %mul3A_421 {pack_format = #tpu.pack_format<interleaved>, positions = array<i32: 0, 1>} : vector<16xf32>, vector<16xf32> -> vector<32xbf16>
        %bitcast3A_434 = vector.bitcast %pack3A_433 : vector<32xbf16> to vector<16xi32>
        %mul3A_435 = arith.constant 16 : i32
        %mul3A_436 = arith.muli %scan3A_242, %mul3A_435 : i32
        %swap3A_437 = arith.index_cast %mul3A_436 : i32 to index
        %swap3A_438 = tpu.vector_load %arg16[%swap3A_437] {strides = array<i32>} : memref<8192xi32, #tpu.memory_space<vmem>>, vector<16xi32>,
        tpu.vector_store %arg16[%swap3A_437], %bitcast3A_434 {strides = array<i32>} : memref<8192xi32, #tpu.memory_space<vmem>>, vector<16xi32>,
        %scan3A_439 = arith.constant 0 : i32
        scf.yield %scan3A_439 : i32
      }
      %scan3A_233 = arith.constant 512 : i32
      %scan3A_234 = arith.constant 0 : i32
      %scan3A_235 = arith.constant 0 : i32
      %scan3A_236 = arith.constant 32 : i32
      %scan3A_237 = arith.addi %scan3A_235, %scan3A_236 : i32
      %scan3A_238 = arith.constant 1 : i32
      %scan3A_239 = scf.for %scan3A_242 = %scan3A_235 to %scan3A_237 step %scan3A_238 iter_args(%scan3A_243 = %scan3A_234) -> (i32)  : i32 {
        %jit3A_244 = arith.constant 16 : i32
        %div3A = arith.divsi %scan3A_242, %jit3A_244 : i32
        %sign3A = arith.constant 0 : i32
        %sign3A_245 = arith.cmpi sgt, %scan3A_242, %sign3A : i32
        %sign3A_246 = arith.extui %sign3A_245 : i1 to i32
        %sign3A_247 = arith.constant 0 : i32
        %sign3A_248 = arith.cmpi slt, %scan3A_242, %sign3A_247 : i32
        %sign3A_249 = arith.extui %sign3A_248 : i1 to i32
        %sign3A_250 = arith.subi %sign3A_246, %sign3A_249 : i32
        %sign3A_251 = arith.constant 0 : i32
        %sign3A_252 = arith.cmpi sgt, %jit3A_244, %sign3A_251 : i32
        %sign3A_253 = arith.extui %sign3A_252 : i1 to i32
        %sign3A_254 = arith.constant 0 : i32
        %sign3A_255 = arith.cmpi slt, %jit3A_244, %sign3A_254 : i32
        %sign3A_256 = arith.extui %sign3A_255 : i1 to i32
        %sign3A_257 = arith.subi %sign3A_253, %sign3A_256 : i32
        %ne3A = arith.cmpi ne, %sign3A_250, %sign3A_257 : i32
        %rem3A = arith.remsi %scan3A_242, %jit3A_244 : i32
        %ne3A_258 = arith.constant 0 : i32
        %ne3A_259 = arith.cmpi ne, %rem3A, %ne3A_258 : i32
        %and3A = arith.andi %ne3A, %ne3A_259 : i1
        %sub3A_260 = arith.constant 1 : i32
        %sub3A_261 = arith.subi %div3A, %sub3A_260 : i32
        %select_n3A = arith.select %and3A, %sub3A_261, %div3A : i32
        %mul3A_262 = arith.constant 16 : i32
        %mul3A_263 = arith.muli %select_n3A, %mul3A_262 : i32
        %get3A = arith.index_cast %mul3A_263 : i32 to index
        %get3A_264 = tpu.vector_load %arg17[%get3A] {strides = array<i32>} : memref<32xf32, #tpu.memory_space<vmem>>, vector<16xf32>,
        %sub3A_265 = arith.subi %scan3A_242, %mul3A_263 : i32
        %broadcast_in_dim3A_266 = vector.broadcast %sub3A_265 : i32 to vector<16xi32>
        %lt3A = arith.constant 0 : i32
        %lt3A_267 = vector.broadcast %lt3A : i32 to vector<16xi32>
        %lt3A_268 = arith.cmpi slt, %broadcast_in_dim3A_266, %lt3A_267 : vector<16xi32>
        %add3A_269 = arith.constant 16 : i32
        %add3A_270 = vector.broadcast %add3A_269 : i32 to vector<16xi32>
        %add3A_271 = arith.addi %broadcast_in_dim3A_266, %add3A_270 : vector<16xi32>
        %select_n3A_272 = arith.select %lt3A_268, %add3A_271, %broadcast_in_dim3A_266 : vector<16xi1>, vector<16xi32>
        %broadcast_in_dim3A_273 = vector.shape_cast %select_n3A_272 : vector<16xi32> to vector<16x1xi32>
        %gather3A = vector.shape_cast %broadcast_in_dim3A_273 : vector<16x1xi32> to vector<16xi32>
        %gather3A_274 = tpu.dynamic_gather %get3A_264[%gather3A] in [0] : vector<16xf32>, vector<16xi32> -> vector<16xf32>
        %jit3A_275 = arith.constant 16 : i32
        %div3A_276 = arith.divsi %scan3A_242, %jit3A_275 : i32
        %sign3A_277 = arith.constant 0 : i32
        %sign3A_278 = arith.cmpi sgt, %scan3A_242, %sign3A_277 : i32
        %sign3A_279 = arith.extui %sign3A_278 : i1 to i32
        %sign3A_280 = arith.constant 0 : i32
        %sign3A_281 = arith.cmpi slt, %scan3A_242, %sign3A_280 : i32
        %sign3A_282 = arith.extui %sign3A_281 : i1 to i32
        %sign3A_283 = arith.subi %sign3A_279, %sign3A_282 : i32
        %sign3A_284 = arith.constant 0 : i32
        %sign3A_285 = arith.cmpi sgt, %jit3A_275, %sign3A_284 : i32
        %sign3A_286 = arith.extui %sign3A_285 : i1 to i32
        %sign3A_287 = arith.constant 0 : i32
        %sign3A_288 = arith.cmpi slt, %jit3A_275, %sign3A_287 : i32
        %sign3A_289 = arith.extui %sign3A_288 : i1 to i32
        %sign3A_290 = arith.subi %sign3A_286, %sign3A_289 : i32
        %ne3A_291 = arith.cmpi ne, %sign3A_283, %sign3A_290 : i32
        %rem3A_292 = arith.remsi %scan3A_242, %jit3A_275 : i32
        %ne3A_293 = arith.constant 0 : i32
        %ne3A_294 = arith.cmpi ne, %rem3A_292, %ne3A_293 : i32
        %and3A_295 = arith.andi %ne3A_291, %ne3A_294 : i1
        %sub3A_296 = arith.constant 1 : i32
        %sub3A_297 = arith.subi %div3A_276, %sub3A_296 : i32
        %select_n3A_298 = arith.select %and3A_295, %sub3A_297, %div3A_276 : i32
        %mul3A_299 = arith.constant 16 : i32
        %mul3A_300 = arith.muli %select_n3A_298, %mul3A_299 : i32
        %get3A_301 = arith.index_cast %mul3A_300 : i32 to index
        %get3A_302 = tpu.vector_load %arg18[%get3A_301] {strides = array<i32>} : memref<32xf32, #tpu.memory_space<vmem>>, vector<16xf32>,
        %sub3A_303 = arith.subi %scan3A_242, %mul3A_300 : i32
        %broadcast_in_dim3A_304 = vector.broadcast %sub3A_303 : i32 to vector<16xi32>
        %lt3A_305 = arith.constant 0 : i32
        %lt3A_306 = vector.broadcast %lt3A_305 : i32 to vector<16xi32>
        %lt3A_307 = arith.cmpi slt, %broadcast_in_dim3A_304, %lt3A_306 : vector<16xi32>
        %add3A_308 = arith.constant 16 : i32
        %add3A_309 = vector.broadcast %add3A_308 : i32 to vector<16xi32>
        %add3A_310 = arith.addi %broadcast_in_dim3A_304, %add3A_309 : vector<16xi32>
        %select_n3A_311 = arith.select %lt3A_307, %add3A_310, %broadcast_in_dim3A_304 : vector<16xi1>, vector<16xi32>
        %broadcast_in_dim3A_312 = vector.shape_cast %select_n3A_311 : vector<16xi32> to vector<16x1xi32>
        %gather3A_313 = vector.shape_cast %broadcast_in_dim3A_312 : vector<16x1xi32> to vector<16xi32>
        %gather3A_314 = tpu.dynamic_gather %get3A_302[%gather3A_313] in [0] : vector<16xf32>, vector<16xi32> -> vector<16xf32>
        %jit3A_315 = arith.constant 16 : i32
        %div3A_316 = arith.divsi %scan3A_242, %jit3A_315 : i32
        %sign3A_317 = arith.constant 0 : i32
        %sign3A_318 = arith.cmpi sgt, %scan3A_242, %sign3A_317 : i32
        %sign3A_319 = arith.extui %sign3A_318 : i1 to i32
        %sign3A_320 = arith.constant 0 : i32
        %sign3A_321 = arith.cmpi slt, %scan3A_242, %sign3A_320 : i32
        %sign3A_322 = arith.extui %sign3A_321 : i1 to i32
        %sign3A_323 = arith.subi %sign3A_319, %sign3A_322 : i32
        %sign3A_324 = arith.constant 0 : i32
        %sign3A_325 = arith.cmpi sgt, %jit3A_315, %sign3A_324 : i32
        %sign3A_326 = arith.extui %sign3A_325 : i1 to i32
        %sign3A_327 = arith.constant 0 : i32
        %sign3A_328 = arith.cmpi slt, %jit3A_315, %sign3A_327 : i32
        %sign3A_329 = arith.extui %sign3A_328 : i1 to i32
        %sign3A_330 = arith.subi %sign3A_326, %sign3A_329 : i32
        %ne3A_331 = arith.cmpi ne, %sign3A_323, %sign3A_330 : i32
        %rem3A_332 = arith.remsi %scan3A_242, %jit3A_315 : i32
        %ne3A_333 = arith.constant 0 : i32
        %ne3A_334 = arith.cmpi ne, %rem3A_332, %ne3A_333 : i32
        %and3A_335 = arith.andi %ne3A_331, %ne3A_334 : i1
        %sub3A_336 = arith.constant 1 : i32
        %sub3A_337 = arith.subi %div3A_316, %sub3A_336 : i32
        %select_n3A_338 = arith.select %and3A_335, %sub3A_337, %div3A_316 : i32
        %mul3A_339 = arith.constant 16 : i32
        %mul3A_340 = arith.muli %select_n3A_338, %mul3A_339 : i32
        %get3A_341 = arith.index_cast %mul3A_340 : i32 to index
        %get3A_342 = tpu.vector_load %arg19[%get3A_341] {strides = array<i32>} : memref<32xf32, #tpu.memory_space<vmem>>, vector<16xf32>,
        %sub3A_343 = arith.subi %scan3A_242, %mul3A_340 : i32
        %broadcast_in_dim3A_344 = vector.broadcast %sub3A_343 : i32 to vector<16xi32>
        %lt3A_345 = arith.constant 0 : i32
        %lt3A_346 = vector.broadcast %lt3A_345 : i32 to vector<16xi32>
        %lt3A_347 = arith.cmpi slt, %broadcast_in_dim3A_344, %lt3A_346 : vector<16xi32>
        %add3A_348 = arith.constant 16 : i32
        %add3A_349 = vector.broadcast %add3A_348 : i32 to vector<16xi32>
        %add3A_350 = arith.addi %broadcast_in_dim3A_344, %add3A_349 : vector<16xi32>
        %select_n3A_351 = arith.select %lt3A_347, %add3A_350, %broadcast_in_dim3A_344 : vector<16xi1>, vector<16xi32>
        %broadcast_in_dim3A_352 = vector.shape_cast %select_n3A_351 : vector<16xi32> to vector<16x1xi32>
        %gather3A_353 = vector.shape_cast %broadcast_in_dim3A_352 : vector<16x1xi32> to vector<16xi32>
        %gather3A_354 = tpu.dynamic_gather %get3A_342[%gather3A_353] in [0] : vector<16xf32>, vector<16xi32> -> vector<16xf32>
        %mul3A_355 = arith.mulf %gather3A_274, %gather3A_274 : vector<16xf32>
        %mul3A_356 = arith.mulf %gather3A_354, %gather3A_354 : vector<16xf32>
        %add3A_357 = arith.addf %mul3A_355, %mul3A_356 : vector<16xf32>
        %mul3A_358 = arith.mulf %gather3A_314, %gather3A_314 : vector<16xf32>
        %add3A_359 = arith.addf %add3A_357, %mul3A_358 : vector<16xf32>
        %bitcast3A = vector.bitcast %gather3A_274 : vector<16xf32> to vector<16xi32>
        %shift_right_logical3A = arith.constant 16 : i32
        %shift_right_logical3A_360 = vector.broadcast %shift_right_logical3A : i32 to vector<16xi32>
        %shift_right_logical3A_361 = arith.shrui %bitcast3A, %shift_right_logical3A_360 : vector<16xi32>
        %and3A_362 = arith.constant 1 : i32
        %and3A_363 = vector.broadcast %and3A_362 : i32 to vector<16xi32>
        %and3A_364 = arith.andi %shift_right_logical3A_361, %and3A_363 : vector<16xi32>
        %add3A_365 = arith.constant 32767 : i32
        %add3A_366 = vector.broadcast %add3A_365 : i32 to vector<16xi32>
        %add3A_367 = arith.addi %bitcast3A, %add3A_366 : vector<16xi32>
        %add3A_368 = arith.addi %add3A_367, %and3A_364 : vector<16xi32>
        %and3A_369 = arith.constant -65536 : i32
        %and3A_370 = vector.broadcast %and3A_369 : i32 to vector<16xi32>
        %and3A_371 = arith.andi %add3A_368, %and3A_370 : vector<16xi32>
        %bitcast3A_372 = vector.bitcast %and3A_371 : vector<16xi32> to vector<16xf32>
        %bitcast3A_373 = vector.bitcast %gather3A_314 : vector<16xf32> to vector<16xi32>
        %shift_right_logical3A_374 = arith.constant 16 : i32
        %shift_right_logical3A_375 = vector.broadcast %shift_right_logical3A_374 : i32 to vector<16xi32>
        %shift_right_logical3A_376 = arith.shrui %bitcast3A_373, %shift_right_logical3A_375 : vector<16xi32>
        %and3A_377 = arith.constant 1 : i32
        %and3A_378 = vector.broadcast %and3A_377 : i32 to vector<16xi32>
        %and3A_379 = arith.andi %shift_right_logical3A_376, %and3A_378 : vector<16xi32>
        %add3A_380 = arith.constant 32767 : i32
        %add3A_381 = vector.broadcast %add3A_380 : i32 to vector<16xi32>
        %add3A_382 = arith.addi %bitcast3A_373, %add3A_381 : vector<16xi32>
        %add3A_383 = arith.addi %add3A_382, %and3A_379 : vector<16xi32>
        %and3A_384 = arith.constant -65536 : i32
        %and3A_385 = vector.broadcast %and3A_384 : i32 to vector<16xi32>
        %and3A_386 = arith.andi %add3A_383, %and3A_385 : vector<16xi32>
        %bitcast3A_387 = vector.bitcast %and3A_386 : vector<16xi32> to vector<16xf32>
        %bitcast3A_388 = vector.bitcast %gather3A_354 : vector<16xf32> to vector<16xi32>
        %shift_right_logical3A_389 = arith.constant 16 : i32
        %shift_right_logical3A_390 = vector.broadcast %shift_right_logical3A_389 : i32 to vector<16xi32>
        %shift_right_logical3A_391 = arith.shrui %bitcast3A_388, %shift_right_logical3A_390 : vector<16xi32>
        %and3A_392 = arith.constant 1 : i32
        %and3A_393 = vector.broadcast %and3A_392 : i32 to vector<16xi32>
        %and3A_394 = arith.andi %shift_right_logical3A_391, %and3A_393 : vector<16xi32>
        %add3A_395 = arith.constant 32767 : i32
        %add3A_396 = vector.broadcast %add3A_395 : i32 to vector<16xi32>
        %add3A_397 = arith.addi %bitcast3A_388, %add3A_396 : vector<16xi32>
        %add3A_398 = arith.addi %add3A_397, %and3A_394 : vector<16xi32>
        %and3A_399 = arith.constant -65536 : i32
        %and3A_400 = vector.broadcast %and3A_399 : i32 to vector<16xi32>
        %and3A_401 = arith.andi %add3A_398, %and3A_400 : vector<16xi32>
        %bitcast3A_402 = vector.bitcast %and3A_401 : vector<16xi32> to vector<16xf32>
        %mul3A_403 = arith.constant 16 : i32
        %mul3A_404 = arith.muli %scan3A_242, %mul3A_403 : i32
        %get3A_405 = arith.index_cast %mul3A_404 : i32 to index
        %get3A_406 = tpu.vector_load %arg20[%get3A_405] {strides = array<i32>} : memref<512xf32, #tpu.memory_space<vmem>>, vector<16xf32>,
        %reduce_max3A = arith.constant true
        %reduce_max3A_407 = vector.broadcast %reduce_max3A : i1 to vector<16xi1>
        %reduce_max3A_408 = tpu.scan <max>, %get3A_406 masked %reduce_max3A_407 : vector<16xf32>, vector<16xi1> -> vector<16xf32>
        %reduce_max3A_409 = vector.extract %reduce_max3A_408[15] : f32 from vector<16xf32>
        %broadcast_in_dim3A_410 = vector.broadcast %reduce_max3A_409 : f32 to vector<16xf32>
        %scan3A_411 = arith.constant 0 : i32
        %scan3A_412 = arith.constant 16 : i32
        %scan3A_413 = arith.addi %scan3A_411, %scan3A_412 : i32
        %scan3A_414 = arith.constant 1 : i32
        %scan3A_415 = scf.for %scan3A_418 = %scan3A_411 to %scan3A_413 step %scan3A_414 iter_args(%scan3A_419 = %broadcast_in_dim3A_410) -> (vector<16xf32>)  : i32 {
          %mul3A_420 = arith.constant 2 : i32
          %mul3A_421 = arith.muli %mul3A_420, %scan3A_418 : i32
          %mul3A_422 = arith.constant 512 : i32
          %mul3A_423 = arith.muli %mul3A_421, %mul3A_422 : i32
          %jit3A_424 = arith.constant 2 : i32
          %div3A_425 = arith.divsi %mul3A_423, %jit3A_424 : i32
          %sign3A_426 = arith.constant 0 : i32
          %sign3A_427 = arith.cmpi sgt, %mul3A_423, %sign3A_426 : i32
          %sign3A_428 = arith.extui %sign3A_427 : i1 to i32
          %sign3A_429 = arith.constant 0 : i32
          %sign3A_430 = arith.cmpi slt, %mul3A_423, %sign3A_429 : i32
          %sign3A_431 = arith.extui %sign3A_430 : i1 to i32
          %sign3A_432 = arith.subi %sign3A_428, %sign3A_431 : i32
          %sign3A_433 = arith.constant 0 : i32
          %sign3A_434 = arith.cmpi sgt, %jit3A_424, %sign3A_433 : i32
          %sign3A_435 = arith.extui %sign3A_434 : i1 to i32
          %sign3A_436 = arith.constant 0 : i32
          %sign3A_437 = arith.cmpi slt, %jit3A_424, %sign3A_436 : i32
          %sign3A_438 = arith.extui %sign3A_437 : i1 to i32
          %sign3A_439 = arith.subi %sign3A_435, %sign3A_438 : i32
          %ne3A_440 = arith.cmpi ne, %sign3A_432, %sign3A_439 : i32
          %rem3A_441 = arith.remsi %mul3A_423, %jit3A_424 : i32
          %ne3A_442 = arith.constant 0 : i32
          %ne3A_443 = arith.cmpi ne, %rem3A_441, %ne3A_442 : i32
          %and3A_444 = arith.andi %ne3A_440, %ne3A_443 : i1
          %sub3A_445 = arith.constant 1 : i32
          %sub3A_446 = arith.subi %div3A_425, %sub3A_445 : i32
          %select_n3A_447 = arith.select %and3A_444, %sub3A_446, %div3A_425 : i32
          %add3A_448 = arith.constant 0 : i32
          %add3A_449 = arith.addi %select_n3A_447, %add3A_448 : i32
          %get3A_450 = arith.index_cast %add3A_449 : i32 to index
          %get3A_451 = tpu.vector_load %arg14[%get3A_450] {strides = array<i32>} : memref<8192xi32, #tpu.memory_space<vmem>>, vector<16xi32>,
          %bitcast3A_452 = vector.bitcast %get3A_451 : vector<16xi32> to vector<32xbf16>
          %unpack3A = tpu.unpack_subelements %bitcast3A_452, 0 {pack_format = #tpu.pack_format<interleaved>} : vector<32xbf16> -> vector<16xf32>
          %unpack3A_453 = tpu.unpack_subelements %bitcast3A_452, 1 {pack_format = #tpu.pack_format<interleaved>} : vector<32xbf16> -> vector<16xf32>
          %add3A_454 = arith.constant 0 : i32
          %add3A_455 = arith.addi %select_n3A_447, %add3A_454 : i32
          %get3A_456 = arith.index_cast %add3A_455 : i32 to index
          %get3A_457 = tpu.vector_load %arg15[%get3A_456] {strides = array<i32>} : memref<8192xi32, #tpu.memory_space<vmem>>, vector<16xi32>,
          %bitcast3A_458 = vector.bitcast %get3A_457 : vector<16xi32> to vector<32xbf16>
          %unpack3A_459 = tpu.unpack_subelements %bitcast3A_458, 0 {pack_format = #tpu.pack_format<interleaved>} : vector<32xbf16> -> vector<16xf32>
          %unpack3A_460 = tpu.unpack_subelements %bitcast3A_458, 1 {pack_format = #tpu.pack_format<interleaved>} : vector<32xbf16> -> vector<16xf32>
          %add3A_461 = arith.constant 0 : i32
          %add3A_462 = arith.addi %select_n3A_447, %add3A_461 : i32
          %get3A_463 = arith.index_cast %add3A_462 : i32 to index
          %get3A_464 = tpu.vector_load %arg16[%get3A_463] {strides = array<i32>} : memref<8192xi32, #tpu.memory_space<vmem>>, vector<16xi32>,
          %bitcast3A_465 = vector.bitcast %get3A_464 : vector<16xi32> to vector<32xbf16>
          %unpack3A_466 = tpu.unpack_subelements %bitcast3A_465, 0 {pack_format = #tpu.pack_format<interleaved>} : vector<32xbf16> -> vector<16xf32>
          %unpack3A_467 = tpu.unpack_subelements %bitcast3A_465, 1 {pack_format = #tpu.pack_format<interleaved>} : vector<32xbf16> -> vector<16xf32>
          %mul3A_468 = arith.mulf %unpack3A, %bitcast3A_372 : vector<16xf32>
          %mul3A_469 = arith.mulf %unpack3A_459, %bitcast3A_387 : vector<16xf32>
          %add3A_470 = arith.addf %mul3A_468, %mul3A_469 : vector<16xf32>
          %mul3A_471 = arith.mulf %unpack3A_466, %bitcast3A_402 : vector<16xf32>
          %add3A_472 = arith.addf %add3A_470, %mul3A_471 : vector<16xf32>
          %sub3A_473 = arith.subf %add3A_359, %add3A_472 : vector<16xf32>
          %add3A_474 = arith.constant 0 : i32
          %add3A_475 = arith.addi %mul3A_423, %add3A_474 : i32
          %get3A_476 = arith.index_cast %add3A_475 : i32 to index
          %get3A_477 = tpu.vector_load %arg13[%get3A_476] {strides = array<i32>} : memref<16384xf32, #tpu.memory_space<vmem>>, vector<16xf32>,
          %add3A_478 = arith.addf %sub3A_473, %get3A_477 : vector<16xf32>
          %mul3A_479 = arith.mulf %unpack3A_453, %bitcast3A_372 : vector<16xf32>
          %mul3A_480 = arith.mulf %unpack3A_460, %bitcast3A_387 : vector<16xf32>
          %add3A_481 = arith.addf %mul3A_479, %mul3A_480 : vector<16xf32>
          %mul3A_482 = arith.mulf %unpack3A_467, %bitcast3A_402 : vector<16xf32>
          %add3A_483 = arith.addf %add3A_481, %mul3A_482 : vector<16xf32>
          %sub3A_484 = arith.subf %add3A_359, %add3A_483 : vector<16xf32>
          %add3A_485 = arith.constant 16 : i32
          %add3A_486 = arith.addi %mul3A_423, %add3A_485 : i32
          %get3A_487 = arith.index_cast %add3A_486 : i32 to index
          %get3A_488 = tpu.vector_load %arg13[%get3A_487] {strides = array<i32>} : memref<16384xf32, #tpu.memory_space<vmem>>, vector<16xf32>,
          %add3A_489 = arith.addf %sub3A_484, %get3A_488 : vector<16xf32>
          %add3A_490 = arith.constant 16 : i32
          %add3A_491 = arith.addi %select_n3A_447, %add3A_490 : i32
          %get3A_492 = arith.index_cast %add3A_491 : i32 to index
          %get3A_493 = tpu.vector_load %arg14[%get3A_492] {strides = array<i32>} : memref<8192xi32, #tpu.memory_space<vmem>>, vector<16xi32>,
          %bitcast3A_494 = vector.bitcast %get3A_493 : vector<16xi32> to vector<32xbf16>
          %unpack3A_495 = tpu.unpack_subelements %bitcast3A_494, 0 {pack_format = #tpu.pack_format<interleaved>} : vector<32xbf16> -> vector<16xf32>
          %unpack3A_496 = tpu.unpack_subelements %bitcast3A_494, 1 {pack_format = #tpu.pack_format<interleaved>} : vector<32xbf16> -> vector<16xf32>
          %add3A_497 = arith.constant 16 : i32
          %add3A_498 = arith.addi %select_n3A_447, %add3A_497 : i32
          %get3A_499 = arith.index_cast %add3A_498 : i32 to index
          %get3A_500 = tpu.vector_load %arg15[%get3A_499] {strides = array<i32>} : memref<8192xi32, #tpu.memory_space<vmem>>, vector<16xi32>,
          %bitcast3A_501 = vector.bitcast %get3A_500 : vector<16xi32> to vector<32xbf16>
          %unpack3A_502 = tpu.unpack_subelements %bitcast3A_501, 0 {pack_format = #tpu.pack_format<interleaved>} : vector<32xbf16> -> vector<16xf32>
          %unpack3A_503 = tpu.unpack_subelements %bitcast3A_501, 1 {pack_format = #tpu.pack_format<interleaved>} : vector<32xbf16> -> vector<16xf32>
          %add3A_504 = arith.constant 16 : i32
          %add3A_505 = arith.addi %select_n3A_447, %add3A_504 : i32
          %get3A_506 = arith.index_cast %add3A_505 : i32 to index
          %get3A_507 = tpu.vector_load %arg16[%get3A_506] {strides = array<i32>} : memref<8192xi32, #tpu.memory_space<vmem>>, vector<16xi32>,
          %bitcast3A_508 = vector.bitcast %get3A_507 : vector<16xi32> to vector<32xbf16>
          %unpack3A_509 = tpu.unpack_subelements %bitcast3A_508, 0 {pack_format = #tpu.pack_format<interleaved>} : vector<32xbf16> -> vector<16xf32>
          %unpack3A_510 = tpu.unpack_subelements %bitcast3A_508, 1 {pack_format = #tpu.pack_format<interleaved>} : vector<32xbf16> -> vector<16xf32>
          %mul3A_511 = arith.mulf %unpack3A_495, %bitcast3A_372 : vector<16xf32>
          %mul3A_512 = arith.mulf %unpack3A_502, %bitcast3A_387 : vector<16xf32>
          %add3A_513 = arith.addf %mul3A_511, %mul3A_512 : vector<16xf32>
          %mul3A_514 = arith.mulf %unpack3A_509, %bitcast3A_402 : vector<16xf32>
          %add3A_515 = arith.addf %add3A_513, %mul3A_514 : vector<16xf32>
          %sub3A_516 = arith.subf %add3A_359, %add3A_515 : vector<16xf32>
          %add3A_517 = arith.constant 32 : i32
          %add3A_518 = arith.addi %mul3A_423, %add3A_517 : i32
          %get3A_519 = arith.index_cast %add3A_518 : i32 to index
          %get3A_520 = tpu.vector_load %arg13[%get3A_519] {strides = array<i32>} : memref<16384xf32, #tpu.memory_space<vmem>>, vector<16xf32>,
          %add3A_521 = arith.addf %sub3A_516, %get3A_520 : vector<16xf32>
          %mul3A_522 = arith.mulf %unpack3A_496, %bitcast3A_372 : vector<16xf32>
          %mul3A_523 = arith.mulf %unpack3A_503, %bitcast3A_387 : vector<16xf32>
          %add3A_524 = arith.addf %mul3A_522, %mul3A_523 : vector<16xf32>
          %mul3A_525 = arith.mulf %unpack3A_510, %bitcast3A_402 : vector<16xf32>
          %add3A_526 = arith.addf %add3A_524, %mul3A_525 : vector<16xf32>
          %sub3A_527 = arith.subf %add3A_359, %add3A_526 : vector<16xf32>
          %add3A_528 = arith.constant 48 : i32
          %add3A_529 = arith.addi %mul3A_423, %add3A_528 : i32
          %get3A_530 = arith.index_cast %add3A_529 : i32 to index
          %get3A_531 = tpu.vector_load %arg13[%get3A_530] {strides = array<i32>} : memref<16384xf32, #tpu.memory_space<vmem>>, vector<16xf32>,
          %add3A_532 = arith.addf %sub3A_527, %get3A_531 : vector<16xf32>
          %add3A_533 = arith.constant 32 : i32
          %add3A_534 = arith.addi %select_n3A_447, %add3A_533 : i32
          %get3A_535 = arith.index_cast %add3A_534 : i32 to index
          %get3A_536 = tpu.vector_load %arg14[%get3A_535] {strides = array<i32>} : memref<8192xi32, #tpu.memory_space<vmem>>, vector<16xi32>,
          %bitcast3A_537 = vector.bitcast %get3A_536 : vector<16xi32> to vector<32xbf16>
          %unpack3A_538 = tpu.unpack_subelements %bitcast3A_537, 0 {pack_format = #tpu.pack_format<interleaved>} : vector<32xbf16> -> vector<16xf32>
          %unpack3A_539 = tpu.unpack_subelements %bitcast3A_537, 1 {pack_format = #tpu.pack_format<interleaved>} : vector<32xbf16> -> vector<16xf32>
          %add3A_540 = arith.constant 32 : i32
          %add3A_541 = arith.addi %select_n3A_447, %add3A_540 : i32
          %get3A_542 = arith.index_cast %add3A_541 : i32 to index
          %get3A_543 = tpu.vector_load %arg15[%get3A_542] {strides = array<i32>} : memref<8192xi32, #tpu.memory_space<vmem>>, vector<16xi32>,
          %bitcast3A_544 = vector.bitcast %get3A_543 : vector<16xi32> to vector<32xbf16>
          %unpack3A_545 = tpu.unpack_subelements %bitcast3A_544, 0 {pack_format = #tpu.pack_format<interleaved>} : vector<32xbf16> -> vector<16xf32>
          %unpack3A_546 = tpu.unpack_subelements %bitcast3A_544, 1 {pack_format = #tpu.pack_format<interleaved>} : vector<32xbf16> -> vector<16xf32>
          %add3A_547 = arith.constant 32 : i32
          %add3A_548 = arith.addi %select_n3A_447, %add3A_547 : i32
          %get3A_549 = arith.index_cast %add3A_548 : i32 to index
          %get3A_550 = tpu.vector_load %arg16[%get3A_549] {strides = array<i32>} : memref<8192xi32, #tpu.memory_space<vmem>>, vector<16xi32>,
          %bitcast3A_551 = vector.bitcast %get3A_550 : vector<16xi32> to vector<32xbf16>
          %unpack3A_552 = tpu.unpack_subelements %bitcast3A_551, 0 {pack_format = #tpu.pack_format<interleaved>} : vector<32xbf16> -> vector<16xf32>
          %unpack3A_553 = tpu.unpack_subelements %bitcast3A_551, 1 {pack_format = #tpu.pack_format<interleaved>} : vector<32xbf16> -> vector<16xf32>
          %mul3A_554 = arith.mulf %unpack3A_538, %bitcast3A_372 : vector<16xf32>
          %mul3A_555 = arith.mulf %unpack3A_545, %bitcast3A_387 : vector<16xf32>
          %add3A_556 = arith.addf %mul3A_554, %mul3A_555 : vector<16xf32>
          %mul3A_557 = arith.mulf %unpack3A_552, %bitcast3A_402 : vector<16xf32>
          %add3A_558 = arith.addf %add3A_556, %mul3A_557 : vector<16xf32>
          %sub3A_559 = arith.subf %add3A_359, %add3A_558 : vector<16xf32>
          %add3A_560 = arith.constant 64 : i32
          %add3A_561 = arith.addi %mul3A_423, %add3A_560 : i32
          %get3A_562 = arith.index_cast %add3A_561 : i32 to index
          %get3A_563 = tpu.vector_load %arg13[%get3A_562] {strides = array<i32>} : memref<16384xf32, #tpu.memory_space<vmem>>, vector<16xf32>,
          %add3A_564 = arith.addf %sub3A_559, %get3A_563 : vector<16xf32>
          %mul3A_565 = arith.mulf %unpack3A_539, %bitcast3A_372 : vector<16xf32>
          %mul3A_566 = arith.mulf %unpack3A_546, %bitcast3A_387 : vector<16xf32>
          %add3A_567 = arith.addf %mul3A_565, %mul3A_566 : vector<16xf32>
          %mul3A_568 = arith.mulf %unpack3A_553, %bitcast3A_402 : vector<16xf32>
          %add3A_569 = arith.addf %add3A_567, %mul3A_568 : vector<16xf32>
          %sub3A_570 = arith.subf %add3A_359, %add3A_569 : vector<16xf32>
          %add3A_571 = arith.constant 80 : i32
          %add3A_572 = arith.addi %mul3A_423, %add3A_571 : i32
          %get3A_573 = arith.index_cast %add3A_572 : i32 to index
          %get3A_574 = tpu.vector_load %arg13[%get3A_573] {strides = array<i32>} : memref<16384xf32, #tpu.memory_space<vmem>>, vector<16xf32>,
          %add3A_575 = arith.addf %sub3A_570, %get3A_574 : vector<16xf32>
          %add3A_576 = arith.constant 48 : i32
          %add3A_577 = arith.addi %select_n3A_447, %add3A_576 : i32
          %get3A_578 = arith.index_cast %add3A_577 : i32 to index
          %get3A_579 = tpu.vector_load %arg14[%get3A_578] {strides = array<i32>} : memref<8192xi32, #tpu.memory_space<vmem>>, vector<16xi32>,
          %bitcast3A_580 = vector.bitcast %get3A_579 : vector<16xi32> to vector<32xbf16>
          %unpack3A_581 = tpu.unpack_subelements %bitcast3A_580, 0 {pack_format = #tpu.pack_format<interleaved>} : vector<32xbf16> -> vector<16xf32>
          %unpack3A_582 = tpu.unpack_subelements %bitcast3A_580, 1 {pack_format = #tpu.pack_format<interleaved>} : vector<32xbf16> -> vector<16xf32>
          %add3A_583 = arith.constant 48 : i32
          %add3A_584 = arith.addi %select_n3A_447, %add3A_583 : i32
          %get3A_585 = arith.index_cast %add3A_584 : i32 to index
          %get3A_586 = tpu.vector_load %arg15[%get3A_585] {strides = array<i32>} : memref<8192xi32, #tpu.memory_space<vmem>>, vector<16xi32>,
          %bitcast3A_587 = vector.bitcast %get3A_586 : vector<16xi32> to vector<32xbf16>
          %unpack3A_588 = tpu.unpack_subelements %bitcast3A_587, 0 {pack_format = #tpu.pack_format<interleaved>} : vector<32xbf16> -> vector<16xf32>
          %unpack3A_589 = tpu.unpack_subelements %bitcast3A_587, 1 {pack_format = #tpu.pack_format<interleaved>} : vector<32xbf16> -> vector<16xf32>
          %add3A_590 = arith.constant 48 : i32
          %add3A_591 = arith.addi %select_n3A_447, %add3A_590 : i32
          %get3A_592 = arith.index_cast %add3A_591 : i32 to index
          %get3A_593 = tpu.vector_load %arg16[%get3A_592] {strides = array<i32>} : memref<8192xi32, #tpu.memory_space<vmem>>, vector<16xi32>,
          %bitcast3A_594 = vector.bitcast %get3A_593 : vector<16xi32> to vector<32xbf16>
          %unpack3A_595 = tpu.unpack_subelements %bitcast3A_594, 0 {pack_format = #tpu.pack_format<interleaved>} : vector<32xbf16> -> vector<16xf32>
          %unpack3A_596 = tpu.unpack_subelements %bitcast3A_594, 1 {pack_format = #tpu.pack_format<interleaved>} : vector<32xbf16> -> vector<16xf32>
          %mul3A_597 = arith.mulf %unpack3A_581, %bitcast3A_372 : vector<16xf32>
          %mul3A_598 = arith.mulf %unpack3A_588, %bitcast3A_387 : vector<16xf32>
          %add3A_599 = arith.addf %mul3A_597, %mul3A_598 : vector<16xf32>
          %mul3A_600 = arith.mulf %unpack3A_595, %bitcast3A_402 : vector<16xf32>
          %add3A_601 = arith.addf %add3A_599, %mul3A_600 : vector<16xf32>
          %sub3A_602 = arith.subf %add3A_359, %add3A_601 : vector<16xf32>
          %add3A_603 = arith.constant 96 : i32
          %add3A_604 = arith.addi %mul3A_423, %add3A_603 : i32
          %get3A_605 = arith.index_cast %add3A_604 : i32 to index
          %get3A_606 = tpu.vector_load %arg13[%get3A_605] {strides = array<i32>} : memref<16384xf32, #tpu.memory_space<vmem>>, vector<16xf32>,
          %add3A_607 = arith.addf %sub3A_602, %get3A_606 : vector<16xf32>
          %mul3A_608 = arith.mulf %unpack3A_582, %bitcast3A_372 : vector<16xf32>
          %mul3A_609 = arith.mulf %unpack3A_589, %bitcast3A_387 : vector<16xf32>
          %add3A_610 = arith.addf %mul3A_608, %mul3A_609 : vector<16xf32>
          %mul3A_611 = arith.mulf %unpack3A_596, %bitcast3A_402 : vector<16xf32>
          %add3A_612 = arith.addf %add3A_610, %mul3A_611 : vector<16xf32>
          %sub3A_613 = arith.subf %add3A_359, %add3A_612 : vector<16xf32>
          %add3A_614 = arith.constant 112 : i32
          %add3A_615 = arith.addi %mul3A_423, %add3A_614 : i32
          %get3A_616 = arith.index_cast %add3A_615 : i32 to index
          %get3A_617 = tpu.vector_load %arg13[%get3A_616] {strides = array<i32>} : memref<16384xf32, #tpu.memory_space<vmem>>, vector<16xf32>,
          %add3A_618 = arith.addf %sub3A_613, %get3A_617 : vector<16xf32>
          %add3A_619 = arith.constant 64 : i32
          %add3A_620 = arith.addi %select_n3A_447, %add3A_619 : i32
          %get3A_621 = arith.index_cast %add3A_620 : i32 to index
          %get3A_622 = tpu.vector_load %arg14[%get3A_621] {strides = array<i32>} : memref<8192xi32, #tpu.memory_space<vmem>>, vector<16xi32>,
          %bitcast3A_623 = vector.bitcast %get3A_622 : vector<16xi32> to vector<32xbf16>
          %unpack3A_624 = tpu.unpack_subelements %bitcast3A_623, 0 {pack_format = #tpu.pack_format<interleaved>} : vector<32xbf16> -> vector<16xf32>
          %unpack3A_625 = tpu.unpack_subelements %bitcast3A_623, 1 {pack_format = #tpu.pack_format<interleaved>} : vector<32xbf16> -> vector<16xf32>
          %add3A_626 = arith.constant 64 : i32
          %add3A_627 = arith.addi %select_n3A_447, %add3A_626 : i32
          %get3A_628 = arith.index_cast %add3A_627 : i32 to index
          %get3A_629 = tpu.vector_load %arg15[%get3A_628] {strides = array<i32>} : memref<8192xi32, #tpu.memory_space<vmem>>, vector<16xi32>,
          %bitcast3A_630 = vector.bitcast %get3A_629 : vector<16xi32> to vector<32xbf16>
          %unpack3A_631 = tpu.unpack_subelements %bitcast3A_630, 0 {pack_format = #tpu.pack_format<interleaved>} : vector<32xbf16> -> vector<16xf32>
          %unpack3A_632 = tpu.unpack_subelements %bitcast3A_630, 1 {pack_format = #tpu.pack_format<interleaved>} : vector<32xbf16> -> vector<16xf32>
          %add3A_633 = arith.constant 64 : i32
          %add3A_634 = arith.addi %select_n3A_447, %add3A_633 : i32
          %get3A_635 = arith.index_cast %add3A_634 : i32 to index
          %get3A_636 = tpu.vector_load %arg16[%get3A_635] {strides = array<i32>} : memref<8192xi32, #tpu.memory_space<vmem>>, vector<16xi32>,
          %bitcast3A_637 = vector.bitcast %get3A_636 : vector<16xi32> to vector<32xbf16>
          %unpack3A_638 = tpu.unpack_subelements %bitcast3A_637, 0 {pack_format = #tpu.pack_format<interleaved>} : vector<32xbf16> -> vector<16xf32>
          %unpack3A_639 = tpu.unpack_subelements %bitcast3A_637, 1 {pack_format = #tpu.pack_format<interleaved>} : vector<32xbf16> -> vector<16xf32>
          %mul3A_640 = arith.mulf %unpack3A_624, %bitcast3A_372 : vector<16xf32>
          %mul3A_641 = arith.mulf %unpack3A_631, %bitcast3A_387 : vector<16xf32>
          %add3A_642 = arith.addf %mul3A_640, %mul3A_641 : vector<16xf32>
          %mul3A_643 = arith.mulf %unpack3A_638, %bitcast3A_402 : vector<16xf32>
          %add3A_644 = arith.addf %add3A_642, %mul3A_643 : vector<16xf32>
          %sub3A_645 = arith.subf %add3A_359, %add3A_644 : vector<16xf32>
          %add3A_646 = arith.constant 128 : i32
          %add3A_647 = arith.addi %mul3A_423, %add3A_646 : i32
          %get3A_648 = arith.index_cast %add3A_647 : i32 to index
          %get3A_649 = tpu.vector_load %arg13[%get3A_648] {strides = array<i32>} : memref<16384xf32, #tpu.memory_space<vmem>>, vector<16xf32>,
          %add3A_650 = arith.addf %sub3A_645, %get3A_649 : vector<16xf32>
          %mul3A_651 = arith.mulf %unpack3A_625, %bitcast3A_372 : vector<16xf32>
          %mul3A_652 = arith.mulf %unpack3A_632, %bitcast3A_387 : vector<16xf32>
          %add3A_653 = arith.addf %mul3A_651, %mul3A_652 : vector<16xf32>
          %mul3A_654 = arith.mulf %unpack3A_639, %bitcast3A_402 : vector<16xf32>
          %add3A_655 = arith.addf %add3A_653, %mul3A_654 : vector<16xf32>
          %sub3A_656 = arith.subf %add3A_359, %add3A_655 : vector<16xf32>
          %add3A_657 = arith.constant 144 : i32
          %add3A_658 = arith.addi %mul3A_423, %add3A_657 : i32
          %get3A_659 = arith.index_cast %add3A_658 : i32 to index
          %get3A_660 = tpu.vector_load %arg13[%get3A_659] {strides = array<i32>} : memref<16384xf32, #tpu.memory_space<vmem>>, vector<16xf32>,
          %add3A_661 = arith.addf %sub3A_656, %get3A_660 : vector<16xf32>
          %add3A_662 = arith.constant 80 : i32
          %add3A_663 = arith.addi %select_n3A_447, %add3A_662 : i32
          %get3A_664 = arith.index_cast %add3A_663 : i32 to index
          %get3A_665 = tpu.vector_load %arg14[%get3A_664] {strides = array<i32>} : memref<8192xi32, #tpu.memory_space<vmem>>, vector<16xi32>,
          %bitcast3A_666 = vector.bitcast %get3A_665 : vector<16xi32> to vector<32xbf16>
          %unpack3A_667 = tpu.unpack_subelements %bitcast3A_666, 0 {pack_format = #tpu.pack_format<interleaved>} : vector<32xbf16> -> vector<16xf32>
          %unpack3A_668 = tpu.unpack_subelements %bitcast3A_666, 1 {pack_format = #tpu.pack_format<interleaved>} : vector<32xbf16> -> vector<16xf32>
          %add3A_669 = arith.constant 80 : i32
          %add3A_670 = arith.addi %select_n3A_447, %add3A_669 : i32
          %get3A_671 = arith.index_cast %add3A_670 : i32 to index
          %get3A_672 = tpu.vector_load %arg15[%get3A_671] {strides = array<i32>} : memref<8192xi32, #tpu.memory_space<vmem>>, vector<16xi32>,
          %bitcast3A_673 = vector.bitcast %get3A_672 : vector<16xi32> to vector<32xbf16>
          %unpack3A_674 = tpu.unpack_subelements %bitcast3A_673, 0 {pack_format = #tpu.pack_format<interleaved>} : vector<32xbf16> -> vector<16xf32>
          %unpack3A_675 = tpu.unpack_subelements %bitcast3A_673, 1 {pack_format = #tpu.pack_format<interleaved>} : vector<32xbf16> -> vector<16xf32>
          %add3A_676 = arith.constant 80 : i32
          %add3A_677 = arith.addi %select_n3A_447, %add3A_676 : i32
          %get3A_678 = arith.index_cast %add3A_677 : i32 to index
          %get3A_679 = tpu.vector_load %arg16[%get3A_678] {strides = array<i32>} : memref<8192xi32, #tpu.memory_space<vmem>>, vector<16xi32>,
          %bitcast3A_680 = vector.bitcast %get3A_679 : vector<16xi32> to vector<32xbf16>
          %unpack3A_681 = tpu.unpack_subelements %bitcast3A_680, 0 {pack_format = #tpu.pack_format<interleaved>} : vector<32xbf16> -> vector<16xf32>
          %unpack3A_682 = tpu.unpack_subelements %bitcast3A_680, 1 {pack_format = #tpu.pack_format<interleaved>} : vector<32xbf16> -> vector<16xf32>
          %mul3A_683 = arith.mulf %unpack3A_667, %bitcast3A_372 : vector<16xf32>
          %mul3A_684 = arith.mulf %unpack3A_674, %bitcast3A_387 : vector<16xf32>
          %add3A_685 = arith.addf %mul3A_683, %mul3A_684 : vector<16xf32>
          %mul3A_686 = arith.mulf %unpack3A_681, %bitcast3A_402 : vector<16xf32>
          %add3A_687 = arith.addf %add3A_685, %mul3A_686 : vector<16xf32>
          %sub3A_688 = arith.subf %add3A_359, %add3A_687 : vector<16xf32>
          %add3A_689 = arith.constant 160 : i32
          %add3A_690 = arith.addi %mul3A_423, %add3A_689 : i32
          %get3A_691 = arith.index_cast %add3A_690 : i32 to index
          %get3A_692 = tpu.vector_load %arg13[%get3A_691] {strides = array<i32>} : memref<16384xf32, #tpu.memory_space<vmem>>, vector<16xf32>,
          %add3A_693 = arith.addf %sub3A_688, %get3A_692 : vector<16xf32>
          %mul3A_694 = arith.mulf %unpack3A_668, %bitcast3A_372 : vector<16xf32>
          %mul3A_695 = arith.mulf %unpack3A_675, %bitcast3A_387 : vector<16xf32>
          %add3A_696 = arith.addf %mul3A_694, %mul3A_695 : vector<16xf32>
          %mul3A_697 = arith.mulf %unpack3A_682, %bitcast3A_402 : vector<16xf32>
          %add3A_698 = arith.addf %add3A_696, %mul3A_697 : vector<16xf32>
          %sub3A_699 = arith.subf %add3A_359, %add3A_698 : vector<16xf32>
          %add3A_700 = arith.constant 176 : i32
          %add3A_701 = arith.addi %mul3A_423, %add3A_700 : i32
          %get3A_702 = arith.index_cast %add3A_701 : i32 to index
          %get3A_703 = tpu.vector_load %arg13[%get3A_702] {strides = array<i32>} : memref<16384xf32, #tpu.memory_space<vmem>>, vector<16xf32>,
          %add3A_704 = arith.addf %sub3A_699, %get3A_703 : vector<16xf32>
          %add3A_705 = arith.constant 96 : i32
          %add3A_706 = arith.addi %select_n3A_447, %add3A_705 : i32
          %get3A_707 = arith.index_cast %add3A_706 : i32 to index
          %get3A_708 = tpu.vector_load %arg14[%get3A_707] {strides = array<i32>} : memref<8192xi32, #tpu.memory_space<vmem>>, vector<16xi32>,
          %bitcast3A_709 = vector.bitcast %get3A_708 : vector<16xi32> to vector<32xbf16>
          %unpack3A_710 = tpu.unpack_subelements %bitcast3A_709, 0 {pack_format = #tpu.pack_format<interleaved>} : vector<32xbf16> -> vector<16xf32>
          %unpack3A_711 = tpu.unpack_subelements %bitcast3A_709, 1 {pack_format = #tpu.pack_format<interleaved>} : vector<32xbf16> -> vector<16xf32>
          %add3A_712 = arith.constant 96 : i32
          %add3A_713 = arith.addi %select_n3A_447, %add3A_712 : i32
          %get3A_714 = arith.index_cast %add3A_713 : i32 to index
          %get3A_715 = tpu.vector_load %arg15[%get3A_714] {strides = array<i32>} : memref<8192xi32, #tpu.memory_space<vmem>>, vector<16xi32>,
          %bitcast3A_716 = vector.bitcast %get3A_715 : vector<16xi32> to vector<32xbf16>
          %unpack3A_717 = tpu.unpack_subelements %bitcast3A_716, 0 {pack_format = #tpu.pack_format<interleaved>} : vector<32xbf16> -> vector<16xf32>
          %unpack3A_718 = tpu.unpack_subelements %bitcast3A_716, 1 {pack_format = #tpu.pack_format<interleaved>} : vector<32xbf16> -> vector<16xf32>
          %add3A_719 = arith.constant 96 : i32
          %add3A_720 = arith.addi %select_n3A_447, %add3A_719 : i32
          %get3A_721 = arith.index_cast %add3A_720 : i32 to index
          %get3A_722 = tpu.vector_load %arg16[%get3A_721] {strides = array<i32>} : memref<8192xi32, #tpu.memory_space<vmem>>, vector<16xi32>,
          %bitcast3A_723 = vector.bitcast %get3A_722 : vector<16xi32> to vector<32xbf16>
          %unpack3A_724 = tpu.unpack_subelements %bitcast3A_723, 0 {pack_format = #tpu.pack_format<interleaved>} : vector<32xbf16> -> vector<16xf32>
          %unpack3A_725 = tpu.unpack_subelements %bitcast3A_723, 1 {pack_format = #tpu.pack_format<interleaved>} : vector<32xbf16> -> vector<16xf32>
          %mul3A_726 = arith.mulf %unpack3A_710, %bitcast3A_372 : vector<16xf32>
          %mul3A_727 = arith.mulf %unpack3A_717, %bitcast3A_387 : vector<16xf32>
          %add3A_728 = arith.addf %mul3A_726, %mul3A_727 : vector<16xf32>
          %mul3A_729 = arith.mulf %unpack3A_724, %bitcast3A_402 : vector<16xf32>
          %add3A_730 = arith.addf %add3A_728, %mul3A_729 : vector<16xf32>
          %sub3A_731 = arith.subf %add3A_359, %add3A_730 : vector<16xf32>
          %add3A_732 = arith.constant 192 : i32
          %add3A_733 = arith.addi %mul3A_423, %add3A_732 : i32
          %get3A_734 = arith.index_cast %add3A_733 : i32 to index
          %get3A_735 = tpu.vector_load %arg13[%get3A_734] {strides = array<i32>} : memref<16384xf32, #tpu.memory_space<vmem>>, vector<16xf32>,
          %add3A_736 = arith.addf %sub3A_731, %get3A_735 : vector<16xf32>
          %mul3A_737 = arith.mulf %unpack3A_711, %bitcast3A_372 : vector<16xf32>
          %mul3A_738 = arith.mulf %unpack3A_718, %bitcast3A_387 : vector<16xf32>
          %add3A_739 = arith.addf %mul3A_737, %mul3A_738 : vector<16xf32>
          %mul3A_740 = arith.mulf %unpack3A_725, %bitcast3A_402 : vector<16xf32>
          %add3A_741 = arith.addf %add3A_739, %mul3A_740 : vector<16xf32>
          %sub3A_742 = arith.subf %add3A_359, %add3A_741 : vector<16xf32>
          %add3A_743 = arith.constant 208 : i32
          %add3A_744 = arith.addi %mul3A_423, %add3A_743 : i32
          %get3A_745 = arith.index_cast %add3A_744 : i32 to index
          %get3A_746 = tpu.vector_load %arg13[%get3A_745] {strides = array<i32>} : memref<16384xf32, #tpu.memory_space<vmem>>, vector<16xf32>,
          %add3A_747 = arith.addf %sub3A_742, %get3A_746 : vector<16xf32>
          %add3A_748 = arith.constant 112 : i32
          %add3A_749 = arith.addi %select_n3A_447, %add3A_748 : i32
          %get3A_750 = arith.index_cast %add3A_749 : i32 to index
          %get3A_751 = tpu.vector_load %arg14[%get3A_750] {strides = array<i32>} : memref<8192xi32, #tpu.memory_space<vmem>>, vector<16xi32>,
          %bitcast3A_752 = vector.bitcast %get3A_751 : vector<16xi32> to vector<32xbf16>
          %unpack3A_753 = tpu.unpack_subelements %bitcast3A_752, 0 {pack_format = #tpu.pack_format<interleaved>} : vector<32xbf16> -> vector<16xf32>
          %unpack3A_754 = tpu.unpack_subelements %bitcast3A_752, 1 {pack_format = #tpu.pack_format<interleaved>} : vector<32xbf16> -> vector<16xf32>
          %add3A_755 = arith.constant 112 : i32
          %add3A_756 = arith.addi %select_n3A_447, %add3A_755 : i32
          %get3A_757 = arith.index_cast %add3A_756 : i32 to index
          %get3A_758 = tpu.vector_load %arg15[%get3A_757] {strides = array<i32>} : memref<8192xi32, #tpu.memory_space<vmem>>, vector<16xi32>,
          %bitcast3A_759 = vector.bitcast %get3A_758 : vector<16xi32> to vector<32xbf16>
          %unpack3A_760 = tpu.unpack_subelements %bitcast3A_759, 0 {pack_format = #tpu.pack_format<interleaved>} : vector<32xbf16> -> vector<16xf32>
          %unpack3A_761 = tpu.unpack_subelements %bitcast3A_759, 1 {pack_format = #tpu.pack_format<interleaved>} : vector<32xbf16> -> vector<16xf32>
          %add3A_762 = arith.constant 112 : i32
          %add3A_763 = arith.addi %select_n3A_447, %add3A_762 : i32
          %get3A_764 = arith.index_cast %add3A_763 : i32 to index
          %get3A_765 = tpu.vector_load %arg16[%get3A_764] {strides = array<i32>} : memref<8192xi32, #tpu.memory_space<vmem>>, vector<16xi32>,
          %bitcast3A_766 = vector.bitcast %get3A_765 : vector<16xi32> to vector<32xbf16>
          %unpack3A_767 = tpu.unpack_subelements %bitcast3A_766, 0 {pack_format = #tpu.pack_format<interleaved>} : vector<32xbf16> -> vector<16xf32>
          %unpack3A_768 = tpu.unpack_subelements %bitcast3A_766, 1 {pack_format = #tpu.pack_format<interleaved>} : vector<32xbf16> -> vector<16xf32>
          %mul3A_769 = arith.mulf %unpack3A_753, %bitcast3A_372 : vector<16xf32>
          %mul3A_770 = arith.mulf %unpack3A_760, %bitcast3A_387 : vector<16xf32>
          %add3A_771 = arith.addf %mul3A_769, %mul3A_770 : vector<16xf32>
          %mul3A_772 = arith.mulf %unpack3A_767, %bitcast3A_402 : vector<16xf32>
          %add3A_773 = arith.addf %add3A_771, %mul3A_772 : vector<16xf32>
          %sub3A_774 = arith.subf %add3A_359, %add3A_773 : vector<16xf32>
          %add3A_775 = arith.constant 224 : i32
          %add3A_776 = arith.addi %mul3A_423, %add3A_775 : i32
          %get3A_777 = arith.index_cast %add3A_776 : i32 to index
          %get3A_778 = tpu.vector_load %arg13[%get3A_777] {strides = array<i32>} : memref<16384xf32, #tpu.memory_space<vmem>>, vector<16xf32>,
          %add3A_779 = arith.addf %sub3A_774, %get3A_778 : vector<16xf32>
          %mul3A_780 = arith.mulf %unpack3A_754, %bitcast3A_372 : vector<16xf32>
          %mul3A_781 = arith.mulf %unpack3A_761, %bitcast3A_387 : vector<16xf32>
          %add3A_782 = arith.addf %mul3A_780, %mul3A_781 : vector<16xf32>
          %mul3A_783 = arith.mulf %unpack3A_768, %bitcast3A_402 : vector<16xf32>
          %add3A_784 = arith.addf %add3A_782, %mul3A_783 : vector<16xf32>
          %sub3A_785 = arith.subf %add3A_359, %add3A_784 : vector<16xf32>
          %add3A_786 = arith.constant 240 : i32
          %add3A_787 = arith.addi %mul3A_423, %add3A_786 : i32
          %get3A_788 = arith.index_cast %add3A_787 : i32 to index
          %get3A_789 = tpu.vector_load %arg13[%get3A_788] {strides = array<i32>} : memref<16384xf32, #tpu.memory_space<vmem>>, vector<16xf32>,
          %add3A_790 = arith.addf %sub3A_785, %get3A_789 : vector<16xf32>
          %add3A_791 = arith.constant 128 : i32
          %add3A_792 = arith.addi %select_n3A_447, %add3A_791 : i32
          %get3A_793 = arith.index_cast %add3A_792 : i32 to index
          %get3A_794 = tpu.vector_load %arg14[%get3A_793] {strides = array<i32>} : memref<8192xi32, #tpu.memory_space<vmem>>, vector<16xi32>,
          %bitcast3A_795 = vector.bitcast %get3A_794 : vector<16xi32> to vector<32xbf16>
          %unpack3A_796 = tpu.unpack_subelements %bitcast3A_795, 0 {pack_format = #tpu.pack_format<interleaved>} : vector<32xbf16> -> vector<16xf32>
          %unpack3A_797 = tpu.unpack_subelements %bitcast3A_795, 1 {pack_format = #tpu.pack_format<interleaved>} : vector<32xbf16> -> vector<16xf32>
          %add3A_798 = arith.constant 128 : i32
          %add3A_799 = arith.addi %select_n3A_447, %add3A_798 : i32
          %get3A_800 = arith.index_cast %add3A_799 : i32 to index
          %get3A_801 = tpu.vector_load %arg15[%get3A_800] {strides = array<i32>} : memref<8192xi32, #tpu.memory_space<vmem>>, vector<16xi32>,
          %bitcast3A_802 = vector.bitcast %get3A_801 : vector<16xi32> to vector<32xbf16>
          %unpack3A_803 = tpu.unpack_subelements %bitcast3A_802, 0 {pack_format = #tpu.pack_format<interleaved>} : vector<32xbf16> -> vector<16xf32>
          %unpack3A_804 = tpu.unpack_subelements %bitcast3A_802, 1 {pack_format = #tpu.pack_format<interleaved>} : vector<32xbf16> -> vector<16xf32>
          %add3A_805 = arith.constant 128 : i32
          %add3A_806 = arith.addi %select_n3A_447, %add3A_805 : i32
          %get3A_807 = arith.index_cast %add3A_806 : i32 to index
          %get3A_808 = tpu.vector_load %arg16[%get3A_807] {strides = array<i32>} : memref<8192xi32, #tpu.memory_space<vmem>>, vector<16xi32>,
          %bitcast3A_809 = vector.bitcast %get3A_808 : vector<16xi32> to vector<32xbf16>
          %unpack3A_810 = tpu.unpack_subelements %bitcast3A_809, 0 {pack_format = #tpu.pack_format<interleaved>} : vector<32xbf16> -> vector<16xf32>
          %unpack3A_811 = tpu.unpack_subelements %bitcast3A_809, 1 {pack_format = #tpu.pack_format<interleaved>} : vector<32xbf16> -> vector<16xf32>
          %mul3A_812 = arith.mulf %unpack3A_796, %bitcast3A_372 : vector<16xf32>
          %mul3A_813 = arith.mulf %unpack3A_803, %bitcast3A_387 : vector<16xf32>
          %add3A_814 = arith.addf %mul3A_812, %mul3A_813 : vector<16xf32>
          %mul3A_815 = arith.mulf %unpack3A_810, %bitcast3A_402 : vector<16xf32>
          %add3A_816 = arith.addf %add3A_814, %mul3A_815 : vector<16xf32>
          %sub3A_817 = arith.subf %add3A_359, %add3A_816 : vector<16xf32>
          %add3A_818 = arith.constant 256 : i32
          %add3A_819 = arith.addi %mul3A_423, %add3A_818 : i32
          %get3A_820 = arith.index_cast %add3A_819 : i32 to index
          %get3A_821 = tpu.vector_load %arg13[%get3A_820] {strides = array<i32>} : memref<16384xf32, #tpu.memory_space<vmem>>, vector<16xf32>,
          %add3A_822 = arith.addf %sub3A_817, %get3A_821 : vector<16xf32>
          %mul3A_823 = arith.mulf %unpack3A_797, %bitcast3A_372 : vector<16xf32>
          %mul3A_824 = arith.mulf %unpack3A_804, %bitcast3A_387 : vector<16xf32>
          %add3A_825 = arith.addf %mul3A_823, %mul3A_824 : vector<16xf32>
          %mul3A_826 = arith.mulf %unpack3A_811, %bitcast3A_402 : vector<16xf32>
          %add3A_827 = arith.addf %add3A_825, %mul3A_826 : vector<16xf32>
          %sub3A_828 = arith.subf %add3A_359, %add3A_827 : vector<16xf32>
          %add3A_829 = arith.constant 272 : i32
          %add3A_830 = arith.addi %mul3A_423, %add3A_829 : i32
          %get3A_831 = arith.index_cast %add3A_830 : i32 to index
          %get3A_832 = tpu.vector_load %arg13[%get3A_831] {strides = array<i32>} : memref<16384xf32, #tpu.memory_space<vmem>>, vector<16xf32>,
          %add3A_833 = arith.addf %sub3A_828, %get3A_832 : vector<16xf32>
          %add3A_834 = arith.constant 144 : i32
          %add3A_835 = arith.addi %select_n3A_447, %add3A_834 : i32
          %get3A_836 = arith.index_cast %add3A_835 : i32 to index
          %get3A_837 = tpu.vector_load %arg14[%get3A_836] {strides = array<i32>} : memref<8192xi32, #tpu.memory_space<vmem>>, vector<16xi32>,
          %bitcast3A_838 = vector.bitcast %get3A_837 : vector<16xi32> to vector<32xbf16>
          %unpack3A_839 = tpu.unpack_subelements %bitcast3A_838, 0 {pack_format = #tpu.pack_format<interleaved>} : vector<32xbf16> -> vector<16xf32>
          %unpack3A_840 = tpu.unpack_subelements %bitcast3A_838, 1 {pack_format = #tpu.pack_format<interleaved>} : vector<32xbf16> -> vector<16xf32>
          %add3A_841 = arith.constant 144 : i32
          %add3A_842 = arith.addi %select_n3A_447, %add3A_841 : i32
          %get3A_843 = arith.index_cast %add3A_842 : i32 to index
          %get3A_844 = tpu.vector_load %arg15[%get3A_843] {strides = array<i32>} : memref<8192xi32, #tpu.memory_space<vmem>>, vector<16xi32>,
          %bitcast3A_845 = vector.bitcast %get3A_844 : vector<16xi32> to vector<32xbf16>
          %unpack3A_846 = tpu.unpack_subelements %bitcast3A_845, 0 {pack_format = #tpu.pack_format<interleaved>} : vector<32xbf16> -> vector<16xf32>
          %unpack3A_847 = tpu.unpack_subelements %bitcast3A_845, 1 {pack_format = #tpu.pack_format<interleaved>} : vector<32xbf16> -> vector<16xf32>
          %add3A_848 = arith.constant 144 : i32
          %add3A_849 = arith.addi %select_n3A_447, %add3A_848 : i32
          %get3A_850 = arith.index_cast %add3A_849 : i32 to index
          %get3A_851 = tpu.vector_load %arg16[%get3A_850] {strides = array<i32>} : memref<8192xi32, #tpu.memory_space<vmem>>, vector<16xi32>,
          %bitcast3A_852 = vector.bitcast %get3A_851 : vector<16xi32> to vector<32xbf16>
          %unpack3A_853 = tpu.unpack_subelements %bitcast3A_852, 0 {pack_format = #tpu.pack_format<interleaved>} : vector<32xbf16> -> vector<16xf32>
          %unpack3A_854 = tpu.unpack_subelements %bitcast3A_852, 1 {pack_format = #tpu.pack_format<interleaved>} : vector<32xbf16> -> vector<16xf32>
          %mul3A_855 = arith.mulf %unpack3A_839, %bitcast3A_372 : vector<16xf32>
          %mul3A_856 = arith.mulf %unpack3A_846, %bitcast3A_387 : vector<16xf32>
          %add3A_857 = arith.addf %mul3A_855, %mul3A_856 : vector<16xf32>
          %mul3A_858 = arith.mulf %unpack3A_853, %bitcast3A_402 : vector<16xf32>
          %add3A_859 = arith.addf %add3A_857, %mul3A_858 : vector<16xf32>
          %sub3A_860 = arith.subf %add3A_359, %add3A_859 : vector<16xf32>
          %add3A_861 = arith.constant 288 : i32
          %add3A_862 = arith.addi %mul3A_423, %add3A_861 : i32
          %get3A_863 = arith.index_cast %add3A_862 : i32 to index
          %get3A_864 = tpu.vector_load %arg13[%get3A_863] {strides = array<i32>} : memref<16384xf32, #tpu.memory_space<vmem>>, vector<16xf32>,
          %add3A_865 = arith.addf %sub3A_860, %get3A_864 : vector<16xf32>
          %mul3A_866 = arith.mulf %unpack3A_840, %bitcast3A_372 : vector<16xf32>
          %mul3A_867 = arith.mulf %unpack3A_847, %bitcast3A_387 : vector<16xf32>
          %add3A_868 = arith.addf %mul3A_866, %mul3A_867 : vector<16xf32>
          %mul3A_869 = arith.mulf %unpack3A_854, %bitcast3A_402 : vector<16xf32>
          %add3A_870 = arith.addf %add3A_868, %mul3A_869 : vector<16xf32>
          %sub3A_871 = arith.subf %add3A_359, %add3A_870 : vector<16xf32>
          %add3A_872 = arith.constant 304 : i32
          %add3A_873 = arith.addi %mul3A_423, %add3A_872 : i32
          %get3A_874 = arith.index_cast %add3A_873 : i32 to index
          %get3A_875 = tpu.vector_load %arg13[%get3A_874] {strides = array<i32>} : memref<16384xf32, #tpu.memory_space<vmem>>, vector<16xf32>,
          %add3A_876 = arith.addf %sub3A_871, %get3A_875 : vector<16xf32>
          %add3A_877 = arith.constant 160 : i32
          %add3A_878 = arith.addi %select_n3A_447, %add3A_877 : i32
          %get3A_879 = arith.index_cast %add3A_878 : i32 to index
          %get3A_880 = tpu.vector_load %arg14[%get3A_879] {strides = array<i32>} : memref<8192xi32, #tpu.memory_space<vmem>>, vector<16xi32>,
          %bitcast3A_881 = vector.bitcast %get3A_880 : vector<16xi32> to vector<32xbf16>
          %unpack3A_882 = tpu.unpack_subelements %bitcast3A_881, 0 {pack_format = #tpu.pack_format<interleaved>} : vector<32xbf16> -> vector<16xf32>
          %unpack3A_883 = tpu.unpack_subelements %bitcast3A_881, 1 {pack_format = #tpu.pack_format<interleaved>} : vector<32xbf16> -> vector<16xf32>
          %add3A_884 = arith.constant 160 : i32
          %add3A_885 = arith.addi %select_n3A_447, %add3A_884 : i32
          %get3A_886 = arith.index_cast %add3A_885 : i32 to index
          %get3A_887 = tpu.vector_load %arg15[%get3A_886] {strides = array<i32>} : memref<8192xi32, #tpu.memory_space<vmem>>, vector<16xi32>,
          %bitcast3A_888 = vector.bitcast %get3A_887 : vector<16xi32> to vector<32xbf16>
          %unpack3A_889 = tpu.unpack_subelements %bitcast3A_888, 0 {pack_format = #tpu.pack_format<interleaved>} : vector<32xbf16> -> vector<16xf32>
          %unpack3A_890 = tpu.unpack_subelements %bitcast3A_888, 1 {pack_format = #tpu.pack_format<interleaved>} : vector<32xbf16> -> vector<16xf32>
          %add3A_891 = arith.constant 160 : i32
          %add3A_892 = arith.addi %select_n3A_447, %add3A_891 : i32
          %get3A_893 = arith.index_cast %add3A_892 : i32 to index
          %get3A_894 = tpu.vector_load %arg16[%get3A_893] {strides = array<i32>} : memref<8192xi32, #tpu.memory_space<vmem>>, vector<16xi32>,
          %bitcast3A_895 = vector.bitcast %get3A_894 : vector<16xi32> to vector<32xbf16>
          %unpack3A_896 = tpu.unpack_subelements %bitcast3A_895, 0 {pack_format = #tpu.pack_format<interleaved>} : vector<32xbf16> -> vector<16xf32>
          %unpack3A_897 = tpu.unpack_subelements %bitcast3A_895, 1 {pack_format = #tpu.pack_format<interleaved>} : vector<32xbf16> -> vector<16xf32>
          %mul3A_898 = arith.mulf %unpack3A_882, %bitcast3A_372 : vector<16xf32>
          %mul3A_899 = arith.mulf %unpack3A_889, %bitcast3A_387 : vector<16xf32>
          %add3A_900 = arith.addf %mul3A_898, %mul3A_899 : vector<16xf32>
          %mul3A_901 = arith.mulf %unpack3A_896, %bitcast3A_402 : vector<16xf32>
          %add3A_902 = arith.addf %add3A_900, %mul3A_901 : vector<16xf32>
          %sub3A_903 = arith.subf %add3A_359, %add3A_902 : vector<16xf32>
          %add3A_904 = arith.constant 320 : i32
          %add3A_905 = arith.addi %mul3A_423, %add3A_904 : i32
          %get3A_906 = arith.index_cast %add3A_905 : i32 to index
          %get3A_907 = tpu.vector_load %arg13[%get3A_906] {strides = array<i32>} : memref<16384xf32, #tpu.memory_space<vmem>>, vector<16xf32>,
          %add3A_908 = arith.addf %sub3A_903, %get3A_907 : vector<16xf32>
          %mul3A_909 = arith.mulf %unpack3A_883, %bitcast3A_372 : vector<16xf32>
          %mul3A_910 = arith.mulf %unpack3A_890, %bitcast3A_387 : vector<16xf32>
          %add3A_911 = arith.addf %mul3A_909, %mul3A_910 : vector<16xf32>
          %mul3A_912 = arith.mulf %unpack3A_897, %bitcast3A_402 : vector<16xf32>
          %add3A_913 = arith.addf %add3A_911, %mul3A_912 : vector<16xf32>
          %sub3A_914 = arith.subf %add3A_359, %add3A_913 : vector<16xf32>
          %add3A_915 = arith.constant 336 : i32
          %add3A_916 = arith.addi %mul3A_423, %add3A_915 : i32
          %get3A_917 = arith.index_cast %add3A_916 : i32 to index
          %get3A_918 = tpu.vector_load %arg13[%get3A_917] {strides = array<i32>} : memref<16384xf32, #tpu.memory_space<vmem>>, vector<16xf32>,
          %add3A_919 = arith.addf %sub3A_914, %get3A_918 : vector<16xf32>
          %add3A_920 = arith.constant 176 : i32
          %add3A_921 = arith.addi %select_n3A_447, %add3A_920 : i32
          %get3A_922 = arith.index_cast %add3A_921 : i32 to index
          %get3A_923 = tpu.vector_load %arg14[%get3A_922] {strides = array<i32>} : memref<8192xi32, #tpu.memory_space<vmem>>, vector<16xi32>,
          %bitcast3A_924 = vector.bitcast %get3A_923 : vector<16xi32> to vector<32xbf16>
          %unpack3A_925 = tpu.unpack_subelements %bitcast3A_924, 0 {pack_format = #tpu.pack_format<interleaved>} : vector<32xbf16> -> vector<16xf32>
          %unpack3A_926 = tpu.unpack_subelements %bitcast3A_924, 1 {pack_format = #tpu.pack_format<interleaved>} : vector<32xbf16> -> vector<16xf32>
          %add3A_927 = arith.constant 176 : i32
          %add3A_928 = arith.addi %select_n3A_447, %add3A_927 : i32
          %get3A_929 = arith.index_cast %add3A_928 : i32 to index
          %get3A_930 = tpu.vector_load %arg15[%get3A_929] {strides = array<i32>} : memref<8192xi32, #tpu.memory_space<vmem>>, vector<16xi32>,
          %bitcast3A_931 = vector.bitcast %get3A_930 : vector<16xi32> to vector<32xbf16>
          %unpack3A_932 = tpu.unpack_subelements %bitcast3A_931, 0 {pack_format = #tpu.pack_format<interleaved>} : vector<32xbf16> -> vector<16xf32>
          %unpack3A_933 = tpu.unpack_subelements %bitcast3A_931, 1 {pack_format = #tpu.pack_format<interleaved>} : vector<32xbf16> -> vector<16xf32>
          %add3A_934 = arith.constant 176 : i32
          %add3A_935 = arith.addi %select_n3A_447, %add3A_934 : i32
          %get3A_936 = arith.index_cast %add3A_935 : i32 to index
          %get3A_937 = tpu.vector_load %arg16[%get3A_936] {strides = array<i32>} : memref<8192xi32, #tpu.memory_space<vmem>>, vector<16xi32>,
          %bitcast3A_938 = vector.bitcast %get3A_937 : vector<16xi32> to vector<32xbf16>
          %unpack3A_939 = tpu.unpack_subelements %bitcast3A_938, 0 {pack_format = #tpu.pack_format<interleaved>} : vector<32xbf16> -> vector<16xf32>
          %unpack3A_940 = tpu.unpack_subelements %bitcast3A_938, 1 {pack_format = #tpu.pack_format<interleaved>} : vector<32xbf16> -> vector<16xf32>
          %mul3A_941 = arith.mulf %unpack3A_925, %bitcast3A_372 : vector<16xf32>
          %mul3A_942 = arith.mulf %unpack3A_932, %bitcast3A_387 : vector<16xf32>
          %add3A_943 = arith.addf %mul3A_941, %mul3A_942 : vector<16xf32>
          %mul3A_944 = arith.mulf %unpack3A_939, %bitcast3A_402 : vector<16xf32>
          %add3A_945 = arith.addf %add3A_943, %mul3A_944 : vector<16xf32>
          %sub3A_946 = arith.subf %add3A_359, %add3A_945 : vector<16xf32>
          %add3A_947 = arith.constant 352 : i32
          %add3A_948 = arith.addi %mul3A_423, %add3A_947 : i32
          %get3A_949 = arith.index_cast %add3A_948 : i32 to index
          %get3A_950 = tpu.vector_load %arg13[%get3A_949] {strides = array<i32>} : memref<16384xf32, #tpu.memory_space<vmem>>, vector<16xf32>,
          %add3A_951 = arith.addf %sub3A_946, %get3A_950 : vector<16xf32>
          %mul3A_952 = arith.mulf %unpack3A_926, %bitcast3A_372 : vector<16xf32>
          %mul3A_953 = arith.mulf %unpack3A_933, %bitcast3A_387 : vector<16xf32>
          %add3A_954 = arith.addf %mul3A_952, %mul3A_953 : vector<16xf32>
          %mul3A_955 = arith.mulf %unpack3A_940, %bitcast3A_402 : vector<16xf32>
          %add3A_956 = arith.addf %add3A_954, %mul3A_955 : vector<16xf32>
          %sub3A_957 = arith.subf %add3A_359, %add3A_956 : vector<16xf32>
          %add3A_958 = arith.constant 368 : i32
          %add3A_959 = arith.addi %mul3A_423, %add3A_958 : i32
          %get3A_960 = arith.index_cast %add3A_959 : i32 to index
          %get3A_961 = tpu.vector_load %arg13[%get3A_960] {strides = array<i32>} : memref<16384xf32, #tpu.memory_space<vmem>>, vector<16xf32>,
          %add3A_962 = arith.addf %sub3A_957, %get3A_961 : vector<16xf32>
          %add3A_963 = arith.constant 192 : i32
          %add3A_964 = arith.addi %select_n3A_447, %add3A_963 : i32
          %get3A_965 = arith.index_cast %add3A_964 : i32 to index
          %get3A_966 = tpu.vector_load %arg14[%get3A_965] {strides = array<i32>} : memref<8192xi32, #tpu.memory_space<vmem>>, vector<16xi32>,
          %bitcast3A_967 = vector.bitcast %get3A_966 : vector<16xi32> to vector<32xbf16>
          %unpack3A_968 = tpu.unpack_subelements %bitcast3A_967, 0 {pack_format = #tpu.pack_format<interleaved>} : vector<32xbf16> -> vector<16xf32>
          %unpack3A_969 = tpu.unpack_subelements %bitcast3A_967, 1 {pack_format = #tpu.pack_format<interleaved>} : vector<32xbf16> -> vector<16xf32>
          %add3A_970 = arith.constant 192 : i32
          %add3A_971 = arith.addi %select_n3A_447, %add3A_970 : i32
          %get3A_972 = arith.index_cast %add3A_971 : i32 to index
          %get3A_973 = tpu.vector_load %arg15[%get3A_972] {strides = array<i32>} : memref<8192xi32, #tpu.memory_space<vmem>>, vector<16xi32>,
          %bitcast3A_974 = vector.bitcast %get3A_973 : vector<16xi32> to vector<32xbf16>
          %unpack3A_975 = tpu.unpack_subelements %bitcast3A_974, 0 {pack_format = #tpu.pack_format<interleaved>} : vector<32xbf16> -> vector<16xf32>
          %unpack3A_976 = tpu.unpack_subelements %bitcast3A_974, 1 {pack_format = #tpu.pack_format<interleaved>} : vector<32xbf16> -> vector<16xf32>
          %add3A_977 = arith.constant 192 : i32
          %add3A_978 = arith.addi %select_n3A_447, %add3A_977 : i32
          %get3A_979 = arith.index_cast %add3A_978 : i32 to index
          %get3A_980 = tpu.vector_load %arg16[%get3A_979] {strides = array<i32>} : memref<8192xi32, #tpu.memory_space<vmem>>, vector<16xi32>,
          %bitcast3A_981 = vector.bitcast %get3A_980 : vector<16xi32> to vector<32xbf16>
          %unpack3A_982 = tpu.unpack_subelements %bitcast3A_981, 0 {pack_format = #tpu.pack_format<interleaved>} : vector<32xbf16> -> vector<16xf32>
          %unpack3A_983 = tpu.unpack_subelements %bitcast3A_981, 1 {pack_format = #tpu.pack_format<interleaved>} : vector<32xbf16> -> vector<16xf32>
          %mul3A_984 = arith.mulf %unpack3A_968, %bitcast3A_372 : vector<16xf32>
          %mul3A_985 = arith.mulf %unpack3A_975, %bitcast3A_387 : vector<16xf32>
          %add3A_986 = arith.addf %mul3A_984, %mul3A_985 : vector<16xf32>
          %mul3A_987 = arith.mulf %unpack3A_982, %bitcast3A_402 : vector<16xf32>
          %add3A_988 = arith.addf %add3A_986, %mul3A_987 : vector<16xf32>
          %sub3A_989 = arith.subf %add3A_359, %add3A_988 : vector<16xf32>
          %add3A_990 = arith.constant 384 : i32
          %add3A_991 = arith.addi %mul3A_423, %add3A_990 : i32
          %get3A_992 = arith.index_cast %add3A_991 : i32 to index
          %get3A_993 = tpu.vector_load %arg13[%get3A_992] {strides = array<i32>} : memref<16384xf32, #tpu.memory_space<vmem>>, vector<16xf32>,
          %add3A_994 = arith.addf %sub3A_989, %get3A_993 : vector<16xf32>
          %mul3A_995 = arith.mulf %unpack3A_969, %bitcast3A_372 : vector<16xf32>
          %mul3A_996 = arith.mulf %unpack3A_976, %bitcast3A_387 : vector<16xf32>
          %add3A_997 = arith.addf %mul3A_995, %mul3A_996 : vector<16xf32>
          %mul3A_998 = arith.mulf %unpack3A_983, %bitcast3A_402 : vector<16xf32>
          %add3A_999 = arith.addf %add3A_997, %mul3A_998 : vector<16xf32>
          %sub3A_1000 = arith.subf %add3A_359, %add3A_999 : vector<16xf32>
          %add3A_1001 = arith.constant 400 : i32
          %add3A_1002 = arith.addi %mul3A_423, %add3A_1001 : i32
          %get3A_1003 = arith.index_cast %add3A_1002 : i32 to index
          %get3A_1004 = tpu.vector_load %arg13[%get3A_1003] {strides = array<i32>} : memref<16384xf32, #tpu.memory_space<vmem>>, vector<16xf32>,
          %add3A_1005 = arith.addf %sub3A_1000, %get3A_1004 : vector<16xf32>
          %add3A_1006 = arith.constant 208 : i32
          %add3A_1007 = arith.addi %select_n3A_447, %add3A_1006 : i32
          %get3A_1008 = arith.index_cast %add3A_1007 : i32 to index
          %get3A_1009 = tpu.vector_load %arg14[%get3A_1008] {strides = array<i32>} : memref<8192xi32, #tpu.memory_space<vmem>>, vector<16xi32>,
          %bitcast3A_1010 = vector.bitcast %get3A_1009 : vector<16xi32> to vector<32xbf16>
          %unpack3A_1011 = tpu.unpack_subelements %bitcast3A_1010, 0 {pack_format = #tpu.pack_format<interleaved>} : vector<32xbf16> -> vector<16xf32>
          %unpack3A_1012 = tpu.unpack_subelements %bitcast3A_1010, 1 {pack_format = #tpu.pack_format<interleaved>} : vector<32xbf16> -> vector<16xf32>
          %add3A_1013 = arith.constant 208 : i32
          %add3A_1014 = arith.addi %select_n3A_447, %add3A_1013 : i32
          %get3A_1015 = arith.index_cast %add3A_1014 : i32 to index
          %get3A_1016 = tpu.vector_load %arg15[%get3A_1015] {strides = array<i32>} : memref<8192xi32, #tpu.memory_space<vmem>>, vector<16xi32>,
          %bitcast3A_1017 = vector.bitcast %get3A_1016 : vector<16xi32> to vector<32xbf16>
          %unpack3A_1018 = tpu.unpack_subelements %bitcast3A_1017, 0 {pack_format = #tpu.pack_format<interleaved>} : vector<32xbf16> -> vector<16xf32>
          %unpack3A_1019 = tpu.unpack_subelements %bitcast3A_1017, 1 {pack_format = #tpu.pack_format<interleaved>} : vector<32xbf16> -> vector<16xf32>
          %add3A_1020 = arith.constant 208 : i32
          %add3A_1021 = arith.addi %select_n3A_447, %add3A_1020 : i32
          %get3A_1022 = arith.index_cast %add3A_1021 : i32 to index
          %get3A_1023 = tpu.vector_load %arg16[%get3A_1022] {strides = array<i32>} : memref<8192xi32, #tpu.memory_space<vmem>>, vector<16xi32>,
          %bitcast3A_1024 = vector.bitcast %get3A_1023 : vector<16xi32> to vector<32xbf16>
          %unpack3A_1025 = tpu.unpack_subelements %bitcast3A_1024, 0 {pack_format = #tpu.pack_format<interleaved>} : vector<32xbf16> -> vector<16xf32>
          %unpack3A_1026 = tpu.unpack_subelements %bitcast3A_1024, 1 {pack_format = #tpu.pack_format<interleaved>} : vector<32xbf16> -> vector<16xf32>
          %mul3A_1027 = arith.mulf %unpack3A_1011, %bitcast3A_372 : vector<16xf32>
          %mul3A_1028 = arith.mulf %unpack3A_1018, %bitcast3A_387 : vector<16xf32>
          %add3A_1029 = arith.addf %mul3A_1027, %mul3A_1028 : vector<16xf32>
          %mul3A_1030 = arith.mulf %unpack3A_1025, %bitcast3A_402 : vector<16xf32>
          %add3A_1031 = arith.addf %add3A_1029, %mul3A_1030 : vector<16xf32>
          %sub3A_1032 = arith.subf %add3A_359, %add3A_1031 : vector<16xf32>
          %add3A_1033 = arith.constant 416 : i32
          %add3A_1034 = arith.addi %mul3A_423, %add3A_1033 : i32
          %get3A_1035 = arith.index_cast %add3A_1034 : i32 to index
          %get3A_1036 = tpu.vector_load %arg13[%get3A_1035] {strides = array<i32>} : memref<16384xf32, #tpu.memory_space<vmem>>, vector<16xf32>,
          %add3A_1037 = arith.addf %sub3A_1032, %get3A_1036 : vector<16xf32>
          %mul3A_1038 = arith.mulf %unpack3A_1012, %bitcast3A_372 : vector<16xf32>
          %mul3A_1039 = arith.mulf %unpack3A_1019, %bitcast3A_387 : vector<16xf32>
          %add3A_1040 = arith.addf %mul3A_1038, %mul3A_1039 : vector<16xf32>
          %mul3A_1041 = arith.mulf %unpack3A_1026, %bitcast3A_402 : vector<16xf32>
          %add3A_1042 = arith.addf %add3A_1040, %mul3A_1041 : vector<16xf32>
          %sub3A_1043 = arith.subf %add3A_359, %add3A_1042 : vector<16xf32>
          %add3A_1044 = arith.constant 432 : i32
          %add3A_1045 = arith.addi %mul3A_423, %add3A_1044 : i32
          %get3A_1046 = arith.index_cast %add3A_1045 : i32 to index
          %get3A_1047 = tpu.vector_load %arg13[%get3A_1046] {strides = array<i32>} : memref<16384xf32, #tpu.memory_space<vmem>>, vector<16xf32>,
          %add3A_1048 = arith.addf %sub3A_1043, %get3A_1047 : vector<16xf32>
          %add3A_1049 = arith.constant 224 : i32
          %add3A_1050 = arith.addi %select_n3A_447, %add3A_1049 : i32
          %get3A_1051 = arith.index_cast %add3A_1050 : i32 to index
          %get3A_1052 = tpu.vector_load %arg14[%get3A_1051] {strides = array<i32>} : memref<8192xi32, #tpu.memory_space<vmem>>, vector<16xi32>,
          %bitcast3A_1053 = vector.bitcast %get3A_1052 : vector<16xi32> to vector<32xbf16>
          %unpack3A_1054 = tpu.unpack_subelements %bitcast3A_1053, 0 {pack_format = #tpu.pack_format<interleaved>} : vector<32xbf16> -> vector<16xf32>
          %unpack3A_1055 = tpu.unpack_subelements %bitcast3A_1053, 1 {pack_format = #tpu.pack_format<interleaved>} : vector<32xbf16> -> vector<16xf32>
          %add3A_1056 = arith.constant 224 : i32
          %add3A_1057 = arith.addi %select_n3A_447, %add3A_1056 : i32
          %get3A_1058 = arith.index_cast %add3A_1057 : i32 to index
          %get3A_1059 = tpu.vector_load %arg15[%get3A_1058] {strides = array<i32>} : memref<8192xi32, #tpu.memory_space<vmem>>, vector<16xi32>,
          %bitcast3A_1060 = vector.bitcast %get3A_1059 : vector<16xi32> to vector<32xbf16>
          %unpack3A_1061 = tpu.unpack_subelements %bitcast3A_1060, 0 {pack_format = #tpu.pack_format<interleaved>} : vector<32xbf16> -> vector<16xf32>
          %unpack3A_1062 = tpu.unpack_subelements %bitcast3A_1060, 1 {pack_format = #tpu.pack_format<interleaved>} : vector<32xbf16> -> vector<16xf32>
          %add3A_1063 = arith.constant 224 : i32
          %add3A_1064 = arith.addi %select_n3A_447, %add3A_1063 : i32
          %get3A_1065 = arith.index_cast %add3A_1064 : i32 to index
          %get3A_1066 = tpu.vector_load %arg16[%get3A_1065] {strides = array<i32>} : memref<8192xi32, #tpu.memory_space<vmem>>, vector<16xi32>,
          %bitcast3A_1067 = vector.bitcast %get3A_1066 : vector<16xi32> to vector<32xbf16>
          %unpack3A_1068 = tpu.unpack_subelements %bitcast3A_1067, 0 {pack_format = #tpu.pack_format<interleaved>} : vector<32xbf16> -> vector<16xf32>
          %unpack3A_1069 = tpu.unpack_subelements %bitcast3A_1067, 1 {pack_format = #tpu.pack_format<interleaved>} : vector<32xbf16> -> vector<16xf32>
          %mul3A_1070 = arith.mulf %unpack3A_1054, %bitcast3A_372 : vector<16xf32>
          %mul3A_1071 = arith.mulf %unpack3A_1061, %bitcast3A_387 : vector<16xf32>
          %add3A_1072 = arith.addf %mul3A_1070, %mul3A_1071 : vector<16xf32>
          %mul3A_1073 = arith.mulf %unpack3A_1068, %bitcast3A_402 : vector<16xf32>
          %add3A_1074 = arith.addf %add3A_1072, %mul3A_1073 : vector<16xf32>
          %sub3A_1075 = arith.subf %add3A_359, %add3A_1074 : vector<16xf32>
          %add3A_1076 = arith.constant 448 : i32
          %add3A_1077 = arith.addi %mul3A_423, %add3A_1076 : i32
          %get3A_1078 = arith.index_cast %add3A_1077 : i32 to index
          %get3A_1079 = tpu.vector_load %arg13[%get3A_1078] {strides = array<i32>} : memref<16384xf32, #tpu.memory_space<vmem>>, vector<16xf32>,
          %add3A_1080 = arith.addf %sub3A_1075, %get3A_1079 : vector<16xf32>
          %mul3A_1081 = arith.mulf %unpack3A_1055, %bitcast3A_372 : vector<16xf32>
          %mul3A_1082 = arith.mulf %unpack3A_1062, %bitcast3A_387 : vector<16xf32>
          %add3A_1083 = arith.addf %mul3A_1081, %mul3A_1082 : vector<16xf32>
          %mul3A_1084 = arith.mulf %unpack3A_1069, %bitcast3A_402 : vector<16xf32>
          %add3A_1085 = arith.addf %add3A_1083, %mul3A_1084 : vector<16xf32>
          %sub3A_1086 = arith.subf %add3A_359, %add3A_1085 : vector<16xf32>
          %add3A_1087 = arith.constant 464 : i32
          %add3A_1088 = arith.addi %mul3A_423, %add3A_1087 : i32
          %get3A_1089 = arith.index_cast %add3A_1088 : i32 to index
          %get3A_1090 = tpu.vector_load %arg13[%get3A_1089] {strides = array<i32>} : memref<16384xf32, #tpu.memory_space<vmem>>, vector<16xf32>,
          %add3A_1091 = arith.addf %sub3A_1086, %get3A_1090 : vector<16xf32>
          %add3A_1092 = arith.constant 240 : i32
          %add3A_1093 = arith.addi %select_n3A_447, %add3A_1092 : i32
          %get3A_1094 = arith.index_cast %add3A_1093 : i32 to index
          %get3A_1095 = tpu.vector_load %arg14[%get3A_1094] {strides = array<i32>} : memref<8192xi32, #tpu.memory_space<vmem>>, vector<16xi32>,
          %bitcast3A_1096 = vector.bitcast %get3A_1095 : vector<16xi32> to vector<32xbf16>
          %unpack3A_1097 = tpu.unpack_subelements %bitcast3A_1096, 0 {pack_format = #tpu.pack_format<interleaved>} : vector<32xbf16> -> vector<16xf32>
          %unpack3A_1098 = tpu.unpack_subelements %bitcast3A_1096, 1 {pack_format = #tpu.pack_format<interleaved>} : vector<32xbf16> -> vector<16xf32>
          %add3A_1099 = arith.constant 240 : i32
          %add3A_1100 = arith.addi %select_n3A_447, %add3A_1099 : i32
          %get3A_1101 = arith.index_cast %add3A_1100 : i32 to index
          %get3A_1102 = tpu.vector_load %arg15[%get3A_1101] {strides = array<i32>} : memref<8192xi32, #tpu.memory_space<vmem>>, vector<16xi32>,
          %bitcast3A_1103 = vector.bitcast %get3A_1102 : vector<16xi32> to vector<32xbf16>
          %unpack3A_1104 = tpu.unpack_subelements %bitcast3A_1103, 0 {pack_format = #tpu.pack_format<interleaved>} : vector<32xbf16> -> vector<16xf32>
          %unpack3A_1105 = tpu.unpack_subelements %bitcast3A_1103, 1 {pack_format = #tpu.pack_format<interleaved>} : vector<32xbf16> -> vector<16xf32>
          %add3A_1106 = arith.constant 240 : i32
          %add3A_1107 = arith.addi %select_n3A_447, %add3A_1106 : i32
          %get3A_1108 = arith.index_cast %add3A_1107 : i32 to index
          %get3A_1109 = tpu.vector_load %arg16[%get3A_1108] {strides = array<i32>} : memref<8192xi32, #tpu.memory_space<vmem>>, vector<16xi32>,
          %bitcast3A_1110 = vector.bitcast %get3A_1109 : vector<16xi32> to vector<32xbf16>
          %unpack3A_1111 = tpu.unpack_subelements %bitcast3A_1110, 0 {pack_format = #tpu.pack_format<interleaved>} : vector<32xbf16> -> vector<16xf32>
          %unpack3A_1112 = tpu.unpack_subelements %bitcast3A_1110, 1 {pack_format = #tpu.pack_format<interleaved>} : vector<32xbf16> -> vector<16xf32>
          %mul3A_1113 = arith.mulf %unpack3A_1097, %bitcast3A_372 : vector<16xf32>
          %mul3A_1114 = arith.mulf %unpack3A_1104, %bitcast3A_387 : vector<16xf32>
          %add3A_1115 = arith.addf %mul3A_1113, %mul3A_1114 : vector<16xf32>
          %mul3A_1116 = arith.mulf %unpack3A_1111, %bitcast3A_402 : vector<16xf32>
          %add3A_1117 = arith.addf %add3A_1115, %mul3A_1116 : vector<16xf32>
          %sub3A_1118 = arith.subf %add3A_359, %add3A_1117 : vector<16xf32>
          %add3A_1119 = arith.constant 480 : i32
          %add3A_1120 = arith.addi %mul3A_423, %add3A_1119 : i32
          %get3A_1121 = arith.index_cast %add3A_1120 : i32 to index
          %get3A_1122 = tpu.vector_load %arg13[%get3A_1121] {strides = array<i32>} : memref<16384xf32, #tpu.memory_space<vmem>>, vector<16xf32>,
          %add3A_1123 = arith.addf %sub3A_1118, %get3A_1122 : vector<16xf32>
          %mul3A_1124 = arith.mulf %unpack3A_1098, %bitcast3A_372 : vector<16xf32>
          %mul3A_1125 = arith.mulf %unpack3A_1105, %bitcast3A_387 : vector<16xf32>
          %add3A_1126 = arith.addf %mul3A_1124, %mul3A_1125 : vector<16xf32>
          %mul3A_1127 = arith.mulf %unpack3A_1112, %bitcast3A_402 : vector<16xf32>
          %add3A_1128 = arith.addf %add3A_1126, %mul3A_1127 : vector<16xf32>
          %sub3A_1129 = arith.subf %add3A_359, %add3A_1128 : vector<16xf32>
          %add3A_1130 = arith.constant 496 : i32
          %add3A_1131 = arith.addi %mul3A_423, %add3A_1130 : i32
          %get3A_1132 = arith.index_cast %add3A_1131 : i32 to index
          %get3A_1133 = tpu.vector_load %arg13[%get3A_1132] {strides = array<i32>} : memref<16384xf32, #tpu.memory_space<vmem>>, vector<16xf32>,
          %add3A_1134 = arith.addf %sub3A_1129, %get3A_1133 : vector<16xf32>
          %min3A_1135 = arith.minimumf %add3A_478, %add3A_489 : vector<16xf32>
          %min3A_1136 = arith.minimumf %min3A_1135, %add3A_521 : vector<16xf32>
          %min3A_1137 = arith.minimumf %min3A_1136, %add3A_532 : vector<16xf32>
          %min3A_1138 = arith.minimumf %min3A_1137, %add3A_564 : vector<16xf32>
          %min3A_1139 = arith.minimumf %min3A_1138, %add3A_575 : vector<16xf32>
          %min3A_1140 = arith.minimumf %min3A_1139, %add3A_607 : vector<16xf32>
          %min3A_1141 = arith.minimumf %min3A_1140, %add3A_618 : vector<16xf32>
          %min3A_1142 = arith.minimumf %min3A_1141, %add3A_650 : vector<16xf32>
          %min3A_1143 = arith.minimumf %min3A_1142, %add3A_661 : vector<16xf32>
          %min3A_1144 = arith.minimumf %min3A_1143, %add3A_693 : vector<16xf32>
          %min3A_1145 = arith.minimumf %min3A_1144, %add3A_704 : vector<16xf32>
          %min3A_1146 = arith.minimumf %min3A_1145, %add3A_736 : vector<16xf32>
          %min3A_1147 = arith.minimumf %min3A_1146, %add3A_747 : vector<16xf32>
          %min3A_1148 = arith.minimumf %min3A_1147, %add3A_779 : vector<16xf32>
          %min3A_1149 = arith.minimumf %min3A_1148, %add3A_790 : vector<16xf32>
          %min3A_1150 = arith.minimumf %min3A_1149, %add3A_822 : vector<16xf32>
          %min3A_1151 = arith.minimumf %min3A_1150, %add3A_833 : vector<16xf32>
          %min3A_1152 = arith.minimumf %min3A_1151, %add3A_865 : vector<16xf32>
          %min3A_1153 = arith.minimumf %min3A_1152, %add3A_876 : vector<16xf32>
          %min3A_1154 = arith.minimumf %min3A_1153, %add3A_908 : vector<16xf32>
          %min3A_1155 = arith.minimumf %min3A_1154, %add3A_919 : vector<16xf32>
          %min3A_1156 = arith.minimumf %min3A_1155, %add3A_951 : vector<16xf32>
          %min3A_1157 = arith.minimumf %min3A_1156, %add3A_962 : vector<16xf32>
          %min3A_1158 = arith.minimumf %min3A_1157, %add3A_994 : vector<16xf32>
          %min3A_1159 = arith.minimumf %min3A_1158, %add3A_1005 : vector<16xf32>
          %min3A_1160 = arith.minimumf %min3A_1159, %add3A_1037 : vector<16xf32>
          %min3A_1161 = arith.minimumf %min3A_1160, %add3A_1048 : vector<16xf32>
          %min3A_1162 = arith.minimumf %min3A_1161, %add3A_1080 : vector<16xf32>
          %min3A_1163 = arith.minimumf %min3A_1162, %add3A_1091 : vector<16xf32>
          %min3A_1164 = arith.minimumf %min3A_1163, %add3A_1123 : vector<16xf32>
          %min3A_1165 = arith.minimumf %min3A_1164, %add3A_1134 : vector<16xf32>
          %lt3A_1166 = arith.cmpf olt, %min3A_1165, %scan3A_419 : vector<16xf32>
          %reduce_or3A = arith.constant 1.000000e+00 : f32
          %reduce_or3A_1167 = arith.constant 0.000000e+00 : f32
          %reduce_or3A_1168 = vector.broadcast %reduce_or3A : f32 to vector<16xf32>
          %reduce_or3A_1169 = vector.broadcast %reduce_or3A_1167 : f32 to vector<16xf32>
          %reduce_or3A_1170 = arith.select %lt3A_1166, %reduce_or3A_1168, %reduce_or3A_1169 : vector<16xi1>, vector<16xf32>
          %reduce_or3A_1171 = arith.constant true
          %reduce_or3A_1172 = vector.broadcast %reduce_or3A_1171 : i1 to vector<16xi1>
          %reduce_or3A_1173 = tpu.scan <max>, %reduce_or3A_1170 masked %reduce_or3A_1172 : vector<16xf32>, vector<16xi1> -> vector<16xf32>
          %reduce_or3A_1174 = vector.extract %reduce_or3A_1173[15] : f32 from vector<16xf32>
          %reduce_or3A_1175 = arith.constant 0.000000e+00 : f32
          %reduce_or3A_1176 = arith.cmpf ogt, %reduce_or3A_1174, %reduce_or3A_1175 : f32
          %convert_element_type3A = arith.extui %reduce_or3A_1176 : i1 to i32
          %cond3A = arith.constant 0 : i32
          %cond3A_1177 = arith.cmpi ne, %convert_element_type3A, %cond3A : i32
          %cond3A_1178 = scf.if %cond3A_1177 -> (vector<16xf32>) {
            %mul3A_1944 = arith.constant 16384 : i32
            %mul3A_1945 = arith.muli %scan3A_219, %mul3A_1944 : i32
            %mul3A_1946 = arith.constant 512 : i32
            %mul3A_1947 = arith.muli %mul3A_421, %mul3A_1946 : i32
            %add3A_1948 = arith.addi %mul3A_1945, %mul3A_1947 : i32
            %add3A_1949 = arith.constant 0 : i32
            %add3A_1950 = arith.addi %add3A_1948, %add3A_1949 : i32
            %broadcast_in_dim3A_1951 = vector.broadcast %add3A_1950 : i32 to vector<16xi32>
            %add3A_1952 = arith.addi %broadcast_in_dim3A_1951, %iota3A : vector<16xi32>
            %masked_sort3A = arith.constant dense<true> : vector<16xi1>
            %masked_sort3A_1953, %masked_sort3A_1954, %masked_sort3A_1955 = tpu.sort %add3A_478, %add3A_1952 masked %masked_sort3A : (vector<16xf32>, vector<16xi32>, vector<16xi1>) -> (vector<16xi1>, vector<16xf32>, vector<16xi32>)
            %add3A_1956 = arith.constant 16 : i32
            %add3A_1957 = arith.addi %add3A_1948, %add3A_1956 : i32
            %broadcast_in_dim3A_1958 = vector.broadcast %add3A_1957 : i32 to vector<16xi32>
            %add3A_1959 = arith.addi %broadcast_in_dim3A_1958, %iota3A : vector<16xi32>
            %masked_sort3A_1960 = arith.constant dense<true> : vector<16xi1>
            %masked_sort3A_1961, %masked_sort3A_1962, %masked_sort3A_1963 = tpu.sort %add3A_489, %add3A_1959 masked %masked_sort3A_1960 : (vector<16xf32>, vector<16xi32>, vector<16xi1>) -> (vector<16xi1>, vector<16xf32>, vector<16xi32>)
            %add3A_1964 = arith.constant 32 : i32
            %add3A_1965 = arith.addi %add3A_1948, %add3A_1964 : i32
            %broadcast_in_dim3A_1966 = vector.broadcast %add3A_1965 : i32 to vector<16xi32>
            %add3A_1967 = arith.addi %broadcast_in_dim3A_1966, %iota3A : vector<16xi32>
            %masked_sort3A_1968 = arith.constant dense<true> : vector<16xi1>
            %masked_sort3A_1969, %masked_sort3A_1970, %masked_sort3A_1971 = tpu.sort %add3A_521, %add3A_1967 masked %masked_sort3A_1968 : (vector<16xf32>, vector<16xi32>, vector<16xi1>) -> (vector<16xi1>, vector<16xf32>, vector<16xi32>)
            %add3A_1972 = arith.constant 48 : i32
            %add3A_1973 = arith.addi %add3A_1948, %add3A_1972 : i32
            %broadcast_in_dim3A_1974 = vector.broadcast %add3A_1973 : i32 to vector<16xi32>
            %add3A_1975 = arith.addi %broadcast_in_dim3A_1974, %iota3A : vector<16xi32>
            %masked_sort3A_1976 = arith.constant dense<true> : vector<16xi1>
            %masked_sort3A_1977, %masked_sort3A_1978, %masked_sort3A_1979 = tpu.sort %add3A_532, %add3A_1975 masked %masked_sort3A_1976 : (vector<16xf32>, vector<16xi32>, vector<16xi1>) -> (vector<16xi1>, vector<16xf32>, vector<16xi32>)
            %add3A_1980 = arith.constant 64 : i32
            %add3A_1981 = arith.addi %add3A_1948, %add3A_1980 : i32
            %broadcast_in_dim3A_1982 = vector.broadcast %add3A_1981 : i32 to vector<16xi32>
            %add3A_1983 = arith.addi %broadcast_in_dim3A_1982, %iota3A : vector<16xi32>
            %masked_sort3A_1984 = arith.constant dense<true> : vector<16xi1>
            %masked_sort3A_1985, %masked_sort3A_1986, %masked_sort3A_1987 = tpu.sort %add3A_564, %add3A_1983 masked %masked_sort3A_1984 : (vector<16xf32>, vector<16xi32>, vector<16xi1>) -> (vector<16xi1>, vector<16xf32>, vector<16xi32>)
            %add3A_1988 = arith.constant 80 : i32
            %add3A_1989 = arith.addi %add3A_1948, %add3A_1988 : i32
            %broadcast_in_dim3A_1990 = vector.broadcast %add3A_1989 : i32 to vector<16xi32>
            %add3A_1991 = arith.addi %broadcast_in_dim3A_1990, %iota3A : vector<16xi32>
            %masked_sort3A_1992 = arith.constant dense<true> : vector<16xi1>
            %masked_sort3A_1993, %masked_sort3A_1994, %masked_sort3A_1995 = tpu.sort %add3A_575, %add3A_1991 masked %masked_sort3A_1992 : (vector<16xf32>, vector<16xi32>, vector<16xi1>) -> (vector<16xi1>, vector<16xf32>, vector<16xi32>)
            %add3A_1996 = arith.constant 96 : i32
            %add3A_1997 = arith.addi %add3A_1948, %add3A_1996 : i32
            %broadcast_in_dim3A_1998 = vector.broadcast %add3A_1997 : i32 to vector<16xi32>
            %add3A_1999 = arith.addi %broadcast_in_dim3A_1998, %iota3A : vector<16xi32>
            %masked_sort3A_2000 = arith.constant dense<true> : vector<16xi1>
            %masked_sort3A_2001, %masked_sort3A_2002, %masked_sort3A_2003 = tpu.sort %add3A_607, %add3A_1999 masked %masked_sort3A_2000 : (vector<16xf32>, vector<16xi32>, vector<16xi1>) -> (vector<16xi1>, vector<16xf32>, vector<16xi32>)
            %add3A_2004 = arith.constant 112 : i32
            %add3A_2005 = arith.addi %add3A_1948, %add3A_2004 : i32
            %broadcast_in_dim3A_2006 = vector.broadcast %add3A_2005 : i32 to vector<16xi32>
            %add3A_2007 = arith.addi %broadcast_in_dim3A_2006, %iota3A : vector<16xi32>
            %masked_sort3A_2008 = arith.constant dense<true> : vector<16xi1>
            %masked_sort3A_2009, %masked_sort3A_2010, %masked_sort3A_2011 = tpu.sort %add3A_618, %add3A_2007 masked %masked_sort3A_2008 : (vector<16xf32>, vector<16xi32>, vector<16xi1>) -> (vector<16xi1>, vector<16xf32>, vector<16xi32>)
            %add3A_2012 = arith.constant 128 : i32
            %add3A_2013 = arith.addi %add3A_1948, %add3A_2012 : i32
            %broadcast_in_dim3A_2014 = vector.broadcast %add3A_2013 : i32 to vector<16xi32>
            %add3A_2015 = arith.addi %broadcast_in_dim3A_2014, %iota3A : vector<16xi32>
            %masked_sort3A_2016 = arith.constant dense<true> : vector<16xi1>
            %masked_sort3A_2017, %masked_sort3A_2018, %masked_sort3A_2019 = tpu.sort %add3A_650, %add3A_2015 masked %masked_sort3A_2016 : (vector<16xf32>, vector<16xi32>, vector<16xi1>) -> (vector<16xi1>, vector<16xf32>, vector<16xi32>)
            %add3A_2020 = arith.constant 144 : i32
            %add3A_2021 = arith.addi %add3A_1948, %add3A_2020 : i32
            %broadcast_in_dim3A_2022 = vector.broadcast %add3A_2021 : i32 to vector<16xi32>
            %add3A_2023 = arith.addi %broadcast_in_dim3A_2022, %iota3A : vector<16xi32>
            %masked_sort3A_2024 = arith.constant dense<true> : vector<16xi1>
            %masked_sort3A_2025, %masked_sort3A_2026, %masked_sort3A_2027 = tpu.sort %add3A_661, %add3A_2023 masked %masked_sort3A_2024 : (vector<16xf32>, vector<16xi32>, vector<16xi1>) -> (vector<16xi1>, vector<16xf32>, vector<16xi32>)
            %add3A_2028 = arith.constant 160 : i32
            %add3A_2029 = arith.addi %add3A_1948, %add3A_2028 : i32
            %broadcast_in_dim3A_2030 = vector.broadcast %add3A_2029 : i32 to vector<16xi32>
            %add3A_2031 = arith.addi %broadcast_in_dim3A_2030, %iota3A : vector<16xi32>
            %masked_sort3A_2032 = arith.constant dense<true> : vector<16xi1>
            %masked_sort3A_2033, %masked_sort3A_2034, %masked_sort3A_2035 = tpu.sort %add3A_693, %add3A_2031 masked %masked_sort3A_2032 : (vector<16xf32>, vector<16xi32>, vector<16xi1>) -> (vector<16xi1>, vector<16xf32>, vector<16xi32>)
            %add3A_2036 = arith.constant 176 : i32
            %add3A_2037 = arith.addi %add3A_1948, %add3A_2036 : i32
            %broadcast_in_dim3A_2038 = vector.broadcast %add3A_2037 : i32 to vector<16xi32>
            %add3A_2039 = arith.addi %broadcast_in_dim3A_2038, %iota3A : vector<16xi32>
            %masked_sort3A_2040 = arith.constant dense<true> : vector<16xi1>
            %masked_sort3A_2041, %masked_sort3A_2042, %masked_sort3A_2043 = tpu.sort %add3A_704, %add3A_2039 masked %masked_sort3A_2040 : (vector<16xf32>, vector<16xi32>, vector<16xi1>) -> (vector<16xi1>, vector<16xf32>, vector<16xi32>)
            %add3A_2044 = arith.constant 192 : i32
            %add3A_2045 = arith.addi %add3A_1948, %add3A_2044 : i32
            %broadcast_in_dim3A_2046 = vector.broadcast %add3A_2045 : i32 to vector<16xi32>
            %add3A_2047 = arith.addi %broadcast_in_dim3A_2046, %iota3A : vector<16xi32>
            %masked_sort3A_2048 = arith.constant dense<true> : vector<16xi1>
            %masked_sort3A_2049, %masked_sort3A_2050, %masked_sort3A_2051 = tpu.sort %add3A_736, %add3A_2047 masked %masked_sort3A_2048 : (vector<16xf32>, vector<16xi32>, vector<16xi1>) -> (vector<16xi1>, vector<16xf32>, vector<16xi32>)
            %add3A_2052 = arith.constant 208 : i32
            %add3A_2053 = arith.addi %add3A_1948, %add3A_2052 : i32
            %broadcast_in_dim3A_2054 = vector.broadcast %add3A_2053 : i32 to vector<16xi32>
            %add3A_2055 = arith.addi %broadcast_in_dim3A_2054, %iota3A : vector<16xi32>
            %masked_sort3A_2056 = arith.constant dense<true> : vector<16xi1>
            %masked_sort3A_2057, %masked_sort3A_2058, %masked_sort3A_2059 = tpu.sort %add3A_747, %add3A_2055 masked %masked_sort3A_2056 : (vector<16xf32>, vector<16xi32>, vector<16xi1>) -> (vector<16xi1>, vector<16xf32>, vector<16xi32>)
            %add3A_2060 = arith.constant 224 : i32
            %add3A_2061 = arith.addi %add3A_1948, %add3A_2060 : i32
            %broadcast_in_dim3A_2062 = vector.broadcast %add3A_2061 : i32 to vector<16xi32>
            %add3A_2063 = arith.addi %broadcast_in_dim3A_2062, %iota3A : vector<16xi32>
            %masked_sort3A_2064 = arith.constant dense<true> : vector<16xi1>
            %masked_sort3A_2065, %masked_sort3A_2066, %masked_sort3A_2067 = tpu.sort %add3A_779, %add3A_2063 masked %masked_sort3A_2064 : (vector<16xf32>, vector<16xi32>, vector<16xi1>) -> (vector<16xi1>, vector<16xf32>, vector<16xi32>)
            %add3A_2068 = arith.constant 240 : i32
            %add3A_2069 = arith.addi %add3A_1948, %add3A_2068 : i32
            %broadcast_in_dim3A_2070 = vector.broadcast %add3A_2069 : i32 to vector<16xi32>
            %add3A_2071 = arith.addi %broadcast_in_dim3A_2070, %iota3A : vector<16xi32>
            %masked_sort3A_2072 = arith.constant dense<true> : vector<16xi1>
            %masked_sort3A_2073, %masked_sort3A_2074, %masked_sort3A_2075 = tpu.sort %add3A_790, %add3A_2071 masked %masked_sort3A_2072 : (vector<16xf32>, vector<16xi32>, vector<16xi1>) -> (vector<16xi1>, vector<16xf32>, vector<16xi32>)
            %add3A_2076 = arith.constant 256 : i32
            %add3A_2077 = arith.addi %add3A_1948, %add3A_2076 : i32
            %broadcast_in_dim3A_2078 = vector.broadcast %add3A_2077 : i32 to vector<16xi32>
            %add3A_2079 = arith.addi %broadcast_in_dim3A_2078, %iota3A : vector<16xi32>
            %masked_sort3A_2080 = arith.constant dense<true> : vector<16xi1>
            %masked_sort3A_2081, %masked_sort3A_2082, %masked_sort3A_2083 = tpu.sort %add3A_822, %add3A_2079 masked %masked_sort3A_2080 : (vector<16xf32>, vector<16xi32>, vector<16xi1>) -> (vector<16xi1>, vector<16xf32>, vector<16xi32>)
            %add3A_2084 = arith.constant 272 : i32
            %add3A_2085 = arith.addi %add3A_1948, %add3A_2084 : i32
            %broadcast_in_dim3A_2086 = vector.broadcast %add3A_2085 : i32 to vector<16xi32>
            %add3A_2087 = arith.addi %broadcast_in_dim3A_2086, %iota3A : vector<16xi32>
            %masked_sort3A_2088 = arith.constant dense<true> : vector<16xi1>
            %masked_sort3A_2089, %masked_sort3A_2090, %masked_sort3A_2091 = tpu.sort %add3A_833, %add3A_2087 masked %masked_sort3A_2088 : (vector<16xf32>, vector<16xi32>, vector<16xi1>) -> (vector<16xi1>, vector<16xf32>, vector<16xi32>)
            %add3A_2092 = arith.constant 288 : i32
            %add3A_2093 = arith.addi %add3A_1948, %add3A_2092 : i32
            %broadcast_in_dim3A_2094 = vector.broadcast %add3A_2093 : i32 to vector<16xi32>
            %add3A_2095 = arith.addi %broadcast_in_dim3A_2094, %iota3A : vector<16xi32>
            %masked_sort3A_2096 = arith.constant dense<true> : vector<16xi1>
            %masked_sort3A_2097, %masked_sort3A_2098, %masked_sort3A_2099 = tpu.sort %add3A_865, %add3A_2095 masked %masked_sort3A_2096 : (vector<16xf32>, vector<16xi32>, vector<16xi1>) -> (vector<16xi1>, vector<16xf32>, vector<16xi32>)
            %add3A_2100 = arith.constant 304 : i32
            %add3A_2101 = arith.addi %add3A_1948, %add3A_2100 : i32
            %broadcast_in_dim3A_2102 = vector.broadcast %add3A_2101 : i32 to vector<16xi32>
            %add3A_2103 = arith.addi %broadcast_in_dim3A_2102, %iota3A : vector<16xi32>
            %masked_sort3A_2104 = arith.constant dense<true> : vector<16xi1>
            %masked_sort3A_2105, %masked_sort3A_2106, %masked_sort3A_2107 = tpu.sort %add3A_876, %add3A_2103 masked %masked_sort3A_2104 : (vector<16xf32>, vector<16xi32>, vector<16xi1>) -> (vector<16xi1>, vector<16xf32>, vector<16xi32>)
            %add3A_2108 = arith.constant 320 : i32
            %add3A_2109 = arith.addi %add3A_1948, %add3A_2108 : i32
            %broadcast_in_dim3A_2110 = vector.broadcast %add3A_2109 : i32 to vector<16xi32>
            %add3A_2111 = arith.addi %broadcast_in_dim3A_2110, %iota3A : vector<16xi32>
            %masked_sort3A_2112 = arith.constant dense<true> : vector<16xi1>
            %masked_sort3A_2113, %masked_sort3A_2114, %masked_sort3A_2115 = tpu.sort %add3A_908, %add3A_2111 masked %masked_sort3A_2112 : (vector<16xf32>, vector<16xi32>, vector<16xi1>) -> (vector<16xi1>, vector<16xf32>, vector<16xi32>)
            %add3A_2116 = arith.constant 336 : i32
            %add3A_2117 = arith.addi %add3A_1948, %add3A_2116 : i32
            %broadcast_in_dim3A_2118 = vector.broadcast %add3A_2117 : i32 to vector<16xi32>
            %add3A_2119 = arith.addi %broadcast_in_dim3A_2118, %iota3A : vector<16xi32>
            %masked_sort3A_2120 = arith.constant dense<true> : vector<16xi1>
            %masked_sort3A_2121, %masked_sort3A_2122, %masked_sort3A_2123 = tpu.sort %add3A_919, %add3A_2119 masked %masked_sort3A_2120 : (vector<16xf32>, vector<16xi32>, vector<16xi1>) -> (vector<16xi1>, vector<16xf32>, vector<16xi32>)
            %add3A_2124 = arith.constant 352 : i32
            %add3A_2125 = arith.addi %add3A_1948, %add3A_2124 : i32
            %broadcast_in_dim3A_2126 = vector.broadcast %add3A_2125 : i32 to vector<16xi32>
            %add3A_2127 = arith.addi %broadcast_in_dim3A_2126, %iota3A : vector<16xi32>
            %masked_sort3A_2128 = arith.constant dense<true> : vector<16xi1>
            %masked_sort3A_2129, %masked_sort3A_2130, %masked_sort3A_2131 = tpu.sort %add3A_951, %add3A_2127 masked %masked_sort3A_2128 : (vector<16xf32>, vector<16xi32>, vector<16xi1>) -> (vector<16xi1>, vector<16xf32>, vector<16xi32>)
            %add3A_2132 = arith.constant 368 : i32
            %add3A_2133 = arith.addi %add3A_1948, %add3A_2132 : i32
            %broadcast_in_dim3A_2134 = vector.broadcast %add3A_2133 : i32 to vector<16xi32>
            %add3A_2135 = arith.addi %broadcast_in_dim3A_2134, %iota3A : vector<16xi32>
            %masked_sort3A_2136 = arith.constant dense<true> : vector<16xi1>
            %masked_sort3A_2137, %masked_sort3A_2138, %masked_sort3A_2139 = tpu.sort %add3A_962, %add3A_2135 masked %masked_sort3A_2136 : (vector<16xf32>, vector<16xi32>, vector<16xi1>) -> (vector<16xi1>, vector<16xf32>, vector<16xi32>)
            %add3A_2140 = arith.constant 384 : i32
            %add3A_2141 = arith.addi %add3A_1948, %add3A_2140 : i32
            %broadcast_in_dim3A_2142 = vector.broadcast %add3A_2141 : i32 to vector<16xi32>
            %add3A_2143 = arith.addi %broadcast_in_dim3A_2142, %iota3A : vector<16xi32>
            %masked_sort3A_2144 = arith.constant dense<true> : vector<16xi1>
            %masked_sort3A_2145, %masked_sort3A_2146, %masked_sort3A_2147 = tpu.sort %add3A_994, %add3A_2143 masked %masked_sort3A_2144 : (vector<16xf32>, vector<16xi32>, vector<16xi1>) -> (vector<16xi1>, vector<16xf32>, vector<16xi32>)
            %add3A_2148 = arith.constant 400 : i32
            %add3A_2149 = arith.addi %add3A_1948, %add3A_2148 : i32
            %broadcast_in_dim3A_2150 = vector.broadcast %add3A_2149 : i32 to vector<16xi32>
            %add3A_2151 = arith.addi %broadcast_in_dim3A_2150, %iota3A : vector<16xi32>
            %masked_sort3A_2152 = arith.constant dense<true> : vector<16xi1>
            %masked_sort3A_2153, %masked_sort3A_2154, %masked_sort3A_2155 = tpu.sort %add3A_1005, %add3A_2151 masked %masked_sort3A_2152 : (vector<16xf32>, vector<16xi32>, vector<16xi1>) -> (vector<16xi1>, vector<16xf32>, vector<16xi32>)
            %add3A_2156 = arith.constant 416 : i32
            %add3A_2157 = arith.addi %add3A_1948, %add3A_2156 : i32
            %broadcast_in_dim3A_2158 = vector.broadcast %add3A_2157 : i32 to vector<16xi32>
            %add3A_2159 = arith.addi %broadcast_in_dim3A_2158, %iota3A : vector<16xi32>
            %masked_sort3A_2160 = arith.constant dense<true> : vector<16xi1>
            %masked_sort3A_2161, %masked_sort3A_2162, %masked_sort3A_2163 = tpu.sort %add3A_1037, %add3A_2159 masked %masked_sort3A_2160 : (vector<16xf32>, vector<16xi32>, vector<16xi1>) -> (vector<16xi1>, vector<16xf32>, vector<16xi32>)
            %add3A_2164 = arith.constant 432 : i32
            %add3A_2165 = arith.addi %add3A_1948, %add3A_2164 : i32
            %broadcast_in_dim3A_2166 = vector.broadcast %add3A_2165 : i32 to vector<16xi32>
            %add3A_2167 = arith.addi %broadcast_in_dim3A_2166, %iota3A : vector<16xi32>
            %masked_sort3A_2168 = arith.constant dense<true> : vector<16xi1>
            %masked_sort3A_2169, %masked_sort3A_2170, %masked_sort3A_2171 = tpu.sort %add3A_1048, %add3A_2167 masked %masked_sort3A_2168 : (vector<16xf32>, vector<16xi32>, vector<16xi1>) -> (vector<16xi1>, vector<16xf32>, vector<16xi32>)
            %add3A_2172 = arith.constant 448 : i32
            %add3A_2173 = arith.addi %add3A_1948, %add3A_2172 : i32
            %broadcast_in_dim3A_2174 = vector.broadcast %add3A_2173 : i32 to vector<16xi32>
            %add3A_2175 = arith.addi %broadcast_in_dim3A_2174, %iota3A : vector<16xi32>
            %masked_sort3A_2176 = arith.constant dense<true> : vector<16xi1>
            %masked_sort3A_2177, %masked_sort3A_2178, %masked_sort3A_2179 = tpu.sort %add3A_1080, %add3A_2175 masked %masked_sort3A_2176 : (vector<16xf32>, vector<16xi32>, vector<16xi1>) -> (vector<16xi1>, vector<16xf32>, vector<16xi32>)
            %add3A_2180 = arith.constant 464 : i32
            %add3A_2181 = arith.addi %add3A_1948, %add3A_2180 : i32
            %broadcast_in_dim3A_2182 = vector.broadcast %add3A_2181 : i32 to vector<16xi32>
            %add3A_2183 = arith.addi %broadcast_in_dim3A_2182, %iota3A : vector<16xi32>
            %masked_sort3A_2184 = arith.constant dense<true> : vector<16xi1>
            %masked_sort3A_2185, %masked_sort3A_2186, %masked_sort3A_2187 = tpu.sort %add3A_1091, %add3A_2183 masked %masked_sort3A_2184 : (vector<16xf32>, vector<16xi32>, vector<16xi1>) -> (vector<16xi1>, vector<16xf32>, vector<16xi32>)
            %add3A_2188 = arith.constant 480 : i32
            %add3A_2189 = arith.addi %add3A_1948, %add3A_2188 : i32
            %broadcast_in_dim3A_2190 = vector.broadcast %add3A_2189 : i32 to vector<16xi32>
            %add3A_2191 = arith.addi %broadcast_in_dim3A_2190, %iota3A : vector<16xi32>
            %masked_sort3A_2192 = arith.constant dense<true> : vector<16xi1>
            %masked_sort3A_2193, %masked_sort3A_2194, %masked_sort3A_2195 = tpu.sort %add3A_1123, %add3A_2191 masked %masked_sort3A_2192 : (vector<16xf32>, vector<16xi32>, vector<16xi1>) -> (vector<16xi1>, vector<16xf32>, vector<16xi32>)
            %add3A_2196 = arith.constant 496 : i32
            %add3A_2197 = arith.addi %add3A_1948, %add3A_2196 : i32
            %broadcast_in_dim3A_2198 = vector.broadcast %add3A_2197 : i32 to vector<16xi32>
            %add3A_2199 = arith.addi %broadcast_in_dim3A_2198, %iota3A : vector<16xi32>
            %masked_sort3A_2200 = arith.constant dense<true> : vector<16xi1>
            %masked_sort3A_2201, %masked_sort3A_2202, %masked_sort3A_2203 = tpu.sort %add3A_1134, %add3A_2199 masked %masked_sort3A_2200 : (vector<16xf32>, vector<16xi32>, vector<16xi1>) -> (vector<16xi1>, vector<16xf32>, vector<16xi32>)
            %rev3A = arith.constant 15 : i32
            %rev3A_2204 = vector.broadcast %rev3A : i32 to vector<16xi32>
            %rev3A_2205 = tpu.iota {dimensions = array<i32: 0>} : vector<16xi32>
            %rev3A_2206 = arith.subi %rev3A_2204, %rev3A_2205 : vector<16xi32>
            %rev3A_2207 = tpu.dynamic_gather %masked_sort3A_1962[%rev3A_2206] in [0] : vector<16xf32>, vector<16xi32> -> vector<16xf32>
            %rev3A_2208 = arith.constant 15 : i32
            %rev3A_2209 = vector.broadcast %rev3A_2208 : i32 to vector<16xi32>
            %rev3A_2210 = tpu.iota {dimensions = array<i32: 0>} : vector<16xi32>
            %rev3A_2211 = arith.subi %rev3A_2209, %rev3A_2210 : vector<16xi32>
            %rev3A_2212 = tpu.dynamic_gather %masked_sort3A_1963[%rev3A_2211] in [0] : vector<16xi32>, vector<16xi32> -> vector<16xi32>
            %lt3A_2213 = arith.cmpf olt, %rev3A_2207, %masked_sort3A_1954 : vector<16xf32>
            %select_n3A_2214 = arith.select %lt3A_2213, %rev3A_2207, %masked_sort3A_1954 : vector<16xi1>, vector<16xf32>
            %select_n3A_2215 = arith.select %lt3A_2213, %rev3A_2212, %masked_sort3A_1955 : vector<16xi1>, vector<16xi32>
            %masked_sort3A_2216 = arith.constant dense<true> : vector<16xi1>
            %masked_sort3A_2217, %masked_sort3A_2218, %masked_sort3A_2219 = tpu.sort %select_n3A_2214, %select_n3A_2215 masked %masked_sort3A_2216 : (vector<16xf32>, vector<16xi32>, vector<16xi1>) -> (vector<16xi1>, vector<16xf32>, vector<16xi32>)
            %rev3A_2220 = arith.constant 15 : i32
            %rev3A_2221 = vector.broadcast %rev3A_2220 : i32 to vector<16xi32>
            %rev3A_2222 = tpu.iota {dimensions = array<i32: 0>} : vector<16xi32>
            %rev3A_2223 = arith.subi %rev3A_2221, %rev3A_2222 : vector<16xi32>
            %rev3A_2224 = tpu.dynamic_gather %masked_sort3A_1978[%rev3A_2223] in [0] : vector<16xf32>, vector<16xi32> -> vector<16xf32>
            %rev3A_2225 = arith.constant 15 : i32
            %rev3A_2226 = vector.broadcast %rev3A_2225 : i32 to vector<16xi32>
            %rev3A_2227 = tpu.iota {dimensions = array<i32: 0>} : vector<16xi32>
            %rev3A_2228 = arith.subi %rev3A_2226, %rev3A_2227 : vector<16xi32>
            %rev3A_2229 = tpu.dynamic_gather %masked_sort3A_1979[%rev3A_2228] in [0] : vector<16xi32>, vector<16xi32> -> vector<16xi32>
            %lt3A_2230 = arith.cmpf olt, %rev3A_2224, %masked_sort3A_1970 : vector<16xf32>
            %select_n3A_2231 = arith.select %lt3A_2230, %rev3A_2224, %masked_sort3A_1970 : vector<16xi1>, vector<16xf32>
            %select_n3A_2232 = arith.select %lt3A_2230, %rev3A_2229, %masked_sort3A_1971 : vector<16xi1>, vector<16xi32>
            %masked_sort3A_2233 = arith.constant dense<true> : vector<16xi1>
            %masked_sort3A_2234, %masked_sort3A_2235, %masked_sort3A_2236 = tpu.sort %select_n3A_2231, %select_n3A_2232 masked %masked_sort3A_2233 : (vector<16xf32>, vector<16xi32>, vector<16xi1>) -> (vector<16xi1>, vector<16xf32>, vector<16xi32>)
            %rev3A_2237 = arith.constant 15 : i32
            %rev3A_2238 = vector.broadcast %rev3A_2237 : i32 to vector<16xi32>
            %rev3A_2239 = tpu.iota {dimensions = array<i32: 0>} : vector<16xi32>
            %rev3A_2240 = arith.subi %rev3A_2238, %rev3A_2239 : vector<16xi32>
            %rev3A_2241 = tpu.dynamic_gather %masked_sort3A_1994[%rev3A_2240] in [0] : vector<16xf32>, vector<16xi32> -> vector<16xf32>
            %rev3A_2242 = arith.constant 15 : i32
            %rev3A_2243 = vector.broadcast %rev3A_2242 : i32 to vector<16xi32>
            %rev3A_2244 = tpu.iota {dimensions = array<i32: 0>} : vector<16xi32>
            %rev3A_2245 = arith.subi %rev3A_2243, %rev3A_2244 : vector<16xi32>
            %rev3A_2246 = tpu.dynamic_gather %masked_sort3A_1995[%rev3A_2245] in [0] : vector<16xi32>, vector<16xi32> -> vector<16xi32>
            %lt3A_2247 = arith.cmpf olt, %rev3A_2241, %masked_sort3A_1986 : vector<16xf32>
            %select_n3A_2248 = arith.select %lt3A_2247, %rev3A_2241, %masked_sort3A_1986 : vector<16xi1>, vector<16xf32>
            %select_n3A_2249 = arith.select %lt3A_2247, %rev3A_2246, %masked_sort3A_1987 : vector<16xi1>, vector<16xi32>
            %masked_sort3A_2250 = arith.constant dense<true> : vector<16xi1>
            %masked_sort3A_2251, %masked_sort3A_2252, %masked_sort3A_2253 = tpu.sort %select_n3A_2248, %select_n3A_2249 masked %masked_sort3A_2250 : (vector<16xf32>, vector<16xi32>, vector<16xi1>) -> (vector<16xi1>, vector<16xf32>, vector<16xi32>)
            %rev3A_2254 = arith.constant 15 : i32
            %rev3A_2255 = vector.broadcast %rev3A_2254 : i32 to vector<16xi32>
            %rev3A_2256 = tpu.iota {dimensions = array<i32: 0>} : vector<16xi32>
            %rev3A_2257 = arith.subi %rev3A_2255, %rev3A_2256 : vector<16xi32>
            %rev3A_2258 = tpu.dynamic_gather %masked_sort3A_2010[%rev3A_2257] in [0] : vector<16xf32>, vector<16xi32> -> vector<16xf32>
            %rev3A_2259 = arith.constant 15 : i32
            %rev3A_2260 = vector.broadcast %rev3A_2259 : i32 to vector<16xi32>
            %rev3A_2261 = tpu.iota {dimensions = array<i32: 0>} : vector<16xi32>
            %rev3A_2262 = arith.subi %rev3A_2260, %rev3A_2261 : vector<16xi32>
            %rev3A_2263 = tpu.dynamic_gather %masked_sort3A_2011[%rev3A_2262] in [0] : vector<16xi32>, vector<16xi32> -> vector<16xi32>
            %lt3A_2264 = arith.cmpf olt, %rev3A_2258, %masked_sort3A_2002 : vector<16xf32>
            %select_n3A_2265 = arith.select %lt3A_2264, %rev3A_2258, %masked_sort3A_2002 : vector<16xi1>, vector<16xf32>
            %select_n3A_2266 = arith.select %lt3A_2264, %rev3A_2263, %masked_sort3A_2003 : vector<16xi1>, vector<16xi32>
            %masked_sort3A_2267 = arith.constant dense<true> : vector<16xi1>
            %masked_sort3A_2268, %masked_sort3A_2269, %masked_sort3A_2270 = tpu.sort %select_n3A_2265, %select_n3A_2266 masked %masked_sort3A_2267 : (vector<16xf32>, vector<16xi32>, vector<16xi1>) -> (vector<16xi1>, vector<16xf32>, vector<16xi32>)
            %rev3A_2271 = arith.constant 15 : i32
            %rev3A_2272 = vector.broadcast %rev3A_2271 : i32 to vector<16xi32>
            %rev3A_2273 = tpu.iota {dimensions = array<i32: 0>} : vector<16xi32>
            %rev3A_2274 = arith.subi %rev3A_2272, %rev3A_2273 : vector<16xi32>
            %rev3A_2275 = tpu.dynamic_gather %masked_sort3A_2026[%rev3A_2274] in [0] : vector<16xf32>, vector<16xi32> -> vector<16xf32>
            %rev3A_2276 = arith.constant 15 : i32
            %rev3A_2277 = vector.broadcast %rev3A_2276 : i32 to vector<16xi32>
            %rev3A_2278 = tpu.iota {dimensions = array<i32: 0>} : vector<16xi32>
            %rev3A_2279 = arith.subi %rev3A_2277, %rev3A_2278 : vector<16xi32>
            %rev3A_2280 = tpu.dynamic_gather %masked_sort3A_2027[%rev3A_2279] in [0] : vector<16xi32>, vector<16xi32> -> vector<16xi32>
            %lt3A_2281 = arith.cmpf olt, %rev3A_2275, %masked_sort3A_2018 : vector<16xf32>
            %select_n3A_2282 = arith.select %lt3A_2281, %rev3A_2275, %masked_sort3A_2018 : vector<16xi1>, vector<16xf32>
            %select_n3A_2283 = arith.select %lt3A_2281, %rev3A_2280, %masked_sort3A_2019 : vector<16xi1>, vector<16xi32>
            %masked_sort3A_2284 = arith.constant dense<true> : vector<16xi1>
            %masked_sort3A_2285, %masked_sort3A_2286, %masked_sort3A_2287 = tpu.sort %select_n3A_2282, %select_n3A_2283 masked %masked_sort3A_2284 : (vector<16xf32>, vector<16xi32>, vector<16xi1>) -> (vector<16xi1>, vector<16xf32>, vector<16xi32>)
            %rev3A_2288 = arith.constant 15 : i32
            %rev3A_2289 = vector.broadcast %rev3A_2288 : i32 to vector<16xi32>
            %rev3A_2290 = tpu.iota {dimensions = array<i32: 0>} : vector<16xi32>
            %rev3A_2291 = arith.subi %rev3A_2289, %rev3A_2290 : vector<16xi32>
            %rev3A_2292 = tpu.dynamic_gather %masked_sort3A_2042[%rev3A_2291] in [0] : vector<16xf32>, vector<16xi32> -> vector<16xf32>
            %rev3A_2293 = arith.constant 15 : i32
            %rev3A_2294 = vector.broadcast %rev3A_2293 : i32 to vector<16xi32>
            %rev3A_2295 = tpu.iota {dimensions = array<i32: 0>} : vector<16xi32>
            %rev3A_2296 = arith.subi %rev3A_2294, %rev3A_2295 : vector<16xi32>
            %rev3A_2297 = tpu.dynamic_gather %masked_sort3A_2043[%rev3A_2296] in [0] : vector<16xi32>, vector<16xi32> -> vector<16xi32>
            %lt3A_2298 = arith.cmpf olt, %rev3A_2292, %masked_sort3A_2034 : vector<16xf32>
            %select_n3A_2299 = arith.select %lt3A_2298, %rev3A_2292, %masked_sort3A_2034 : vector<16xi1>, vector<16xf32>
            %select_n3A_2300 = arith.select %lt3A_2298, %rev3A_2297, %masked_sort3A_2035 : vector<16xi1>, vector<16xi32>
            %masked_sort3A_2301 = arith.constant dense<true> : vector<16xi1>
            %masked_sort3A_2302, %masked_sort3A_2303, %masked_sort3A_2304 = tpu.sort %select_n3A_2299, %select_n3A_2300 masked %masked_sort3A_2301 : (vector<16xf32>, vector<16xi32>, vector<16xi1>) -> (vector<16xi1>, vector<16xf32>, vector<16xi32>)
            %rev3A_2305 = arith.constant 15 : i32
            %rev3A_2306 = vector.broadcast %rev3A_2305 : i32 to vector<16xi32>
            %rev3A_2307 = tpu.iota {dimensions = array<i32: 0>} : vector<16xi32>
            %rev3A_2308 = arith.subi %rev3A_2306, %rev3A_2307 : vector<16xi32>
            %rev3A_2309 = tpu.dynamic_gather %masked_sort3A_2058[%rev3A_2308] in [0] : vector<16xf32>, vector<16xi32> -> vector<16xf32>
            %rev3A_2310 = arith.constant 15 : i32
            %rev3A_2311 = vector.broadcast %rev3A_2310 : i32 to vector<16xi32>
            %rev3A_2312 = tpu.iota {dimensions = array<i32: 0>} : vector<16xi32>
            %rev3A_2313 = arith.subi %rev3A_2311, %rev3A_2312 : vector<16xi32>
            %rev3A_2314 = tpu.dynamic_gather %masked_sort3A_2059[%rev3A_2313] in [0] : vector<16xi32>, vector<16xi32> -> vector<16xi32>
            %lt3A_2315 = arith.cmpf olt, %rev3A_2309, %masked_sort3A_2050 : vector<16xf32>
            %select_n3A_2316 = arith.select %lt3A_2315, %rev3A_2309, %masked_sort3A_2050 : vector<16xi1>, vector<16xf32>
            %select_n3A_2317 = arith.select %lt3A_2315, %rev3A_2314, %masked_sort3A_2051 : vector<16xi1>, vector<16xi32>
            %masked_sort3A_2318 = arith.constant dense<true> : vector<16xi1>
            %masked_sort3A_2319, %masked_sort3A_2320, %masked_sort3A_2321 = tpu.sort %select_n3A_2316, %select_n3A_2317 masked %masked_sort3A_2318 : (vector<16xf32>, vector<16xi32>, vector<16xi1>) -> (vector<16xi1>, vector<16xf32>, vector<16xi32>)
            %rev3A_2322 = arith.constant 15 : i32
            %rev3A_2323 = vector.broadcast %rev3A_2322 : i32 to vector<16xi32>
            %rev3A_2324 = tpu.iota {dimensions = array<i32: 0>} : vector<16xi32>
            %rev3A_2325 = arith.subi %rev3A_2323, %rev3A_2324 : vector<16xi32>
            %rev3A_2326 = tpu.dynamic_gather %masked_sort3A_2074[%rev3A_2325] in [0] : vector<16xf32>, vector<16xi32> -> vector<16xf32>
            %rev3A_2327 = arith.constant 15 : i32
            %rev3A_2328 = vector.broadcast %rev3A_2327 : i32 to vector<16xi32>
            %rev3A_2329 = tpu.iota {dimensions = array<i32: 0>} : vector<16xi32>
            %rev3A_2330 = arith.subi %rev3A_2328, %rev3A_2329 : vector<16xi32>
            %rev3A_2331 = tpu.dynamic_gather %masked_sort3A_2075[%rev3A_2330] in [0] : vector<16xi32>, vector<16xi32> -> vector<16xi32>
            %lt3A_2332 = arith.cmpf olt, %rev3A_2326, %masked_sort3A_2066 : vector<16xf32>
            %select_n3A_2333 = arith.select %lt3A_2332, %rev3A_2326, %masked_sort3A_2066 : vector<16xi1>, vector<16xf32>
            %select_n3A_2334 = arith.select %lt3A_2332, %rev3A_2331, %masked_sort3A_2067 : vector<16xi1>, vector<16xi32>
            %masked_sort3A_2335 = arith.constant dense<true> : vector<16xi1>
            %masked_sort3A_2336, %masked_sort3A_2337, %masked_sort3A_2338 = tpu.sort %select_n3A_2333, %select_n3A_2334 masked %masked_sort3A_2335 : (vector<16xf32>, vector<16xi32>, vector<16xi1>) -> (vector<16xi1>, vector<16xf32>, vector<16xi32>)
            %rev3A_2339 = arith.constant 15 : i32
            %rev3A_2340 = vector.broadcast %rev3A_2339 : i32 to vector<16xi32>
            %rev3A_2341 = tpu.iota {dimensions = array<i32: 0>} : vector<16xi32>
            %rev3A_2342 = arith.subi %rev3A_2340, %rev3A_2341 : vector<16xi32>
            %rev3A_2343 = tpu.dynamic_gather %masked_sort3A_2090[%rev3A_2342] in [0] : vector<16xf32>, vector<16xi32> -> vector<16xf32>
            %rev3A_2344 = arith.constant 15 : i32
            %rev3A_2345 = vector.broadcast %rev3A_2344 : i32 to vector<16xi32>
            %rev3A_2346 = tpu.iota {dimensions = array<i32: 0>} : vector<16xi32>
            %rev3A_2347 = arith.subi %rev3A_2345, %rev3A_2346 : vector<16xi32>
            %rev3A_2348 = tpu.dynamic_gather %masked_sort3A_2091[%rev3A_2347] in [0] : vector<16xi32>, vector<16xi32> -> vector<16xi32>
            %lt3A_2349 = arith.cmpf olt, %rev3A_2343, %masked_sort3A_2082 : vector<16xf32>
            %select_n3A_2350 = arith.select %lt3A_2349, %rev3A_2343, %masked_sort3A_2082 : vector<16xi1>, vector<16xf32>
            %select_n3A_2351 = arith.select %lt3A_2349, %rev3A_2348, %masked_sort3A_2083 : vector<16xi1>, vector<16xi32>
            %masked_sort3A_2352 = arith.constant dense<true> : vector<16xi1>
            %masked_sort3A_2353, %masked_sort3A_2354, %masked_sort3A_2355 = tpu.sort %select_n3A_2350, %select_n3A_2351 masked %masked_sort3A_2352 : (vector<16xf32>, vector<16xi32>, vector<16xi1>) -> (vector<16xi1>, vector<16xf32>, vector<16xi32>)
            %rev3A_2356 = arith.constant 15 : i32
            %rev3A_2357 = vector.broadcast %rev3A_2356 : i32 to vector<16xi32>
            %rev3A_2358 = tpu.iota {dimensions = array<i32: 0>} : vector<16xi32>
            %rev3A_2359 = arith.subi %rev3A_2357, %rev3A_2358 : vector<16xi32>
            %rev3A_2360 = tpu.dynamic_gather %masked_sort3A_2106[%rev3A_2359] in [0] : vector<16xf32>, vector<16xi32> -> vector<16xf32>
            %rev3A_2361 = arith.constant 15 : i32
            %rev3A_2362 = vector.broadcast %rev3A_2361 : i32 to vector<16xi32>
            %rev3A_2363 = tpu.iota {dimensions = array<i32: 0>} : vector<16xi32>
            %rev3A_2364 = arith.subi %rev3A_2362, %rev3A_2363 : vector<16xi32>
            %rev3A_2365 = tpu.dynamic_gather %masked_sort3A_2107[%rev3A_2364] in [0] : vector<16xi32>, vector<16xi32> -> vector<16xi32>
            %lt3A_2366 = arith.cmpf olt, %rev3A_2360, %masked_sort3A_2098 : vector<16xf32>
            %select_n3A_2367 = arith.select %lt3A_2366, %rev3A_2360, %masked_sort3A_2098 : vector<16xi1>, vector<16xf32>
            %select_n3A_2368 = arith.select %lt3A_2366, %rev3A_2365, %masked_sort3A_2099 : vector<16xi1>, vector<16xi32>
            %masked_sort3A_2369 = arith.constant dense<true> : vector<16xi1>
            %masked_sort3A_2370, %masked_sort3A_2371, %masked_sort3A_2372 = tpu.sort %select_n3A_2367, %select_n3A_2368 masked %masked_sort3A_2369 : (vector<16xf32>, vector<16xi32>, vector<16xi1>) -> (vector<16xi1>, vector<16xf32>, vector<16xi32>)
            %rev3A_2373 = arith.constant 15 : i32
            %rev3A_2374 = vector.broadcast %rev3A_2373 : i32 to vector<16xi32>
            %rev3A_2375 = tpu.iota {dimensions = array<i32: 0>} : vector<16xi32>
            %rev3A_2376 = arith.subi %rev3A_2374, %rev3A_2375 : vector<16xi32>
            %rev3A_2377 = tpu.dynamic_gather %masked_sort3A_2122[%rev3A_2376] in [0] : vector<16xf32>, vector<16xi32> -> vector<16xf32>
            %rev3A_2378 = arith.constant 15 : i32
            %rev3A_2379 = vector.broadcast %rev3A_2378 : i32 to vector<16xi32>
            %rev3A_2380 = tpu.iota {dimensions = array<i32: 0>} : vector<16xi32>
            %rev3A_2381 = arith.subi %rev3A_2379, %rev3A_2380 : vector<16xi32>
            %rev3A_2382 = tpu.dynamic_gather %masked_sort3A_2123[%rev3A_2381] in [0] : vector<16xi32>, vector<16xi32> -> vector<16xi32>
            %lt3A_2383 = arith.cmpf olt, %rev3A_2377, %masked_sort3A_2114 : vector<16xf32>
            %select_n3A_2384 = arith.select %lt3A_2383, %rev3A_2377, %masked_sort3A_2114 : vector<16xi1>, vector<16xf32>
            %select_n3A_2385 = arith.select %lt3A_2383, %rev3A_2382, %masked_sort3A_2115 : vector<16xi1>, vector<16xi32>
            %masked_sort3A_2386 = arith.constant dense<true> : vector<16xi1>
            %masked_sort3A_2387, %masked_sort3A_2388, %masked_sort3A_2389 = tpu.sort %select_n3A_2384, %select_n3A_2385 masked %masked_sort3A_2386 : (vector<16xf32>, vector<16xi32>, vector<16xi1>) -> (vector<16xi1>, vector<16xf32>, vector<16xi32>)
            %rev3A_2390 = arith.constant 15 : i32
            %rev3A_2391 = vector.broadcast %rev3A_2390 : i32 to vector<16xi32>
            %rev3A_2392 = tpu.iota {dimensions = array<i32: 0>} : vector<16xi32>
            %rev3A_2393 = arith.subi %rev3A_2391, %rev3A_2392 : vector<16xi32>
            %rev3A_2394 = tpu.dynamic_gather %masked_sort3A_2138[%rev3A_2393] in [0] : vector<16xf32>, vector<16xi32> -> vector<16xf32>
            %rev3A_2395 = arith.constant 15 : i32
            %rev3A_2396 = vector.broadcast %rev3A_2395 : i32 to vector<16xi32>
            %rev3A_2397 = tpu.iota {dimensions = array<i32: 0>} : vector<16xi32>
            %rev3A_2398 = arith.subi %rev3A_2396, %rev3A_2397 : vector<16xi32>
            %rev3A_2399 = tpu.dynamic_gather %masked_sort3A_2139[%rev3A_2398] in [0] : vector<16xi32>, vector<16xi32> -> vector<16xi32>
            %lt3A_2400 = arith.cmpf olt, %rev3A_2394, %masked_sort3A_2130 : vector<16xf32>
            %select_n3A_2401 = arith.select %lt3A_2400, %rev3A_2394, %masked_sort3A_2130 : vector<16xi1>, vector<16xf32>
            %select_n3A_2402 = arith.select %lt3A_2400, %rev3A_2399, %masked_sort3A_2131 : vector<16xi1>, vector<16xi32>
            %masked_sort3A_2403 = arith.constant dense<true> : vector<16xi1>
            %masked_sort3A_2404, %masked_sort3A_2405, %masked_sort3A_2406 = tpu.sort %select_n3A_2401, %select_n3A_2402 masked %masked_sort3A_2403 : (vector<16xf32>, vector<16xi32>, vector<16xi1>) -> (vector<16xi1>, vector<16xf32>, vector<16xi32>)
            %rev3A_2407 = arith.constant 15 : i32
            %rev3A_2408 = vector.broadcast %rev3A_2407 : i32 to vector<16xi32>
            %rev3A_2409 = tpu.iota {dimensions = array<i32: 0>} : vector<16xi32>
            %rev3A_2410 = arith.subi %rev3A_2408, %rev3A_2409 : vector<16xi32>
            %rev3A_2411 = tpu.dynamic_gather %masked_sort3A_2154[%rev3A_2410] in [0] : vector<16xf32>, vector<16xi32> -> vector<16xf32>
            %rev3A_2412 = arith.constant 15 : i32
            %rev3A_2413 = vector.broadcast %rev3A_2412 : i32 to vector<16xi32>
            %rev3A_2414 = tpu.iota {dimensions = array<i32: 0>} : vector<16xi32>
            %rev3A_2415 = arith.subi %rev3A_2413, %rev3A_2414 : vector<16xi32>
            %rev3A_2416 = tpu.dynamic_gather %masked_sort3A_2155[%rev3A_2415] in [0] : vector<16xi32>, vector<16xi32> -> vector<16xi32>
            %lt3A_2417 = arith.cmpf olt, %rev3A_2411, %masked_sort3A_2146 : vector<16xf32>
            %select_n3A_2418 = arith.select %lt3A_2417, %rev3A_2411, %masked_sort3A_2146 : vector<16xi1>, vector<16xf32>
            %select_n3A_2419 = arith.select %lt3A_2417, %rev3A_2416, %masked_sort3A_2147 : vector<16xi1>, vector<16xi32>
            %masked_sort3A_2420 = arith.constant dense<true> : vector<16xi1>
            %masked_sort3A_2421, %masked_sort3A_2422, %masked_sort3A_2423 = tpu.sort %select_n3A_2418, %select_n3A_2419 masked %masked_sort3A_2420 : (vector<16xf32>, vector<16xi32>, vector<16xi1>) -> (vector<16xi1>, vector<16xf32>, vector<16xi32>)
            %rev3A_2424 = arith.constant 15 : i32
            %rev3A_2425 = vector.broadcast %rev3A_2424 : i32 to vector<16xi32>
            %rev3A_2426 = tpu.iota {dimensions = array<i32: 0>} : vector<16xi32>
            %rev3A_2427 = arith.subi %rev3A_2425, %rev3A_2426 : vector<16xi32>
            %rev3A_2428 = tpu.dynamic_gather %masked_sort3A_2170[%rev3A_2427] in [0] : vector<16xf32>, vector<16xi32> -> vector<16xf32>
            %rev3A_2429 = arith.constant 15 : i32
            %rev3A_2430 = vector.broadcast %rev3A_2429 : i32 to vector<16xi32>
            %rev3A_2431 = tpu.iota {dimensions = array<i32: 0>} : vector<16xi32>
            %rev3A_2432 = arith.subi %rev3A_2430, %rev3A_2431 : vector<16xi32>
            %rev3A_2433 = tpu.dynamic_gather %masked_sort3A_2171[%rev3A_2432] in [0] : vector<16xi32>, vector<16xi32> -> vector<16xi32>
            %lt3A_2434 = arith.cmpf olt, %rev3A_2428, %masked_sort3A_2162 : vector<16xf32>
            %select_n3A_2435 = arith.select %lt3A_2434, %rev3A_2428, %masked_sort3A_2162 : vector<16xi1>, vector<16xf32>
            %select_n3A_2436 = arith.select %lt3A_2434, %rev3A_2433, %masked_sort3A_2163 : vector<16xi1>, vector<16xi32>
            %masked_sort3A_2437 = arith.constant dense<true> : vector<16xi1>
            %masked_sort3A_2438, %masked_sort3A_2439, %masked_sort3A_2440 = tpu.sort %select_n3A_2435, %select_n3A_2436 masked %masked_sort3A_2437 : (vector<16xf32>, vector<16xi32>, vector<16xi1>) -> (vector<16xi1>, vector<16xf32>, vector<16xi32>)
            %rev3A_2441 = arith.constant 15 : i32
            %rev3A_2442 = vector.broadcast %rev3A_2441 : i32 to vector<16xi32>
            %rev3A_2443 = tpu.iota {dimensions = array<i32: 0>} : vector<16xi32>
            %rev3A_2444 = arith.subi %rev3A_2442, %rev3A_2443 : vector<16xi32>
            %rev3A_2445 = tpu.dynamic_gather %masked_sort3A_2186[%rev3A_2444] in [0] : vector<16xf32>, vector<16xi32> -> vector<16xf32>
            %rev3A_2446 = arith.constant 15 : i32
            %rev3A_2447 = vector.broadcast %rev3A_2446 : i32 to vector<16xi32>
            %rev3A_2448 = tpu.iota {dimensions = array<i32: 0>} : vector<16xi32>
            %rev3A_2449 = arith.subi %rev3A_2447, %rev3A_2448 : vector<16xi32>
            %rev3A_2450 = tpu.dynamic_gather %masked_sort3A_2187[%rev3A_2449] in [0] : vector<16xi32>, vector<16xi32> -> vector<16xi32>
            %lt3A_2451 = arith.cmpf olt, %rev3A_2445, %masked_sort3A_2178 : vector<16xf32>
            %select_n3A_2452 = arith.select %lt3A_2451, %rev3A_2445, %masked_sort3A_2178 : vector<16xi1>, vector<16xf32>
            %select_n3A_2453 = arith.select %lt3A_2451, %rev3A_2450, %masked_sort3A_2179 : vector<16xi1>, vector<16xi32>
            %masked_sort3A_2454 = arith.constant dense<true> : vector<16xi1>
            %masked_sort3A_2455, %masked_sort3A_2456, %masked_sort3A_2457 = tpu.sort %select_n3A_2452, %select_n3A_2453 masked %masked_sort3A_2454 : (vector<16xf32>, vector<16xi32>, vector<16xi1>) -> (vector<16xi1>, vector<16xf32>, vector<16xi32>)
            %rev3A_2458 = arith.constant 15 : i32
            %rev3A_2459 = vector.broadcast %rev3A_2458 : i32 to vector<16xi32>
            %rev3A_2460 = tpu.iota {dimensions = array<i32: 0>} : vector<16xi32>
            %rev3A_2461 = arith.subi %rev3A_2459, %rev3A_2460 : vector<16xi32>
            %rev3A_2462 = tpu.dynamic_gather %masked_sort3A_2202[%rev3A_2461] in [0] : vector<16xf32>, vector<16xi32> -> vector<16xf32>
            %rev3A_2463 = arith.constant 15 : i32
            %rev3A_2464 = vector.broadcast %rev3A_2463 : i32 to vector<16xi32>
            %rev3A_2465 = tpu.iota {dimensions = array<i32: 0>} : vector<16xi32>
            %rev3A_2466 = arith.subi %rev3A_2464, %rev3A_2465 : vector<16xi32>
            %rev3A_2467 = tpu.dynamic_gather %masked_sort3A_2203[%rev3A_2466] in [0] : vector<16xi32>, vector<16xi32> -> vector<16xi32>
            %lt3A_2468 = arith.cmpf olt, %rev3A_2462, %masked_sort3A_2194 : vector<16xf32>
            %select_n3A_2469 = arith.select %lt3A_2468, %rev3A_2462, %masked_sort3A_2194 : vector<16xi1>, vector<16xf32>
            %select_n3A_2470 = arith.select %lt3A_2468, %rev3A_2467, %masked_sort3A_2195 : vector<16xi1>, vector<16xi32>
            %masked_sort3A_2471 = arith.constant dense<true> : vector<16xi1>
            %masked_sort3A_2472, %masked_sort3A_2473, %masked_sort3A_2474 = tpu.sort %select_n3A_2469, %select_n3A_2470 masked %masked_sort3A_2471 : (vector<16xf32>, vector<16xi32>, vector<16xi1>) -> (vector<16xi1>, vector<16xf32>, vector<16xi32>)
            %rev3A_2475 = arith.constant 15 : i32
            %rev3A_2476 = vector.broadcast %rev3A_2475 : i32 to vector<16xi32>
            %rev3A_2477 = tpu.iota {dimensions = array<i32: 0>} : vector<16xi32>
            %rev3A_2478 = arith.subi %rev3A_2476, %rev3A_2477 : vector<16xi32>
            %rev3A_2479 = tpu.dynamic_gather %masked_sort3A_2235[%rev3A_2478] in [0] : vector<16xf32>, vector<16xi32> -> vector<16xf32>
            %rev3A_2480 = arith.constant 15 : i32
            %rev3A_2481 = vector.broadcast %rev3A_2480 : i32 to vector<16xi32>
            %rev3A_2482 = tpu.iota {dimensions = array<i32: 0>} : vector<16xi32>
            %rev3A_2483 = arith.subi %rev3A_2481, %rev3A_2482 : vector<16xi32>
            %rev3A_2484 = tpu.dynamic_gather %masked_sort3A_2236[%rev3A_2483] in [0] : vector<16xi32>, vector<16xi32> -> vector<16xi32>
            %lt3A_2485 = arith.cmpf olt, %rev3A_2479, %masked_sort3A_2218 : vector<16xf32>
            %select_n3A_2486 = arith.select %lt3A_2485, %rev3A_2479, %masked_sort3A_2218 : vector<16xi1>, vector<16xf32>
            %select_n3A_2487 = arith.select %lt3A_2485, %rev3A_2484, %masked_sort3A_2219 : vector<16xi1>, vector<16xi32>
            %masked_sort3A_2488 = arith.constant dense<true> : vector<16xi1>
            %masked_sort3A_2489, %masked_sort3A_2490, %masked_sort3A_2491 = tpu.sort %select_n3A_2486, %select_n3A_2487 masked %masked_sort3A_2488 : (vector<16xf32>, vector<16xi32>, vector<16xi1>) -> (vector<16xi1>, vector<16xf32>, vector<16xi32>)
            %rev3A_2492 = arith.constant 15 : i32
            %rev3A_2493 = vector.broadcast %rev3A_2492 : i32 to vector<16xi32>
            %rev3A_2494 = tpu.iota {dimensions = array<i32: 0>} : vector<16xi32>
            %rev3A_2495 = arith.subi %rev3A_2493, %rev3A_2494 : vector<16xi32>
            %rev3A_2496 = tpu.dynamic_gather %masked_sort3A_2269[%rev3A_2495] in [0] : vector<16xf32>, vector<16xi32> -> vector<16xf32>
            %rev3A_2497 = arith.constant 15 : i32
            %rev3A_2498 = vector.broadcast %rev3A_2497 : i32 to vector<16xi32>
            %rev3A_2499 = tpu.iota {dimensions = array<i32: 0>} : vector<16xi32>
            %rev3A_2500 = arith.subi %rev3A_2498, %rev3A_2499 : vector<16xi32>
            %rev3A_2501 = tpu.dynamic_gather %masked_sort3A_2270[%rev3A_2500] in [0] : vector<16xi32>, vector<16xi32> -> vector<16xi32>
            %lt3A_2502 = arith.cmpf olt, %rev3A_2496, %masked_sort3A_2252 : vector<16xf32>
            %select_n3A_2503 = arith.select %lt3A_2502, %rev3A_2496, %masked_sort3A_2252 : vector<16xi1>, vector<16xf32>
            %select_n3A_2504 = arith.select %lt3A_2502, %rev3A_2501, %masked_sort3A_2253 : vector<16xi1>, vector<16xi32>
            %masked_sort3A_2505 = arith.constant dense<true> : vector<16xi1>
            %masked_sort3A_2506, %masked_sort3A_2507, %masked_sort3A_2508 = tpu.sort %select_n3A_2503, %select_n3A_2504 masked %masked_sort3A_2505 : (vector<16xf32>, vector<16xi32>, vector<16xi1>) -> (vector<16xi1>, vector<16xf32>, vector<16xi32>)
            %rev3A_2509 = arith.constant 15 : i32
            %rev3A_2510 = vector.broadcast %rev3A_2509 : i32 to vector<16xi32>
            %rev3A_2511 = tpu.iota {dimensions = array<i32: 0>} : vector<16xi32>
            %rev3A_2512 = arith.subi %rev3A_2510, %rev3A_2511 : vector<16xi32>
            %rev3A_2513 = tpu.dynamic_gather %masked_sort3A_2303[%rev3A_2512] in [0] : vector<16xf32>, vector<16xi32> -> vector<16xf32>
            %rev3A_2514 = arith.constant 15 : i32
            %rev3A_2515 = vector.broadcast %rev3A_2514 : i32 to vector<16xi32>
            %rev3A_2516 = tpu.iota {dimensions = array<i32: 0>} : vector<16xi32>
            %rev3A_2517 = arith.subi %rev3A_2515, %rev3A_2516 : vector<16xi32>
            %rev3A_2518 = tpu.dynamic_gather %masked_sort3A_2304[%rev3A_2517] in [0] : vector<16xi32>, vector<16xi32> -> vector<16xi32>
            %lt3A_2519 = arith.cmpf olt, %rev3A_2513, %masked_sort3A_2286 : vector<16xf32>
            %select_n3A_2520 = arith.select %lt3A_2519, %rev3A_2513, %masked_sort3A_2286 : vector<16xi1>, vector<16xf32>
            %select_n3A_2521 = arith.select %lt3A_2519, %rev3A_2518, %masked_sort3A_2287 : vector<16xi1>, vector<16xi32>
            %masked_sort3A_2522 = arith.constant dense<true> : vector<16xi1>
            %masked_sort3A_2523, %masked_sort3A_2524, %masked_sort3A_2525 = tpu.sort %select_n3A_2520, %select_n3A_2521 masked %masked_sort3A_2522 : (vector<16xf32>, vector<16xi32>, vector<16xi1>) -> (vector<16xi1>, vector<16xf32>, vector<16xi32>)
            %rev3A_2526 = arith.constant 15 : i32
            %rev3A_2527 = vector.broadcast %rev3A_2526 : i32 to vector<16xi32>
            %rev3A_2528 = tpu.iota {dimensions = array<i32: 0>} : vector<16xi32>
            %rev3A_2529 = arith.subi %rev3A_2527, %rev3A_2528 : vector<16xi32>
            %rev3A_2530 = tpu.dynamic_gather %masked_sort3A_2337[%rev3A_2529] in [0] : vector<16xf32>, vector<16xi32> -> vector<16xf32>
            %rev3A_2531 = arith.constant 15 : i32
            %rev3A_2532 = vector.broadcast %rev3A_2531 : i32 to vector<16xi32>
            %rev3A_2533 = tpu.iota {dimensions = array<i32: 0>} : vector<16xi32>
            %rev3A_2534 = arith.subi %rev3A_2532, %rev3A_2533 : vector<16xi32>
            %rev3A_2535 = tpu.dynamic_gather %masked_sort3A_2338[%rev3A_2534] in [0] : vector<16xi32>, vector<16xi32> -> vector<16xi32>
            %lt3A_2536 = arith.cmpf olt, %rev3A_2530, %masked_sort3A_2320 : vector<16xf32>
            %select_n3A_2537 = arith.select %lt3A_2536, %rev3A_2530, %masked_sort3A_2320 : vector<16xi1>, vector<16xf32>
            %select_n3A_2538 = arith.select %lt3A_2536, %rev3A_2535, %masked_sort3A_2321 : vector<16xi1>, vector<16xi32>
            %masked_sort3A_2539 = arith.constant dense<true> : vector<16xi1>
            %masked_sort3A_2540, %masked_sort3A_2541, %masked_sort3A_2542 = tpu.sort %select_n3A_2537, %select_n3A_2538 masked %masked_sort3A_2539 : (vector<16xf32>, vector<16xi32>, vector<16xi1>) -> (vector<16xi1>, vector<16xf32>, vector<16xi32>)
            %rev3A_2543 = arith.constant 15 : i32
            %rev3A_2544 = vector.broadcast %rev3A_2543 : i32 to vector<16xi32>
            %rev3A_2545 = tpu.iota {dimensions = array<i32: 0>} : vector<16xi32>
            %rev3A_2546 = arith.subi %rev3A_2544, %rev3A_2545 : vector<16xi32>
            %rev3A_2547 = tpu.dynamic_gather %masked_sort3A_2371[%rev3A_2546] in [0] : vector<16xf32>, vector<16xi32> -> vector<16xf32>
            %rev3A_2548 = arith.constant 15 : i32
            %rev3A_2549 = vector.broadcast %rev3A_2548 : i32 to vector<16xi32>
            %rev3A_2550 = tpu.iota {dimensions = array<i32: 0>} : vector<16xi32>
            %rev3A_2551 = arith.subi %rev3A_2549, %rev3A_2550 : vector<16xi32>
            %rev3A_2552 = tpu.dynamic_gather %masked_sort3A_2372[%rev3A_2551] in [0] : vector<16xi32>, vector<16xi32> -> vector<16xi32>
            %lt3A_2553 = arith.cmpf olt, %rev3A_2547, %masked_sort3A_2354 : vector<16xf32>
            %select_n3A_2554 = arith.select %lt3A_2553, %rev3A_2547, %masked_sort3A_2354 : vector<16xi1>, vector<16xf32>
            %select_n3A_2555 = arith.select %lt3A_2553, %rev3A_2552, %masked_sort3A_2355 : vector<16xi1>, vector<16xi32>
            %masked_sort3A_2556 = arith.constant dense<true> : vector<16xi1>
            %masked_sort3A_2557, %masked_sort3A_2558, %masked_sort3A_2559 = tpu.sort %select_n3A_2554, %select_n3A_2555 masked %masked_sort3A_2556 : (vector<16xf32>, vector<16xi32>, vector<16xi1>) -> (vector<16xi1>, vector<16xf32>, vector<16xi32>)
            %rev3A_2560 = arith.constant 15 : i32
            %rev3A_2561 = vector.broadcast %rev3A_2560 : i32 to vector<16xi32>
            %rev3A_2562 = tpu.iota {dimensions = array<i32: 0>} : vector<16xi32>
            %rev3A_2563 = arith.subi %rev3A_2561, %rev3A_2562 : vector<16xi32>
            %rev3A_2564 = tpu.dynamic_gather %masked_sort3A_2405[%rev3A_2563] in [0] : vector<16xf32>, vector<16xi32> -> vector<16xf32>
            %rev3A_2565 = arith.constant 15 : i32
            %rev3A_2566 = vector.broadcast %rev3A_2565 : i32 to vector<16xi32>
            %rev3A_2567 = tpu.iota {dimensions = array<i32: 0>} : vector<16xi32>
            %rev3A_2568 = arith.subi %rev3A_2566, %rev3A_2567 : vector<16xi32>
            %rev3A_2569 = tpu.dynamic_gather %masked_sort3A_2406[%rev3A_2568] in [0] : vector<16xi32>, vector<16xi32> -> vector<16xi32>
            %lt3A_2570 = arith.cmpf olt, %rev3A_2564, %masked_sort3A_2388 : vector<16xf32>
            %select_n3A_2571 = arith.select %lt3A_2570, %rev3A_2564, %masked_sort3A_2388 : vector<16xi1>, vector<16xf32>
            %select_n3A_2572 = arith.select %lt3A_2570, %rev3A_2569, %masked_sort3A_2389 : vector<16xi1>, vector<16xi32>
            %masked_sort3A_2573 = arith.constant dense<true> : vector<16xi1>
            %masked_sort3A_2574, %masked_sort3A_2575, %masked_sort3A_2576 = tpu.sort %select_n3A_2571, %select_n3A_2572 masked %masked_sort3A_2573 : (vector<16xf32>, vector<16xi32>, vector<16xi1>) -> (vector<16xi1>, vector<16xf32>, vector<16xi32>)
            %rev3A_2577 = arith.constant 15 : i32
            %rev3A_2578 = vector.broadcast %rev3A_2577 : i32 to vector<16xi32>
            %rev3A_2579 = tpu.iota {dimensions = array<i32: 0>} : vector<16xi32>
            %rev3A_2580 = arith.subi %rev3A_2578, %rev3A_2579 : vector<16xi32>
            %rev3A_2581 = tpu.dynamic_gather %masked_sort3A_2439[%rev3A_2580] in [0] : vector<16xf32>, vector<16xi32> -> vector<16xf32>
            %rev3A_2582 = arith.constant 15 : i32
            %rev3A_2583 = vector.broadcast %rev3A_2582 : i32 to vector<16xi32>
            %rev3A_2584 = tpu.iota {dimensions = array<i32: 0>} : vector<16xi32>
            %rev3A_2585 = arith.subi %rev3A_2583, %rev3A_2584 : vector<16xi32>
            %rev3A_2586 = tpu.dynamic_gather %masked_sort3A_2440[%rev3A_2585] in [0] : vector<16xi32>, vector<16xi32> -> vector<16xi32>
            %lt3A_2587 = arith.cmpf olt, %rev3A_2581, %masked_sort3A_2422 : vector<16xf32>
            %select_n3A_2588 = arith.select %lt3A_2587, %rev3A_2581, %masked_sort3A_2422 : vector<16xi1>, vector<16xf32>
            %select_n3A_2589 = arith.select %lt3A_2587, %rev3A_2586, %masked_sort3A_2423 : vector<16xi1>, vector<16xi32>
            %masked_sort3A_2590 = arith.constant dense<true> : vector<16xi1>
            %masked_sort3A_2591, %masked_sort3A_2592, %masked_sort3A_2593 = tpu.sort %select_n3A_2588, %select_n3A_2589 masked %masked_sort3A_2590 : (vector<16xf32>, vector<16xi32>, vector<16xi1>) -> (vector<16xi1>, vector<16xf32>, vector<16xi32>)
            %rev3A_2594 = arith.constant 15 : i32
            %rev3A_2595 = vector.broadcast %rev3A_2594 : i32 to vector<16xi32>
            %rev3A_2596 = tpu.iota {dimensions = array<i32: 0>} : vector<16xi32>
            %rev3A_2597 = arith.subi %rev3A_2595, %rev3A_2596 : vector<16xi32>
            %rev3A_2598 = tpu.dynamic_gather %masked_sort3A_2473[%rev3A_2597] in [0] : vector<16xf32>, vector<16xi32> -> vector<16xf32>
            %rev3A_2599 = arith.constant 15 : i32
            %rev3A_2600 = vector.broadcast %rev3A_2599 : i32 to vector<16xi32>
            %rev3A_2601 = tpu.iota {dimensions = array<i32: 0>} : vector<16xi32>
            %rev3A_2602 = arith.subi %rev3A_2600, %rev3A_2601 : vector<16xi32>
            %rev3A_2603 = tpu.dynamic_gather %masked_sort3A_2474[%rev3A_2602] in [0] : vector<16xi32>, vector<16xi32> -> vector<16xi32>
            %lt3A_2604 = arith.cmpf olt, %rev3A_2598, %masked_sort3A_2456 : vector<16xf32>
            %select_n3A_2605 = arith.select %lt3A_2604, %rev3A_2598, %masked_sort3A_2456 : vector<16xi1>, vector<16xf32>
            %select_n3A_2606 = arith.select %lt3A_2604, %rev3A_2603, %masked_sort3A_2457 : vector<16xi1>, vector<16xi32>
            %masked_sort3A_2607 = arith.constant dense<true> : vector<16xi1>
            %masked_sort3A_2608, %masked_sort3A_2609, %masked_sort3A_2610 = tpu.sort %select_n3A_2605, %select_n3A_2606 masked %masked_sort3A_2607 : (vector<16xf32>, vector<16xi32>, vector<16xi1>) -> (vector<16xi1>, vector<16xf32>, vector<16xi32>)
            %rev3A_2611 = arith.constant 15 : i32
            %rev3A_2612 = vector.broadcast %rev3A_2611 : i32 to vector<16xi32>
            %rev3A_2613 = tpu.iota {dimensions = array<i32: 0>} : vector<16xi32>
            %rev3A_2614 = arith.subi %rev3A_2612, %rev3A_2613 : vector<16xi32>
            %rev3A_2615 = tpu.dynamic_gather %masked_sort3A_2507[%rev3A_2614] in [0] : vector<16xf32>, vector<16xi32> -> vector<16xf32>
            %rev3A_2616 = arith.constant 15 : i32
            %rev3A_2617 = vector.broadcast %rev3A_2616 : i32 to vector<16xi32>
            %rev3A_2618 = tpu.iota {dimensions = array<i32: 0>} : vector<16xi32>
            %rev3A_2619 = arith.subi %rev3A_2617, %rev3A_2618 : vector<16xi32>
            %rev3A_2620 = tpu.dynamic_gather %masked_sort3A_2508[%rev3A_2619] in [0] : vector<16xi32>, vector<16xi32> -> vector<16xi32>
            %lt3A_2621 = arith.cmpf olt, %rev3A_2615, %masked_sort3A_2490 : vector<16xf32>
            %select_n3A_2622 = arith.select %lt3A_2621, %rev3A_2615, %masked_sort3A_2490 : vector<16xi1>, vector<16xf32>
            %select_n3A_2623 = arith.select %lt3A_2621, %rev3A_2620, %masked_sort3A_2491 : vector<16xi1>, vector<16xi32>
            %masked_sort3A_2624 = arith.constant dense<true> : vector<16xi1>
            %masked_sort3A_2625, %masked_sort3A_2626, %masked_sort3A_2627 = tpu.sort %select_n3A_2622, %select_n3A_2623 masked %masked_sort3A_2624 : (vector<16xf32>, vector<16xi32>, vector<16xi1>) -> (vector<16xi1>, vector<16xf32>, vector<16xi32>)
            %rev3A_2628 = arith.constant 15 : i32
            %rev3A_2629 = vector.broadcast %rev3A_2628 : i32 to vector<16xi32>
            %rev3A_2630 = tpu.iota {dimensions = array<i32: 0>} : vector<16xi32>
            %rev3A_2631 = arith.subi %rev3A_2629, %rev3A_2630 : vector<16xi32>
            %rev3A_2632 = tpu.dynamic_gather %masked_sort3A_2541[%rev3A_2631] in [0] : vector<16xf32>, vector<16xi32> -> vector<16xf32>
            %rev3A_2633 = arith.constant 15 : i32
            %rev3A_2634 = vector.broadcast %rev3A_2633 : i32 to vector<16xi32>
            %rev3A_2635 = tpu.iota {dimensions = array<i32: 0>} : vector<16xi32>
            %rev3A_2636 = arith.subi %rev3A_2634, %rev3A_2635 : vector<16xi32>
            %rev3A_2637 = tpu.dynamic_gather %masked_sort3A_2542[%rev3A_2636] in [0] : vector<16xi32>, vector<16xi32> -> vector<16xi32>
            %lt3A_2638 = arith.cmpf olt, %rev3A_2632, %masked_sort3A_2524 : vector<16xf32>
            %select_n3A_2639 = arith.select %lt3A_2638, %rev3A_2632, %masked_sort3A_2524 : vector<16xi1>, vector<16xf32>
            %select_n3A_2640 = arith.select %lt3A_2638, %rev3A_2637, %masked_sort3A_2525 : vector<16xi1>, vector<16xi32>
            %masked_sort3A_2641 = arith.constant dense<true> : vector<16xi1>
            %masked_sort3A_2642, %masked_sort3A_2643, %masked_sort3A_2644 = tpu.sort %select_n3A_2639, %select_n3A_2640 masked %masked_sort3A_2641 : (vector<16xf32>, vector<16xi32>, vector<16xi1>) -> (vector<16xi1>, vector<16xf32>, vector<16xi32>)
            %rev3A_2645 = arith.constant 15 : i32
            %rev3A_2646 = vector.broadcast %rev3A_2645 : i32 to vector<16xi32>
            %rev3A_2647 = tpu.iota {dimensions = array<i32: 0>} : vector<16xi32>
            %rev3A_2648 = arith.subi %rev3A_2646, %rev3A_2647 : vector<16xi32>
            %rev3A_2649 = tpu.dynamic_gather %masked_sort3A_2575[%rev3A_2648] in [0] : vector<16xf32>, vector<16xi32> -> vector<16xf32>
            %rev3A_2650 = arith.constant 15 : i32
            %rev3A_2651 = vector.broadcast %rev3A_2650 : i32 to vector<16xi32>
            %rev3A_2652 = tpu.iota {dimensions = array<i32: 0>} : vector<16xi32>
            %rev3A_2653 = arith.subi %rev3A_2651, %rev3A_2652 : vector<16xi32>
            %rev3A_2654 = tpu.dynamic_gather %masked_sort3A_2576[%rev3A_2653] in [0] : vector<16xi32>, vector<16xi32> -> vector<16xi32>
            %lt3A_2655 = arith.cmpf olt, %rev3A_2649, %masked_sort3A_2558 : vector<16xf32>
            %select_n3A_2656 = arith.select %lt3A_2655, %rev3A_2649, %masked_sort3A_2558 : vector<16xi1>, vector<16xf32>
            %select_n3A_2657 = arith.select %lt3A_2655, %rev3A_2654, %masked_sort3A_2559 : vector<16xi1>, vector<16xi32>
            %masked_sort3A_2658 = arith.constant dense<true> : vector<16xi1>
            %masked_sort3A_2659, %masked_sort3A_2660, %masked_sort3A_2661 = tpu.sort %select_n3A_2656, %select_n3A_2657 masked %masked_sort3A_2658 : (vector<16xf32>, vector<16xi32>, vector<16xi1>) -> (vector<16xi1>, vector<16xf32>, vector<16xi32>)
            %rev3A_2662 = arith.constant 15 : i32
            %rev3A_2663 = vector.broadcast %rev3A_2662 : i32 to vector<16xi32>
            %rev3A_2664 = tpu.iota {dimensions = array<i32: 0>} : vector<16xi32>
            %rev3A_2665 = arith.subi %rev3A_2663, %rev3A_2664 : vector<16xi32>
            %rev3A_2666 = tpu.dynamic_gather %masked_sort3A_2609[%rev3A_2665] in [0] : vector<16xf32>, vector<16xi32> -> vector<16xf32>
            %rev3A_2667 = arith.constant 15 : i32
            %rev3A_2668 = vector.broadcast %rev3A_2667 : i32 to vector<16xi32>
            %rev3A_2669 = tpu.iota {dimensions = array<i32: 0>} : vector<16xi32>
            %rev3A_2670 = arith.subi %rev3A_2668, %rev3A_2669 : vector<16xi32>
            %rev3A_2671 = tpu.dynamic_gather %masked_sort3A_2610[%rev3A_2670] in [0] : vector<16xi32>, vector<16xi32> -> vector<16xi32>
            %lt3A_2672 = arith.cmpf olt, %rev3A_2666, %masked_sort3A_2592 : vector<16xf32>
            %select_n3A_2673 = arith.select %lt3A_2672, %rev3A_2666, %masked_sort3A_2592 : vector<16xi1>, vector<16xf32>
            %select_n3A_2674 = arith.select %lt3A_2672, %rev3A_2671, %masked_sort3A_2593 : vector<16xi1>, vector<16xi32>
            %masked_sort3A_2675 = arith.constant dense<true> : vector<16xi1>
            %masked_sort3A_2676, %masked_sort3A_2677, %masked_sort3A_2678 = tpu.sort %select_n3A_2673, %select_n3A_2674 masked %masked_sort3A_2675 : (vector<16xf32>, vector<16xi32>, vector<16xi1>) -> (vector<16xi1>, vector<16xf32>, vector<16xi32>)
            %rev3A_2679 = arith.constant 15 : i32
            %rev3A_2680 = vector.broadcast %rev3A_2679 : i32 to vector<16xi32>
            %rev3A_2681 = tpu.iota {dimensions = array<i32: 0>} : vector<16xi32>
            %rev3A_2682 = arith.subi %rev3A_2680, %rev3A_2681 : vector<16xi32>
            %rev3A_2683 = tpu.dynamic_gather %masked_sort3A_2643[%rev3A_2682] in [0] : vector<16xf32>, vector<16xi32> -> vector<16xf32>
            %rev3A_2684 = arith.constant 15 : i32
            %rev3A_2685 = vector.broadcast %rev3A_2684 : i32 to vector<16xi32>
            %rev3A_2686 = tpu.iota {dimensions = array<i32: 0>} : vector<16xi32>
            %rev3A_2687 = arith.subi %rev3A_2685, %rev3A_2686 : vector<16xi32>
            %rev3A_2688 = tpu.dynamic_gather %masked_sort3A_2644[%rev3A_2687] in [0] : vector<16xi32>, vector<16xi32> -> vector<16xi32>
            %lt3A_2689 = arith.cmpf olt, %rev3A_2683, %masked_sort3A_2626 : vector<16xf32>
            %select_n3A_2690 = arith.select %lt3A_2689, %rev3A_2683, %masked_sort3A_2626 : vector<16xi1>, vector<16xf32>
            %select_n3A_2691 = arith.select %lt3A_2689, %rev3A_2688, %masked_sort3A_2627 : vector<16xi1>, vector<16xi32>
            %masked_sort3A_2692 = arith.constant dense<true> : vector<16xi1>
            %masked_sort3A_2693, %masked_sort3A_2694, %masked_sort3A_2695 = tpu.sort %select_n3A_2690, %select_n3A_2691 masked %masked_sort3A_2692 : (vector<16xf32>, vector<16xi32>, vector<16xi1>) -> (vector<16xi1>, vector<16xf32>, vector<16xi32>)
            %rev3A_2696 = arith.constant 15 : i32
            %rev3A_2697 = vector.broadcast %rev3A_2696 : i32 to vector<16xi32>
            %rev3A_2698 = tpu.iota {dimensions = array<i32: 0>} : vector<16xi32>
            %rev3A_2699 = arith.subi %rev3A_2697, %rev3A_2698 : vector<16xi32>
            %rev3A_2700 = tpu.dynamic_gather %masked_sort3A_2677[%rev3A_2699] in [0] : vector<16xf32>, vector<16xi32> -> vector<16xf32>
            %rev3A_2701 = arith.constant 15 : i32
            %rev3A_2702 = vector.broadcast %rev3A_2701 : i32 to vector<16xi32>
            %rev3A_2703 = tpu.iota {dimensions = array<i32: 0>} : vector<16xi32>
            %rev3A_2704 = arith.subi %rev3A_2702, %rev3A_2703 : vector<16xi32>
            %rev3A_2705 = tpu.dynamic_gather %masked_sort3A_2678[%rev3A_2704] in [0] : vector<16xi32>, vector<16xi32> -> vector<16xi32>
            %lt3A_2706 = arith.cmpf olt, %rev3A_2700, %masked_sort3A_2660 : vector<16xf32>
            %select_n3A_2707 = arith.select %lt3A_2706, %rev3A_2700, %masked_sort3A_2660 : vector<16xi1>, vector<16xf32>
            %select_n3A_2708 = arith.select %lt3A_2706, %rev3A_2705, %masked_sort3A_2661 : vector<16xi1>, vector<16xi32>
            %masked_sort3A_2709 = arith.constant dense<true> : vector<16xi1>
            %masked_sort3A_2710, %masked_sort3A_2711, %masked_sort3A_2712 = tpu.sort %select_n3A_2707, %select_n3A_2708 masked %masked_sort3A_2709 : (vector<16xf32>, vector<16xi32>, vector<16xi1>) -> (vector<16xi1>, vector<16xf32>, vector<16xi32>)
            %rev3A_2713 = arith.constant 15 : i32
            %rev3A_2714 = vector.broadcast %rev3A_2713 : i32 to vector<16xi32>
            %rev3A_2715 = tpu.iota {dimensions = array<i32: 0>} : vector<16xi32>
            %rev3A_2716 = arith.subi %rev3A_2714, %rev3A_2715 : vector<16xi32>
            %rev3A_2717 = tpu.dynamic_gather %masked_sort3A_2711[%rev3A_2716] in [0] : vector<16xf32>, vector<16xi32> -> vector<16xf32>
            %rev3A_2718 = arith.constant 15 : i32
            %rev3A_2719 = vector.broadcast %rev3A_2718 : i32 to vector<16xi32>
            %rev3A_2720 = tpu.iota {dimensions = array<i32: 0>} : vector<16xi32>
            %rev3A_2721 = arith.subi %rev3A_2719, %rev3A_2720 : vector<16xi32>
            %rev3A_2722 = tpu.dynamic_gather %masked_sort3A_2712[%rev3A_2721] in [0] : vector<16xi32>, vector<16xi32> -> vector<16xi32>
            %lt3A_2723 = arith.cmpf olt, %rev3A_2717, %masked_sort3A_2694 : vector<16xf32>
            %select_n3A_2724 = arith.select %lt3A_2723, %rev3A_2717, %masked_sort3A_2694 : vector<16xi1>, vector<16xf32>
            %select_n3A_2725 = arith.select %lt3A_2723, %rev3A_2722, %masked_sort3A_2695 : vector<16xi1>, vector<16xi32>
            %masked_sort3A_2726 = arith.constant dense<true> : vector<16xi1>
            %masked_sort3A_2727, %masked_sort3A_2728, %masked_sort3A_2729 = tpu.sort %select_n3A_2724, %select_n3A_2725 masked %masked_sort3A_2726 : (vector<16xf32>, vector<16xi32>, vector<16xi1>) -> (vector<16xi1>, vector<16xf32>, vector<16xi32>)
            %mul3A_2730 = arith.constant 16 : i32
            %mul3A_2731 = arith.muli %scan3A_242, %mul3A_2730 : i32
            %get3A_2732 = arith.index_cast %mul3A_2731 : i32 to index
            %get3A_2733 = tpu.vector_load %arg20[%get3A_2732] {strides = array<i32>} : memref<512xf32, #tpu.memory_space<vmem>>, vector<16xf32>,
            %mul3A_2734 = arith.constant 16 : i32
            %mul3A_2735 = arith.muli %scan3A_242, %mul3A_2734 : i32
            %get3A_2736 = arith.index_cast %mul3A_2735 : i32 to index
            %get3A_2737 = tpu.vector_load %arg21[%get3A_2736] {strides = array<i32>} : memref<512xi32, #tpu.memory_space<vmem>>, vector<16xi32>,
            %rev3A_2738 = arith.constant 15 : i32
            %rev3A_2739 = vector.broadcast %rev3A_2738 : i32 to vector<16xi32>
            %rev3A_2740 = tpu.iota {dimensions = array<i32: 0>} : vector<16xi32>
            %rev3A_2741 = arith.subi %rev3A_2739, %rev3A_2740 : vector<16xi32>
            %rev3A_2742 = tpu.dynamic_gather %masked_sort3A_2728[%rev3A_2741] in [0] : vector<16xf32>, vector<16xi32> -> vector<16xf32>
            %rev3A_2743 = arith.constant 15 : i32
            %rev3A_2744 = vector.broadcast %rev3A_2743 : i32 to vector<16xi32>
            %rev3A_2745 = tpu.iota {dimensions = array<i32: 0>} : vector<16xi32>
            %rev3A_2746 = arith.subi %rev3A_2744, %rev3A_2745 : vector<16xi32>
            %rev3A_2747 = tpu.dynamic_gather %masked_sort3A_2729[%rev3A_2746] in [0] : vector<16xi32>, vector<16xi32> -> vector<16xi32>
            %lt3A_2748 = arith.cmpf olt, %rev3A_2742, %get3A_2733 : vector<16xf32>
            %select_n3A_2749 = arith.select %lt3A_2748, %rev3A_2742, %get3A_2733 : vector<16xi1>, vector<16xf32>
            %select_n3A_2750 = arith.select %lt3A_2748, %rev3A_2747, %get3A_2737 : vector<16xi1>, vector<16xi32>
            %masked_sort3A_2751 = arith.constant dense<true> : vector<16xi1>
            %masked_sort3A_2752, %masked_sort3A_2753, %masked_sort3A_2754 = tpu.sort %select_n3A_2749, %select_n3A_2750 masked %masked_sort3A_2751 : (vector<16xf32>, vector<16xi32>, vector<16xi1>) -> (vector<16xi1>, vector<16xf32>, vector<16xi32>)
            %mul3A_2755 = arith.constant 16 : i32
            %mul3A_2756 = arith.muli %scan3A_242, %mul3A_2755 : i32
            %swap3A_2757 = arith.index_cast %mul3A_2756 : i32 to index
            %swap3A_2758 = tpu.vector_load %arg20[%swap3A_2757] {strides = array<i32>} : memref<512xf32, #tpu.memory_space<vmem>>, vector<16xf32>,
            tpu.vector_store %arg20[%swap3A_2757], %masked_sort3A_2753 {strides = array<i32>} : memref<512xf32, #tpu.memory_space<vmem>>, vector<16xf32>,
            %mul3A_2759 = arith.constant 16 : i32
            %mul3A_2760 = arith.muli %scan3A_242, %mul3A_2759 : i32
            %swap3A_2761 = arith.index_cast %mul3A_2760 : i32 to index
            %swap3A_2762 = tpu.vector_load %arg21[%swap3A_2761] {strides = array<i32>} : memref<512xi32, #tpu.memory_space<vmem>>, vector<16xi32>,
            tpu.vector_store %arg21[%swap3A_2761], %masked_sort3A_2754 {strides = array<i32>} : memref<512xi32, #tpu.memory_space<vmem>>, vector<16xi32>,
            %reduce_max3A_2763 = arith.constant true
            %reduce_max3A_2764 = vector.broadcast %reduce_max3A_2763 : i1 to vector<16xi1>
            %reduce_max3A_2765 = tpu.scan <max>, %masked_sort3A_2753 masked %reduce_max3A_2764 : vector<16xf32>, vector<16xi1> -> vector<16xf32>
            %reduce_max3A_2766 = vector.extract %reduce_max3A_2765[15] : f32 from vector<16xf32>
            %broadcast_in_dim3A_2767 = vector.broadcast %reduce_max3A_2766 : f32 to vector<16xf32>
            scf.yield %broadcast_in_dim3A_2767 : vector<16xf32>
          } else {
            scf.yield %scan3A_419 : vector<16xf32>
          }
          %mul3A_1179 = arith.constant 2 : i32
          %mul3A_1180 = arith.muli %mul3A_1179, %scan3A_418 : i32
          %add3A_1181 = arith.constant 1 : i32
          %add3A_1182 = arith.addi %mul3A_1180, %add3A_1181 : i32
          %mul3A_1183 = arith.constant 512 : i32
          %mul3A_1184 = arith.muli %add3A_1182, %mul3A_1183 : i32
          %jit3A_1185 = arith.constant 2 : i32
          %div3A_1186 = arith.divsi %mul3A_1184, %jit3A_1185 : i32
          %sign3A_1187 = arith.constant 0 : i32
          %sign3A_1188 = arith.cmpi sgt, %mul3A_1184, %sign3A_1187 : i32
          %sign3A_1189 = arith.extui %sign3A_1188 : i1 to i32
          %sign3A_1190 = arith.constant 0 : i32
          %sign3A_1191 = arith.cmpi slt, %mul3A_1184, %sign3A_1190 : i32
          %sign3A_1192 = arith.extui %sign3A_1191 : i1 to i32
          %sign3A_1193 = arith.subi %sign3A_1189, %sign3A_1192 : i32
          %sign3A_1194 = arith.constant 0 : i32
          %sign3A_1195 = arith.cmpi sgt, %jit3A_1185, %sign3A_1194 : i32
          %sign3A_1196 = arith.extui %sign3A_1195 : i1 to i32
          %sign3A_1197 = arith.constant 0 : i32
          %sign3A_1198 = arith.cmpi slt, %jit3A_1185, %sign3A_1197 : i32
          %sign3A_1199 = arith.extui %sign3A_1198 : i1 to i32
          %sign3A_1200 = arith.subi %sign3A_1196, %sign3A_1199 : i32
          %ne3A_1201 = arith.cmpi ne, %sign3A_1193, %sign3A_1200 : i32
          %rem3A_1202 = arith.remsi %mul3A_1184, %jit3A_1185 : i32
          %ne3A_1203 = arith.constant 0 : i32
          %ne3A_1204 = arith.cmpi ne, %rem3A_1202, %ne3A_1203 : i32
          %and3A_1205 = arith.andi %ne3A_1201, %ne3A_1204 : i1
          %sub3A_1206 = arith.constant 1 : i32
          %sub3A_1207 = arith.subi %div3A_1186, %sub3A_1206 : i32
          %select_n3A_1208 = arith.select %and3A_1205, %sub3A_1207, %div3A_1186 : i32
          %add3A_1209 = arith.constant 0 : i32
          %add3A_1210 = arith.addi %select_n3A_1208, %add3A_1209 : i32
          %get3A_1211 = arith.index_cast %add3A_1210 : i32 to index
          %get3A_1212 = tpu.vector_load %arg14[%get3A_1211] {strides = array<i32>} : memref<8192xi32, #tpu.memory_space<vmem>>, vector<16xi32>,
          %bitcast3A_1213 = vector.bitcast %get3A_1212 : vector<16xi32> to vector<32xbf16>
          %unpack3A_1214 = tpu.unpack_subelements %bitcast3A_1213, 0 {pack_format = #tpu.pack_format<interleaved>} : vector<32xbf16> -> vector<16xf32>
          %unpack3A_1215 = tpu.unpack_subelements %bitcast3A_1213, 1 {pack_format = #tpu.pack_format<interleaved>} : vector<32xbf16> -> vector<16xf32>
          %add3A_1216 = arith.constant 0 : i32
          %add3A_1217 = arith.addi %select_n3A_1208, %add3A_1216 : i32
          %get3A_1218 = arith.index_cast %add3A_1217 : i32 to index
          %get3A_1219 = tpu.vector_load %arg15[%get3A_1218] {strides = array<i32>} : memref<8192xi32, #tpu.memory_space<vmem>>, vector<16xi32>,
          %bitcast3A_1220 = vector.bitcast %get3A_1219 : vector<16xi32> to vector<32xbf16>
          %unpack3A_1221 = tpu.unpack_subelements %bitcast3A_1220, 0 {pack_format = #tpu.pack_format<interleaved>} : vector<32xbf16> -> vector<16xf32>
          %unpack3A_1222 = tpu.unpack_subelements %bitcast3A_1220, 1 {pack_format = #tpu.pack_format<interleaved>} : vector<32xbf16> -> vector<16xf32>
          %add3A_1223 = arith.constant 0 : i32
          %add3A_1224 = arith.addi %select_n3A_1208, %add3A_1223 : i32
          %get3A_1225 = arith.index_cast %add3A_1224 : i32 to index
          %get3A_1226 = tpu.vector_load %arg16[%get3A_1225] {strides = array<i32>} : memref<8192xi32, #tpu.memory_space<vmem>>, vector<16xi32>,
          %bitcast3A_1227 = vector.bitcast %get3A_1226 : vector<16xi32> to vector<32xbf16>
          %unpack3A_1228 = tpu.unpack_subelements %bitcast3A_1227, 0 {pack_format = #tpu.pack_format<interleaved>} : vector<32xbf16> -> vector<16xf32>
          %unpack3A_1229 = tpu.unpack_subelements %bitcast3A_1227, 1 {pack_format = #tpu.pack_format<interleaved>} : vector<32xbf16> -> vector<16xf32>
          %mul3A_1230 = arith.mulf %unpack3A_1214, %bitcast3A_372 : vector<16xf32>
          %mul3A_1231 = arith.mulf %unpack3A_1221, %bitcast3A_387 : vector<16xf32>
          %add3A_1232 = arith.addf %mul3A_1230, %mul3A_1231 : vector<16xf32>
          %mul3A_1233 = arith.mulf %unpack3A_1228, %bitcast3A_402 : vector<16xf32>
          %add3A_1234 = arith.addf %add3A_1232, %mul3A_1233 : vector<16xf32>
          %sub3A_1235 = arith.subf %add3A_359, %add3A_1234 : vector<16xf32>
          %add3A_1236 = arith.constant 0 : i32
          %add3A_1237 = arith.addi %mul3A_1184, %add3A_1236 : i32
          %get3A_1238 = arith.index_cast %add3A_1237 : i32 to index
          %get3A_1239 = tpu.vector_load %arg13[%get3A_1238] {strides = array<i32>} : memref<16384xf32, #tpu.memory_space<vmem>>, vector<16xf32>,
          %add3A_1240 = arith.addf %sub3A_1235, %get3A_1239 : vector<16xf32>
          %mul3A_1241 = arith.mulf %unpack3A_1215, %bitcast3A_372 : vector<16xf32>
          %mul3A_1242 = arith.mulf %unpack3A_1222, %bitcast3A_387 : vector<16xf32>
          %add3A_1243 = arith.addf %mul3A_1241, %mul3A_1242 : vector<16xf32>
          %mul3A_1244 = arith.mulf %unpack3A_1229, %bitcast3A_402 : vector<16xf32>
          %add3A_1245 = arith.addf %add3A_1243, %mul3A_1244 : vector<16xf32>
          %sub3A_1246 = arith.subf %add3A_359, %add3A_1245 : vector<16xf32>
          %add3A_1247 = arith.constant 16 : i32
          %add3A_1248 = arith.addi %mul3A_1184, %add3A_1247 : i32
          %get3A_1249 = arith.index_cast %add3A_1248 : i32 to index
          %get3A_1250 = tpu.vector_load %arg13[%get3A_1249] {strides = array<i32>} : memref<16384xf32, #tpu.memory_space<vmem>>, vector<16xf32>,
          %add3A_1251 = arith.addf %sub3A_1246, %get3A_1250 : vector<16xf32>
          %add3A_1252 = arith.constant 16 : i32
          %add3A_1253 = arith.addi %select_n3A_1208, %add3A_1252 : i32
          %get3A_1254 = arith.index_cast %add3A_1253 : i32 to index
          %get3A_1255 = tpu.vector_load %arg14[%get3A_1254] {strides = array<i32>} : memref<8192xi32, #tpu.memory_space<vmem>>, vector<16xi32>,
          %bitcast3A_1256 = vector.bitcast %get3A_1255 : vector<16xi32> to vector<32xbf16>
          %unpack3A_1257 = tpu.unpack_subelements %bitcast3A_1256, 0 {pack_format = #tpu.pack_format<interleaved>} : vector<32xbf16> -> vector<16xf32>
          %unpack3A_1258 = tpu.unpack_subelements %bitcast3A_1256, 1 {pack_format = #tpu.pack_format<interleaved>} : vector<32xbf16> -> vector<16xf32>
          %add3A_1259 = arith.constant 16 : i32
          %add3A_1260 = arith.addi %select_n3A_1208, %add3A_1259 : i32
          %get3A_1261 = arith.index_cast %add3A_1260 : i32 to index
          %get3A_1262 = tpu.vector_load %arg15[%get3A_1261] {strides = array<i32>} : memref<8192xi32, #tpu.memory_space<vmem>>, vector<16xi32>,
          %bitcast3A_1263 = vector.bitcast %get3A_1262 : vector<16xi32> to vector<32xbf16>
          %unpack3A_1264 = tpu.unpack_subelements %bitcast3A_1263, 0 {pack_format = #tpu.pack_format<interleaved>} : vector<32xbf16> -> vector<16xf32>
          %unpack3A_1265 = tpu.unpack_subelements %bitcast3A_1263, 1 {pack_format = #tpu.pack_format<interleaved>} : vector<32xbf16> -> vector<16xf32>
          %add3A_1266 = arith.constant 16 : i32
          %add3A_1267 = arith.addi %select_n3A_1208, %add3A_1266 : i32
          %get3A_1268 = arith.index_cast %add3A_1267 : i32 to index
          %get3A_1269 = tpu.vector_load %arg16[%get3A_1268] {strides = array<i32>} : memref<8192xi32, #tpu.memory_space<vmem>>, vector<16xi32>,
          %bitcast3A_1270 = vector.bitcast %get3A_1269 : vector<16xi32> to vector<32xbf16>
          %unpack3A_1271 = tpu.unpack_subelements %bitcast3A_1270, 0 {pack_format = #tpu.pack_format<interleaved>} : vector<32xbf16> -> vector<16xf32>
          %unpack3A_1272 = tpu.unpack_subelements %bitcast3A_1270, 1 {pack_format = #tpu.pack_format<interleaved>} : vector<32xbf16> -> vector<16xf32>
          %mul3A_1273 = arith.mulf %unpack3A_1257, %bitcast3A_372 : vector<16xf32>
          %mul3A_1274 = arith.mulf %unpack3A_1264, %bitcast3A_387 : vector<16xf32>
          %add3A_1275 = arith.addf %mul3A_1273, %mul3A_1274 : vector<16xf32>
          %mul3A_1276 = arith.mulf %unpack3A_1271, %bitcast3A_402 : vector<16xf32>
          %add3A_1277 = arith.addf %add3A_1275, %mul3A_1276 : vector<16xf32>
          %sub3A_1278 = arith.subf %add3A_359, %add3A_1277 : vector<16xf32>
          %add3A_1279 = arith.constant 32 : i32
          %add3A_1280 = arith.addi %mul3A_1184, %add3A_1279 : i32
          %get3A_1281 = arith.index_cast %add3A_1280 : i32 to index
          %get3A_1282 = tpu.vector_load %arg13[%get3A_1281] {strides = array<i32>} : memref<16384xf32, #tpu.memory_space<vmem>>, vector<16xf32>,
          %add3A_1283 = arith.addf %sub3A_1278, %get3A_1282 : vector<16xf32>
          %mul3A_1284 = arith.mulf %unpack3A_1258, %bitcast3A_372 : vector<16xf32>
          %mul3A_1285 = arith.mulf %unpack3A_1265, %bitcast3A_387 : vector<16xf32>
          %add3A_1286 = arith.addf %mul3A_1284, %mul3A_1285 : vector<16xf32>
          %mul3A_1287 = arith.mulf %unpack3A_1272, %bitcast3A_402 : vector<16xf32>
          %add3A_1288 = arith.addf %add3A_1286, %mul3A_1287 : vector<16xf32>
          %sub3A_1289 = arith.subf %add3A_359, %add3A_1288 : vector<16xf32>
          %add3A_1290 = arith.constant 48 : i32
          %add3A_1291 = arith.addi %mul3A_1184, %add3A_1290 : i32
          %get3A_1292 = arith.index_cast %add3A_1291 : i32 to index
          %get3A_1293 = tpu.vector_load %arg13[%get3A_1292] {strides = array<i32>} : memref<16384xf32, #tpu.memory_space<vmem>>, vector<16xf32>,
          %add3A_1294 = arith.addf %sub3A_1289, %get3A_1293 : vector<16xf32>
          %add3A_1295 = arith.constant 32 : i32
          %add3A_1296 = arith.addi %select_n3A_1208, %add3A_1295 : i32
          %get3A_1297 = arith.index_cast %add3A_1296 : i32 to index
          %get3A_1298 = tpu.vector_load %arg14[%get3A_1297] {strides = array<i32>} : memref<8192xi32, #tpu.memory_space<vmem>>, vector<16xi32>,
          %bitcast3A_1299 = vector.bitcast %get3A_1298 : vector<16xi32> to vector<32xbf16>
          %unpack3A_1300 = tpu.unpack_subelements %bitcast3A_1299, 0 {pack_format = #tpu.pack_format<interleaved>} : vector<32xbf16> -> vector<16xf32>
          %unpack3A_1301 = tpu.unpack_subelements %bitcast3A_1299, 1 {pack_format = #tpu.pack_format<interleaved>} : vector<32xbf16> -> vector<16xf32>
          %add3A_1302 = arith.constant 32 : i32
          %add3A_1303 = arith.addi %select_n3A_1208, %add3A_1302 : i32
          %get3A_1304 = arith.index_cast %add3A_1303 : i32 to index
          %get3A_1305 = tpu.vector_load %arg15[%get3A_1304] {strides = array<i32>} : memref<8192xi32, #tpu.memory_space<vmem>>, vector<16xi32>,
          %bitcast3A_1306 = vector.bitcast %get3A_1305 : vector<16xi32> to vector<32xbf16>
          %unpack3A_1307 = tpu.unpack_subelements %bitcast3A_1306, 0 {pack_format = #tpu.pack_format<interleaved>} : vector<32xbf16> -> vector<16xf32>
          %unpack3A_1308 = tpu.unpack_subelements %bitcast3A_1306, 1 {pack_format = #tpu.pack_format<interleaved>} : vector<32xbf16> -> vector<16xf32>
          %add3A_1309 = arith.constant 32 : i32
          %add3A_1310 = arith.addi %select_n3A_1208, %add3A_1309 : i32
          %get3A_1311 = arith.index_cast %add3A_1310 : i32 to index
          %get3A_1312 = tpu.vector_load %arg16[%get3A_1311] {strides = array<i32>} : memref<8192xi32, #tpu.memory_space<vmem>>, vector<16xi32>,
          %bitcast3A_1313 = vector.bitcast %get3A_1312 : vector<16xi32> to vector<32xbf16>
          %unpack3A_1314 = tpu.unpack_subelements %bitcast3A_1313, 0 {pack_format = #tpu.pack_format<interleaved>} : vector<32xbf16> -> vector<16xf32>
          %unpack3A_1315 = tpu.unpack_subelements %bitcast3A_1313, 1 {pack_format = #tpu.pack_format<interleaved>} : vector<32xbf16> -> vector<16xf32>
          %mul3A_1316 = arith.mulf %unpack3A_1300, %bitcast3A_372 : vector<16xf32>
          %mul3A_1317 = arith.mulf %unpack3A_1307, %bitcast3A_387 : vector<16xf32>
          %add3A_1318 = arith.addf %mul3A_1316, %mul3A_1317 : vector<16xf32>
          %mul3A_1319 = arith.mulf %unpack3A_1314, %bitcast3A_402 : vector<16xf32>
          %add3A_1320 = arith.addf %add3A_1318, %mul3A_1319 : vector<16xf32>
          %sub3A_1321 = arith.subf %add3A_359, %add3A_1320 : vector<16xf32>
          %add3A_1322 = arith.constant 64 : i32
          %add3A_1323 = arith.addi %mul3A_1184, %add3A_1322 : i32
          %get3A_1324 = arith.index_cast %add3A_1323 : i32 to index
          %get3A_1325 = tpu.vector_load %arg13[%get3A_1324] {strides = array<i32>} : memref<16384xf32, #tpu.memory_space<vmem>>, vector<16xf32>,
          %add3A_1326 = arith.addf %sub3A_1321, %get3A_1325 : vector<16xf32>
          %mul3A_1327 = arith.mulf %unpack3A_1301, %bitcast3A_372 : vector<16xf32>
          %mul3A_1328 = arith.mulf %unpack3A_1308, %bitcast3A_387 : vector<16xf32>
          %add3A_1329 = arith.addf %mul3A_1327, %mul3A_1328 : vector<16xf32>
          %mul3A_1330 = arith.mulf %unpack3A_1315, %bitcast3A_402 : vector<16xf32>
          %add3A_1331 = arith.addf %add3A_1329, %mul3A_1330 : vector<16xf32>
          %sub3A_1332 = arith.subf %add3A_359, %add3A_1331 : vector<16xf32>
          %add3A_1333 = arith.constant 80 : i32
          %add3A_1334 = arith.addi %mul3A_1184, %add3A_1333 : i32
          %get3A_1335 = arith.index_cast %add3A_1334 : i32 to index
          %get3A_1336 = tpu.vector_load %arg13[%get3A_1335] {strides = array<i32>} : memref<16384xf32, #tpu.memory_space<vmem>>, vector<16xf32>,
          %add3A_1337 = arith.addf %sub3A_1332, %get3A_1336 : vector<16xf32>
          %add3A_1338 = arith.constant 48 : i32
          %add3A_1339 = arith.addi %select_n3A_1208, %add3A_1338 : i32
          %get3A_1340 = arith.index_cast %add3A_1339 : i32 to index
          %get3A_1341 = tpu.vector_load %arg14[%get3A_1340] {strides = array<i32>} : memref<8192xi32, #tpu.memory_space<vmem>>, vector<16xi32>,
          %bitcast3A_1342 = vector.bitcast %get3A_1341 : vector<16xi32> to vector<32xbf16>
          %unpack3A_1343 = tpu.unpack_subelements %bitcast3A_1342, 0 {pack_format = #tpu.pack_format<interleaved>} : vector<32xbf16> -> vector<16xf32>
          %unpack3A_1344 = tpu.unpack_subelements %bitcast3A_1342, 1 {pack_format = #tpu.pack_format<interleaved>} : vector<32xbf16> -> vector<16xf32>
          %add3A_1345 = arith.constant 48 : i32
          %add3A_1346 = arith.addi %select_n3A_1208, %add3A_1345 : i32
          %get3A_1347 = arith.index_cast %add3A_1346 : i32 to index
          %get3A_1348 = tpu.vector_load %arg15[%get3A_1347] {strides = array<i32>} : memref<8192xi32, #tpu.memory_space<vmem>>, vector<16xi32>,
          %bitcast3A_1349 = vector.bitcast %get3A_1348 : vector<16xi32> to vector<32xbf16>
          %unpack3A_1350 = tpu.unpack_subelements %bitcast3A_1349, 0 {pack_format = #tpu.pack_format<interleaved>} : vector<32xbf16> -> vector<16xf32>
          %unpack3A_1351 = tpu.unpack_subelements %bitcast3A_1349, 1 {pack_format = #tpu.pack_format<interleaved>} : vector<32xbf16> -> vector<16xf32>
          %add3A_1352 = arith.constant 48 : i32
          %add3A_1353 = arith.addi %select_n3A_1208, %add3A_1352 : i32
          %get3A_1354 = arith.index_cast %add3A_1353 : i32 to index
          %get3A_1355 = tpu.vector_load %arg16[%get3A_1354] {strides = array<i32>} : memref<8192xi32, #tpu.memory_space<vmem>>, vector<16xi32>,
          %bitcast3A_1356 = vector.bitcast %get3A_1355 : vector<16xi32> to vector<32xbf16>
          %unpack3A_1357 = tpu.unpack_subelements %bitcast3A_1356, 0 {pack_format = #tpu.pack_format<interleaved>} : vector<32xbf16> -> vector<16xf32>
          %unpack3A_1358 = tpu.unpack_subelements %bitcast3A_1356, 1 {pack_format = #tpu.pack_format<interleaved>} : vector<32xbf16> -> vector<16xf32>
          %mul3A_1359 = arith.mulf %unpack3A_1343, %bitcast3A_372 : vector<16xf32>
          %mul3A_1360 = arith.mulf %unpack3A_1350, %bitcast3A_387 : vector<16xf32>
          %add3A_1361 = arith.addf %mul3A_1359, %mul3A_1360 : vector<16xf32>
          %mul3A_1362 = arith.mulf %unpack3A_1357, %bitcast3A_402 : vector<16xf32>
          %add3A_1363 = arith.addf %add3A_1361, %mul3A_1362 : vector<16xf32>
          %sub3A_1364 = arith.subf %add3A_359, %add3A_1363 : vector<16xf32>
          %add3A_1365 = arith.constant 96 : i32
          %add3A_1366 = arith.addi %mul3A_1184, %add3A_1365 : i32
          %get3A_1367 = arith.index_cast %add3A_1366 : i32 to index
          %get3A_1368 = tpu.vector_load %arg13[%get3A_1367] {strides = array<i32>} : memref<16384xf32, #tpu.memory_space<vmem>>, vector<16xf32>,
          %add3A_1369 = arith.addf %sub3A_1364, %get3A_1368 : vector<16xf32>
          %mul3A_1370 = arith.mulf %unpack3A_1344, %bitcast3A_372 : vector<16xf32>
          %mul3A_1371 = arith.mulf %unpack3A_1351, %bitcast3A_387 : vector<16xf32>
          %add3A_1372 = arith.addf %mul3A_1370, %mul3A_1371 : vector<16xf32>
          %mul3A_1373 = arith.mulf %unpack3A_1358, %bitcast3A_402 : vector<16xf32>
          %add3A_1374 = arith.addf %add3A_1372, %mul3A_1373 : vector<16xf32>
          %sub3A_1375 = arith.subf %add3A_359, %add3A_1374 : vector<16xf32>
          %add3A_1376 = arith.constant 112 : i32
          %add3A_1377 = arith.addi %mul3A_1184, %add3A_1376 : i32
          %get3A_1378 = arith.index_cast %add3A_1377 : i32 to index
          %get3A_1379 = tpu.vector_load %arg13[%get3A_1378] {strides = array<i32>} : memref<16384xf32, #tpu.memory_space<vmem>>, vector<16xf32>,
          %add3A_1380 = arith.addf %sub3A_1375, %get3A_1379 : vector<16xf32>
          %add3A_1381 = arith.constant 64 : i32
          %add3A_1382 = arith.addi %select_n3A_1208, %add3A_1381 : i32
          %get3A_1383 = arith.index_cast %add3A_1382 : i32 to index
          %get3A_1384 = tpu.vector_load %arg14[%get3A_1383] {strides = array<i32>} : memref<8192xi32, #tpu.memory_space<vmem>>, vector<16xi32>,
          %bitcast3A_1385 = vector.bitcast %get3A_1384 : vector<16xi32> to vector<32xbf16>
          %unpack3A_1386 = tpu.unpack_subelements %bitcast3A_1385, 0 {pack_format = #tpu.pack_format<interleaved>} : vector<32xbf16> -> vector<16xf32>
          %unpack3A_1387 = tpu.unpack_subelements %bitcast3A_1385, 1 {pack_format = #tpu.pack_format<interleaved>} : vector<32xbf16> -> vector<16xf32>
          %add3A_1388 = arith.constant 64 : i32
          %add3A_1389 = arith.addi %select_n3A_1208, %add3A_1388 : i32
          %get3A_1390 = arith.index_cast %add3A_1389 : i32 to index
          %get3A_1391 = tpu.vector_load %arg15[%get3A_1390] {strides = array<i32>} : memref<8192xi32, #tpu.memory_space<vmem>>, vector<16xi32>,
          %bitcast3A_1392 = vector.bitcast %get3A_1391 : vector<16xi32> to vector<32xbf16>
          %unpack3A_1393 = tpu.unpack_subelements %bitcast3A_1392, 0 {pack_format = #tpu.pack_format<interleaved>} : vector<32xbf16> -> vector<16xf32>
          %unpack3A_1394 = tpu.unpack_subelements %bitcast3A_1392, 1 {pack_format = #tpu.pack_format<interleaved>} : vector<32xbf16> -> vector<16xf32>
          %add3A_1395 = arith.constant 64 : i32
          %add3A_1396 = arith.addi %select_n3A_1208, %add3A_1395 : i32
          %get3A_1397 = arith.index_cast %add3A_1396 : i32 to index
          %get3A_1398 = tpu.vector_load %arg16[%get3A_1397] {strides = array<i32>} : memref<8192xi32, #tpu.memory_space<vmem>>, vector<16xi32>,
          %bitcast3A_1399 = vector.bitcast %get3A_1398 : vector<16xi32> to vector<32xbf16>
          %unpack3A_1400 = tpu.unpack_subelements %bitcast3A_1399, 0 {pack_format = #tpu.pack_format<interleaved>} : vector<32xbf16> -> vector<16xf32>
          %unpack3A_1401 = tpu.unpack_subelements %bitcast3A_1399, 1 {pack_format = #tpu.pack_format<interleaved>} : vector<32xbf16> -> vector<16xf32>
          %mul3A_1402 = arith.mulf %unpack3A_1386, %bitcast3A_372 : vector<16xf32>
          %mul3A_1403 = arith.mulf %unpack3A_1393, %bitcast3A_387 : vector<16xf32>
          %add3A_1404 = arith.addf %mul3A_1402, %mul3A_1403 : vector<16xf32>
          %mul3A_1405 = arith.mulf %unpack3A_1400, %bitcast3A_402 : vector<16xf32>
          %add3A_1406 = arith.addf %add3A_1404, %mul3A_1405 : vector<16xf32>
          %sub3A_1407 = arith.subf %add3A_359, %add3A_1406 : vector<16xf32>
          %add3A_1408 = arith.constant 128 : i32
          %add3A_1409 = arith.addi %mul3A_1184, %add3A_1408 : i32
          %get3A_1410 = arith.index_cast %add3A_1409 : i32 to index
          %get3A_1411 = tpu.vector_load %arg13[%get3A_1410] {strides = array<i32>} : memref<16384xf32, #tpu.memory_space<vmem>>, vector<16xf32>,
          %add3A_1412 = arith.addf %sub3A_1407, %get3A_1411 : vector<16xf32>
          %mul3A_1413 = arith.mulf %unpack3A_1387, %bitcast3A_372 : vector<16xf32>
          %mul3A_1414 = arith.mulf %unpack3A_1394, %bitcast3A_387 : vector<16xf32>
          %add3A_1415 = arith.addf %mul3A_1413, %mul3A_1414 : vector<16xf32>
          %mul3A_1416 = arith.mulf %unpack3A_1401, %bitcast3A_402 : vector<16xf32>
          %add3A_1417 = arith.addf %add3A_1415, %mul3A_1416 : vector<16xf32>
          %sub3A_1418 = arith.subf %add3A_359, %add3A_1417 : vector<16xf32>
          %add3A_1419 = arith.constant 144 : i32
          %add3A_1420 = arith.addi %mul3A_1184, %add3A_1419 : i32
          %get3A_1421 = arith.index_cast %add3A_1420 : i32 to index
          %get3A_1422 = tpu.vector_load %arg13[%get3A_1421] {strides = array<i32>} : memref<16384xf32, #tpu.memory_space<vmem>>, vector<16xf32>,
          %add3A_1423 = arith.addf %sub3A_1418, %get3A_1422 : vector<16xf32>
          %add3A_1424 = arith.constant 80 : i32
          %add3A_1425 = arith.addi %select_n3A_1208, %add3A_1424 : i32
          %get3A_1426 = arith.index_cast %add3A_1425 : i32 to index
          %get3A_1427 = tpu.vector_load %arg14[%get3A_1426] {strides = array<i32>} : memref<8192xi32, #tpu.memory_space<vmem>>, vector<16xi32>,
          %bitcast3A_1428 = vector.bitcast %get3A_1427 : vector<16xi32> to vector<32xbf16>
          %unpack3A_1429 = tpu.unpack_subelements %bitcast3A_1428, 0 {pack_format = #tpu.pack_format<interleaved>} : vector<32xbf16> -> vector<16xf32>
          %unpack3A_1430 = tpu.unpack_subelements %bitcast3A_1428, 1 {pack_format = #tpu.pack_format<interleaved>} : vector<32xbf16> -> vector<16xf32>
          %add3A_1431 = arith.constant 80 : i32
          %add3A_1432 = arith.addi %select_n3A_1208, %add3A_1431 : i32
          %get3A_1433 = arith.index_cast %add3A_1432 : i32 to index
          %get3A_1434 = tpu.vector_load %arg15[%get3A_1433] {strides = array<i32>} : memref<8192xi32, #tpu.memory_space<vmem>>, vector<16xi32>,
          %bitcast3A_1435 = vector.bitcast %get3A_1434 : vector<16xi32> to vector<32xbf16>
          %unpack3A_1436 = tpu.unpack_subelements %bitcast3A_1435, 0 {pack_format = #tpu.pack_format<interleaved>} : vector<32xbf16> -> vector<16xf32>
          %unpack3A_1437 = tpu.unpack_subelements %bitcast3A_1435, 1 {pack_format = #tpu.pack_format<interleaved>} : vector<32xbf16> -> vector<16xf32>
          %add3A_1438 = arith.constant 80 : i32
          %add3A_1439 = arith.addi %select_n3A_1208, %add3A_1438 : i32
          %get3A_1440 = arith.index_cast %add3A_1439 : i32 to index
          %get3A_1441 = tpu.vector_load %arg16[%get3A_1440] {strides = array<i32>} : memref<8192xi32, #tpu.memory_space<vmem>>, vector<16xi32>,
          %bitcast3A_1442 = vector.bitcast %get3A_1441 : vector<16xi32> to vector<32xbf16>
          %unpack3A_1443 = tpu.unpack_subelements %bitcast3A_1442, 0 {pack_format = #tpu.pack_format<interleaved>} : vector<32xbf16> -> vector<16xf32>
          %unpack3A_1444 = tpu.unpack_subelements %bitcast3A_1442, 1 {pack_format = #tpu.pack_format<interleaved>} : vector<32xbf16> -> vector<16xf32>
          %mul3A_1445 = arith.mulf %unpack3A_1429, %bitcast3A_372 : vector<16xf32>
          %mul3A_1446 = arith.mulf %unpack3A_1436, %bitcast3A_387 : vector<16xf32>
          %add3A_1447 = arith.addf %mul3A_1445, %mul3A_1446 : vector<16xf32>
          %mul3A_1448 = arith.mulf %unpack3A_1443, %bitcast3A_402 : vector<16xf32>
          %add3A_1449 = arith.addf %add3A_1447, %mul3A_1448 : vector<16xf32>
          %sub3A_1450 = arith.subf %add3A_359, %add3A_1449 : vector<16xf32>
          %add3A_1451 = arith.constant 160 : i32
          %add3A_1452 = arith.addi %mul3A_1184, %add3A_1451 : i32
          %get3A_1453 = arith.index_cast %add3A_1452 : i32 to index
          %get3A_1454 = tpu.vector_load %arg13[%get3A_1453] {strides = array<i32>} : memref<16384xf32, #tpu.memory_space<vmem>>, vector<16xf32>,
          %add3A_1455 = arith.addf %sub3A_1450, %get3A_1454 : vector<16xf32>
          %mul3A_1456 = arith.mulf %unpack3A_1430, %bitcast3A_372 : vector<16xf32>
          %mul3A_1457 = arith.mulf %unpack3A_1437, %bitcast3A_387 : vector<16xf32>
          %add3A_1458 = arith.addf %mul3A_1456, %mul3A_1457 : vector<16xf32>
          %mul3A_1459 = arith.mulf %unpack3A_1444, %bitcast3A_402 : vector<16xf32>
          %add3A_1460 = arith.addf %add3A_1458, %mul3A_1459 : vector<16xf32>
          %sub3A_1461 = arith.subf %add3A_359, %add3A_1460 : vector<16xf32>
          %add3A_1462 = arith.constant 176 : i32
          %add3A_1463 = arith.addi %mul3A_1184, %add3A_1462 : i32
          %get3A_1464 = arith.index_cast %add3A_1463 : i32 to index
          %get3A_1465 = tpu.vector_load %arg13[%get3A_1464] {strides = array<i32>} : memref<16384xf32, #tpu.memory_space<vmem>>, vector<16xf32>,
          %add3A_1466 = arith.addf %sub3A_1461, %get3A_1465 : vector<16xf32>
          %add3A_1467 = arith.constant 96 : i32
          %add3A_1468 = arith.addi %select_n3A_1208, %add3A_1467 : i32
          %get3A_1469 = arith.index_cast %add3A_1468 : i32 to index
          %get3A_1470 = tpu.vector_load %arg14[%get3A_1469] {strides = array<i32>} : memref<8192xi32, #tpu.memory_space<vmem>>, vector<16xi32>,
          %bitcast3A_1471 = vector.bitcast %get3A_1470 : vector<16xi32> to vector<32xbf16>
          %unpack3A_1472 = tpu.unpack_subelements %bitcast3A_1471, 0 {pack_format = #tpu.pack_format<interleaved>} : vector<32xbf16> -> vector<16xf32>
          %unpack3A_1473 = tpu.unpack_subelements %bitcast3A_1471, 1 {pack_format = #tpu.pack_format<interleaved>} : vector<32xbf16> -> vector<16xf32>
          %add3A_1474 = arith.constant 96 : i32
          %add3A_1475 = arith.addi %select_n3A_1208, %add3A_1474 : i32
          %get3A_1476 = arith.index_cast %add3A_1475 : i32 to index
          %get3A_1477 = tpu.vector_load %arg15[%get3A_1476] {strides = array<i32>} : memref<8192xi32, #tpu.memory_space<vmem>>, vector<16xi32>,
          %bitcast3A_1478 = vector.bitcast %get3A_1477 : vector<16xi32> to vector<32xbf16>
          %unpack3A_1479 = tpu.unpack_subelements %bitcast3A_1478, 0 {pack_format = #tpu.pack_format<interleaved>} : vector<32xbf16> -> vector<16xf32>
          %unpack3A_1480 = tpu.unpack_subelements %bitcast3A_1478, 1 {pack_format = #tpu.pack_format<interleaved>} : vector<32xbf16> -> vector<16xf32>
          %add3A_1481 = arith.constant 96 : i32
          %add3A_1482 = arith.addi %select_n3A_1208, %add3A_1481 : i32
          %get3A_1483 = arith.index_cast %add3A_1482 : i32 to index
          %get3A_1484 = tpu.vector_load %arg16[%get3A_1483] {strides = array<i32>} : memref<8192xi32, #tpu.memory_space<vmem>>, vector<16xi32>,
          %bitcast3A_1485 = vector.bitcast %get3A_1484 : vector<16xi32> to vector<32xbf16>
          %unpack3A_1486 = tpu.unpack_subelements %bitcast3A_1485, 0 {pack_format = #tpu.pack_format<interleaved>} : vector<32xbf16> -> vector<16xf32>
          %unpack3A_1487 = tpu.unpack_subelements %bitcast3A_1485, 1 {pack_format = #tpu.pack_format<interleaved>} : vector<32xbf16> -> vector<16xf32>
          %mul3A_1488 = arith.mulf %unpack3A_1472, %bitcast3A_372 : vector<16xf32>
          %mul3A_1489 = arith.mulf %unpack3A_1479, %bitcast3A_387 : vector<16xf32>
          %add3A_1490 = arith.addf %mul3A_1488, %mul3A_1489 : vector<16xf32>
          %mul3A_1491 = arith.mulf %unpack3A_1486, %bitcast3A_402 : vector<16xf32>
          %add3A_1492 = arith.addf %add3A_1490, %mul3A_1491 : vector<16xf32>
          %sub3A_1493 = arith.subf %add3A_359, %add3A_1492 : vector<16xf32>
          %add3A_1494 = arith.constant 192 : i32
          %add3A_1495 = arith.addi %mul3A_1184, %add3A_1494 : i32
          %get3A_1496 = arith.index_cast %add3A_1495 : i32 to index
          %get3A_1497 = tpu.vector_load %arg13[%get3A_1496] {strides = array<i32>} : memref<16384xf32, #tpu.memory_space<vmem>>, vector<16xf32>,
          %add3A_1498 = arith.addf %sub3A_1493, %get3A_1497 : vector<16xf32>
          %mul3A_1499 = arith.mulf %unpack3A_1473, %bitcast3A_372 : vector<16xf32>
          %mul3A_1500 = arith.mulf %unpack3A_1480, %bitcast3A_387 : vector<16xf32>
          %add3A_1501 = arith.addf %mul3A_1499, %mul3A_1500 : vector<16xf32>
          %mul3A_1502 = arith.mulf %unpack3A_1487, %bitcast3A_402 : vector<16xf32>
          %add3A_1503 = arith.addf %add3A_1501, %mul3A_1502 : vector<16xf32>
          %sub3A_1504 = arith.subf %add3A_359, %add3A_1503 : vector<16xf32>
          %add3A_1505 = arith.constant 208 : i32
          %add3A_1506 = arith.addi %mul3A_1184, %add3A_1505 : i32
          %get3A_1507 = arith.index_cast %add3A_1506 : i32 to index
          %get3A_1508 = tpu.vector_load %arg13[%get3A_1507] {strides = array<i32>} : memref<16384xf32, #tpu.memory_space<vmem>>, vector<16xf32>,
          %add3A_1509 = arith.addf %sub3A_1504, %get3A_1508 : vector<16xf32>
          %add3A_1510 = arith.constant 112 : i32
          %add3A_1511 = arith.addi %select_n3A_1208, %add3A_1510 : i32
          %get3A_1512 = arith.index_cast %add3A_1511 : i32 to index
          %get3A_1513 = tpu.vector_load %arg14[%get3A_1512] {strides = array<i32>} : memref<8192xi32, #tpu.memory_space<vmem>>, vector<16xi32>,
          %bitcast3A_1514 = vector.bitcast %get3A_1513 : vector<16xi32> to vector<32xbf16>
          %unpack3A_1515 = tpu.unpack_subelements %bitcast3A_1514, 0 {pack_format = #tpu.pack_format<interleaved>} : vector<32xbf16> -> vector<16xf32>
          %unpack3A_1516 = tpu.unpack_subelements %bitcast3A_1514, 1 {pack_format = #tpu.pack_format<interleaved>} : vector<32xbf16> -> vector<16xf32>
          %add3A_1517 = arith.constant 112 : i32
          %add3A_1518 = arith.addi %select_n3A_1208, %add3A_1517 : i32
          %get3A_1519 = arith.index_cast %add3A_1518 : i32 to index
          %get3A_1520 = tpu.vector_load %arg15[%get3A_1519] {strides = array<i32>} : memref<8192xi32, #tpu.memory_space<vmem>>, vector<16xi32>,
          %bitcast3A_1521 = vector.bitcast %get3A_1520 : vector<16xi32> to vector<32xbf16>
          %unpack3A_1522 = tpu.unpack_subelements %bitcast3A_1521, 0 {pack_format = #tpu.pack_format<interleaved>} : vector<32xbf16> -> vector<16xf32>
          %unpack3A_1523 = tpu.unpack_subelements %bitcast3A_1521, 1 {pack_format = #tpu.pack_format<interleaved>} : vector<32xbf16> -> vector<16xf32>
          %add3A_1524 = arith.constant 112 : i32
          %add3A_1525 = arith.addi %select_n3A_1208, %add3A_1524 : i32
          %get3A_1526 = arith.index_cast %add3A_1525 : i32 to index
          %get3A_1527 = tpu.vector_load %arg16[%get3A_1526] {strides = array<i32>} : memref<8192xi32, #tpu.memory_space<vmem>>, vector<16xi32>,
          %bitcast3A_1528 = vector.bitcast %get3A_1527 : vector<16xi32> to vector<32xbf16>
          %unpack3A_1529 = tpu.unpack_subelements %bitcast3A_1528, 0 {pack_format = #tpu.pack_format<interleaved>} : vector<32xbf16> -> vector<16xf32>
          %unpack3A_1530 = tpu.unpack_subelements %bitcast3A_1528, 1 {pack_format = #tpu.pack_format<interleaved>} : vector<32xbf16> -> vector<16xf32>
          %mul3A_1531 = arith.mulf %unpack3A_1515, %bitcast3A_372 : vector<16xf32>
          %mul3A_1532 = arith.mulf %unpack3A_1522, %bitcast3A_387 : vector<16xf32>
          %add3A_1533 = arith.addf %mul3A_1531, %mul3A_1532 : vector<16xf32>
          %mul3A_1534 = arith.mulf %unpack3A_1529, %bitcast3A_402 : vector<16xf32>
          %add3A_1535 = arith.addf %add3A_1533, %mul3A_1534 : vector<16xf32>
          %sub3A_1536 = arith.subf %add3A_359, %add3A_1535 : vector<16xf32>
          %add3A_1537 = arith.constant 224 : i32
          %add3A_1538 = arith.addi %mul3A_1184, %add3A_1537 : i32
          %get3A_1539 = arith.index_cast %add3A_1538 : i32 to index
          %get3A_1540 = tpu.vector_load %arg13[%get3A_1539] {strides = array<i32>} : memref<16384xf32, #tpu.memory_space<vmem>>, vector<16xf32>,
          %add3A_1541 = arith.addf %sub3A_1536, %get3A_1540 : vector<16xf32>
          %mul3A_1542 = arith.mulf %unpack3A_1516, %bitcast3A_372 : vector<16xf32>
          %mul3A_1543 = arith.mulf %unpack3A_1523, %bitcast3A_387 : vector<16xf32>
          %add3A_1544 = arith.addf %mul3A_1542, %mul3A_1543 : vector<16xf32>
          %mul3A_1545 = arith.mulf %unpack3A_1530, %bitcast3A_402 : vector<16xf32>
          %add3A_1546 = arith.addf %add3A_1544, %mul3A_1545 : vector<16xf32>
          %sub3A_1547 = arith.subf %add3A_359, %add3A_1546 : vector<16xf32>
          %add3A_1548 = arith.constant 240 : i32
          %add3A_1549 = arith.addi %mul3A_1184, %add3A_1548 : i32
          %get3A_1550 = arith.index_cast %add3A_1549 : i32 to index
          %get3A_1551 = tpu.vector_load %arg13[%get3A_1550] {strides = array<i32>} : memref<16384xf32, #tpu.memory_space<vmem>>, vector<16xf32>,
          %add3A_1552 = arith.addf %sub3A_1547, %get3A_1551 : vector<16xf32>
          %add3A_1553 = arith.constant 128 : i32
          %add3A_1554 = arith.addi %select_n3A_1208, %add3A_1553 : i32
          %get3A_1555 = arith.index_cast %add3A_1554 : i32 to index
          %get3A_1556 = tpu.vector_load %arg14[%get3A_1555] {strides = array<i32>} : memref<8192xi32, #tpu.memory_space<vmem>>, vector<16xi32>,
          %bitcast3A_1557 = vector.bitcast %get3A_1556 : vector<16xi32> to vector<32xbf16>
          %unpack3A_1558 = tpu.unpack_subelements %bitcast3A_1557, 0 {pack_format = #tpu.pack_format<interleaved>} : vector<32xbf16> -> vector<16xf32>
          %unpack3A_1559 = tpu.unpack_subelements %bitcast3A_1557, 1 {pack_format = #tpu.pack_format<interleaved>} : vector<32xbf16> -> vector<16xf32>
          %add3A_1560 = arith.constant 128 : i32
          %add3A_1561 = arith.addi %select_n3A_1208, %add3A_1560 : i32
          %get3A_1562 = arith.index_cast %add3A_1561 : i32 to index
          %get3A_1563 = tpu.vector_load %arg15[%get3A_1562] {strides = array<i32>} : memref<8192xi32, #tpu.memory_space<vmem>>, vector<16xi32>,
          %bitcast3A_1564 = vector.bitcast %get3A_1563 : vector<16xi32> to vector<32xbf16>
          %unpack3A_1565 = tpu.unpack_subelements %bitcast3A_1564, 0 {pack_format = #tpu.pack_format<interleaved>} : vector<32xbf16> -> vector<16xf32>
          %unpack3A_1566 = tpu.unpack_subelements %bitcast3A_1564, 1 {pack_format = #tpu.pack_format<interleaved>} : vector<32xbf16> -> vector<16xf32>
          %add3A_1567 = arith.constant 128 : i32
          %add3A_1568 = arith.addi %select_n3A_1208, %add3A_1567 : i32
          %get3A_1569 = arith.index_cast %add3A_1568 : i32 to index
          %get3A_1570 = tpu.vector_load %arg16[%get3A_1569] {strides = array<i32>} : memref<8192xi32, #tpu.memory_space<vmem>>, vector<16xi32>,
          %bitcast3A_1571 = vector.bitcast %get3A_1570 : vector<16xi32> to vector<32xbf16>
          %unpack3A_1572 = tpu.unpack_subelements %bitcast3A_1571, 0 {pack_format = #tpu.pack_format<interleaved>} : vector<32xbf16> -> vector<16xf32>
          %unpack3A_1573 = tpu.unpack_subelements %bitcast3A_1571, 1 {pack_format = #tpu.pack_format<interleaved>} : vector<32xbf16> -> vector<16xf32>
          %mul3A_1574 = arith.mulf %unpack3A_1558, %bitcast3A_372 : vector<16xf32>
          %mul3A_1575 = arith.mulf %unpack3A_1565, %bitcast3A_387 : vector<16xf32>
          %add3A_1576 = arith.addf %mul3A_1574, %mul3A_1575 : vector<16xf32>
          %mul3A_1577 = arith.mulf %unpack3A_1572, %bitcast3A_402 : vector<16xf32>
          %add3A_1578 = arith.addf %add3A_1576, %mul3A_1577 : vector<16xf32>
          %sub3A_1579 = arith.subf %add3A_359, %add3A_1578 : vector<16xf32>
          %add3A_1580 = arith.constant 256 : i32
          %add3A_1581 = arith.addi %mul3A_1184, %add3A_1580 : i32
          %get3A_1582 = arith.index_cast %add3A_1581 : i32 to index
          %get3A_1583 = tpu.vector_load %arg13[%get3A_1582] {strides = array<i32>} : memref<16384xf32, #tpu.memory_space<vmem>>, vector<16xf32>,
          %add3A_1584 = arith.addf %sub3A_1579, %get3A_1583 : vector<16xf32>
          %mul3A_1585 = arith.mulf %unpack3A_1559, %bitcast3A_372 : vector<16xf32>
          %mul3A_1586 = arith.mulf %unpack3A_1566, %bitcast3A_387 : vector<16xf32>
          %add3A_1587 = arith.addf %mul3A_1585, %mul3A_1586 : vector<16xf32>
          %mul3A_1588 = arith.mulf %unpack3A_1573, %bitcast3A_402 : vector<16xf32>
          %add3A_1589 = arith.addf %add3A_1587, %mul3A_1588 : vector<16xf32>
          %sub3A_1590 = arith.subf %add3A_359, %add3A_1589 : vector<16xf32>
          %add3A_1591 = arith.constant 272 : i32
          %add3A_1592 = arith.addi %mul3A_1184, %add3A_1591 : i32
          %get3A_1593 = arith.index_cast %add3A_1592 : i32 to index
          %get3A_1594 = tpu.vector_load %arg13[%get3A_1593] {strides = array<i32>} : memref<16384xf32, #tpu.memory_space<vmem>>, vector<16xf32>,
          %add3A_1595 = arith.addf %sub3A_1590, %get3A_1594 : vector<16xf32>
          %add3A_1596 = arith.constant 144 : i32
          %add3A_1597 = arith.addi %select_n3A_1208, %add3A_1596 : i32
          %get3A_1598 = arith.index_cast %add3A_1597 : i32 to index
          %get3A_1599 = tpu.vector_load %arg14[%get3A_1598] {strides = array<i32>} : memref<8192xi32, #tpu.memory_space<vmem>>, vector<16xi32>,
          %bitcast3A_1600 = vector.bitcast %get3A_1599 : vector<16xi32> to vector<32xbf16>
          %unpack3A_1601 = tpu.unpack_subelements %bitcast3A_1600, 0 {pack_format = #tpu.pack_format<interleaved>} : vector<32xbf16> -> vector<16xf32>
          %unpack3A_1602 = tpu.unpack_subelements %bitcast3A_1600, 1 {pack_format = #tpu.pack_format<interleaved>} : vector<32xbf16> -> vector<16xf32>
          %add3A_1603 = arith.constant 144 : i32
          %add3A_1604 = arith.addi %select_n3A_1208, %add3A_1603 : i32
          %get3A_1605 = arith.index_cast %add3A_1604 : i32 to index
          %get3A_1606 = tpu.vector_load %arg15[%get3A_1605] {strides = array<i32>} : memref<8192xi32, #tpu.memory_space<vmem>>, vector<16xi32>,
          %bitcast3A_1607 = vector.bitcast %get3A_1606 : vector<16xi32> to vector<32xbf16>
          %unpack3A_1608 = tpu.unpack_subelements %bitcast3A_1607, 0 {pack_format = #tpu.pack_format<interleaved>} : vector<32xbf16> -> vector<16xf32>
          %unpack3A_1609 = tpu.unpack_subelements %bitcast3A_1607, 1 {pack_format = #tpu.pack_format<interleaved>} : vector<32xbf16> -> vector<16xf32>
          %add3A_1610 = arith.constant 144 : i32
          %add3A_1611 = arith.addi %select_n3A_1208, %add3A_1610 : i32
          %get3A_1612 = arith.index_cast %add3A_1611 : i32 to index
          %get3A_1613 = tpu.vector_load %arg16[%get3A_1612] {strides = array<i32>} : memref<8192xi32, #tpu.memory_space<vmem>>, vector<16xi32>,
          %bitcast3A_1614 = vector.bitcast %get3A_1613 : vector<16xi32> to vector<32xbf16>
          %unpack3A_1615 = tpu.unpack_subelements %bitcast3A_1614, 0 {pack_format = #tpu.pack_format<interleaved>} : vector<32xbf16> -> vector<16xf32>
          %unpack3A_1616 = tpu.unpack_subelements %bitcast3A_1614, 1 {pack_format = #tpu.pack_format<interleaved>} : vector<32xbf16> -> vector<16xf32>
          %mul3A_1617 = arith.mulf %unpack3A_1601, %bitcast3A_372 : vector<16xf32>
          %mul3A_1618 = arith.mulf %unpack3A_1608, %bitcast3A_387 : vector<16xf32>
          %add3A_1619 = arith.addf %mul3A_1617, %mul3A_1618 : vector<16xf32>
          %mul3A_1620 = arith.mulf %unpack3A_1615, %bitcast3A_402 : vector<16xf32>
          %add3A_1621 = arith.addf %add3A_1619, %mul3A_1620 : vector<16xf32>
          %sub3A_1622 = arith.subf %add3A_359, %add3A_1621 : vector<16xf32>
          %add3A_1623 = arith.constant 288 : i32
          %add3A_1624 = arith.addi %mul3A_1184, %add3A_1623 : i32
          %get3A_1625 = arith.index_cast %add3A_1624 : i32 to index
          %get3A_1626 = tpu.vector_load %arg13[%get3A_1625] {strides = array<i32>} : memref<16384xf32, #tpu.memory_space<vmem>>, vector<16xf32>,
          %add3A_1627 = arith.addf %sub3A_1622, %get3A_1626 : vector<16xf32>
          %mul3A_1628 = arith.mulf %unpack3A_1602, %bitcast3A_372 : vector<16xf32>
          %mul3A_1629 = arith.mulf %unpack3A_1609, %bitcast3A_387 : vector<16xf32>
          %add3A_1630 = arith.addf %mul3A_1628, %mul3A_1629 : vector<16xf32>
          %mul3A_1631 = arith.mulf %unpack3A_1616, %bitcast3A_402 : vector<16xf32>
          %add3A_1632 = arith.addf %add3A_1630, %mul3A_1631 : vector<16xf32>
          %sub3A_1633 = arith.subf %add3A_359, %add3A_1632 : vector<16xf32>
          %add3A_1634 = arith.constant 304 : i32
          %add3A_1635 = arith.addi %mul3A_1184, %add3A_1634 : i32
          %get3A_1636 = arith.index_cast %add3A_1635 : i32 to index
          %get3A_1637 = tpu.vector_load %arg13[%get3A_1636] {strides = array<i32>} : memref<16384xf32, #tpu.memory_space<vmem>>, vector<16xf32>,
          %add3A_1638 = arith.addf %sub3A_1633, %get3A_1637 : vector<16xf32>
          %add3A_1639 = arith.constant 160 : i32
          %add3A_1640 = arith.addi %select_n3A_1208, %add3A_1639 : i32
          %get3A_1641 = arith.index_cast %add3A_1640 : i32 to index
          %get3A_1642 = tpu.vector_load %arg14[%get3A_1641] {strides = array<i32>} : memref<8192xi32, #tpu.memory_space<vmem>>, vector<16xi32>,
          %bitcast3A_1643 = vector.bitcast %get3A_1642 : vector<16xi32> to vector<32xbf16>
          %unpack3A_1644 = tpu.unpack_subelements %bitcast3A_1643, 0 {pack_format = #tpu.pack_format<interleaved>} : vector<32xbf16> -> vector<16xf32>
          %unpack3A_1645 = tpu.unpack_subelements %bitcast3A_1643, 1 {pack_format = #tpu.pack_format<interleaved>} : vector<32xbf16> -> vector<16xf32>
          %add3A_1646 = arith.constant 160 : i32
          %add3A_1647 = arith.addi %select_n3A_1208, %add3A_1646 : i32
          %get3A_1648 = arith.index_cast %add3A_1647 : i32 to index
          %get3A_1649 = tpu.vector_load %arg15[%get3A_1648] {strides = array<i32>} : memref<8192xi32, #tpu.memory_space<vmem>>, vector<16xi32>,
          %bitcast3A_1650 = vector.bitcast %get3A_1649 : vector<16xi32> to vector<32xbf16>
          %unpack3A_1651 = tpu.unpack_subelements %bitcast3A_1650, 0 {pack_format = #tpu.pack_format<interleaved>} : vector<32xbf16> -> vector<16xf32>
          %unpack3A_1652 = tpu.unpack_subelements %bitcast3A_1650, 1 {pack_format = #tpu.pack_format<interleaved>} : vector<32xbf16> -> vector<16xf32>
          %add3A_1653 = arith.constant 160 : i32
          %add3A_1654 = arith.addi %select_n3A_1208, %add3A_1653 : i32
          %get3A_1655 = arith.index_cast %add3A_1654 : i32 to index
          %get3A_1656 = tpu.vector_load %arg16[%get3A_1655] {strides = array<i32>} : memref<8192xi32, #tpu.memory_space<vmem>>, vector<16xi32>,
          %bitcast3A_1657 = vector.bitcast %get3A_1656 : vector<16xi32> to vector<32xbf16>
          %unpack3A_1658 = tpu.unpack_subelements %bitcast3A_1657, 0 {pack_format = #tpu.pack_format<interleaved>} : vector<32xbf16> -> vector<16xf32>
          %unpack3A_1659 = tpu.unpack_subelements %bitcast3A_1657, 1 {pack_format = #tpu.pack_format<interleaved>} : vector<32xbf16> -> vector<16xf32>
          %mul3A_1660 = arith.mulf %unpack3A_1644, %bitcast3A_372 : vector<16xf32>
          %mul3A_1661 = arith.mulf %unpack3A_1651, %bitcast3A_387 : vector<16xf32>
          %add3A_1662 = arith.addf %mul3A_1660, %mul3A_1661 : vector<16xf32>
          %mul3A_1663 = arith.mulf %unpack3A_1658, %bitcast3A_402 : vector<16xf32>
          %add3A_1664 = arith.addf %add3A_1662, %mul3A_1663 : vector<16xf32>
          %sub3A_1665 = arith.subf %add3A_359, %add3A_1664 : vector<16xf32>
          %add3A_1666 = arith.constant 320 : i32
          %add3A_1667 = arith.addi %mul3A_1184, %add3A_1666 : i32
          %get3A_1668 = arith.index_cast %add3A_1667 : i32 to index
          %get3A_1669 = tpu.vector_load %arg13[%get3A_1668] {strides = array<i32>} : memref<16384xf32, #tpu.memory_space<vmem>>, vector<16xf32>,
          %add3A_1670 = arith.addf %sub3A_1665, %get3A_1669 : vector<16xf32>
          %mul3A_1671 = arith.mulf %unpack3A_1645, %bitcast3A_372 : vector<16xf32>
          %mul3A_1672 = arith.mulf %unpack3A_1652, %bitcast3A_387 : vector<16xf32>
          %add3A_1673 = arith.addf %mul3A_1671, %mul3A_1672 : vector<16xf32>
          %mul3A_1674 = arith.mulf %unpack3A_1659, %bitcast3A_402 : vector<16xf32>
          %add3A_1675 = arith.addf %add3A_1673, %mul3A_1674 : vector<16xf32>
          %sub3A_1676 = arith.subf %add3A_359, %add3A_1675 : vector<16xf32>
          %add3A_1677 = arith.constant 336 : i32
          %add3A_1678 = arith.addi %mul3A_1184, %add3A_1677 : i32
          %get3A_1679 = arith.index_cast %add3A_1678 : i32 to index
          %get3A_1680 = tpu.vector_load %arg13[%get3A_1679] {strides = array<i32>} : memref<16384xf32, #tpu.memory_space<vmem>>, vector<16xf32>,
          %add3A_1681 = arith.addf %sub3A_1676, %get3A_1680 : vector<16xf32>
          %add3A_1682 = arith.constant 176 : i32
          %add3A_1683 = arith.addi %select_n3A_1208, %add3A_1682 : i32
          %get3A_1684 = arith.index_cast %add3A_1683 : i32 to index
          %get3A_1685 = tpu.vector_load %arg14[%get3A_1684] {strides = array<i32>} : memref<8192xi32, #tpu.memory_space<vmem>>, vector<16xi32>,
          %bitcast3A_1686 = vector.bitcast %get3A_1685 : vector<16xi32> to vector<32xbf16>
          %unpack3A_1687 = tpu.unpack_subelements %bitcast3A_1686, 0 {pack_format = #tpu.pack_format<interleaved>} : vector<32xbf16> -> vector<16xf32>
          %unpack3A_1688 = tpu.unpack_subelements %bitcast3A_1686, 1 {pack_format = #tpu.pack_format<interleaved>} : vector<32xbf16> -> vector<16xf32>
          %add3A_1689 = arith.constant 176 : i32
          %add3A_1690 = arith.addi %select_n3A_1208, %add3A_1689 : i32
          %get3A_1691 = arith.index_cast %add3A_1690 : i32 to index
          %get3A_1692 = tpu.vector_load %arg15[%get3A_1691] {strides = array<i32>} : memref<8192xi32, #tpu.memory_space<vmem>>, vector<16xi32>,
          %bitcast3A_1693 = vector.bitcast %get3A_1692 : vector<16xi32> to vector<32xbf16>
          %unpack3A_1694 = tpu.unpack_subelements %bitcast3A_1693, 0 {pack_format = #tpu.pack_format<interleaved>} : vector<32xbf16> -> vector<16xf32>
          %unpack3A_1695 = tpu.unpack_subelements %bitcast3A_1693, 1 {pack_format = #tpu.pack_format<interleaved>} : vector<32xbf16> -> vector<16xf32>
          %add3A_1696 = arith.constant 176 : i32
          %add3A_1697 = arith.addi %select_n3A_1208, %add3A_1696 : i32
          %get3A_1698 = arith.index_cast %add3A_1697 : i32 to index
          %get3A_1699 = tpu.vector_load %arg16[%get3A_1698] {strides = array<i32>} : memref<8192xi32, #tpu.memory_space<vmem>>, vector<16xi32>,
          %bitcast3A_1700 = vector.bitcast %get3A_1699 : vector<16xi32> to vector<32xbf16>
          %unpack3A_1701 = tpu.unpack_subelements %bitcast3A_1700, 0 {pack_format = #tpu.pack_format<interleaved>} : vector<32xbf16> -> vector<16xf32>
          %unpack3A_1702 = tpu.unpack_subelements %bitcast3A_1700, 1 {pack_format = #tpu.pack_format<interleaved>} : vector<32xbf16> -> vector<16xf32>
          %mul3A_1703 = arith.mulf %unpack3A_1687, %bitcast3A_372 : vector<16xf32>
          %mul3A_1704 = arith.mulf %unpack3A_1694, %bitcast3A_387 : vector<16xf32>
          %add3A_1705 = arith.addf %mul3A_1703, %mul3A_1704 : vector<16xf32>
          %mul3A_1706 = arith.mulf %unpack3A_1701, %bitcast3A_402 : vector<16xf32>
          %add3A_1707 = arith.addf %add3A_1705, %mul3A_1706 : vector<16xf32>
          %sub3A_1708 = arith.subf %add3A_359, %add3A_1707 : vector<16xf32>
          %add3A_1709 = arith.constant 352 : i32
          %add3A_1710 = arith.addi %mul3A_1184, %add3A_1709 : i32
          %get3A_1711 = arith.index_cast %add3A_1710 : i32 to index
          %get3A_1712 = tpu.vector_load %arg13[%get3A_1711] {strides = array<i32>} : memref<16384xf32, #tpu.memory_space<vmem>>, vector<16xf32>,
          %add3A_1713 = arith.addf %sub3A_1708, %get3A_1712 : vector<16xf32>
          %mul3A_1714 = arith.mulf %unpack3A_1688, %bitcast3A_372 : vector<16xf32>
          %mul3A_1715 = arith.mulf %unpack3A_1695, %bitcast3A_387 : vector<16xf32>
          %add3A_1716 = arith.addf %mul3A_1714, %mul3A_1715 : vector<16xf32>
          %mul3A_1717 = arith.mulf %unpack3A_1702, %bitcast3A_402 : vector<16xf32>
          %add3A_1718 = arith.addf %add3A_1716, %mul3A_1717 : vector<16xf32>
          %sub3A_1719 = arith.subf %add3A_359, %add3A_1718 : vector<16xf32>
          %add3A_1720 = arith.constant 368 : i32
          %add3A_1721 = arith.addi %mul3A_1184, %add3A_1720 : i32
          %get3A_1722 = arith.index_cast %add3A_1721 : i32 to index
          %get3A_1723 = tpu.vector_load %arg13[%get3A_1722] {strides = array<i32>} : memref<16384xf32, #tpu.memory_space<vmem>>, vector<16xf32>,
          %add3A_1724 = arith.addf %sub3A_1719, %get3A_1723 : vector<16xf32>
          %add3A_1725 = arith.constant 192 : i32
          %add3A_1726 = arith.addi %select_n3A_1208, %add3A_1725 : i32
          %get3A_1727 = arith.index_cast %add3A_1726 : i32 to index
          %get3A_1728 = tpu.vector_load %arg14[%get3A_1727] {strides = array<i32>} : memref<8192xi32, #tpu.memory_space<vmem>>, vector<16xi32>,
          %bitcast3A_1729 = vector.bitcast %get3A_1728 : vector<16xi32> to vector<32xbf16>
          %unpack3A_1730 = tpu.unpack_subelements %bitcast3A_1729, 0 {pack_format = #tpu.pack_format<interleaved>} : vector<32xbf16> -> vector<16xf32>
          %unpack3A_1731 = tpu.unpack_subelements %bitcast3A_1729, 1 {pack_format = #tpu.pack_format<interleaved>} : vector<32xbf16> -> vector<16xf32>
          %add3A_1732 = arith.constant 192 : i32
          %add3A_1733 = arith.addi %select_n3A_1208, %add3A_1732 : i32
          %get3A_1734 = arith.index_cast %add3A_1733 : i32 to index
          %get3A_1735 = tpu.vector_load %arg15[%get3A_1734] {strides = array<i32>} : memref<8192xi32, #tpu.memory_space<vmem>>, vector<16xi32>,
          %bitcast3A_1736 = vector.bitcast %get3A_1735 : vector<16xi32> to vector<32xbf16>
          %unpack3A_1737 = tpu.unpack_subelements %bitcast3A_1736, 0 {pack_format = #tpu.pack_format<interleaved>} : vector<32xbf16> -> vector<16xf32>
          %unpack3A_1738 = tpu.unpack_subelements %bitcast3A_1736, 1 {pack_format = #tpu.pack_format<interleaved>} : vector<32xbf16> -> vector<16xf32>
          %add3A_1739 = arith.constant 192 : i32
          %add3A_1740 = arith.addi %select_n3A_1208, %add3A_1739 : i32
          %get3A_1741 = arith.index_cast %add3A_1740 : i32 to index
          %get3A_1742 = tpu.vector_load %arg16[%get3A_1741] {strides = array<i32>} : memref<8192xi32, #tpu.memory_space<vmem>>, vector<16xi32>,
          %bitcast3A_1743 = vector.bitcast %get3A_1742 : vector<16xi32> to vector<32xbf16>
          %unpack3A_1744 = tpu.unpack_subelements %bitcast3A_1743, 0 {pack_format = #tpu.pack_format<interleaved>} : vector<32xbf16> -> vector<16xf32>
          %unpack3A_1745 = tpu.unpack_subelements %bitcast3A_1743, 1 {pack_format = #tpu.pack_format<interleaved>} : vector<32xbf16> -> vector<16xf32>
          %mul3A_1746 = arith.mulf %unpack3A_1730, %bitcast3A_372 : vector<16xf32>
          %mul3A_1747 = arith.mulf %unpack3A_1737, %bitcast3A_387 : vector<16xf32>
          %add3A_1748 = arith.addf %mul3A_1746, %mul3A_1747 : vector<16xf32>
          %mul3A_1749 = arith.mulf %unpack3A_1744, %bitcast3A_402 : vector<16xf32>
          %add3A_1750 = arith.addf %add3A_1748, %mul3A_1749 : vector<16xf32>
          %sub3A_1751 = arith.subf %add3A_359, %add3A_1750 : vector<16xf32>
          %add3A_1752 = arith.constant 384 : i32
          %add3A_1753 = arith.addi %mul3A_1184, %add3A_1752 : i32
          %get3A_1754 = arith.index_cast %add3A_1753 : i32 to index
          %get3A_1755 = tpu.vector_load %arg13[%get3A_1754] {strides = array<i32>} : memref<16384xf32, #tpu.memory_space<vmem>>, vector<16xf32>,
          %add3A_1756 = arith.addf %sub3A_1751, %get3A_1755 : vector<16xf32>
          %mul3A_1757 = arith.mulf %unpack3A_1731, %bitcast3A_372 : vector<16xf32>
          %mul3A_1758 = arith.mulf %unpack3A_1738, %bitcast3A_387 : vector<16xf32>
          %add3A_1759 = arith.addf %mul3A_1757, %mul3A_1758 : vector<16xf32>
          %mul3A_1760 = arith.mulf %unpack3A_1745, %bitcast3A_402 : vector<16xf32>
          %add3A_1761 = arith.addf %add3A_1759, %mul3A_1760 : vector<16xf32>
          %sub3A_1762 = arith.subf %add3A_359, %add3A_1761 : vector<16xf32>
          %add3A_1763 = arith.constant 400 : i32
          %add3A_1764 = arith.addi %mul3A_1184, %add3A_1763 : i32
          %get3A_1765 = arith.index_cast %add3A_1764 : i32 to index
          %get3A_1766 = tpu.vector_load %arg13[%get3A_1765] {strides = array<i32>} : memref<16384xf32, #tpu.memory_space<vmem>>, vector<16xf32>,
          %add3A_1767 = arith.addf %sub3A_1762, %get3A_1766 : vector<16xf32>
          %add3A_1768 = arith.constant 208 : i32
          %add3A_1769 = arith.addi %select_n3A_1208, %add3A_1768 : i32
          %get3A_1770 = arith.index_cast %add3A_1769 : i32 to index
          %get3A_1771 = tpu.vector_load %arg14[%get3A_1770] {strides = array<i32>} : memref<8192xi32, #tpu.memory_space<vmem>>, vector<16xi32>,
          %bitcast3A_1772 = vector.bitcast %get3A_1771 : vector<16xi32> to vector<32xbf16>
          %unpack3A_1773 = tpu.unpack_subelements %bitcast3A_1772, 0 {pack_format = #tpu.pack_format<interleaved>} : vector<32xbf16> -> vector<16xf32>
          %unpack3A_1774 = tpu.unpack_subelements %bitcast3A_1772, 1 {pack_format = #tpu.pack_format<interleaved>} : vector<32xbf16> -> vector<16xf32>
          %add3A_1775 = arith.constant 208 : i32
          %add3A_1776 = arith.addi %select_n3A_1208, %add3A_1775 : i32
          %get3A_1777 = arith.index_cast %add3A_1776 : i32 to index
          %get3A_1778 = tpu.vector_load %arg15[%get3A_1777] {strides = array<i32>} : memref<8192xi32, #tpu.memory_space<vmem>>, vector<16xi32>,
          %bitcast3A_1779 = vector.bitcast %get3A_1778 : vector<16xi32> to vector<32xbf16>
          %unpack3A_1780 = tpu.unpack_subelements %bitcast3A_1779, 0 {pack_format = #tpu.pack_format<interleaved>} : vector<32xbf16> -> vector<16xf32>
          %unpack3A_1781 = tpu.unpack_subelements %bitcast3A_1779, 1 {pack_format = #tpu.pack_format<interleaved>} : vector<32xbf16> -> vector<16xf32>
          %add3A_1782 = arith.constant 208 : i32
          %add3A_1783 = arith.addi %select_n3A_1208, %add3A_1782 : i32
          %get3A_1784 = arith.index_cast %add3A_1783 : i32 to index
          %get3A_1785 = tpu.vector_load %arg16[%get3A_1784] {strides = array<i32>} : memref<8192xi32, #tpu.memory_space<vmem>>, vector<16xi32>,
          %bitcast3A_1786 = vector.bitcast %get3A_1785 : vector<16xi32> to vector<32xbf16>
          %unpack3A_1787 = tpu.unpack_subelements %bitcast3A_1786, 0 {pack_format = #tpu.pack_format<interleaved>} : vector<32xbf16> -> vector<16xf32>
          %unpack3A_1788 = tpu.unpack_subelements %bitcast3A_1786, 1 {pack_format = #tpu.pack_format<interleaved>} : vector<32xbf16> -> vector<16xf32>
          %mul3A_1789 = arith.mulf %unpack3A_1773, %bitcast3A_372 : vector<16xf32>
          %mul3A_1790 = arith.mulf %unpack3A_1780, %bitcast3A_387 : vector<16xf32>
          %add3A_1791 = arith.addf %mul3A_1789, %mul3A_1790 : vector<16xf32>
          %mul3A_1792 = arith.mulf %unpack3A_1787, %bitcast3A_402 : vector<16xf32>
          %add3A_1793 = arith.addf %add3A_1791, %mul3A_1792 : vector<16xf32>
          %sub3A_1794 = arith.subf %add3A_359, %add3A_1793 : vector<16xf32>
          %add3A_1795 = arith.constant 416 : i32
          %add3A_1796 = arith.addi %mul3A_1184, %add3A_1795 : i32
          %get3A_1797 = arith.index_cast %add3A_1796 : i32 to index
          %get3A_1798 = tpu.vector_load %arg13[%get3A_1797] {strides = array<i32>} : memref<16384xf32, #tpu.memory_space<vmem>>, vector<16xf32>,
          %add3A_1799 = arith.addf %sub3A_1794, %get3A_1798 : vector<16xf32>
          %mul3A_1800 = arith.mulf %unpack3A_1774, %bitcast3A_372 : vector<16xf32>
          %mul3A_1801 = arith.mulf %unpack3A_1781, %bitcast3A_387 : vector<16xf32>
          %add3A_1802 = arith.addf %mul3A_1800, %mul3A_1801 : vector<16xf32>
          %mul3A_1803 = arith.mulf %unpack3A_1788, %bitcast3A_402 : vector<16xf32>
          %add3A_1804 = arith.addf %add3A_1802, %mul3A_1803 : vector<16xf32>
          %sub3A_1805 = arith.subf %add3A_359, %add3A_1804 : vector<16xf32>
          %add3A_1806 = arith.constant 432 : i32
          %add3A_1807 = arith.addi %mul3A_1184, %add3A_1806 : i32
          %get3A_1808 = arith.index_cast %add3A_1807 : i32 to index
          %get3A_1809 = tpu.vector_load %arg13[%get3A_1808] {strides = array<i32>} : memref<16384xf32, #tpu.memory_space<vmem>>, vector<16xf32>,
          %add3A_1810 = arith.addf %sub3A_1805, %get3A_1809 : vector<16xf32>
          %add3A_1811 = arith.constant 224 : i32
          %add3A_1812 = arith.addi %select_n3A_1208, %add3A_1811 : i32
          %get3A_1813 = arith.index_cast %add3A_1812 : i32 to index
          %get3A_1814 = tpu.vector_load %arg14[%get3A_1813] {strides = array<i32>} : memref<8192xi32, #tpu.memory_space<vmem>>, vector<16xi32>,
          %bitcast3A_1815 = vector.bitcast %get3A_1814 : vector<16xi32> to vector<32xbf16>
          %unpack3A_1816 = tpu.unpack_subelements %bitcast3A_1815, 0 {pack_format = #tpu.pack_format<interleaved>} : vector<32xbf16> -> vector<16xf32>
          %unpack3A_1817 = tpu.unpack_subelements %bitcast3A_1815, 1 {pack_format = #tpu.pack_format<interleaved>} : vector<32xbf16> -> vector<16xf32>
          %add3A_1818 = arith.constant 224 : i32
          %add3A_1819 = arith.addi %select_n3A_1208, %add3A_1818 : i32
          %get3A_1820 = arith.index_cast %add3A_1819 : i32 to index
          %get3A_1821 = tpu.vector_load %arg15[%get3A_1820] {strides = array<i32>} : memref<8192xi32, #tpu.memory_space<vmem>>, vector<16xi32>,
          %bitcast3A_1822 = vector.bitcast %get3A_1821 : vector<16xi32> to vector<32xbf16>
          %unpack3A_1823 = tpu.unpack_subelements %bitcast3A_1822, 0 {pack_format = #tpu.pack_format<interleaved>} : vector<32xbf16> -> vector<16xf32>
          %unpack3A_1824 = tpu.unpack_subelements %bitcast3A_1822, 1 {pack_format = #tpu.pack_format<interleaved>} : vector<32xbf16> -> vector<16xf32>
          %add3A_1825 = arith.constant 224 : i32
          %add3A_1826 = arith.addi %select_n3A_1208, %add3A_1825 : i32
          %get3A_1827 = arith.index_cast %add3A_1826 : i32 to index
          %get3A_1828 = tpu.vector_load %arg16[%get3A_1827] {strides = array<i32>} : memref<8192xi32, #tpu.memory_space<vmem>>, vector<16xi32>,
          %bitcast3A_1829 = vector.bitcast %get3A_1828 : vector<16xi32> to vector<32xbf16>
          %unpack3A_1830 = tpu.unpack_subelements %bitcast3A_1829, 0 {pack_format = #tpu.pack_format<interleaved>} : vector<32xbf16> -> vector<16xf32>
          %unpack3A_1831 = tpu.unpack_subelements %bitcast3A_1829, 1 {pack_format = #tpu.pack_format<interleaved>} : vector<32xbf16> -> vector<16xf32>
          %mul3A_1832 = arith.mulf %unpack3A_1816, %bitcast3A_372 : vector<16xf32>
          %mul3A_1833 = arith.mulf %unpack3A_1823, %bitcast3A_387 : vector<16xf32>
          %add3A_1834 = arith.addf %mul3A_1832, %mul3A_1833 : vector<16xf32>
          %mul3A_1835 = arith.mulf %unpack3A_1830, %bitcast3A_402 : vector<16xf32>
          %add3A_1836 = arith.addf %add3A_1834, %mul3A_1835 : vector<16xf32>
          %sub3A_1837 = arith.subf %add3A_359, %add3A_1836 : vector<16xf32>
          %add3A_1838 = arith.constant 448 : i32
          %add3A_1839 = arith.addi %mul3A_1184, %add3A_1838 : i32
          %get3A_1840 = arith.index_cast %add3A_1839 : i32 to index
          %get3A_1841 = tpu.vector_load %arg13[%get3A_1840] {strides = array<i32>} : memref<16384xf32, #tpu.memory_space<vmem>>, vector<16xf32>,
          %add3A_1842 = arith.addf %sub3A_1837, %get3A_1841 : vector<16xf32>
          %mul3A_1843 = arith.mulf %unpack3A_1817, %bitcast3A_372 : vector<16xf32>
          %mul3A_1844 = arith.mulf %unpack3A_1824, %bitcast3A_387 : vector<16xf32>
          %add3A_1845 = arith.addf %mul3A_1843, %mul3A_1844 : vector<16xf32>
          %mul3A_1846 = arith.mulf %unpack3A_1831, %bitcast3A_402 : vector<16xf32>
          %add3A_1847 = arith.addf %add3A_1845, %mul3A_1846 : vector<16xf32>
          %sub3A_1848 = arith.subf %add3A_359, %add3A_1847 : vector<16xf32>
          %add3A_1849 = arith.constant 464 : i32
          %add3A_1850 = arith.addi %mul3A_1184, %add3A_1849 : i32
          %get3A_1851 = arith.index_cast %add3A_1850 : i32 to index
          %get3A_1852 = tpu.vector_load %arg13[%get3A_1851] {strides = array<i32>} : memref<16384xf32, #tpu.memory_space<vmem>>, vector<16xf32>,
          %add3A_1853 = arith.addf %sub3A_1848, %get3A_1852 : vector<16xf32>
          %add3A_1854 = arith.constant 240 : i32
          %add3A_1855 = arith.addi %select_n3A_1208, %add3A_1854 : i32
          %get3A_1856 = arith.index_cast %add3A_1855 : i32 to index
          %get3A_1857 = tpu.vector_load %arg14[%get3A_1856] {strides = array<i32>} : memref<8192xi32, #tpu.memory_space<vmem>>, vector<16xi32>,
          %bitcast3A_1858 = vector.bitcast %get3A_1857 : vector<16xi32> to vector<32xbf16>
          %unpack3A_1859 = tpu.unpack_subelements %bitcast3A_1858, 0 {pack_format = #tpu.pack_format<interleaved>} : vector<32xbf16> -> vector<16xf32>
          %unpack3A_1860 = tpu.unpack_subelements %bitcast3A_1858, 1 {pack_format = #tpu.pack_format<interleaved>} : vector<32xbf16> -> vector<16xf32>
          %add3A_1861 = arith.constant 240 : i32
          %add3A_1862 = arith.addi %select_n3A_1208, %add3A_1861 : i32
          %get3A_1863 = arith.index_cast %add3A_1862 : i32 to index
          %get3A_1864 = tpu.vector_load %arg15[%get3A_1863] {strides = array<i32>} : memref<8192xi32, #tpu.memory_space<vmem>>, vector<16xi32>,
          %bitcast3A_1865 = vector.bitcast %get3A_1864 : vector<16xi32> to vector<32xbf16>
          %unpack3A_1866 = tpu.unpack_subelements %bitcast3A_1865, 0 {pack_format = #tpu.pack_format<interleaved>} : vector<32xbf16> -> vector<16xf32>
          %unpack3A_1867 = tpu.unpack_subelements %bitcast3A_1865, 1 {pack_format = #tpu.pack_format<interleaved>} : vector<32xbf16> -> vector<16xf32>
          %add3A_1868 = arith.constant 240 : i32
          %add3A_1869 = arith.addi %select_n3A_1208, %add3A_1868 : i32
          %get3A_1870 = arith.index_cast %add3A_1869 : i32 to index
          %get3A_1871 = tpu.vector_load %arg16[%get3A_1870] {strides = array<i32>} : memref<8192xi32, #tpu.memory_space<vmem>>, vector<16xi32>,
          %bitcast3A_1872 = vector.bitcast %get3A_1871 : vector<16xi32> to vector<32xbf16>
          %unpack3A_1873 = tpu.unpack_subelements %bitcast3A_1872, 0 {pack_format = #tpu.pack_format<interleaved>} : vector<32xbf16> -> vector<16xf32>
          %unpack3A_1874 = tpu.unpack_subelements %bitcast3A_1872, 1 {pack_format = #tpu.pack_format<interleaved>} : vector<32xbf16> -> vector<16xf32>
          %mul3A_1875 = arith.mulf %unpack3A_1859, %bitcast3A_372 : vector<16xf32>
          %mul3A_1876 = arith.mulf %unpack3A_1866, %bitcast3A_387 : vector<16xf32>
          %add3A_1877 = arith.addf %mul3A_1875, %mul3A_1876 : vector<16xf32>
          %mul3A_1878 = arith.mulf %unpack3A_1873, %bitcast3A_402 : vector<16xf32>
          %add3A_1879 = arith.addf %add3A_1877, %mul3A_1878 : vector<16xf32>
          %sub3A_1880 = arith.subf %add3A_359, %add3A_1879 : vector<16xf32>
          %add3A_1881 = arith.constant 480 : i32
          %add3A_1882 = arith.addi %mul3A_1184, %add3A_1881 : i32
          %get3A_1883 = arith.index_cast %add3A_1882 : i32 to index
          %get3A_1884 = tpu.vector_load %arg13[%get3A_1883] {strides = array<i32>} : memref<16384xf32, #tpu.memory_space<vmem>>, vector<16xf32>,
          %add3A_1885 = arith.addf %sub3A_1880, %get3A_1884 : vector<16xf32>
          %mul3A_1886 = arith.mulf %unpack3A_1860, %bitcast3A_372 : vector<16xf32>
          %mul3A_1887 = arith.mulf %unpack3A_1867, %bitcast3A_387 : vector<16xf32>
          %add3A_1888 = arith.addf %mul3A_1886, %mul3A_1887 : vector<16xf32>
          %mul3A_1889 = arith.mulf %unpack3A_1874, %bitcast3A_402 : vector<16xf32>
          %add3A_1890 = arith.addf %add3A_1888, %mul3A_1889 : vector<16xf32>
          %sub3A_1891 = arith.subf %add3A_359, %add3A_1890 : vector<16xf32>
          %add3A_1892 = arith.constant 496 : i32
          %add3A_1893 = arith.addi %mul3A_1184, %add3A_1892 : i32
          %get3A_1894 = arith.index_cast %add3A_1893 : i32 to index
          %get3A_1895 = tpu.vector_load %arg13[%get3A_1894] {strides = array<i32>} : memref<16384xf32, #tpu.memory_space<vmem>>, vector<16xf32>,
          %add3A_1896 = arith.addf %sub3A_1891, %get3A_1895 : vector<16xf32>
          %min3A_1897 = arith.minimumf %add3A_1240, %add3A_1251 : vector<16xf32>
          %min3A_1898 = arith.minimumf %min3A_1897, %add3A_1283 : vector<16xf32>
          %min3A_1899 = arith.minimumf %min3A_1898, %add3A_1294 : vector<16xf32>
          %min3A_1900 = arith.minimumf %min3A_1899, %add3A_1326 : vector<16xf32>
          %min3A_1901 = arith.minimumf %min3A_1900, %add3A_1337 : vector<16xf32>
          %min3A_1902 = arith.minimumf %min3A_1901, %add3A_1369 : vector<16xf32>
          %min3A_1903 = arith.minimumf %min3A_1902, %add3A_1380 : vector<16xf32>
          %min3A_1904 = arith.minimumf %min3A_1903, %add3A_1412 : vector<16xf32>
          %min3A_1905 = arith.minimumf %min3A_1904, %add3A_1423 : vector<16xf32>
          %min3A_1906 = arith.minimumf %min3A_1905, %add3A_1455 : vector<16xf32>
          %min3A_1907 = arith.minimumf %min3A_1906, %add3A_1466 : vector<16xf32>
          %min3A_1908 = arith.minimumf %min3A_1907, %add3A_1498 : vector<16xf32>
          %min3A_1909 = arith.minimumf %min3A_1908, %add3A_1509 : vector<16xf32>
          %min3A_1910 = arith.minimumf %min3A_1909, %add3A_1541 : vector<16xf32>
          %min3A_1911 = arith.minimumf %min3A_1910, %add3A_1552 : vector<16xf32>
          %min3A_1912 = arith.minimumf %min3A_1911, %add3A_1584 : vector<16xf32>
          %min3A_1913 = arith.minimumf %min3A_1912, %add3A_1595 : vector<16xf32>
          %min3A_1914 = arith.minimumf %min3A_1913, %add3A_1627 : vector<16xf32>
          %min3A_1915 = arith.minimumf %min3A_1914, %add3A_1638 : vector<16xf32>
          %min3A_1916 = arith.minimumf %min3A_1915, %add3A_1670 : vector<16xf32>
          %min3A_1917 = arith.minimumf %min3A_1916, %add3A_1681 : vector<16xf32>
          %min3A_1918 = arith.minimumf %min3A_1917, %add3A_1713 : vector<16xf32>
          %min3A_1919 = arith.minimumf %min3A_1918, %add3A_1724 : vector<16xf32>
          %min3A_1920 = arith.minimumf %min3A_1919, %add3A_1756 : vector<16xf32>
          %min3A_1921 = arith.minimumf %min3A_1920, %add3A_1767 : vector<16xf32>
          %min3A_1922 = arith.minimumf %min3A_1921, %add3A_1799 : vector<16xf32>
          %min3A_1923 = arith.minimumf %min3A_1922, %add3A_1810 : vector<16xf32>
          %min3A_1924 = arith.minimumf %min3A_1923, %add3A_1842 : vector<16xf32>
          %min3A_1925 = arith.minimumf %min3A_1924, %add3A_1853 : vector<16xf32>
          %min3A_1926 = arith.minimumf %min3A_1925, %add3A_1885 : vector<16xf32>
          %min3A_1927 = arith.minimumf %min3A_1926, %add3A_1896 : vector<16xf32>
          %lt3A_1928 = arith.cmpf olt, %min3A_1927, %cond3A_1178 : vector<16xf32>
          %reduce_or3A_1929 = arith.constant 1.000000e+00 : f32
          %reduce_or3A_1930 = arith.constant 0.000000e+00 : f32
          %reduce_or3A_1931 = vector.broadcast %reduce_or3A_1929 : f32 to vector<16xf32>
          %reduce_or3A_1932 = vector.broadcast %reduce_or3A_1930 : f32 to vector<16xf32>
          %reduce_or3A_1933 = arith.select %lt3A_1928, %reduce_or3A_1931, %reduce_or3A_1932 : vector<16xi1>, vector<16xf32>
          %reduce_or3A_1934 = arith.constant true
          %reduce_or3A_1935 = vector.broadcast %reduce_or3A_1934 : i1 to vector<16xi1>
          %reduce_or3A_1936 = tpu.scan <max>, %reduce_or3A_1933 masked %reduce_or3A_1935 : vector<16xf32>, vector<16xi1> -> vector<16xf32>
          %reduce_or3A_1937 = vector.extract %reduce_or3A_1936[15] : f32 from vector<16xf32>
          %reduce_or3A_1938 = arith.constant 0.000000e+00 : f32
          %reduce_or3A_1939 = arith.cmpf ogt, %reduce_or3A_1937, %reduce_or3A_1938 : f32
          %convert_element_type3A_1940 = arith.extui %reduce_or3A_1939 : i1 to i32
          %cond3A_1941 = arith.constant 0 : i32
          %cond3A_1942 = arith.cmpi ne, %convert_element_type3A_1940, %cond3A_1941 : i32
          %cond3A_1943 = scf.if %cond3A_1942 -> (vector<16xf32>) {
            %mul3A_1944 = arith.constant 16384 : i32
            %mul3A_1945 = arith.muli %scan3A_219, %mul3A_1944 : i32
            %mul3A_1946 = arith.constant 512 : i32
            %mul3A_1947 = arith.muli %add3A_1182, %mul3A_1946 : i32
            %add3A_1948 = arith.addi %mul3A_1945, %mul3A_1947 : i32
            %add3A_1949 = arith.constant 0 : i32
            %add3A_1950 = arith.addi %add3A_1948, %add3A_1949 : i32
            %broadcast_in_dim3A_1951 = vector.broadcast %add3A_1950 : i32 to vector<16xi32>
            %add3A_1952 = arith.addi %broadcast_in_dim3A_1951, %iota3A : vector<16xi32>
            %masked_sort3A = arith.constant dense<true> : vector<16xi1>
            %masked_sort3A_1953, %masked_sort3A_1954, %masked_sort3A_1955 = tpu.sort %add3A_1240, %add3A_1952 masked %masked_sort3A : (vector<16xf32>, vector<16xi32>, vector<16xi1>) -> (vector<16xi1>, vector<16xf32>, vector<16xi32>)
            %add3A_1956 = arith.constant 16 : i32
            %add3A_1957 = arith.addi %add3A_1948, %add3A_1956 : i32
            %broadcast_in_dim3A_1958 = vector.broadcast %add3A_1957 : i32 to vector<16xi32>
            %add3A_1959 = arith.addi %broadcast_in_dim3A_1958, %iota3A : vector<16xi32>
            %masked_sort3A_1960 = arith.constant dense<true> : vector<16xi1>
            %masked_sort3A_1961, %masked_sort3A_1962, %masked_sort3A_1963 = tpu.sort %add3A_1251, %add3A_1959 masked %masked_sort3A_1960 : (vector<16xf32>, vector<16xi32>, vector<16xi1>) -> (vector<16xi1>, vector<16xf32>, vector<16xi32>)
            %add3A_1964 = arith.constant 32 : i32
            %add3A_1965 = arith.addi %add3A_1948, %add3A_1964 : i32
            %broadcast_in_dim3A_1966 = vector.broadcast %add3A_1965 : i32 to vector<16xi32>
            %add3A_1967 = arith.addi %broadcast_in_dim3A_1966, %iota3A : vector<16xi32>
            %masked_sort3A_1968 = arith.constant dense<true> : vector<16xi1>
            %masked_sort3A_1969, %masked_sort3A_1970, %masked_sort3A_1971 = tpu.sort %add3A_1283, %add3A_1967 masked %masked_sort3A_1968 : (vector<16xf32>, vector<16xi32>, vector<16xi1>) -> (vector<16xi1>, vector<16xf32>, vector<16xi32>)
            %add3A_1972 = arith.constant 48 : i32
            %add3A_1973 = arith.addi %add3A_1948, %add3A_1972 : i32
            %broadcast_in_dim3A_1974 = vector.broadcast %add3A_1973 : i32 to vector<16xi32>
            %add3A_1975 = arith.addi %broadcast_in_dim3A_1974, %iota3A : vector<16xi32>
            %masked_sort3A_1976 = arith.constant dense<true> : vector<16xi1>
            %masked_sort3A_1977, %masked_sort3A_1978, %masked_sort3A_1979 = tpu.sort %add3A_1294, %add3A_1975 masked %masked_sort3A_1976 : (vector<16xf32>, vector<16xi32>, vector<16xi1>) -> (vector<16xi1>, vector<16xf32>, vector<16xi32>)
            %add3A_1980 = arith.constant 64 : i32
            %add3A_1981 = arith.addi %add3A_1948, %add3A_1980 : i32
            %broadcast_in_dim3A_1982 = vector.broadcast %add3A_1981 : i32 to vector<16xi32>
            %add3A_1983 = arith.addi %broadcast_in_dim3A_1982, %iota3A : vector<16xi32>
            %masked_sort3A_1984 = arith.constant dense<true> : vector<16xi1>
            %masked_sort3A_1985, %masked_sort3A_1986, %masked_sort3A_1987 = tpu.sort %add3A_1326, %add3A_1983 masked %masked_sort3A_1984 : (vector<16xf32>, vector<16xi32>, vector<16xi1>) -> (vector<16xi1>, vector<16xf32>, vector<16xi32>)
            %add3A_1988 = arith.constant 80 : i32
            %add3A_1989 = arith.addi %add3A_1948, %add3A_1988 : i32
            %broadcast_in_dim3A_1990 = vector.broadcast %add3A_1989 : i32 to vector<16xi32>
            %add3A_1991 = arith.addi %broadcast_in_dim3A_1990, %iota3A : vector<16xi32>
            %masked_sort3A_1992 = arith.constant dense<true> : vector<16xi1>
            %masked_sort3A_1993, %masked_sort3A_1994, %masked_sort3A_1995 = tpu.sort %add3A_1337, %add3A_1991 masked %masked_sort3A_1992 : (vector<16xf32>, vector<16xi32>, vector<16xi1>) -> (vector<16xi1>, vector<16xf32>, vector<16xi32>)
            %add3A_1996 = arith.constant 96 : i32
            %add3A_1997 = arith.addi %add3A_1948, %add3A_1996 : i32
            %broadcast_in_dim3A_1998 = vector.broadcast %add3A_1997 : i32 to vector<16xi32>
            %add3A_1999 = arith.addi %broadcast_in_dim3A_1998, %iota3A : vector<16xi32>
            %masked_sort3A_2000 = arith.constant dense<true> : vector<16xi1>
            %masked_sort3A_2001, %masked_sort3A_2002, %masked_sort3A_2003 = tpu.sort %add3A_1369, %add3A_1999 masked %masked_sort3A_2000 : (vector<16xf32>, vector<16xi32>, vector<16xi1>) -> (vector<16xi1>, vector<16xf32>, vector<16xi32>)
            %add3A_2004 = arith.constant 112 : i32
            %add3A_2005 = arith.addi %add3A_1948, %add3A_2004 : i32
            %broadcast_in_dim3A_2006 = vector.broadcast %add3A_2005 : i32 to vector<16xi32>
            %add3A_2007 = arith.addi %broadcast_in_dim3A_2006, %iota3A : vector<16xi32>
            %masked_sort3A_2008 = arith.constant dense<true> : vector<16xi1>
            %masked_sort3A_2009, %masked_sort3A_2010, %masked_sort3A_2011 = tpu.sort %add3A_1380, %add3A_2007 masked %masked_sort3A_2008 : (vector<16xf32>, vector<16xi32>, vector<16xi1>) -> (vector<16xi1>, vector<16xf32>, vector<16xi32>)
            %add3A_2012 = arith.constant 128 : i32
            %add3A_2013 = arith.addi %add3A_1948, %add3A_2012 : i32
            %broadcast_in_dim3A_2014 = vector.broadcast %add3A_2013 : i32 to vector<16xi32>
            %add3A_2015 = arith.addi %broadcast_in_dim3A_2014, %iota3A : vector<16xi32>
            %masked_sort3A_2016 = arith.constant dense<true> : vector<16xi1>
            %masked_sort3A_2017, %masked_sort3A_2018, %masked_sort3A_2019 = tpu.sort %add3A_1412, %add3A_2015 masked %masked_sort3A_2016 : (vector<16xf32>, vector<16xi32>, vector<16xi1>) -> (vector<16xi1>, vector<16xf32>, vector<16xi32>)
            %add3A_2020 = arith.constant 144 : i32
            %add3A_2021 = arith.addi %add3A_1948, %add3A_2020 : i32
            %broadcast_in_dim3A_2022 = vector.broadcast %add3A_2021 : i32 to vector<16xi32>
            %add3A_2023 = arith.addi %broadcast_in_dim3A_2022, %iota3A : vector<16xi32>
            %masked_sort3A_2024 = arith.constant dense<true> : vector<16xi1>
            %masked_sort3A_2025, %masked_sort3A_2026, %masked_sort3A_2027 = tpu.sort %add3A_1423, %add3A_2023 masked %masked_sort3A_2024 : (vector<16xf32>, vector<16xi32>, vector<16xi1>) -> (vector<16xi1>, vector<16xf32>, vector<16xi32>)
            %add3A_2028 = arith.constant 160 : i32
            %add3A_2029 = arith.addi %add3A_1948, %add3A_2028 : i32
            %broadcast_in_dim3A_2030 = vector.broadcast %add3A_2029 : i32 to vector<16xi32>
            %add3A_2031 = arith.addi %broadcast_in_dim3A_2030, %iota3A : vector<16xi32>
            %masked_sort3A_2032 = arith.constant dense<true> : vector<16xi1>
            %masked_sort3A_2033, %masked_sort3A_2034, %masked_sort3A_2035 = tpu.sort %add3A_1455, %add3A_2031 masked %masked_sort3A_2032 : (vector<16xf32>, vector<16xi32>, vector<16xi1>) -> (vector<16xi1>, vector<16xf32>, vector<16xi32>)
            %add3A_2036 = arith.constant 176 : i32
            %add3A_2037 = arith.addi %add3A_1948, %add3A_2036 : i32
            %broadcast_in_dim3A_2038 = vector.broadcast %add3A_2037 : i32 to vector<16xi32>
            %add3A_2039 = arith.addi %broadcast_in_dim3A_2038, %iota3A : vector<16xi32>
            %masked_sort3A_2040 = arith.constant dense<true> : vector<16xi1>
            %masked_sort3A_2041, %masked_sort3A_2042, %masked_sort3A_2043 = tpu.sort %add3A_1466, %add3A_2039 masked %masked_sort3A_2040 : (vector<16xf32>, vector<16xi32>, vector<16xi1>) -> (vector<16xi1>, vector<16xf32>, vector<16xi32>)
            %add3A_2044 = arith.constant 192 : i32
            %add3A_2045 = arith.addi %add3A_1948, %add3A_2044 : i32
            %broadcast_in_dim3A_2046 = vector.broadcast %add3A_2045 : i32 to vector<16xi32>
            %add3A_2047 = arith.addi %broadcast_in_dim3A_2046, %iota3A : vector<16xi32>
            %masked_sort3A_2048 = arith.constant dense<true> : vector<16xi1>
            %masked_sort3A_2049, %masked_sort3A_2050, %masked_sort3A_2051 = tpu.sort %add3A_1498, %add3A_2047 masked %masked_sort3A_2048 : (vector<16xf32>, vector<16xi32>, vector<16xi1>) -> (vector<16xi1>, vector<16xf32>, vector<16xi32>)
            %add3A_2052 = arith.constant 208 : i32
            %add3A_2053 = arith.addi %add3A_1948, %add3A_2052 : i32
            %broadcast_in_dim3A_2054 = vector.broadcast %add3A_2053 : i32 to vector<16xi32>
            %add3A_2055 = arith.addi %broadcast_in_dim3A_2054, %iota3A : vector<16xi32>
            %masked_sort3A_2056 = arith.constant dense<true> : vector<16xi1>
            %masked_sort3A_2057, %masked_sort3A_2058, %masked_sort3A_2059 = tpu.sort %add3A_1509, %add3A_2055 masked %masked_sort3A_2056 : (vector<16xf32>, vector<16xi32>, vector<16xi1>) -> (vector<16xi1>, vector<16xf32>, vector<16xi32>)
            %add3A_2060 = arith.constant 224 : i32
            %add3A_2061 = arith.addi %add3A_1948, %add3A_2060 : i32
            %broadcast_in_dim3A_2062 = vector.broadcast %add3A_2061 : i32 to vector<16xi32>
            %add3A_2063 = arith.addi %broadcast_in_dim3A_2062, %iota3A : vector<16xi32>
            %masked_sort3A_2064 = arith.constant dense<true> : vector<16xi1>
            %masked_sort3A_2065, %masked_sort3A_2066, %masked_sort3A_2067 = tpu.sort %add3A_1541, %add3A_2063 masked %masked_sort3A_2064 : (vector<16xf32>, vector<16xi32>, vector<16xi1>) -> (vector<16xi1>, vector<16xf32>, vector<16xi32>)
            %add3A_2068 = arith.constant 240 : i32
            %add3A_2069 = arith.addi %add3A_1948, %add3A_2068 : i32
            %broadcast_in_dim3A_2070 = vector.broadcast %add3A_2069 : i32 to vector<16xi32>
            %add3A_2071 = arith.addi %broadcast_in_dim3A_2070, %iota3A : vector<16xi32>
            %masked_sort3A_2072 = arith.constant dense<true> : vector<16xi1>
            %masked_sort3A_2073, %masked_sort3A_2074, %masked_sort3A_2075 = tpu.sort %add3A_1552, %add3A_2071 masked %masked_sort3A_2072 : (vector<16xf32>, vector<16xi32>, vector<16xi1>) -> (vector<16xi1>, vector<16xf32>, vector<16xi32>)
            %add3A_2076 = arith.constant 256 : i32
            %add3A_2077 = arith.addi %add3A_1948, %add3A_2076 : i32
            %broadcast_in_dim3A_2078 = vector.broadcast %add3A_2077 : i32 to vector<16xi32>
            %add3A_2079 = arith.addi %broadcast_in_dim3A_2078, %iota3A : vector<16xi32>
            %masked_sort3A_2080 = arith.constant dense<true> : vector<16xi1>
            %masked_sort3A_2081, %masked_sort3A_2082, %masked_sort3A_2083 = tpu.sort %add3A_1584, %add3A_2079 masked %masked_sort3A_2080 : (vector<16xf32>, vector<16xi32>, vector<16xi1>) -> (vector<16xi1>, vector<16xf32>, vector<16xi32>)
            %add3A_2084 = arith.constant 272 : i32
            %add3A_2085 = arith.addi %add3A_1948, %add3A_2084 : i32
            %broadcast_in_dim3A_2086 = vector.broadcast %add3A_2085 : i32 to vector<16xi32>
            %add3A_2087 = arith.addi %broadcast_in_dim3A_2086, %iota3A : vector<16xi32>
            %masked_sort3A_2088 = arith.constant dense<true> : vector<16xi1>
            %masked_sort3A_2089, %masked_sort3A_2090, %masked_sort3A_2091 = tpu.sort %add3A_1595, %add3A_2087 masked %masked_sort3A_2088 : (vector<16xf32>, vector<16xi32>, vector<16xi1>) -> (vector<16xi1>, vector<16xf32>, vector<16xi32>)
            %add3A_2092 = arith.constant 288 : i32
            %add3A_2093 = arith.addi %add3A_1948, %add3A_2092 : i32
            %broadcast_in_dim3A_2094 = vector.broadcast %add3A_2093 : i32 to vector<16xi32>
            %add3A_2095 = arith.addi %broadcast_in_dim3A_2094, %iota3A : vector<16xi32>
            %masked_sort3A_2096 = arith.constant dense<true> : vector<16xi1>
            %masked_sort3A_2097, %masked_sort3A_2098, %masked_sort3A_2099 = tpu.sort %add3A_1627, %add3A_2095 masked %masked_sort3A_2096 : (vector<16xf32>, vector<16xi32>, vector<16xi1>) -> (vector<16xi1>, vector<16xf32>, vector<16xi32>)
            %add3A_2100 = arith.constant 304 : i32
            %add3A_2101 = arith.addi %add3A_1948, %add3A_2100 : i32
            %broadcast_in_dim3A_2102 = vector.broadcast %add3A_2101 : i32 to vector<16xi32>
            %add3A_2103 = arith.addi %broadcast_in_dim3A_2102, %iota3A : vector<16xi32>
            %masked_sort3A_2104 = arith.constant dense<true> : vector<16xi1>
            %masked_sort3A_2105, %masked_sort3A_2106, %masked_sort3A_2107 = tpu.sort %add3A_1638, %add3A_2103 masked %masked_sort3A_2104 : (vector<16xf32>, vector<16xi32>, vector<16xi1>) -> (vector<16xi1>, vector<16xf32>, vector<16xi32>)
            %add3A_2108 = arith.constant 320 : i32
            %add3A_2109 = arith.addi %add3A_1948, %add3A_2108 : i32
            %broadcast_in_dim3A_2110 = vector.broadcast %add3A_2109 : i32 to vector<16xi32>
            %add3A_2111 = arith.addi %broadcast_in_dim3A_2110, %iota3A : vector<16xi32>
            %masked_sort3A_2112 = arith.constant dense<true> : vector<16xi1>
            %masked_sort3A_2113, %masked_sort3A_2114, %masked_sort3A_2115 = tpu.sort %add3A_1670, %add3A_2111 masked %masked_sort3A_2112 : (vector<16xf32>, vector<16xi32>, vector<16xi1>) -> (vector<16xi1>, vector<16xf32>, vector<16xi32>)
            %add3A_2116 = arith.constant 336 : i32
            %add3A_2117 = arith.addi %add3A_1948, %add3A_2116 : i32
            %broadcast_in_dim3A_2118 = vector.broadcast %add3A_2117 : i32 to vector<16xi32>
            %add3A_2119 = arith.addi %broadcast_in_dim3A_2118, %iota3A : vector<16xi32>
            %masked_sort3A_2120 = arith.constant dense<true> : vector<16xi1>
            %masked_sort3A_2121, %masked_sort3A_2122, %masked_sort3A_2123 = tpu.sort %add3A_1681, %add3A_2119 masked %masked_sort3A_2120 : (vector<16xf32>, vector<16xi32>, vector<16xi1>) -> (vector<16xi1>, vector<16xf32>, vector<16xi32>)
            %add3A_2124 = arith.constant 352 : i32
            %add3A_2125 = arith.addi %add3A_1948, %add3A_2124 : i32
            %broadcast_in_dim3A_2126 = vector.broadcast %add3A_2125 : i32 to vector<16xi32>
            %add3A_2127 = arith.addi %broadcast_in_dim3A_2126, %iota3A : vector<16xi32>
            %masked_sort3A_2128 = arith.constant dense<true> : vector<16xi1>
            %masked_sort3A_2129, %masked_sort3A_2130, %masked_sort3A_2131 = tpu.sort %add3A_1713, %add3A_2127 masked %masked_sort3A_2128 : (vector<16xf32>, vector<16xi32>, vector<16xi1>) -> (vector<16xi1>, vector<16xf32>, vector<16xi32>)
            %add3A_2132 = arith.constant 368 : i32
            %add3A_2133 = arith.addi %add3A_1948, %add3A_2132 : i32
            %broadcast_in_dim3A_2134 = vector.broadcast %add3A_2133 : i32 to vector<16xi32>
            %add3A_2135 = arith.addi %broadcast_in_dim3A_2134, %iota3A : vector<16xi32>
            %masked_sort3A_2136 = arith.constant dense<true> : vector<16xi1>
            %masked_sort3A_2137, %masked_sort3A_2138, %masked_sort3A_2139 = tpu.sort %add3A_1724, %add3A_2135 masked %masked_sort3A_2136 : (vector<16xf32>, vector<16xi32>, vector<16xi1>) -> (vector<16xi1>, vector<16xf32>, vector<16xi32>)
            %add3A_2140 = arith.constant 384 : i32
            %add3A_2141 = arith.addi %add3A_1948, %add3A_2140 : i32
            %broadcast_in_dim3A_2142 = vector.broadcast %add3A_2141 : i32 to vector<16xi32>
            %add3A_2143 = arith.addi %broadcast_in_dim3A_2142, %iota3A : vector<16xi32>
            %masked_sort3A_2144 = arith.constant dense<true> : vector<16xi1>
            %masked_sort3A_2145, %masked_sort3A_2146, %masked_sort3A_2147 = tpu.sort %add3A_1756, %add3A_2143 masked %masked_sort3A_2144 : (vector<16xf32>, vector<16xi32>, vector<16xi1>) -> (vector<16xi1>, vector<16xf32>, vector<16xi32>)
            %add3A_2148 = arith.constant 400 : i32
            %add3A_2149 = arith.addi %add3A_1948, %add3A_2148 : i32
            %broadcast_in_dim3A_2150 = vector.broadcast %add3A_2149 : i32 to vector<16xi32>
            %add3A_2151 = arith.addi %broadcast_in_dim3A_2150, %iota3A : vector<16xi32>
            %masked_sort3A_2152 = arith.constant dense<true> : vector<16xi1>
            %masked_sort3A_2153, %masked_sort3A_2154, %masked_sort3A_2155 = tpu.sort %add3A_1767, %add3A_2151 masked %masked_sort3A_2152 : (vector<16xf32>, vector<16xi32>, vector<16xi1>) -> (vector<16xi1>, vector<16xf32>, vector<16xi32>)
            %add3A_2156 = arith.constant 416 : i32
            %add3A_2157 = arith.addi %add3A_1948, %add3A_2156 : i32
            %broadcast_in_dim3A_2158 = vector.broadcast %add3A_2157 : i32 to vector<16xi32>
            %add3A_2159 = arith.addi %broadcast_in_dim3A_2158, %iota3A : vector<16xi32>
            %masked_sort3A_2160 = arith.constant dense<true> : vector<16xi1>
            %masked_sort3A_2161, %masked_sort3A_2162, %masked_sort3A_2163 = tpu.sort %add3A_1799, %add3A_2159 masked %masked_sort3A_2160 : (vector<16xf32>, vector<16xi32>, vector<16xi1>) -> (vector<16xi1>, vector<16xf32>, vector<16xi32>)
            %add3A_2164 = arith.constant 432 : i32
            %add3A_2165 = arith.addi %add3A_1948, %add3A_2164 : i32
            %broadcast_in_dim3A_2166 = vector.broadcast %add3A_2165 : i32 to vector<16xi32>
            %add3A_2167 = arith.addi %broadcast_in_dim3A_2166, %iota3A : vector<16xi32>
            %masked_sort3A_2168 = arith.constant dense<true> : vector<16xi1>
            %masked_sort3A_2169, %masked_sort3A_2170, %masked_sort3A_2171 = tpu.sort %add3A_1810, %add3A_2167 masked %masked_sort3A_2168 : (vector<16xf32>, vector<16xi32>, vector<16xi1>) -> (vector<16xi1>, vector<16xf32>, vector<16xi32>)
            %add3A_2172 = arith.constant 448 : i32
            %add3A_2173 = arith.addi %add3A_1948, %add3A_2172 : i32
            %broadcast_in_dim3A_2174 = vector.broadcast %add3A_2173 : i32 to vector<16xi32>
            %add3A_2175 = arith.addi %broadcast_in_dim3A_2174, %iota3A : vector<16xi32>
            %masked_sort3A_2176 = arith.constant dense<true> : vector<16xi1>
            %masked_sort3A_2177, %masked_sort3A_2178, %masked_sort3A_2179 = tpu.sort %add3A_1842, %add3A_2175 masked %masked_sort3A_2176 : (vector<16xf32>, vector<16xi32>, vector<16xi1>) -> (vector<16xi1>, vector<16xf32>, vector<16xi32>)
            %add3A_2180 = arith.constant 464 : i32
            %add3A_2181 = arith.addi %add3A_1948, %add3A_2180 : i32
            %broadcast_in_dim3A_2182 = vector.broadcast %add3A_2181 : i32 to vector<16xi32>
            %add3A_2183 = arith.addi %broadcast_in_dim3A_2182, %iota3A : vector<16xi32>
            %masked_sort3A_2184 = arith.constant dense<true> : vector<16xi1>
            %masked_sort3A_2185, %masked_sort3A_2186, %masked_sort3A_2187 = tpu.sort %add3A_1853, %add3A_2183 masked %masked_sort3A_2184 : (vector<16xf32>, vector<16xi32>, vector<16xi1>) -> (vector<16xi1>, vector<16xf32>, vector<16xi32>)
            %add3A_2188 = arith.constant 480 : i32
            %add3A_2189 = arith.addi %add3A_1948, %add3A_2188 : i32
            %broadcast_in_dim3A_2190 = vector.broadcast %add3A_2189 : i32 to vector<16xi32>
            %add3A_2191 = arith.addi %broadcast_in_dim3A_2190, %iota3A : vector<16xi32>
            %masked_sort3A_2192 = arith.constant dense<true> : vector<16xi1>
            %masked_sort3A_2193, %masked_sort3A_2194, %masked_sort3A_2195 = tpu.sort %add3A_1885, %add3A_2191 masked %masked_sort3A_2192 : (vector<16xf32>, vector<16xi32>, vector<16xi1>) -> (vector<16xi1>, vector<16xf32>, vector<16xi32>)
            %add3A_2196 = arith.constant 496 : i32
            %add3A_2197 = arith.addi %add3A_1948, %add3A_2196 : i32
            %broadcast_in_dim3A_2198 = vector.broadcast %add3A_2197 : i32 to vector<16xi32>
            %add3A_2199 = arith.addi %broadcast_in_dim3A_2198, %iota3A : vector<16xi32>
            %masked_sort3A_2200 = arith.constant dense<true> : vector<16xi1>
            %masked_sort3A_2201, %masked_sort3A_2202, %masked_sort3A_2203 = tpu.sort %add3A_1896, %add3A_2199 masked %masked_sort3A_2200 : (vector<16xf32>, vector<16xi32>, vector<16xi1>) -> (vector<16xi1>, vector<16xf32>, vector<16xi32>)
            %rev3A = arith.constant 15 : i32
            %rev3A_2204 = vector.broadcast %rev3A : i32 to vector<16xi32>
            %rev3A_2205 = tpu.iota {dimensions = array<i32: 0>} : vector<16xi32>
            %rev3A_2206 = arith.subi %rev3A_2204, %rev3A_2205 : vector<16xi32>
            %rev3A_2207 = tpu.dynamic_gather %masked_sort3A_1962[%rev3A_2206] in [0] : vector<16xf32>, vector<16xi32> -> vector<16xf32>
            %rev3A_2208 = arith.constant 15 : i32
            %rev3A_2209 = vector.broadcast %rev3A_2208 : i32 to vector<16xi32>
            %rev3A_2210 = tpu.iota {dimensions = array<i32: 0>} : vector<16xi32>
            %rev3A_2211 = arith.subi %rev3A_2209, %rev3A_2210 : vector<16xi32>
            %rev3A_2212 = tpu.dynamic_gather %masked_sort3A_1963[%rev3A_2211] in [0] : vector<16xi32>, vector<16xi32> -> vector<16xi32>
            %lt3A_2213 = arith.cmpf olt, %rev3A_2207, %masked_sort3A_1954 : vector<16xf32>
            %select_n3A_2214 = arith.select %lt3A_2213, %rev3A_2207, %masked_sort3A_1954 : vector<16xi1>, vector<16xf32>
            %select_n3A_2215 = arith.select %lt3A_2213, %rev3A_2212, %masked_sort3A_1955 : vector<16xi1>, vector<16xi32>
            %masked_sort3A_2216 = arith.constant dense<true> : vector<16xi1>
            %masked_sort3A_2217, %masked_sort3A_2218, %masked_sort3A_2219 = tpu.sort %select_n3A_2214, %select_n3A_2215 masked %masked_sort3A_2216 : (vector<16xf32>, vector<16xi32>, vector<16xi1>) -> (vector<16xi1>, vector<16xf32>, vector<16xi32>)
            %rev3A_2220 = arith.constant 15 : i32
            %rev3A_2221 = vector.broadcast %rev3A_2220 : i32 to vector<16xi32>
            %rev3A_2222 = tpu.iota {dimensions = array<i32: 0>} : vector<16xi32>
            %rev3A_2223 = arith.subi %rev3A_2221, %rev3A_2222 : vector<16xi32>
            %rev3A_2224 = tpu.dynamic_gather %masked_sort3A_1978[%rev3A_2223] in [0] : vector<16xf32>, vector<16xi32> -> vector<16xf32>
            %rev3A_2225 = arith.constant 15 : i32
            %rev3A_2226 = vector.broadcast %rev3A_2225 : i32 to vector<16xi32>
            %rev3A_2227 = tpu.iota {dimensions = array<i32: 0>} : vector<16xi32>
            %rev3A_2228 = arith.subi %rev3A_2226, %rev3A_2227 : vector<16xi32>
            %rev3A_2229 = tpu.dynamic_gather %masked_sort3A_1979[%rev3A_2228] in [0] : vector<16xi32>, vector<16xi32> -> vector<16xi32>
            %lt3A_2230 = arith.cmpf olt, %rev3A_2224, %masked_sort3A_1970 : vector<16xf32>
            %select_n3A_2231 = arith.select %lt3A_2230, %rev3A_2224, %masked_sort3A_1970 : vector<16xi1>, vector<16xf32>
            %select_n3A_2232 = arith.select %lt3A_2230, %rev3A_2229, %masked_sort3A_1971 : vector<16xi1>, vector<16xi32>
            %masked_sort3A_2233 = arith.constant dense<true> : vector<16xi1>
            %masked_sort3A_2234, %masked_sort3A_2235, %masked_sort3A_2236 = tpu.sort %select_n3A_2231, %select_n3A_2232 masked %masked_sort3A_2233 : (vector<16xf32>, vector<16xi32>, vector<16xi1>) -> (vector<16xi1>, vector<16xf32>, vector<16xi32>)
            %rev3A_2237 = arith.constant 15 : i32
            %rev3A_2238 = vector.broadcast %rev3A_2237 : i32 to vector<16xi32>
            %rev3A_2239 = tpu.iota {dimensions = array<i32: 0>} : vector<16xi32>
            %rev3A_2240 = arith.subi %rev3A_2238, %rev3A_2239 : vector<16xi32>
            %rev3A_2241 = tpu.dynamic_gather %masked_sort3A_1994[%rev3A_2240] in [0] : vector<16xf32>, vector<16xi32> -> vector<16xf32>
            %rev3A_2242 = arith.constant 15 : i32
            %rev3A_2243 = vector.broadcast %rev3A_2242 : i32 to vector<16xi32>
            %rev3A_2244 = tpu.iota {dimensions = array<i32: 0>} : vector<16xi32>
            %rev3A_2245 = arith.subi %rev3A_2243, %rev3A_2244 : vector<16xi32>
            %rev3A_2246 = tpu.dynamic_gather %masked_sort3A_1995[%rev3A_2245] in [0] : vector<16xi32>, vector<16xi32> -> vector<16xi32>
            %lt3A_2247 = arith.cmpf olt, %rev3A_2241, %masked_sort3A_1986 : vector<16xf32>
            %select_n3A_2248 = arith.select %lt3A_2247, %rev3A_2241, %masked_sort3A_1986 : vector<16xi1>, vector<16xf32>
            %select_n3A_2249 = arith.select %lt3A_2247, %rev3A_2246, %masked_sort3A_1987 : vector<16xi1>, vector<16xi32>
            %masked_sort3A_2250 = arith.constant dense<true> : vector<16xi1>
            %masked_sort3A_2251, %masked_sort3A_2252, %masked_sort3A_2253 = tpu.sort %select_n3A_2248, %select_n3A_2249 masked %masked_sort3A_2250 : (vector<16xf32>, vector<16xi32>, vector<16xi1>) -> (vector<16xi1>, vector<16xf32>, vector<16xi32>)
            %rev3A_2254 = arith.constant 15 : i32
            %rev3A_2255 = vector.broadcast %rev3A_2254 : i32 to vector<16xi32>
            %rev3A_2256 = tpu.iota {dimensions = array<i32: 0>} : vector<16xi32>
            %rev3A_2257 = arith.subi %rev3A_2255, %rev3A_2256 : vector<16xi32>
            %rev3A_2258 = tpu.dynamic_gather %masked_sort3A_2010[%rev3A_2257] in [0] : vector<16xf32>, vector<16xi32> -> vector<16xf32>
            %rev3A_2259 = arith.constant 15 : i32
            %rev3A_2260 = vector.broadcast %rev3A_2259 : i32 to vector<16xi32>
            %rev3A_2261 = tpu.iota {dimensions = array<i32: 0>} : vector<16xi32>
            %rev3A_2262 = arith.subi %rev3A_2260, %rev3A_2261 : vector<16xi32>
            %rev3A_2263 = tpu.dynamic_gather %masked_sort3A_2011[%rev3A_2262] in [0] : vector<16xi32>, vector<16xi32> -> vector<16xi32>
            %lt3A_2264 = arith.cmpf olt, %rev3A_2258, %masked_sort3A_2002 : vector<16xf32>
            %select_n3A_2265 = arith.select %lt3A_2264, %rev3A_2258, %masked_sort3A_2002 : vector<16xi1>, vector<16xf32>
            %select_n3A_2266 = arith.select %lt3A_2264, %rev3A_2263, %masked_sort3A_2003 : vector<16xi1>, vector<16xi32>
            %masked_sort3A_2267 = arith.constant dense<true> : vector<16xi1>
            %masked_sort3A_2268, %masked_sort3A_2269, %masked_sort3A_2270 = tpu.sort %select_n3A_2265, %select_n3A_2266 masked %masked_sort3A_2267 : (vector<16xf32>, vector<16xi32>, vector<16xi1>) -> (vector<16xi1>, vector<16xf32>, vector<16xi32>)
            %rev3A_2271 = arith.constant 15 : i32
            %rev3A_2272 = vector.broadcast %rev3A_2271 : i32 to vector<16xi32>
            %rev3A_2273 = tpu.iota {dimensions = array<i32: 0>} : vector<16xi32>
            %rev3A_2274 = arith.subi %rev3A_2272, %rev3A_2273 : vector<16xi32>
            %rev3A_2275 = tpu.dynamic_gather %masked_sort3A_2026[%rev3A_2274] in [0] : vector<16xf32>, vector<16xi32> -> vector<16xf32>
            %rev3A_2276 = arith.constant 15 : i32
            %rev3A_2277 = vector.broadcast %rev3A_2276 : i32 to vector<16xi32>
            %rev3A_2278 = tpu.iota {dimensions = array<i32: 0>} : vector<16xi32>
            %rev3A_2279 = arith.subi %rev3A_2277, %rev3A_2278 : vector<16xi32>
            %rev3A_2280 = tpu.dynamic_gather %masked_sort3A_2027[%rev3A_2279] in [0] : vector<16xi32>, vector<16xi32> -> vector<16xi32>
            %lt3A_2281 = arith.cmpf olt, %rev3A_2275, %masked_sort3A_2018 : vector<16xf32>
            %select_n3A_2282 = arith.select %lt3A_2281, %rev3A_2275, %masked_sort3A_2018 : vector<16xi1>, vector<16xf32>
            %select_n3A_2283 = arith.select %lt3A_2281, %rev3A_2280, %masked_sort3A_2019 : vector<16xi1>, vector<16xi32>
            %masked_sort3A_2284 = arith.constant dense<true> : vector<16xi1>
            %masked_sort3A_2285, %masked_sort3A_2286, %masked_sort3A_2287 = tpu.sort %select_n3A_2282, %select_n3A_2283 masked %masked_sort3A_2284 : (vector<16xf32>, vector<16xi32>, vector<16xi1>) -> (vector<16xi1>, vector<16xf32>, vector<16xi32>)
            %rev3A_2288 = arith.constant 15 : i32
            %rev3A_2289 = vector.broadcast %rev3A_2288 : i32 to vector<16xi32>
            %rev3A_2290 = tpu.iota {dimensions = array<i32: 0>} : vector<16xi32>
            %rev3A_2291 = arith.subi %rev3A_2289, %rev3A_2290 : vector<16xi32>
            %rev3A_2292 = tpu.dynamic_gather %masked_sort3A_2042[%rev3A_2291] in [0] : vector<16xf32>, vector<16xi32> -> vector<16xf32>
            %rev3A_2293 = arith.constant 15 : i32
            %rev3A_2294 = vector.broadcast %rev3A_2293 : i32 to vector<16xi32>
            %rev3A_2295 = tpu.iota {dimensions = array<i32: 0>} : vector<16xi32>
            %rev3A_2296 = arith.subi %rev3A_2294, %rev3A_2295 : vector<16xi32>
            %rev3A_2297 = tpu.dynamic_gather %masked_sort3A_2043[%rev3A_2296] in [0] : vector<16xi32>, vector<16xi32> -> vector<16xi32>
            %lt3A_2298 = arith.cmpf olt, %rev3A_2292, %masked_sort3A_2034 : vector<16xf32>
            %select_n3A_2299 = arith.select %lt3A_2298, %rev3A_2292, %masked_sort3A_2034 : vector<16xi1>, vector<16xf32>
            %select_n3A_2300 = arith.select %lt3A_2298, %rev3A_2297, %masked_sort3A_2035 : vector<16xi1>, vector<16xi32>
            %masked_sort3A_2301 = arith.constant dense<true> : vector<16xi1>
            %masked_sort3A_2302, %masked_sort3A_2303, %masked_sort3A_2304 = tpu.sort %select_n3A_2299, %select_n3A_2300 masked %masked_sort3A_2301 : (vector<16xf32>, vector<16xi32>, vector<16xi1>) -> (vector<16xi1>, vector<16xf32>, vector<16xi32>)
            %rev3A_2305 = arith.constant 15 : i32
            %rev3A_2306 = vector.broadcast %rev3A_2305 : i32 to vector<16xi32>
            %rev3A_2307 = tpu.iota {dimensions = array<i32: 0>} : vector<16xi32>
            %rev3A_2308 = arith.subi %rev3A_2306, %rev3A_2307 : vector<16xi32>
            %rev3A_2309 = tpu.dynamic_gather %masked_sort3A_2058[%rev3A_2308] in [0] : vector<16xf32>, vector<16xi32> -> vector<16xf32>
            %rev3A_2310 = arith.constant 15 : i32
            %rev3A_2311 = vector.broadcast %rev3A_2310 : i32 to vector<16xi32>
            %rev3A_2312 = tpu.iota {dimensions = array<i32: 0>} : vector<16xi32>
            %rev3A_2313 = arith.subi %rev3A_2311, %rev3A_2312 : vector<16xi32>
            %rev3A_2314 = tpu.dynamic_gather %masked_sort3A_2059[%rev3A_2313] in [0] : vector<16xi32>, vector<16xi32> -> vector<16xi32>
            %lt3A_2315 = arith.cmpf olt, %rev3A_2309, %masked_sort3A_2050 : vector<16xf32>
            %select_n3A_2316 = arith.select %lt3A_2315, %rev3A_2309, %masked_sort3A_2050 : vector<16xi1>, vector<16xf32>
            %select_n3A_2317 = arith.select %lt3A_2315, %rev3A_2314, %masked_sort3A_2051 : vector<16xi1>, vector<16xi32>
            %masked_sort3A_2318 = arith.constant dense<true> : vector<16xi1>
            %masked_sort3A_2319, %masked_sort3A_2320, %masked_sort3A_2321 = tpu.sort %select_n3A_2316, %select_n3A_2317 masked %masked_sort3A_2318 : (vector<16xf32>, vector<16xi32>, vector<16xi1>) -> (vector<16xi1>, vector<16xf32>, vector<16xi32>)
            %rev3A_2322 = arith.constant 15 : i32
            %rev3A_2323 = vector.broadcast %rev3A_2322 : i32 to vector<16xi32>
            %rev3A_2324 = tpu.iota {dimensions = array<i32: 0>} : vector<16xi32>
            %rev3A_2325 = arith.subi %rev3A_2323, %rev3A_2324 : vector<16xi32>
            %rev3A_2326 = tpu.dynamic_gather %masked_sort3A_2074[%rev3A_2325] in [0] : vector<16xf32>, vector<16xi32> -> vector<16xf32>
            %rev3A_2327 = arith.constant 15 : i32
            %rev3A_2328 = vector.broadcast %rev3A_2327 : i32 to vector<16xi32>
            %rev3A_2329 = tpu.iota {dimensions = array<i32: 0>} : vector<16xi32>
            %rev3A_2330 = arith.subi %rev3A_2328, %rev3A_2329 : vector<16xi32>
            %rev3A_2331 = tpu.dynamic_gather %masked_sort3A_2075[%rev3A_2330] in [0] : vector<16xi32>, vector<16xi32> -> vector<16xi32>
            %lt3A_2332 = arith.cmpf olt, %rev3A_2326, %masked_sort3A_2066 : vector<16xf32>
            %select_n3A_2333 = arith.select %lt3A_2332, %rev3A_2326, %masked_sort3A_2066 : vector<16xi1>, vector<16xf32>
            %select_n3A_2334 = arith.select %lt3A_2332, %rev3A_2331, %masked_sort3A_2067 : vector<16xi1>, vector<16xi32>
            %masked_sort3A_2335 = arith.constant dense<true> : vector<16xi1>
            %masked_sort3A_2336, %masked_sort3A_2337, %masked_sort3A_2338 = tpu.sort %select_n3A_2333, %select_n3A_2334 masked %masked_sort3A_2335 : (vector<16xf32>, vector<16xi32>, vector<16xi1>) -> (vector<16xi1>, vector<16xf32>, vector<16xi32>)
            %rev3A_2339 = arith.constant 15 : i32
            %rev3A_2340 = vector.broadcast %rev3A_2339 : i32 to vector<16xi32>
            %rev3A_2341 = tpu.iota {dimensions = array<i32: 0>} : vector<16xi32>
            %rev3A_2342 = arith.subi %rev3A_2340, %rev3A_2341 : vector<16xi32>
            %rev3A_2343 = tpu.dynamic_gather %masked_sort3A_2090[%rev3A_2342] in [0] : vector<16xf32>, vector<16xi32> -> vector<16xf32>
            %rev3A_2344 = arith.constant 15 : i32
            %rev3A_2345 = vector.broadcast %rev3A_2344 : i32 to vector<16xi32>
            %rev3A_2346 = tpu.iota {dimensions = array<i32: 0>} : vector<16xi32>
            %rev3A_2347 = arith.subi %rev3A_2345, %rev3A_2346 : vector<16xi32>
            %rev3A_2348 = tpu.dynamic_gather %masked_sort3A_2091[%rev3A_2347] in [0] : vector<16xi32>, vector<16xi32> -> vector<16xi32>
            %lt3A_2349 = arith.cmpf olt, %rev3A_2343, %masked_sort3A_2082 : vector<16xf32>
            %select_n3A_2350 = arith.select %lt3A_2349, %rev3A_2343, %masked_sort3A_2082 : vector<16xi1>, vector<16xf32>
            %select_n3A_2351 = arith.select %lt3A_2349, %rev3A_2348, %masked_sort3A_2083 : vector<16xi1>, vector<16xi32>
            %masked_sort3A_2352 = arith.constant dense<true> : vector<16xi1>
            %masked_sort3A_2353, %masked_sort3A_2354, %masked_sort3A_2355 = tpu.sort %select_n3A_2350, %select_n3A_2351 masked %masked_sort3A_2352 : (vector<16xf32>, vector<16xi32>, vector<16xi1>) -> (vector<16xi1>, vector<16xf32>, vector<16xi32>)
            %rev3A_2356 = arith.constant 15 : i32
            %rev3A_2357 = vector.broadcast %rev3A_2356 : i32 to vector<16xi32>
            %rev3A_2358 = tpu.iota {dimensions = array<i32: 0>} : vector<16xi32>
            %rev3A_2359 = arith.subi %rev3A_2357, %rev3A_2358 : vector<16xi32>
            %rev3A_2360 = tpu.dynamic_gather %masked_sort3A_2106[%rev3A_2359] in [0] : vector<16xf32>, vector<16xi32> -> vector<16xf32>
            %rev3A_2361 = arith.constant 15 : i32
            %rev3A_2362 = vector.broadcast %rev3A_2361 : i32 to vector<16xi32>
            %rev3A_2363 = tpu.iota {dimensions = array<i32: 0>} : vector<16xi32>
            %rev3A_2364 = arith.subi %rev3A_2362, %rev3A_2363 : vector<16xi32>
            %rev3A_2365 = tpu.dynamic_gather %masked_sort3A_2107[%rev3A_2364] in [0] : vector<16xi32>, vector<16xi32> -> vector<16xi32>
            %lt3A_2366 = arith.cmpf olt, %rev3A_2360, %masked_sort3A_2098 : vector<16xf32>
            %select_n3A_2367 = arith.select %lt3A_2366, %rev3A_2360, %masked_sort3A_2098 : vector<16xi1>, vector<16xf32>
            %select_n3A_2368 = arith.select %lt3A_2366, %rev3A_2365, %masked_sort3A_2099 : vector<16xi1>, vector<16xi32>
            %masked_sort3A_2369 = arith.constant dense<true> : vector<16xi1>
            %masked_sort3A_2370, %masked_sort3A_2371, %masked_sort3A_2372 = tpu.sort %select_n3A_2367, %select_n3A_2368 masked %masked_sort3A_2369 : (vector<16xf32>, vector<16xi32>, vector<16xi1>) -> (vector<16xi1>, vector<16xf32>, vector<16xi32>)
            %rev3A_2373 = arith.constant 15 : i32
            %rev3A_2374 = vector.broadcast %rev3A_2373 : i32 to vector<16xi32>
            %rev3A_2375 = tpu.iota {dimensions = array<i32: 0>} : vector<16xi32>
            %rev3A_2376 = arith.subi %rev3A_2374, %rev3A_2375 : vector<16xi32>
            %rev3A_2377 = tpu.dynamic_gather %masked_sort3A_2122[%rev3A_2376] in [0] : vector<16xf32>, vector<16xi32> -> vector<16xf32>
            %rev3A_2378 = arith.constant 15 : i32
            %rev3A_2379 = vector.broadcast %rev3A_2378 : i32 to vector<16xi32>
            %rev3A_2380 = tpu.iota {dimensions = array<i32: 0>} : vector<16xi32>
            %rev3A_2381 = arith.subi %rev3A_2379, %rev3A_2380 : vector<16xi32>
            %rev3A_2382 = tpu.dynamic_gather %masked_sort3A_2123[%rev3A_2381] in [0] : vector<16xi32>, vector<16xi32> -> vector<16xi32>
            %lt3A_2383 = arith.cmpf olt, %rev3A_2377, %masked_sort3A_2114 : vector<16xf32>
            %select_n3A_2384 = arith.select %lt3A_2383, %rev3A_2377, %masked_sort3A_2114 : vector<16xi1>, vector<16xf32>
            %select_n3A_2385 = arith.select %lt3A_2383, %rev3A_2382, %masked_sort3A_2115 : vector<16xi1>, vector<16xi32>
            %masked_sort3A_2386 = arith.constant dense<true> : vector<16xi1>
            %masked_sort3A_2387, %masked_sort3A_2388, %masked_sort3A_2389 = tpu.sort %select_n3A_2384, %select_n3A_2385 masked %masked_sort3A_2386 : (vector<16xf32>, vector<16xi32>, vector<16xi1>) -> (vector<16xi1>, vector<16xf32>, vector<16xi32>)
            %rev3A_2390 = arith.constant 15 : i32
            %rev3A_2391 = vector.broadcast %rev3A_2390 : i32 to vector<16xi32>
            %rev3A_2392 = tpu.iota {dimensions = array<i32: 0>} : vector<16xi32>
            %rev3A_2393 = arith.subi %rev3A_2391, %rev3A_2392 : vector<16xi32>
            %rev3A_2394 = tpu.dynamic_gather %masked_sort3A_2138[%rev3A_2393] in [0] : vector<16xf32>, vector<16xi32> -> vector<16xf32>
            %rev3A_2395 = arith.constant 15 : i32
            %rev3A_2396 = vector.broadcast %rev3A_2395 : i32 to vector<16xi32>
            %rev3A_2397 = tpu.iota {dimensions = array<i32: 0>} : vector<16xi32>
            %rev3A_2398 = arith.subi %rev3A_2396, %rev3A_2397 : vector<16xi32>
            %rev3A_2399 = tpu.dynamic_gather %masked_sort3A_2139[%rev3A_2398] in [0] : vector<16xi32>, vector<16xi32> -> vector<16xi32>
            %lt3A_2400 = arith.cmpf olt, %rev3A_2394, %masked_sort3A_2130 : vector<16xf32>
            %select_n3A_2401 = arith.select %lt3A_2400, %rev3A_2394, %masked_sort3A_2130 : vector<16xi1>, vector<16xf32>
            %select_n3A_2402 = arith.select %lt3A_2400, %rev3A_2399, %masked_sort3A_2131 : vector<16xi1>, vector<16xi32>
            %masked_sort3A_2403 = arith.constant dense<true> : vector<16xi1>
            %masked_sort3A_2404, %masked_sort3A_2405, %masked_sort3A_2406 = tpu.sort %select_n3A_2401, %select_n3A_2402 masked %masked_sort3A_2403 : (vector<16xf32>, vector<16xi32>, vector<16xi1>) -> (vector<16xi1>, vector<16xf32>, vector<16xi32>)
            %rev3A_2407 = arith.constant 15 : i32
            %rev3A_2408 = vector.broadcast %rev3A_2407 : i32 to vector<16xi32>
            %rev3A_2409 = tpu.iota {dimensions = array<i32: 0>} : vector<16xi32>
            %rev3A_2410 = arith.subi %rev3A_2408, %rev3A_2409 : vector<16xi32>
            %rev3A_2411 = tpu.dynamic_gather %masked_sort3A_2154[%rev3A_2410] in [0] : vector<16xf32>, vector<16xi32> -> vector<16xf32>
            %rev3A_2412 = arith.constant 15 : i32
            %rev3A_2413 = vector.broadcast %rev3A_2412 : i32 to vector<16xi32>
            %rev3A_2414 = tpu.iota {dimensions = array<i32: 0>} : vector<16xi32>
            %rev3A_2415 = arith.subi %rev3A_2413, %rev3A_2414 : vector<16xi32>
            %rev3A_2416 = tpu.dynamic_gather %masked_sort3A_2155[%rev3A_2415] in [0] : vector<16xi32>, vector<16xi32> -> vector<16xi32>
            %lt3A_2417 = arith.cmpf olt, %rev3A_2411, %masked_sort3A_2146 : vector<16xf32>
            %select_n3A_2418 = arith.select %lt3A_2417, %rev3A_2411, %masked_sort3A_2146 : vector<16xi1>, vector<16xf32>
            %select_n3A_2419 = arith.select %lt3A_2417, %rev3A_2416, %masked_sort3A_2147 : vector<16xi1>, vector<16xi32>
            %masked_sort3A_2420 = arith.constant dense<true> : vector<16xi1>
            %masked_sort3A_2421, %masked_sort3A_2422, %masked_sort3A_2423 = tpu.sort %select_n3A_2418, %select_n3A_2419 masked %masked_sort3A_2420 : (vector<16xf32>, vector<16xi32>, vector<16xi1>) -> (vector<16xi1>, vector<16xf32>, vector<16xi32>)
            %rev3A_2424 = arith.constant 15 : i32
            %rev3A_2425 = vector.broadcast %rev3A_2424 : i32 to vector<16xi32>
            %rev3A_2426 = tpu.iota {dimensions = array<i32: 0>} : vector<16xi32>
            %rev3A_2427 = arith.subi %rev3A_2425, %rev3A_2426 : vector<16xi32>
            %rev3A_2428 = tpu.dynamic_gather %masked_sort3A_2170[%rev3A_2427] in [0] : vector<16xf32>, vector<16xi32> -> vector<16xf32>
            %rev3A_2429 = arith.constant 15 : i32
            %rev3A_2430 = vector.broadcast %rev3A_2429 : i32 to vector<16xi32>
            %rev3A_2431 = tpu.iota {dimensions = array<i32: 0>} : vector<16xi32>
            %rev3A_2432 = arith.subi %rev3A_2430, %rev3A_2431 : vector<16xi32>
            %rev3A_2433 = tpu.dynamic_gather %masked_sort3A_2171[%rev3A_2432] in [0] : vector<16xi32>, vector<16xi32> -> vector<16xi32>
            %lt3A_2434 = arith.cmpf olt, %rev3A_2428, %masked_sort3A_2162 : vector<16xf32>
            %select_n3A_2435 = arith.select %lt3A_2434, %rev3A_2428, %masked_sort3A_2162 : vector<16xi1>, vector<16xf32>
            %select_n3A_2436 = arith.select %lt3A_2434, %rev3A_2433, %masked_sort3A_2163 : vector<16xi1>, vector<16xi32>
            %masked_sort3A_2437 = arith.constant dense<true> : vector<16xi1>
            %masked_sort3A_2438, %masked_sort3A_2439, %masked_sort3A_2440 = tpu.sort %select_n3A_2435, %select_n3A_2436 masked %masked_sort3A_2437 : (vector<16xf32>, vector<16xi32>, vector<16xi1>) -> (vector<16xi1>, vector<16xf32>, vector<16xi32>)
            %rev3A_2441 = arith.constant 15 : i32
            %rev3A_2442 = vector.broadcast %rev3A_2441 : i32 to vector<16xi32>
            %rev3A_2443 = tpu.iota {dimensions = array<i32: 0>} : vector<16xi32>
            %rev3A_2444 = arith.subi %rev3A_2442, %rev3A_2443 : vector<16xi32>
            %rev3A_2445 = tpu.dynamic_gather %masked_sort3A_2186[%rev3A_2444] in [0] : vector<16xf32>, vector<16xi32> -> vector<16xf32>
            %rev3A_2446 = arith.constant 15 : i32
            %rev3A_2447 = vector.broadcast %rev3A_2446 : i32 to vector<16xi32>
            %rev3A_2448 = tpu.iota {dimensions = array<i32: 0>} : vector<16xi32>
            %rev3A_2449 = arith.subi %rev3A_2447, %rev3A_2448 : vector<16xi32>
            %rev3A_2450 = tpu.dynamic_gather %masked_sort3A_2187[%rev3A_2449] in [0] : vector<16xi32>, vector<16xi32> -> vector<16xi32>
            %lt3A_2451 = arith.cmpf olt, %rev3A_2445, %masked_sort3A_2178 : vector<16xf32>
            %select_n3A_2452 = arith.select %lt3A_2451, %rev3A_2445, %masked_sort3A_2178 : vector<16xi1>, vector<16xf32>
            %select_n3A_2453 = arith.select %lt3A_2451, %rev3A_2450, %masked_sort3A_2179 : vector<16xi1>, vector<16xi32>
            %masked_sort3A_2454 = arith.constant dense<true> : vector<16xi1>
            %masked_sort3A_2455, %masked_sort3A_2456, %masked_sort3A_2457 = tpu.sort %select_n3A_2452, %select_n3A_2453 masked %masked_sort3A_2454 : (vector<16xf32>, vector<16xi32>, vector<16xi1>) -> (vector<16xi1>, vector<16xf32>, vector<16xi32>)
            %rev3A_2458 = arith.constant 15 : i32
            %rev3A_2459 = vector.broadcast %rev3A_2458 : i32 to vector<16xi32>
            %rev3A_2460 = tpu.iota {dimensions = array<i32: 0>} : vector<16xi32>
            %rev3A_2461 = arith.subi %rev3A_2459, %rev3A_2460 : vector<16xi32>
            %rev3A_2462 = tpu.dynamic_gather %masked_sort3A_2202[%rev3A_2461] in [0] : vector<16xf32>, vector<16xi32> -> vector<16xf32>
            %rev3A_2463 = arith.constant 15 : i32
            %rev3A_2464 = vector.broadcast %rev3A_2463 : i32 to vector<16xi32>
            %rev3A_2465 = tpu.iota {dimensions = array<i32: 0>} : vector<16xi32>
            %rev3A_2466 = arith.subi %rev3A_2464, %rev3A_2465 : vector<16xi32>
            %rev3A_2467 = tpu.dynamic_gather %masked_sort3A_2203[%rev3A_2466] in [0] : vector<16xi32>, vector<16xi32> -> vector<16xi32>
            %lt3A_2468 = arith.cmpf olt, %rev3A_2462, %masked_sort3A_2194 : vector<16xf32>
            %select_n3A_2469 = arith.select %lt3A_2468, %rev3A_2462, %masked_sort3A_2194 : vector<16xi1>, vector<16xf32>
            %select_n3A_2470 = arith.select %lt3A_2468, %rev3A_2467, %masked_sort3A_2195 : vector<16xi1>, vector<16xi32>
            %masked_sort3A_2471 = arith.constant dense<true> : vector<16xi1>
            %masked_sort3A_2472, %masked_sort3A_2473, %masked_sort3A_2474 = tpu.sort %select_n3A_2469, %select_n3A_2470 masked %masked_sort3A_2471 : (vector<16xf32>, vector<16xi32>, vector<16xi1>) -> (vector<16xi1>, vector<16xf32>, vector<16xi32>)
            %rev3A_2475 = arith.constant 15 : i32
            %rev3A_2476 = vector.broadcast %rev3A_2475 : i32 to vector<16xi32>
            %rev3A_2477 = tpu.iota {dimensions = array<i32: 0>} : vector<16xi32>
            %rev3A_2478 = arith.subi %rev3A_2476, %rev3A_2477 : vector<16xi32>
            %rev3A_2479 = tpu.dynamic_gather %masked_sort3A_2235[%rev3A_2478] in [0] : vector<16xf32>, vector<16xi32> -> vector<16xf32>
            %rev3A_2480 = arith.constant 15 : i32
            %rev3A_2481 = vector.broadcast %rev3A_2480 : i32 to vector<16xi32>
            %rev3A_2482 = tpu.iota {dimensions = array<i32: 0>} : vector<16xi32>
            %rev3A_2483 = arith.subi %rev3A_2481, %rev3A_2482 : vector<16xi32>
            %rev3A_2484 = tpu.dynamic_gather %masked_sort3A_2236[%rev3A_2483] in [0] : vector<16xi32>, vector<16xi32> -> vector<16xi32>
            %lt3A_2485 = arith.cmpf olt, %rev3A_2479, %masked_sort3A_2218 : vector<16xf32>
            %select_n3A_2486 = arith.select %lt3A_2485, %rev3A_2479, %masked_sort3A_2218 : vector<16xi1>, vector<16xf32>
            %select_n3A_2487 = arith.select %lt3A_2485, %rev3A_2484, %masked_sort3A_2219 : vector<16xi1>, vector<16xi32>
            %masked_sort3A_2488 = arith.constant dense<true> : vector<16xi1>
            %masked_sort3A_2489, %masked_sort3A_2490, %masked_sort3A_2491 = tpu.sort %select_n3A_2486, %select_n3A_2487 masked %masked_sort3A_2488 : (vector<16xf32>, vector<16xi32>, vector<16xi1>) -> (vector<16xi1>, vector<16xf32>, vector<16xi32>)
            %rev3A_2492 = arith.constant 15 : i32
            %rev3A_2493 = vector.broadcast %rev3A_2492 : i32 to vector<16xi32>
            %rev3A_2494 = tpu.iota {dimensions = array<i32: 0>} : vector<16xi32>
            %rev3A_2495 = arith.subi %rev3A_2493, %rev3A_2494 : vector<16xi32>
            %rev3A_2496 = tpu.dynamic_gather %masked_sort3A_2269[%rev3A_2495] in [0] : vector<16xf32>, vector<16xi32> -> vector<16xf32>
            %rev3A_2497 = arith.constant 15 : i32
            %rev3A_2498 = vector.broadcast %rev3A_2497 : i32 to vector<16xi32>
            %rev3A_2499 = tpu.iota {dimensions = array<i32: 0>} : vector<16xi32>
            %rev3A_2500 = arith.subi %rev3A_2498, %rev3A_2499 : vector<16xi32>
            %rev3A_2501 = tpu.dynamic_gather %masked_sort3A_2270[%rev3A_2500] in [0] : vector<16xi32>, vector<16xi32> -> vector<16xi32>
            %lt3A_2502 = arith.cmpf olt, %rev3A_2496, %masked_sort3A_2252 : vector<16xf32>
            %select_n3A_2503 = arith.select %lt3A_2502, %rev3A_2496, %masked_sort3A_2252 : vector<16xi1>, vector<16xf32>
            %select_n3A_2504 = arith.select %lt3A_2502, %rev3A_2501, %masked_sort3A_2253 : vector<16xi1>, vector<16xi32>
            %masked_sort3A_2505 = arith.constant dense<true> : vector<16xi1>
            %masked_sort3A_2506, %masked_sort3A_2507, %masked_sort3A_2508 = tpu.sort %select_n3A_2503, %select_n3A_2504 masked %masked_sort3A_2505 : (vector<16xf32>, vector<16xi32>, vector<16xi1>) -> (vector<16xi1>, vector<16xf32>, vector<16xi32>)
            %rev3A_2509 = arith.constant 15 : i32
            %rev3A_2510 = vector.broadcast %rev3A_2509 : i32 to vector<16xi32>
            %rev3A_2511 = tpu.iota {dimensions = array<i32: 0>} : vector<16xi32>
            %rev3A_2512 = arith.subi %rev3A_2510, %rev3A_2511 : vector<16xi32>
            %rev3A_2513 = tpu.dynamic_gather %masked_sort3A_2303[%rev3A_2512] in [0] : vector<16xf32>, vector<16xi32> -> vector<16xf32>
            %rev3A_2514 = arith.constant 15 : i32
            %rev3A_2515 = vector.broadcast %rev3A_2514 : i32 to vector<16xi32>
            %rev3A_2516 = tpu.iota {dimensions = array<i32: 0>} : vector<16xi32>
            %rev3A_2517 = arith.subi %rev3A_2515, %rev3A_2516 : vector<16xi32>
            %rev3A_2518 = tpu.dynamic_gather %masked_sort3A_2304[%rev3A_2517] in [0] : vector<16xi32>, vector<16xi32> -> vector<16xi32>
            %lt3A_2519 = arith.cmpf olt, %rev3A_2513, %masked_sort3A_2286 : vector<16xf32>
            %select_n3A_2520 = arith.select %lt3A_2519, %rev3A_2513, %masked_sort3A_2286 : vector<16xi1>, vector<16xf32>
            %select_n3A_2521 = arith.select %lt3A_2519, %rev3A_2518, %masked_sort3A_2287 : vector<16xi1>, vector<16xi32>
            %masked_sort3A_2522 = arith.constant dense<true> : vector<16xi1>
            %masked_sort3A_2523, %masked_sort3A_2524, %masked_sort3A_2525 = tpu.sort %select_n3A_2520, %select_n3A_2521 masked %masked_sort3A_2522 : (vector<16xf32>, vector<16xi32>, vector<16xi1>) -> (vector<16xi1>, vector<16xf32>, vector<16xi32>)
            %rev3A_2526 = arith.constant 15 : i32
            %rev3A_2527 = vector.broadcast %rev3A_2526 : i32 to vector<16xi32>
            %rev3A_2528 = tpu.iota {dimensions = array<i32: 0>} : vector<16xi32>
            %rev3A_2529 = arith.subi %rev3A_2527, %rev3A_2528 : vector<16xi32>
            %rev3A_2530 = tpu.dynamic_gather %masked_sort3A_2337[%rev3A_2529] in [0] : vector<16xf32>, vector<16xi32> -> vector<16xf32>
            %rev3A_2531 = arith.constant 15 : i32
            %rev3A_2532 = vector.broadcast %rev3A_2531 : i32 to vector<16xi32>
            %rev3A_2533 = tpu.iota {dimensions = array<i32: 0>} : vector<16xi32>
            %rev3A_2534 = arith.subi %rev3A_2532, %rev3A_2533 : vector<16xi32>
            %rev3A_2535 = tpu.dynamic_gather %masked_sort3A_2338[%rev3A_2534] in [0] : vector<16xi32>, vector<16xi32> -> vector<16xi32>
            %lt3A_2536 = arith.cmpf olt, %rev3A_2530, %masked_sort3A_2320 : vector<16xf32>
            %select_n3A_2537 = arith.select %lt3A_2536, %rev3A_2530, %masked_sort3A_2320 : vector<16xi1>, vector<16xf32>
            %select_n3A_2538 = arith.select %lt3A_2536, %rev3A_2535, %masked_sort3A_2321 : vector<16xi1>, vector<16xi32>
            %masked_sort3A_2539 = arith.constant dense<true> : vector<16xi1>
            %masked_sort3A_2540, %masked_sort3A_2541, %masked_sort3A_2542 = tpu.sort %select_n3A_2537, %select_n3A_2538 masked %masked_sort3A_2539 : (vector<16xf32>, vector<16xi32>, vector<16xi1>) -> (vector<16xi1>, vector<16xf32>, vector<16xi32>)
            %rev3A_2543 = arith.constant 15 : i32
            %rev3A_2544 = vector.broadcast %rev3A_2543 : i32 to vector<16xi32>
            %rev3A_2545 = tpu.iota {dimensions = array<i32: 0>} : vector<16xi32>
            %rev3A_2546 = arith.subi %rev3A_2544, %rev3A_2545 : vector<16xi32>
            %rev3A_2547 = tpu.dynamic_gather %masked_sort3A_2371[%rev3A_2546] in [0] : vector<16xf32>, vector<16xi32> -> vector<16xf32>
            %rev3A_2548 = arith.constant 15 : i32
            %rev3A_2549 = vector.broadcast %rev3A_2548 : i32 to vector<16xi32>
            %rev3A_2550 = tpu.iota {dimensions = array<i32: 0>} : vector<16xi32>
            %rev3A_2551 = arith.subi %rev3A_2549, %rev3A_2550 : vector<16xi32>
            %rev3A_2552 = tpu.dynamic_gather %masked_sort3A_2372[%rev3A_2551] in [0] : vector<16xi32>, vector<16xi32> -> vector<16xi32>
            %lt3A_2553 = arith.cmpf olt, %rev3A_2547, %masked_sort3A_2354 : vector<16xf32>
            %select_n3A_2554 = arith.select %lt3A_2553, %rev3A_2547, %masked_sort3A_2354 : vector<16xi1>, vector<16xf32>
            %select_n3A_2555 = arith.select %lt3A_2553, %rev3A_2552, %masked_sort3A_2355 : vector<16xi1>, vector<16xi32>
            %masked_sort3A_2556 = arith.constant dense<true> : vector<16xi1>
            %masked_sort3A_2557, %masked_sort3A_2558, %masked_sort3A_2559 = tpu.sort %select_n3A_2554, %select_n3A_2555 masked %masked_sort3A_2556 : (vector<16xf32>, vector<16xi32>, vector<16xi1>) -> (vector<16xi1>, vector<16xf32>, vector<16xi32>)
            %rev3A_2560 = arith.constant 15 : i32
            %rev3A_2561 = vector.broadcast %rev3A_2560 : i32 to vector<16xi32>
            %rev3A_2562 = tpu.iota {dimensions = array<i32: 0>} : vector<16xi32>
            %rev3A_2563 = arith.subi %rev3A_2561, %rev3A_2562 : vector<16xi32>
            %rev3A_2564 = tpu.dynamic_gather %masked_sort3A_2405[%rev3A_2563] in [0] : vector<16xf32>, vector<16xi32> -> vector<16xf32>
            %rev3A_2565 = arith.constant 15 : i32
            %rev3A_2566 = vector.broadcast %rev3A_2565 : i32 to vector<16xi32>
            %rev3A_2567 = tpu.iota {dimensions = array<i32: 0>} : vector<16xi32>
            %rev3A_2568 = arith.subi %rev3A_2566, %rev3A_2567 : vector<16xi32>
            %rev3A_2569 = tpu.dynamic_gather %masked_sort3A_2406[%rev3A_2568] in [0] : vector<16xi32>, vector<16xi32> -> vector<16xi32>
            %lt3A_2570 = arith.cmpf olt, %rev3A_2564, %masked_sort3A_2388 : vector<16xf32>
            %select_n3A_2571 = arith.select %lt3A_2570, %rev3A_2564, %masked_sort3A_2388 : vector<16xi1>, vector<16xf32>
            %select_n3A_2572 = arith.select %lt3A_2570, %rev3A_2569, %masked_sort3A_2389 : vector<16xi1>, vector<16xi32>
            %masked_sort3A_2573 = arith.constant dense<true> : vector<16xi1>
            %masked_sort3A_2574, %masked_sort3A_2575, %masked_sort3A_2576 = tpu.sort %select_n3A_2571, %select_n3A_2572 masked %masked_sort3A_2573 : (vector<16xf32>, vector<16xi32>, vector<16xi1>) -> (vector<16xi1>, vector<16xf32>, vector<16xi32>)
            %rev3A_2577 = arith.constant 15 : i32
            %rev3A_2578 = vector.broadcast %rev3A_2577 : i32 to vector<16xi32>
            %rev3A_2579 = tpu.iota {dimensions = array<i32: 0>} : vector<16xi32>
            %rev3A_2580 = arith.subi %rev3A_2578, %rev3A_2579 : vector<16xi32>
            %rev3A_2581 = tpu.dynamic_gather %masked_sort3A_2439[%rev3A_2580] in [0] : vector<16xf32>, vector<16xi32> -> vector<16xf32>
            %rev3A_2582 = arith.constant 15 : i32
            %rev3A_2583 = vector.broadcast %rev3A_2582 : i32 to vector<16xi32>
            %rev3A_2584 = tpu.iota {dimensions = array<i32: 0>} : vector<16xi32>
            %rev3A_2585 = arith.subi %rev3A_2583, %rev3A_2584 : vector<16xi32>
            %rev3A_2586 = tpu.dynamic_gather %masked_sort3A_2440[%rev3A_2585] in [0] : vector<16xi32>, vector<16xi32> -> vector<16xi32>
            %lt3A_2587 = arith.cmpf olt, %rev3A_2581, %masked_sort3A_2422 : vector<16xf32>
            %select_n3A_2588 = arith.select %lt3A_2587, %rev3A_2581, %masked_sort3A_2422 : vector<16xi1>, vector<16xf32>
            %select_n3A_2589 = arith.select %lt3A_2587, %rev3A_2586, %masked_sort3A_2423 : vector<16xi1>, vector<16xi32>
            %masked_sort3A_2590 = arith.constant dense<true> : vector<16xi1>
            %masked_sort3A_2591, %masked_sort3A_2592, %masked_sort3A_2593 = tpu.sort %select_n3A_2588, %select_n3A_2589 masked %masked_sort3A_2590 : (vector<16xf32>, vector<16xi32>, vector<16xi1>) -> (vector<16xi1>, vector<16xf32>, vector<16xi32>)
            %rev3A_2594 = arith.constant 15 : i32
            %rev3A_2595 = vector.broadcast %rev3A_2594 : i32 to vector<16xi32>
            %rev3A_2596 = tpu.iota {dimensions = array<i32: 0>} : vector<16xi32>
            %rev3A_2597 = arith.subi %rev3A_2595, %rev3A_2596 : vector<16xi32>
            %rev3A_2598 = tpu.dynamic_gather %masked_sort3A_2473[%rev3A_2597] in [0] : vector<16xf32>, vector<16xi32> -> vector<16xf32>
            %rev3A_2599 = arith.constant 15 : i32
            %rev3A_2600 = vector.broadcast %rev3A_2599 : i32 to vector<16xi32>
            %rev3A_2601 = tpu.iota {dimensions = array<i32: 0>} : vector<16xi32>
            %rev3A_2602 = arith.subi %rev3A_2600, %rev3A_2601 : vector<16xi32>
            %rev3A_2603 = tpu.dynamic_gather %masked_sort3A_2474[%rev3A_2602] in [0] : vector<16xi32>, vector<16xi32> -> vector<16xi32>
            %lt3A_2604 = arith.cmpf olt, %rev3A_2598, %masked_sort3A_2456 : vector<16xf32>
            %select_n3A_2605 = arith.select %lt3A_2604, %rev3A_2598, %masked_sort3A_2456 : vector<16xi1>, vector<16xf32>
            %select_n3A_2606 = arith.select %lt3A_2604, %rev3A_2603, %masked_sort3A_2457 : vector<16xi1>, vector<16xi32>
            %masked_sort3A_2607 = arith.constant dense<true> : vector<16xi1>
            %masked_sort3A_2608, %masked_sort3A_2609, %masked_sort3A_2610 = tpu.sort %select_n3A_2605, %select_n3A_2606 masked %masked_sort3A_2607 : (vector<16xf32>, vector<16xi32>, vector<16xi1>) -> (vector<16xi1>, vector<16xf32>, vector<16xi32>)
            %rev3A_2611 = arith.constant 15 : i32
            %rev3A_2612 = vector.broadcast %rev3A_2611 : i32 to vector<16xi32>
            %rev3A_2613 = tpu.iota {dimensions = array<i32: 0>} : vector<16xi32>
            %rev3A_2614 = arith.subi %rev3A_2612, %rev3A_2613 : vector<16xi32>
            %rev3A_2615 = tpu.dynamic_gather %masked_sort3A_2507[%rev3A_2614] in [0] : vector<16xf32>, vector<16xi32> -> vector<16xf32>
            %rev3A_2616 = arith.constant 15 : i32
            %rev3A_2617 = vector.broadcast %rev3A_2616 : i32 to vector<16xi32>
            %rev3A_2618 = tpu.iota {dimensions = array<i32: 0>} : vector<16xi32>
            %rev3A_2619 = arith.subi %rev3A_2617, %rev3A_2618 : vector<16xi32>
            %rev3A_2620 = tpu.dynamic_gather %masked_sort3A_2508[%rev3A_2619] in [0] : vector<16xi32>, vector<16xi32> -> vector<16xi32>
            %lt3A_2621 = arith.cmpf olt, %rev3A_2615, %masked_sort3A_2490 : vector<16xf32>
            %select_n3A_2622 = arith.select %lt3A_2621, %rev3A_2615, %masked_sort3A_2490 : vector<16xi1>, vector<16xf32>
            %select_n3A_2623 = arith.select %lt3A_2621, %rev3A_2620, %masked_sort3A_2491 : vector<16xi1>, vector<16xi32>
            %masked_sort3A_2624 = arith.constant dense<true> : vector<16xi1>
            %masked_sort3A_2625, %masked_sort3A_2626, %masked_sort3A_2627 = tpu.sort %select_n3A_2622, %select_n3A_2623 masked %masked_sort3A_2624 : (vector<16xf32>, vector<16xi32>, vector<16xi1>) -> (vector<16xi1>, vector<16xf32>, vector<16xi32>)
            %rev3A_2628 = arith.constant 15 : i32
            %rev3A_2629 = vector.broadcast %rev3A_2628 : i32 to vector<16xi32>
            %rev3A_2630 = tpu.iota {dimensions = array<i32: 0>} : vector<16xi32>
            %rev3A_2631 = arith.subi %rev3A_2629, %rev3A_2630 : vector<16xi32>
            %rev3A_2632 = tpu.dynamic_gather %masked_sort3A_2541[%rev3A_2631] in [0] : vector<16xf32>, vector<16xi32> -> vector<16xf32>
            %rev3A_2633 = arith.constant 15 : i32
            %rev3A_2634 = vector.broadcast %rev3A_2633 : i32 to vector<16xi32>
            %rev3A_2635 = tpu.iota {dimensions = array<i32: 0>} : vector<16xi32>
            %rev3A_2636 = arith.subi %rev3A_2634, %rev3A_2635 : vector<16xi32>
            %rev3A_2637 = tpu.dynamic_gather %masked_sort3A_2542[%rev3A_2636] in [0] : vector<16xi32>, vector<16xi32> -> vector<16xi32>
            %lt3A_2638 = arith.cmpf olt, %rev3A_2632, %masked_sort3A_2524 : vector<16xf32>
            %select_n3A_2639 = arith.select %lt3A_2638, %rev3A_2632, %masked_sort3A_2524 : vector<16xi1>, vector<16xf32>
            %select_n3A_2640 = arith.select %lt3A_2638, %rev3A_2637, %masked_sort3A_2525 : vector<16xi1>, vector<16xi32>
            %masked_sort3A_2641 = arith.constant dense<true> : vector<16xi1>
            %masked_sort3A_2642, %masked_sort3A_2643, %masked_sort3A_2644 = tpu.sort %select_n3A_2639, %select_n3A_2640 masked %masked_sort3A_2641 : (vector<16xf32>, vector<16xi32>, vector<16xi1>) -> (vector<16xi1>, vector<16xf32>, vector<16xi32>)
            %rev3A_2645 = arith.constant 15 : i32
            %rev3A_2646 = vector.broadcast %rev3A_2645 : i32 to vector<16xi32>
            %rev3A_2647 = tpu.iota {dimensions = array<i32: 0>} : vector<16xi32>
            %rev3A_2648 = arith.subi %rev3A_2646, %rev3A_2647 : vector<16xi32>
            %rev3A_2649 = tpu.dynamic_gather %masked_sort3A_2575[%rev3A_2648] in [0] : vector<16xf32>, vector<16xi32> -> vector<16xf32>
            %rev3A_2650 = arith.constant 15 : i32
            %rev3A_2651 = vector.broadcast %rev3A_2650 : i32 to vector<16xi32>
            %rev3A_2652 = tpu.iota {dimensions = array<i32: 0>} : vector<16xi32>
            %rev3A_2653 = arith.subi %rev3A_2651, %rev3A_2652 : vector<16xi32>
            %rev3A_2654 = tpu.dynamic_gather %masked_sort3A_2576[%rev3A_2653] in [0] : vector<16xi32>, vector<16xi32> -> vector<16xi32>
            %lt3A_2655 = arith.cmpf olt, %rev3A_2649, %masked_sort3A_2558 : vector<16xf32>
            %select_n3A_2656 = arith.select %lt3A_2655, %rev3A_2649, %masked_sort3A_2558 : vector<16xi1>, vector<16xf32>
            %select_n3A_2657 = arith.select %lt3A_2655, %rev3A_2654, %masked_sort3A_2559 : vector<16xi1>, vector<16xi32>
            %masked_sort3A_2658 = arith.constant dense<true> : vector<16xi1>
            %masked_sort3A_2659, %masked_sort3A_2660, %masked_sort3A_2661 = tpu.sort %select_n3A_2656, %select_n3A_2657 masked %masked_sort3A_2658 : (vector<16xf32>, vector<16xi32>, vector<16xi1>) -> (vector<16xi1>, vector<16xf32>, vector<16xi32>)
            %rev3A_2662 = arith.constant 15 : i32
            %rev3A_2663 = vector.broadcast %rev3A_2662 : i32 to vector<16xi32>
            %rev3A_2664 = tpu.iota {dimensions = array<i32: 0>} : vector<16xi32>
            %rev3A_2665 = arith.subi %rev3A_2663, %rev3A_2664 : vector<16xi32>
            %rev3A_2666 = tpu.dynamic_gather %masked_sort3A_2609[%rev3A_2665] in [0] : vector<16xf32>, vector<16xi32> -> vector<16xf32>
            %rev3A_2667 = arith.constant 15 : i32
            %rev3A_2668 = vector.broadcast %rev3A_2667 : i32 to vector<16xi32>
            %rev3A_2669 = tpu.iota {dimensions = array<i32: 0>} : vector<16xi32>
            %rev3A_2670 = arith.subi %rev3A_2668, %rev3A_2669 : vector<16xi32>
            %rev3A_2671 = tpu.dynamic_gather %masked_sort3A_2610[%rev3A_2670] in [0] : vector<16xi32>, vector<16xi32> -> vector<16xi32>
            %lt3A_2672 = arith.cmpf olt, %rev3A_2666, %masked_sort3A_2592 : vector<16xf32>
            %select_n3A_2673 = arith.select %lt3A_2672, %rev3A_2666, %masked_sort3A_2592 : vector<16xi1>, vector<16xf32>
            %select_n3A_2674 = arith.select %lt3A_2672, %rev3A_2671, %masked_sort3A_2593 : vector<16xi1>, vector<16xi32>
            %masked_sort3A_2675 = arith.constant dense<true> : vector<16xi1>
            %masked_sort3A_2676, %masked_sort3A_2677, %masked_sort3A_2678 = tpu.sort %select_n3A_2673, %select_n3A_2674 masked %masked_sort3A_2675 : (vector<16xf32>, vector<16xi32>, vector<16xi1>) -> (vector<16xi1>, vector<16xf32>, vector<16xi32>)
            %rev3A_2679 = arith.constant 15 : i32
            %rev3A_2680 = vector.broadcast %rev3A_2679 : i32 to vector<16xi32>
            %rev3A_2681 = tpu.iota {dimensions = array<i32: 0>} : vector<16xi32>
            %rev3A_2682 = arith.subi %rev3A_2680, %rev3A_2681 : vector<16xi32>
            %rev3A_2683 = tpu.dynamic_gather %masked_sort3A_2643[%rev3A_2682] in [0] : vector<16xf32>, vector<16xi32> -> vector<16xf32>
            %rev3A_2684 = arith.constant 15 : i32
            %rev3A_2685 = vector.broadcast %rev3A_2684 : i32 to vector<16xi32>
            %rev3A_2686 = tpu.iota {dimensions = array<i32: 0>} : vector<16xi32>
            %rev3A_2687 = arith.subi %rev3A_2685, %rev3A_2686 : vector<16xi32>
            %rev3A_2688 = tpu.dynamic_gather %masked_sort3A_2644[%rev3A_2687] in [0] : vector<16xi32>, vector<16xi32> -> vector<16xi32>
            %lt3A_2689 = arith.cmpf olt, %rev3A_2683, %masked_sort3A_2626 : vector<16xf32>
            %select_n3A_2690 = arith.select %lt3A_2689, %rev3A_2683, %masked_sort3A_2626 : vector<16xi1>, vector<16xf32>
            %select_n3A_2691 = arith.select %lt3A_2689, %rev3A_2688, %masked_sort3A_2627 : vector<16xi1>, vector<16xi32>
            %masked_sort3A_2692 = arith.constant dense<true> : vector<16xi1>
            %masked_sort3A_2693, %masked_sort3A_2694, %masked_sort3A_2695 = tpu.sort %select_n3A_2690, %select_n3A_2691 masked %masked_sort3A_2692 : (vector<16xf32>, vector<16xi32>, vector<16xi1>) -> (vector<16xi1>, vector<16xf32>, vector<16xi32>)
            %rev3A_2696 = arith.constant 15 : i32
            %rev3A_2697 = vector.broadcast %rev3A_2696 : i32 to vector<16xi32>
            %rev3A_2698 = tpu.iota {dimensions = array<i32: 0>} : vector<16xi32>
            %rev3A_2699 = arith.subi %rev3A_2697, %rev3A_2698 : vector<16xi32>
            %rev3A_2700 = tpu.dynamic_gather %masked_sort3A_2677[%rev3A_2699] in [0] : vector<16xf32>, vector<16xi32> -> vector<16xf32>
            %rev3A_2701 = arith.constant 15 : i32
            %rev3A_2702 = vector.broadcast %rev3A_2701 : i32 to vector<16xi32>
            %rev3A_2703 = tpu.iota {dimensions = array<i32: 0>} : vector<16xi32>
            %rev3A_2704 = arith.subi %rev3A_2702, %rev3A_2703 : vector<16xi32>
            %rev3A_2705 = tpu.dynamic_gather %masked_sort3A_2678[%rev3A_2704] in [0] : vector<16xi32>, vector<16xi32> -> vector<16xi32>
            %lt3A_2706 = arith.cmpf olt, %rev3A_2700, %masked_sort3A_2660 : vector<16xf32>
            %select_n3A_2707 = arith.select %lt3A_2706, %rev3A_2700, %masked_sort3A_2660 : vector<16xi1>, vector<16xf32>
            %select_n3A_2708 = arith.select %lt3A_2706, %rev3A_2705, %masked_sort3A_2661 : vector<16xi1>, vector<16xi32>
            %masked_sort3A_2709 = arith.constant dense<true> : vector<16xi1>
            %masked_sort3A_2710, %masked_sort3A_2711, %masked_sort3A_2712 = tpu.sort %select_n3A_2707, %select_n3A_2708 masked %masked_sort3A_2709 : (vector<16xf32>, vector<16xi32>, vector<16xi1>) -> (vector<16xi1>, vector<16xf32>, vector<16xi32>)
            %rev3A_2713 = arith.constant 15 : i32
            %rev3A_2714 = vector.broadcast %rev3A_2713 : i32 to vector<16xi32>
            %rev3A_2715 = tpu.iota {dimensions = array<i32: 0>} : vector<16xi32>
            %rev3A_2716 = arith.subi %rev3A_2714, %rev3A_2715 : vector<16xi32>
            %rev3A_2717 = tpu.dynamic_gather %masked_sort3A_2711[%rev3A_2716] in [0] : vector<16xf32>, vector<16xi32> -> vector<16xf32>
            %rev3A_2718 = arith.constant 15 : i32
            %rev3A_2719 = vector.broadcast %rev3A_2718 : i32 to vector<16xi32>
            %rev3A_2720 = tpu.iota {dimensions = array<i32: 0>} : vector<16xi32>
            %rev3A_2721 = arith.subi %rev3A_2719, %rev3A_2720 : vector<16xi32>
            %rev3A_2722 = tpu.dynamic_gather %masked_sort3A_2712[%rev3A_2721] in [0] : vector<16xi32>, vector<16xi32> -> vector<16xi32>
            %lt3A_2723 = arith.cmpf olt, %rev3A_2717, %masked_sort3A_2694 : vector<16xf32>
            %select_n3A_2724 = arith.select %lt3A_2723, %rev3A_2717, %masked_sort3A_2694 : vector<16xi1>, vector<16xf32>
            %select_n3A_2725 = arith.select %lt3A_2723, %rev3A_2722, %masked_sort3A_2695 : vector<16xi1>, vector<16xi32>
            %masked_sort3A_2726 = arith.constant dense<true> : vector<16xi1>
            %masked_sort3A_2727, %masked_sort3A_2728, %masked_sort3A_2729 = tpu.sort %select_n3A_2724, %select_n3A_2725 masked %masked_sort3A_2726 : (vector<16xf32>, vector<16xi32>, vector<16xi1>) -> (vector<16xi1>, vector<16xf32>, vector<16xi32>)
            %mul3A_2730 = arith.constant 16 : i32
            %mul3A_2731 = arith.muli %scan3A_242, %mul3A_2730 : i32
            %get3A_2732 = arith.index_cast %mul3A_2731 : i32 to index
            %get3A_2733 = tpu.vector_load %arg20[%get3A_2732] {strides = array<i32>} : memref<512xf32, #tpu.memory_space<vmem>>, vector<16xf32>,
            %mul3A_2734 = arith.constant 16 : i32
            %mul3A_2735 = arith.muli %scan3A_242, %mul3A_2734 : i32
            %get3A_2736 = arith.index_cast %mul3A_2735 : i32 to index
            %get3A_2737 = tpu.vector_load %arg21[%get3A_2736] {strides = array<i32>} : memref<512xi32, #tpu.memory_space<vmem>>, vector<16xi32>,
            %rev3A_2738 = arith.constant 15 : i32
            %rev3A_2739 = vector.broadcast %rev3A_2738 : i32 to vector<16xi32>
            %rev3A_2740 = tpu.iota {dimensions = array<i32: 0>} : vector<16xi32>
            %rev3A_2741 = arith.subi %rev3A_2739, %rev3A_2740 : vector<16xi32>
            %rev3A_2742 = tpu.dynamic_gather %masked_sort3A_2728[%rev3A_2741] in [0] : vector<16xf32>, vector<16xi32> -> vector<16xf32>
            %rev3A_2743 = arith.constant 15 : i32
            %rev3A_2744 = vector.broadcast %rev3A_2743 : i32 to vector<16xi32>
            %rev3A_2745 = tpu.iota {dimensions = array<i32: 0>} : vector<16xi32>
            %rev3A_2746 = arith.subi %rev3A_2744, %rev3A_2745 : vector<16xi32>
            %rev3A_2747 = tpu.dynamic_gather %masked_sort3A_2729[%rev3A_2746] in [0] : vector<16xi32>, vector<16xi32> -> vector<16xi32>
            %lt3A_2748 = arith.cmpf olt, %rev3A_2742, %get3A_2733 : vector<16xf32>
            %select_n3A_2749 = arith.select %lt3A_2748, %rev3A_2742, %get3A_2733 : vector<16xi1>, vector<16xf32>
            %select_n3A_2750 = arith.select %lt3A_2748, %rev3A_2747, %get3A_2737 : vector<16xi1>, vector<16xi32>
            %masked_sort3A_2751 = arith.constant dense<true> : vector<16xi1>
            %masked_sort3A_2752, %masked_sort3A_2753, %masked_sort3A_2754 = tpu.sort %select_n3A_2749, %select_n3A_2750 masked %masked_sort3A_2751 : (vector<16xf32>, vector<16xi32>, vector<16xi1>) -> (vector<16xi1>, vector<16xf32>, vector<16xi32>)
            %mul3A_2755 = arith.constant 16 : i32
            %mul3A_2756 = arith.muli %scan3A_242, %mul3A_2755 : i32
            %swap3A_2757 = arith.index_cast %mul3A_2756 : i32 to index
            %swap3A_2758 = tpu.vector_load %arg20[%swap3A_2757] {strides = array<i32>} : memref<512xf32, #tpu.memory_space<vmem>>, vector<16xf32>,
            tpu.vector_store %arg20[%swap3A_2757], %masked_sort3A_2753 {strides = array<i32>} : memref<512xf32, #tpu.memory_space<vmem>>, vector<16xf32>,
            %mul3A_2759 = arith.constant 16 : i32
            %mul3A_2760 = arith.muli %scan3A_242, %mul3A_2759 : i32
            %swap3A_2761 = arith.index_cast %mul3A_2760 : i32 to index
            %swap3A_2762 = tpu.vector_load %arg21[%swap3A_2761] {strides = array<i32>} : memref<512xi32, #tpu.memory_space<vmem>>, vector<16xi32>,
            tpu.vector_store %arg21[%swap3A_2761], %masked_sort3A_2754 {strides = array<i32>} : memref<512xi32, #tpu.memory_space<vmem>>, vector<16xi32>,
            %reduce_max3A_2763 = arith.constant true
            %reduce_max3A_2764 = vector.broadcast %reduce_max3A_2763 : i1 to vector<16xi1>
            %reduce_max3A_2765 = tpu.scan <max>, %masked_sort3A_2753 masked %reduce_max3A_2764 : vector<16xf32>, vector<16xi1> -> vector<16xf32>
            %reduce_max3A_2766 = vector.extract %reduce_max3A_2765[15] : f32 from vector<16xf32>
            %broadcast_in_dim3A_2767 = vector.broadcast %reduce_max3A_2766 : f32 to vector<16xf32>
            scf.yield %broadcast_in_dim3A_2767 : vector<16xf32>
          } else {
            scf.yield %cond3A_1178 : vector<16xf32>
          }
          scf.yield %cond3A_1943 : vector<16xf32>
        }
        %scan3A_416 = arith.constant 16 : i32
        %scan3A_417 = arith.constant 0 : i32
        scf.yield %scan3A_417 : i32
      }
      %scan3A_240 = arith.constant 32 : i32
      %scan3A_241 = arith.constant 0 : i32
      scf.yield %scan3A_241 : i32
    }
    %scan3A_200 = arith.constant 4 : i32
    %broadcast_in_dim3A_201 = arith.constant 1 : i32
    %broadcast_in_dim3A_202 = vector.broadcast %broadcast_in_dim3A_201 : i32 to vector<16xi32>
    %xor3A = arith.xori %iota3A, %broadcast_in_dim3A_202 : vector<16xi32>
    %sub3A = arith.subi %iota3A, %broadcast_in_dim3A_202 : vector<16xi32>
    %xor3A_203 = arith.xori %sub3A, %broadcast_in_dim3A_202 : vector<16xi32>
    %add3A_204 = arith.addi %xor3A_203, %broadcast_in_dim3A_202 : vector<16xi32>
    %jit3A = arith.constant 0 : i32
    %jit3A_205 = arith.constant 15 : i32
    %max3A = vector.broadcast %jit3A : i32 to vector<16xi32>
    %max3A_206 = arith.maxsi %max3A, %add3A_204 : vector<16xi32>
    %min3A = vector.broadcast %jit3A_205 : i32 to vector<16xi32>
    %min3A_207 = arith.minsi %min3A, %max3A_206 : vector<16xi32>
    %scan3A_208 = arith.constant 0 : i32
    %scan3A_209 = arith.constant 0 : i32
    %scan3A_210 = arith.constant 32 : i32
    %scan3A_211 = arith.addi %scan3A_209, %scan3A_210 : i32
    %scan3A_212 = arith.constant 1 : i32
    %scan3A_213 = scf.for %scan3A_219 = %scan3A_209 to %scan3A_211 step %scan3A_212 iter_args(%scan3A_220 = %scan3A_208) -> (i32)  : i32 {
      %mul3A_221 = arith.constant 16 : i32
      %mul3A_222 = arith.muli %scan3A_219, %mul3A_221 : i32
      %get3A = arith.index_cast %mul3A_222 : i32 to index
      %get3A_223 = tpu.vector_load %arg20[%get3A] {strides = array<i32>} : memref<512xf32, #tpu.memory_space<vmem>>, vector<16xf32>,
      %mul3A_224 = arith.constant 16 : i32
      %mul3A_225 = arith.muli %scan3A_219, %mul3A_224 : i32
      %get3A_226 = arith.index_cast %mul3A_225 : i32 to index
      %get3A_227 = tpu.vector_load %arg21[%get3A_226] {strides = array<i32>} : memref<512xi32, #tpu.memory_space<vmem>>, vector<16xi32>,
      %lt3A = arith.constant 0 : i32
      %lt3A_228 = vector.broadcast %lt3A : i32 to vector<16xi32>
      %lt3A_229 = arith.cmpi slt, %xor3A, %lt3A_228 : vector<16xi32>
      %add3A_230 = arith.constant 16 : i32
      %add3A_231 = vector.broadcast %add3A_230 : i32 to vector<16xi32>
      %add3A_232 = arith.addi %xor3A, %add3A_231 : vector<16xi32>
      %select_n3A = arith.select %lt3A_229, %add3A_232, %xor3A : vector<16xi1>, vector<16xi32>
      %broadcast_in_dim3A_233 = vector.shape_cast %select_n3A : vector<16xi32> to vector<16x1xi32>
      %gather3A = vector.shape_cast %broadcast_in_dim3A_233 : vector<16x1xi32> to vector<16xi32>
      %gather3A_234 = tpu.dynamic_gather %get3A_223[%gather3A] in [0] : vector<16xf32>, vector<16xi32> -> vector<16xf32>
      %lt3A_235 = arith.constant 0 : i32
      %lt3A_236 = vector.broadcast %lt3A_235 : i32 to vector<16xi32>
      %lt3A_237 = arith.cmpi slt, %xor3A, %lt3A_236 : vector<16xi32>
      %add3A_238 = arith.constant 16 : i32
      %add3A_239 = vector.broadcast %add3A_238 : i32 to vector<16xi32>
      %add3A_240 = arith.addi %xor3A, %add3A_239 : vector<16xi32>
      %select_n3A_241 = arith.select %lt3A_237, %add3A_240, %xor3A : vector<16xi1>, vector<16xi32>
      %broadcast_in_dim3A_242 = vector.shape_cast %select_n3A_241 : vector<16xi32> to vector<16x1xi32>
      %gather3A_243 = vector.shape_cast %broadcast_in_dim3A_242 : vector<16x1xi32> to vector<16xi32>
      %gather3A_244 = tpu.dynamic_gather %get3A_227[%gather3A_243] in [0] : vector<16xi32>, vector<16xi32> -> vector<16xi32>
      %lt3A_245 = arith.cmpi slt, %iota3A, %xor3A : vector<16xi32>
      %eq3A = arith.cmpf oeq, %get3A_223, %gather3A_234 : vector<16xf32>
      %gt3A = arith.cmpi sgt, %get3A_227, %gather3A_244 : vector<16xi32>
      %lt3A_246 = arith.cmpi slt, %get3A_227, %gather3A_244 : vector<16xi32>
      %select_n3A_247 = arith.select %lt3A_245, %gt3A, %lt3A_246 : vector<16xi1>, vector<16xi1>
      %and3A = arith.andi %eq3A, %select_n3A_247 : vector<16xi1>
      %select_n3A_248 = arith.select %and3A, %gather3A_244, %get3A_227 : vector<16xi1>, vector<16xi32>
      %lt3A_249 = arith.constant 0 : i32
      %lt3A_250 = vector.broadcast %lt3A_249 : i32 to vector<16xi32>
      %lt3A_251 = arith.cmpi slt, %min3A_207, %lt3A_250 : vector<16xi32>
      %add3A_252 = arith.constant 16 : i32
      %add3A_253 = vector.broadcast %add3A_252 : i32 to vector<16xi32>
      %add3A_254 = arith.addi %min3A_207, %add3A_253 : vector<16xi32>
      %select_n3A_255 = arith.select %lt3A_251, %add3A_254, %min3A_207 : vector<16xi1>, vector<16xi32>
      %broadcast_in_dim3A_256 = vector.shape_cast %select_n3A_255 : vector<16xi32> to vector<16x1xi32>
      %gather3A_257 = vector.shape_cast %broadcast_in_dim3A_256 : vector<16x1xi32> to vector<16xi32>
      %gather3A_258 = tpu.dynamic_gather %get3A_223[%gather3A_257] in [0] : vector<16xf32>, vector<16xi32> -> vector<16xf32>
      %lt3A_259 = arith.constant 0 : i32
      %lt3A_260 = vector.broadcast %lt3A_259 : i32 to vector<16xi32>
      %lt3A_261 = arith.cmpi slt, %min3A_207, %lt3A_260 : vector<16xi32>
      %add3A_262 = arith.constant 16 : i32
      %add3A_263 = vector.broadcast %add3A_262 : i32 to vector<16xi32>
      %add3A_264 = arith.addi %min3A_207, %add3A_263 : vector<16xi32>
      %select_n3A_265 = arith.select %lt3A_261, %add3A_264, %min3A_207 : vector<16xi1>, vector<16xi32>
      %broadcast_in_dim3A_266 = vector.shape_cast %select_n3A_265 : vector<16xi32> to vector<16x1xi32>
      %gather3A_267 = vector.shape_cast %broadcast_in_dim3A_266 : vector<16x1xi32> to vector<16xi32>
      %gather3A_268 = tpu.dynamic_gather %select_n3A_248[%gather3A_267] in [0] : vector<16xi32>, vector<16xi32> -> vector<16xi32>
      %lt3A_269 = arith.cmpi slt, %iota3A, %min3A_207 : vector<16xi32>
      %eq3A_270 = arith.cmpf oeq, %get3A_223, %gather3A_258 : vector<16xf32>
      %gt3A_271 = arith.cmpi sgt, %select_n3A_248, %gather3A_268 : vector<16xi32>
      %lt3A_272 = arith.cmpi slt, %select_n3A_248, %gather3A_268 : vector<16xi32>
      %select_n3A_273 = arith.select %lt3A_269, %gt3A_271, %lt3A_272 : vector<16xi1>, vector<16xi1>
      %and3A_274 = arith.andi %eq3A_270, %select_n3A_273 : vector<16xi1>
      %select_n3A_275 = arith.select %and3A_274, %gather3A_268, %select_n3A_248 : vector<16xi1>, vector<16xi32>
      %lt3A_276 = arith.constant 0 : i32
      %lt3A_277 = vector.broadcast %lt3A_276 : i32 to vector<16xi32>
      %lt3A_278 = arith.cmpi slt, %xor3A, %lt3A_277 : vector<16xi32>
      %add3A_279 = arith.constant 16 : i32
      %add3A_280 = vector.broadcast %add3A_279 : i32 to vector<16xi32>
      %add3A_281 = arith.addi %xor3A, %add3A_280 : vector<16xi32>
      %select_n3A_282 = arith.select %lt3A_278, %add3A_281, %xor3A : vector<16xi1>, vector<16xi32>
      %broadcast_in_dim3A_283 = vector.shape_cast %select_n3A_282 : vector<16xi32> to vector<16x1xi32>
      %gather3A_284 = vector.shape_cast %broadcast_in_dim3A_283 : vector<16x1xi32> to vector<16xi32>
      %gather3A_285 = tpu.dynamic_gather %get3A_223[%gather3A_284] in [0] : vector<16xf32>, vector<16xi32> -> vector<16xf32>
      %lt3A_286 = arith.constant 0 : i32
      %lt3A_287 = vector.broadcast %lt3A_286 : i32 to vector<16xi32>
      %lt3A_288 = arith.cmpi slt, %xor3A, %lt3A_287 : vector<16xi32>
      %add3A_289 = arith.constant 16 : i32
      %add3A_290 = vector.broadcast %add3A_289 : i32 to vector<16xi32>
      %add3A_291 = arith.addi %xor3A, %add3A_290 : vector<16xi32>
      %select_n3A_292 = arith.select %lt3A_288, %add3A_291, %xor3A : vector<16xi1>, vector<16xi32>
      %broadcast_in_dim3A_293 = vector.shape_cast %select_n3A_292 : vector<16xi32> to vector<16x1xi32>
      %gather3A_294 = vector.shape_cast %broadcast_in_dim3A_293 : vector<16x1xi32> to vector<16xi32>
      %gather3A_295 = tpu.dynamic_gather %select_n3A_275[%gather3A_294] in [0] : vector<16xi32>, vector<16xi32> -> vector<16xi32>
      %lt3A_296 = arith.cmpi slt, %iota3A, %xor3A : vector<16xi32>
      %eq3A_297 = arith.cmpf oeq, %get3A_223, %gather3A_285 : vector<16xf32>
      %gt3A_298 = arith.cmpi sgt, %select_n3A_275, %gather3A_295 : vector<16xi32>
      %lt3A_299 = arith.cmpi slt, %select_n3A_275, %gather3A_295 : vector<16xi32>
      %select_n3A_300 = arith.select %lt3A_296, %gt3A_298, %lt3A_299 : vector<16xi1>, vector<16xi1>
      %and3A_301 = arith.andi %eq3A_297, %select_n3A_300 : vector<16xi1>
      %select_n3A_302 = arith.select %and3A_301, %gather3A_295, %select_n3A_275 : vector<16xi1>, vector<16xi32>
      %lt3A_303 = arith.constant 0 : i32
      %lt3A_304 = vector.broadcast %lt3A_303 : i32 to vector<16xi32>
      %lt3A_305 = arith.cmpi slt, %min3A_207, %lt3A_304 : vector<16xi32>
      %add3A_306 = arith.constant 16 : i32
      %add3A_307 = vector.broadcast %add3A_306 : i32 to vector<16xi32>
      %add3A_308 = arith.addi %min3A_207, %add3A_307 : vector<16xi32>
      %select_n3A_309 = arith.select %lt3A_305, %add3A_308, %min3A_207 : vector<16xi1>, vector<16xi32>
      %broadcast_in_dim3A_310 = vector.shape_cast %select_n3A_309 : vector<16xi32> to vector<16x1xi32>
      %gather3A_311 = vector.shape_cast %broadcast_in_dim3A_310 : vector<16x1xi32> to vector<16xi32>
      %gather3A_312 = tpu.dynamic_gather %get3A_223[%gather3A_311] in [0] : vector<16xf32>, vector<16xi32> -> vector<16xf32>
      %lt3A_313 = arith.constant 0 : i32
      %lt3A_314 = vector.broadcast %lt3A_313 : i32 to vector<16xi32>
      %lt3A_315 = arith.cmpi slt, %min3A_207, %lt3A_314 : vector<16xi32>
      %add3A_316 = arith.constant 16 : i32
      %add3A_317 = vector.broadcast %add3A_316 : i32 to vector<16xi32>
      %add3A_318 = arith.addi %min3A_207, %add3A_317 : vector<16xi32>
      %select_n3A_319 = arith.select %lt3A_315, %add3A_318, %min3A_207 : vector<16xi1>, vector<16xi32>
      %broadcast_in_dim3A_320 = vector.shape_cast %select_n3A_319 : vector<16xi32> to vector<16x1xi32>
      %gather3A_321 = vector.shape_cast %broadcast_in_dim3A_320 : vector<16x1xi32> to vector<16xi32>
      %gather3A_322 = tpu.dynamic_gather %select_n3A_302[%gather3A_321] in [0] : vector<16xi32>, vector<16xi32> -> vector<16xi32>
      %lt3A_323 = arith.cmpi slt, %iota3A, %min3A_207 : vector<16xi32>
      %eq3A_324 = arith.cmpf oeq, %get3A_223, %gather3A_312 : vector<16xf32>
      %gt3A_325 = arith.cmpi sgt, %select_n3A_302, %gather3A_322 : vector<16xi32>
      %lt3A_326 = arith.cmpi slt, %select_n3A_302, %gather3A_322 : vector<16xi32>
      %select_n3A_327 = arith.select %lt3A_323, %gt3A_325, %lt3A_326 : vector<16xi1>, vector<16xi1>
      %and3A_328 = arith.andi %eq3A_324, %select_n3A_327 : vector<16xi1>
      %select_n3A_329 = arith.select %and3A_328, %gather3A_322, %select_n3A_302 : vector<16xi1>, vector<16xi32>
      %lt3A_330 = arith.constant 0 : i32
      %lt3A_331 = vector.broadcast %lt3A_330 : i32 to vector<16xi32>
      %lt3A_332 = arith.cmpi slt, %xor3A, %lt3A_331 : vector<16xi32>
      %add3A_333 = arith.constant 16 : i32
      %add3A_334 = vector.broadcast %add3A_333 : i32 to vector<16xi32>
      %add3A_335 = arith.addi %xor3A, %add3A_334 : vector<16xi32>
      %select_n3A_336 = arith.select %lt3A_332, %add3A_335, %xor3A : vector<16xi1>, vector<16xi32>
      %broadcast_in_dim3A_337 = vector.shape_cast %select_n3A_336 : vector<16xi32> to vector<16x1xi32>
      %gather3A_338 = vector.shape_cast %broadcast_in_dim3A_337 : vector<16x1xi32> to vector<16xi32>
      %gather3A_339 = tpu.dynamic_gather %get3A_223[%gather3A_338] in [0] : vector<16xf32>, vector<16xi32> -> vector<16xf32>
      %lt3A_340 = arith.constant 0 : i32
      %lt3A_341 = vector.broadcast %lt3A_340 : i32 to vector<16xi32>
      %lt3A_342 = arith.cmpi slt, %xor3A, %lt3A_341 : vector<16xi32>
      %add3A_343 = arith.constant 16 : i32
      %add3A_344 = vector.broadcast %add3A_343 : i32 to vector<16xi32>
      %add3A_345 = arith.addi %xor3A, %add3A_344 : vector<16xi32>
      %select_n3A_346 = arith.select %lt3A_342, %add3A_345, %xor3A : vector<16xi1>, vector<16xi32>
      %broadcast_in_dim3A_347 = vector.shape_cast %select_n3A_346 : vector<16xi32> to vector<16x1xi32>
      %gather3A_348 = vector.shape_cast %broadcast_in_dim3A_347 : vector<16x1xi32> to vector<16xi32>
      %gather3A_349 = tpu.dynamic_gather %select_n3A_329[%gather3A_348] in [0] : vector<16xi32>, vector<16xi32> -> vector<16xi32>
      %lt3A_350 = arith.cmpi slt, %iota3A, %xor3A : vector<16xi32>
      %eq3A_351 = arith.cmpf oeq, %get3A_223, %gather3A_339 : vector<16xf32>
      %gt3A_352 = arith.cmpi sgt, %select_n3A_329, %gather3A_349 : vector<16xi32>
      %lt3A_353 = arith.cmpi slt, %select_n3A_329, %gather3A_349 : vector<16xi32>
      %select_n3A_354 = arith.select %lt3A_350, %gt3A_352, %lt3A_353 : vector<16xi1>, vector<16xi1>
      %and3A_355 = arith.andi %eq3A_351, %select_n3A_354 : vector<16xi1>
      %select_n3A_356 = arith.select %and3A_355, %gather3A_349, %select_n3A_329 : vector<16xi1>, vector<16xi32>
      %lt3A_357 = arith.constant 0 : i32
      %lt3A_358 = vector.broadcast %lt3A_357 : i32 to vector<16xi32>
      %lt3A_359 = arith.cmpi slt, %min3A_207, %lt3A_358 : vector<16xi32>
      %add3A_360 = arith.constant 16 : i32
      %add3A_361 = vector.broadcast %add3A_360 : i32 to vector<16xi32>
      %add3A_362 = arith.addi %min3A_207, %add3A_361 : vector<16xi32>
      %select_n3A_363 = arith.select %lt3A_359, %add3A_362, %min3A_207 : vector<16xi1>, vector<16xi32>
      %broadcast_in_dim3A_364 = vector.shape_cast %select_n3A_363 : vector<16xi32> to vector<16x1xi32>
      %gather3A_365 = vector.shape_cast %broadcast_in_dim3A_364 : vector<16x1xi32> to vector<16xi32>
      %gather3A_366 = tpu.dynamic_gather %get3A_223[%gather3A_365] in [0] : vector<16xf32>, vector<16xi32> -> vector<16xf32>
      %lt3A_367 = arith.constant 0 : i32
      %lt3A_368 = vector.broadcast %lt3A_367 : i32 to vector<16xi32>
      %lt3A_369 = arith.cmpi slt, %min3A_207, %lt3A_368 : vector<16xi32>
      %add3A_370 = arith.constant 16 : i32
      %add3A_371 = vector.broadcast %add3A_370 : i32 to vector<16xi32>
      %add3A_372 = arith.addi %min3A_207, %add3A_371 : vector<16xi32>
      %select_n3A_373 = arith.select %lt3A_369, %add3A_372, %min3A_207 : vector<16xi1>, vector<16xi32>
      %broadcast_in_dim3A_374 = vector.shape_cast %select_n3A_373 : vector<16xi32> to vector<16x1xi32>
      %gather3A_375 = vector.shape_cast %broadcast_in_dim3A_374 : vector<16x1xi32> to vector<16xi32>
      %gather3A_376 = tpu.dynamic_gather %select_n3A_356[%gather3A_375] in [0] : vector<16xi32>, vector<16xi32> -> vector<16xi32>
      %lt3A_377 = arith.cmpi slt, %iota3A, %min3A_207 : vector<16xi32>
      %eq3A_378 = arith.cmpf oeq, %get3A_223, %gather3A_366 : vector<16xf32>
      %gt3A_379 = arith.cmpi sgt, %select_n3A_356, %gather3A_376 : vector<16xi32>
      %lt3A_380 = arith.cmpi slt, %select_n3A_356, %gather3A_376 : vector<16xi32>
      %select_n3A_381 = arith.select %lt3A_377, %gt3A_379, %lt3A_380 : vector<16xi1>, vector<16xi1>
      %and3A_382 = arith.andi %eq3A_378, %select_n3A_381 : vector<16xi1>
      %select_n3A_383 = arith.select %and3A_382, %gather3A_376, %select_n3A_356 : vector<16xi1>, vector<16xi32>
      %lt3A_384 = arith.constant 0 : i32
      %lt3A_385 = vector.broadcast %lt3A_384 : i32 to vector<16xi32>
      %lt3A_386 = arith.cmpi slt, %xor3A, %lt3A_385 : vector<16xi32>
      %add3A_387 = arith.constant 16 : i32
      %add3A_388 = vector.broadcast %add3A_387 : i32 to vector<16xi32>
      %add3A_389 = arith.addi %xor3A, %add3A_388 : vector<16xi32>
      %select_n3A_390 = arith.select %lt3A_386, %add3A_389, %xor3A : vector<16xi1>, vector<16xi32>
      %broadcast_in_dim3A_391 = vector.shape_cast %select_n3A_390 : vector<16xi32> to vector<16x1xi32>
      %gather3A_392 = vector.shape_cast %broadcast_in_dim3A_391 : vector<16x1xi32> to vector<16xi32>
      %gather3A_393 = tpu.dynamic_gather %get3A_223[%gather3A_392] in [0] : vector<16xf32>, vector<16xi32> -> vector<16xf32>
      %lt3A_394 = arith.constant 0 : i32
      %lt3A_395 = vector.broadcast %lt3A_394 : i32 to vector<16xi32>
      %lt3A_396 = arith.cmpi slt, %xor3A, %lt3A_395 : vector<16xi32>
      %add3A_397 = arith.constant 16 : i32
      %add3A_398 = vector.broadcast %add3A_397 : i32 to vector<16xi32>
      %add3A_399 = arith.addi %xor3A, %add3A_398 : vector<16xi32>
      %select_n3A_400 = arith.select %lt3A_396, %add3A_399, %xor3A : vector<16xi1>, vector<16xi32>
      %broadcast_in_dim3A_401 = vector.shape_cast %select_n3A_400 : vector<16xi32> to vector<16x1xi32>
      %gather3A_402 = vector.shape_cast %broadcast_in_dim3A_401 : vector<16x1xi32> to vector<16xi32>
      %gather3A_403 = tpu.dynamic_gather %select_n3A_383[%gather3A_402] in [0] : vector<16xi32>, vector<16xi32> -> vector<16xi32>
      %lt3A_404 = arith.cmpi slt, %iota3A, %xor3A : vector<16xi32>
      %eq3A_405 = arith.cmpf oeq, %get3A_223, %gather3A_393 : vector<16xf32>
      %gt3A_406 = arith.cmpi sgt, %select_n3A_383, %gather3A_403 : vector<16xi32>
      %lt3A_407 = arith.cmpi slt, %select_n3A_383, %gather3A_403 : vector<16xi32>
      %select_n3A_408 = arith.select %lt3A_404, %gt3A_406, %lt3A_407 : vector<16xi1>, vector<16xi1>
      %and3A_409 = arith.andi %eq3A_405, %select_n3A_408 : vector<16xi1>
      %select_n3A_410 = arith.select %and3A_409, %gather3A_403, %select_n3A_383 : vector<16xi1>, vector<16xi32>
      %lt3A_411 = arith.constant 0 : i32
      %lt3A_412 = vector.broadcast %lt3A_411 : i32 to vector<16xi32>
      %lt3A_413 = arith.cmpi slt, %min3A_207, %lt3A_412 : vector<16xi32>
      %add3A_414 = arith.constant 16 : i32
      %add3A_415 = vector.broadcast %add3A_414 : i32 to vector<16xi32>
      %add3A_416 = arith.addi %min3A_207, %add3A_415 : vector<16xi32>
      %select_n3A_417 = arith.select %lt3A_413, %add3A_416, %min3A_207 : vector<16xi1>, vector<16xi32>
      %broadcast_in_dim3A_418 = vector.shape_cast %select_n3A_417 : vector<16xi32> to vector<16x1xi32>
      %gather3A_419 = vector.shape_cast %broadcast_in_dim3A_418 : vector<16x1xi32> to vector<16xi32>
      %gather3A_420 = tpu.dynamic_gather %get3A_223[%gather3A_419] in [0] : vector<16xf32>, vector<16xi32> -> vector<16xf32>
      %lt3A_421 = arith.constant 0 : i32
      %lt3A_422 = vector.broadcast %lt3A_421 : i32 to vector<16xi32>
      %lt3A_423 = arith.cmpi slt, %min3A_207, %lt3A_422 : vector<16xi32>
      %add3A_424 = arith.constant 16 : i32
      %add3A_425 = vector.broadcast %add3A_424 : i32 to vector<16xi32>
      %add3A_426 = arith.addi %min3A_207, %add3A_425 : vector<16xi32>
      %select_n3A_427 = arith.select %lt3A_423, %add3A_426, %min3A_207 : vector<16xi1>, vector<16xi32>
      %broadcast_in_dim3A_428 = vector.shape_cast %select_n3A_427 : vector<16xi32> to vector<16x1xi32>
      %gather3A_429 = vector.shape_cast %broadcast_in_dim3A_428 : vector<16x1xi32> to vector<16xi32>
      %gather3A_430 = tpu.dynamic_gather %select_n3A_410[%gather3A_429] in [0] : vector<16xi32>, vector<16xi32> -> vector<16xi32>
      %lt3A_431 = arith.cmpi slt, %iota3A, %min3A_207 : vector<16xi32>
      %eq3A_432 = arith.cmpf oeq, %get3A_223, %gather3A_420 : vector<16xf32>
      %gt3A_433 = arith.cmpi sgt, %select_n3A_410, %gather3A_430 : vector<16xi32>
      %lt3A_434 = arith.cmpi slt, %select_n3A_410, %gather3A_430 : vector<16xi32>
      %select_n3A_435 = arith.select %lt3A_431, %gt3A_433, %lt3A_434 : vector<16xi1>, vector<16xi1>
      %and3A_436 = arith.andi %eq3A_432, %select_n3A_435 : vector<16xi1>
      %select_n3A_437 = arith.select %and3A_436, %gather3A_430, %select_n3A_410 : vector<16xi1>, vector<16xi32>
      %lt3A_438 = arith.constant 0 : i32
      %lt3A_439 = vector.broadcast %lt3A_438 : i32 to vector<16xi32>
      %lt3A_440 = arith.cmpi slt, %xor3A, %lt3A_439 : vector<16xi32>
      %add3A_441 = arith.constant 16 : i32
      %add3A_442 = vector.broadcast %add3A_441 : i32 to vector<16xi32>
      %add3A_443 = arith.addi %xor3A, %add3A_442 : vector<16xi32>
      %select_n3A_444 = arith.select %lt3A_440, %add3A_443, %xor3A : vector<16xi1>, vector<16xi32>
      %broadcast_in_dim3A_445 = vector.shape_cast %select_n3A_444 : vector<16xi32> to vector<16x1xi32>
      %gather3A_446 = vector.shape_cast %broadcast_in_dim3A_445 : vector<16x1xi32> to vector<16xi32>
      %gather3A_447 = tpu.dynamic_gather %get3A_223[%gather3A_446] in [0] : vector<16xf32>, vector<16xi32> -> vector<16xf32>
      %lt3A_448 = arith.constant 0 : i32
      %lt3A_449 = vector.broadcast %lt3A_448 : i32 to vector<16xi32>
      %lt3A_450 = arith.cmpi slt, %xor3A, %lt3A_449 : vector<16xi32>
      %add3A_451 = arith.constant 16 : i32
      %add3A_452 = vector.broadcast %add3A_451 : i32 to vector<16xi32>
      %add3A_453 = arith.addi %xor3A, %add3A_452 : vector<16xi32>
      %select_n3A_454 = arith.select %lt3A_450, %add3A_453, %xor3A : vector<16xi1>, vector<16xi32>
      %broadcast_in_dim3A_455 = vector.shape_cast %select_n3A_454 : vector<16xi32> to vector<16x1xi32>
      %gather3A_456 = vector.shape_cast %broadcast_in_dim3A_455 : vector<16x1xi32> to vector<16xi32>
      %gather3A_457 = tpu.dynamic_gather %select_n3A_437[%gather3A_456] in [0] : vector<16xi32>, vector<16xi32> -> vector<16xi32>
      %lt3A_458 = arith.cmpi slt, %iota3A, %xor3A : vector<16xi32>
      %eq3A_459 = arith.cmpf oeq, %get3A_223, %gather3A_447 : vector<16xf32>
      %gt3A_460 = arith.cmpi sgt, %select_n3A_437, %gather3A_457 : vector<16xi32>
      %lt3A_461 = arith.cmpi slt, %select_n3A_437, %gather3A_457 : vector<16xi32>
      %select_n3A_462 = arith.select %lt3A_458, %gt3A_460, %lt3A_461 : vector<16xi1>, vector<16xi1>
      %and3A_463 = arith.andi %eq3A_459, %select_n3A_462 : vector<16xi1>
      %select_n3A_464 = arith.select %and3A_463, %gather3A_457, %select_n3A_437 : vector<16xi1>, vector<16xi32>
      %lt3A_465 = arith.constant 0 : i32
      %lt3A_466 = vector.broadcast %lt3A_465 : i32 to vector<16xi32>
      %lt3A_467 = arith.cmpi slt, %min3A_207, %lt3A_466 : vector<16xi32>
      %add3A_468 = arith.constant 16 : i32
      %add3A_469 = vector.broadcast %add3A_468 : i32 to vector<16xi32>
      %add3A_470 = arith.addi %min3A_207, %add3A_469 : vector<16xi32>
      %select_n3A_471 = arith.select %lt3A_467, %add3A_470, %min3A_207 : vector<16xi1>, vector<16xi32>
      %broadcast_in_dim3A_472 = vector.shape_cast %select_n3A_471 : vector<16xi32> to vector<16x1xi32>
      %gather3A_473 = vector.shape_cast %broadcast_in_dim3A_472 : vector<16x1xi32> to vector<16xi32>
      %gather3A_474 = tpu.dynamic_gather %get3A_223[%gather3A_473] in [0] : vector<16xf32>, vector<16xi32> -> vector<16xf32>
      %lt3A_475 = arith.constant 0 : i32
      %lt3A_476 = vector.broadcast %lt3A_475 : i32 to vector<16xi32>
      %lt3A_477 = arith.cmpi slt, %min3A_207, %lt3A_476 : vector<16xi32>
      %add3A_478 = arith.constant 16 : i32
      %add3A_479 = vector.broadcast %add3A_478 : i32 to vector<16xi32>
      %add3A_480 = arith.addi %min3A_207, %add3A_479 : vector<16xi32>
      %select_n3A_481 = arith.select %lt3A_477, %add3A_480, %min3A_207 : vector<16xi1>, vector<16xi32>
      %broadcast_in_dim3A_482 = vector.shape_cast %select_n3A_481 : vector<16xi32> to vector<16x1xi32>
      %gather3A_483 = vector.shape_cast %broadcast_in_dim3A_482 : vector<16x1xi32> to vector<16xi32>
      %gather3A_484 = tpu.dynamic_gather %select_n3A_464[%gather3A_483] in [0] : vector<16xi32>, vector<16xi32> -> vector<16xi32>
      %lt3A_485 = arith.cmpi slt, %iota3A, %min3A_207 : vector<16xi32>
      %eq3A_486 = arith.cmpf oeq, %get3A_223, %gather3A_474 : vector<16xf32>
      %gt3A_487 = arith.cmpi sgt, %select_n3A_464, %gather3A_484 : vector<16xi32>
      %lt3A_488 = arith.cmpi slt, %select_n3A_464, %gather3A_484 : vector<16xi32>
      %select_n3A_489 = arith.select %lt3A_485, %gt3A_487, %lt3A_488 : vector<16xi1>, vector<16xi1>
      %and3A_490 = arith.andi %eq3A_486, %select_n3A_489 : vector<16xi1>
      %select_n3A_491 = arith.select %and3A_490, %gather3A_484, %select_n3A_464 : vector<16xi1>, vector<16xi32>
      %lt3A_492 = arith.constant 0 : i32
      %lt3A_493 = vector.broadcast %lt3A_492 : i32 to vector<16xi32>
      %lt3A_494 = arith.cmpi slt, %xor3A, %lt3A_493 : vector<16xi32>
      %add3A_495 = arith.constant 16 : i32
      %add3A_496 = vector.broadcast %add3A_495 : i32 to vector<16xi32>
      %add3A_497 = arith.addi %xor3A, %add3A_496 : vector<16xi32>
      %select_n3A_498 = arith.select %lt3A_494, %add3A_497, %xor3A : vector<16xi1>, vector<16xi32>
      %broadcast_in_dim3A_499 = vector.shape_cast %select_n3A_498 : vector<16xi32> to vector<16x1xi32>
      %gather3A_500 = vector.shape_cast %broadcast_in_dim3A_499 : vector<16x1xi32> to vector<16xi32>
      %gather3A_501 = tpu.dynamic_gather %get3A_223[%gather3A_500] in [0] : vector<16xf32>, vector<16xi32> -> vector<16xf32>
      %lt3A_502 = arith.constant 0 : i32
      %lt3A_503 = vector.broadcast %lt3A_502 : i32 to vector<16xi32>
      %lt3A_504 = arith.cmpi slt, %xor3A, %lt3A_503 : vector<16xi32>
      %add3A_505 = arith.constant 16 : i32
      %add3A_506 = vector.broadcast %add3A_505 : i32 to vector<16xi32>
      %add3A_507 = arith.addi %xor3A, %add3A_506 : vector<16xi32>
      %select_n3A_508 = arith.select %lt3A_504, %add3A_507, %xor3A : vector<16xi1>, vector<16xi32>
      %broadcast_in_dim3A_509 = vector.shape_cast %select_n3A_508 : vector<16xi32> to vector<16x1xi32>
      %gather3A_510 = vector.shape_cast %broadcast_in_dim3A_509 : vector<16x1xi32> to vector<16xi32>
      %gather3A_511 = tpu.dynamic_gather %select_n3A_491[%gather3A_510] in [0] : vector<16xi32>, vector<16xi32> -> vector<16xi32>
      %lt3A_512 = arith.cmpi slt, %iota3A, %xor3A : vector<16xi32>
      %eq3A_513 = arith.cmpf oeq, %get3A_223, %gather3A_501 : vector<16xf32>
      %gt3A_514 = arith.cmpi sgt, %select_n3A_491, %gather3A_511 : vector<16xi32>
      %lt3A_515 = arith.cmpi slt, %select_n3A_491, %gather3A_511 : vector<16xi32>
      %select_n3A_516 = arith.select %lt3A_512, %gt3A_514, %lt3A_515 : vector<16xi1>, vector<16xi1>
      %and3A_517 = arith.andi %eq3A_513, %select_n3A_516 : vector<16xi1>
      %select_n3A_518 = arith.select %and3A_517, %gather3A_511, %select_n3A_491 : vector<16xi1>, vector<16xi32>
      %lt3A_519 = arith.constant 0 : i32
      %lt3A_520 = vector.broadcast %lt3A_519 : i32 to vector<16xi32>
      %lt3A_521 = arith.cmpi slt, %min3A_207, %lt3A_520 : vector<16xi32>
      %add3A_522 = arith.constant 16 : i32
      %add3A_523 = vector.broadcast %add3A_522 : i32 to vector<16xi32>
      %add3A_524 = arith.addi %min3A_207, %add3A_523 : vector<16xi32>
      %select_n3A_525 = arith.select %lt3A_521, %add3A_524, %min3A_207 : vector<16xi1>, vector<16xi32>
      %broadcast_in_dim3A_526 = vector.shape_cast %select_n3A_525 : vector<16xi32> to vector<16x1xi32>
      %gather3A_527 = vector.shape_cast %broadcast_in_dim3A_526 : vector<16x1xi32> to vector<16xi32>
      %gather3A_528 = tpu.dynamic_gather %get3A_223[%gather3A_527] in [0] : vector<16xf32>, vector<16xi32> -> vector<16xf32>
      %lt3A_529 = arith.constant 0 : i32
      %lt3A_530 = vector.broadcast %lt3A_529 : i32 to vector<16xi32>
      %lt3A_531 = arith.cmpi slt, %min3A_207, %lt3A_530 : vector<16xi32>
      %add3A_532 = arith.constant 16 : i32
      %add3A_533 = vector.broadcast %add3A_532 : i32 to vector<16xi32>
      %add3A_534 = arith.addi %min3A_207, %add3A_533 : vector<16xi32>
      %select_n3A_535 = arith.select %lt3A_531, %add3A_534, %min3A_207 : vector<16xi1>, vector<16xi32>
      %broadcast_in_dim3A_536 = vector.shape_cast %select_n3A_535 : vector<16xi32> to vector<16x1xi32>
      %gather3A_537 = vector.shape_cast %broadcast_in_dim3A_536 : vector<16x1xi32> to vector<16xi32>
      %gather3A_538 = tpu.dynamic_gather %select_n3A_518[%gather3A_537] in [0] : vector<16xi32>, vector<16xi32> -> vector<16xi32>
      %lt3A_539 = arith.cmpi slt, %iota3A, %min3A_207 : vector<16xi32>
      %eq3A_540 = arith.cmpf oeq, %get3A_223, %gather3A_528 : vector<16xf32>
      %gt3A_541 = arith.cmpi sgt, %select_n3A_518, %gather3A_538 : vector<16xi32>
      %lt3A_542 = arith.cmpi slt, %select_n3A_518, %gather3A_538 : vector<16xi32>
      %select_n3A_543 = arith.select %lt3A_539, %gt3A_541, %lt3A_542 : vector<16xi1>, vector<16xi1>
      %and3A_544 = arith.andi %eq3A_540, %select_n3A_543 : vector<16xi1>
      %select_n3A_545 = arith.select %and3A_544, %gather3A_538, %select_n3A_518 : vector<16xi1>, vector<16xi32>
      %lt3A_546 = arith.constant 0 : i32
      %lt3A_547 = vector.broadcast %lt3A_546 : i32 to vector<16xi32>
      %lt3A_548 = arith.cmpi slt, %xor3A, %lt3A_547 : vector<16xi32>
      %add3A_549 = arith.constant 16 : i32
      %add3A_550 = vector.broadcast %add3A_549 : i32 to vector<16xi32>
      %add3A_551 = arith.addi %xor3A, %add3A_550 : vector<16xi32>
      %select_n3A_552 = arith.select %lt3A_548, %add3A_551, %xor3A : vector<16xi1>, vector<16xi32>
      %broadcast_in_dim3A_553 = vector.shape_cast %select_n3A_552 : vector<16xi32> to vector<16x1xi32>
      %gather3A_554 = vector.shape_cast %broadcast_in_dim3A_553 : vector<16x1xi32> to vector<16xi32>
      %gather3A_555 = tpu.dynamic_gather %get3A_223[%gather3A_554] in [0] : vector<16xf32>, vector<16xi32> -> vector<16xf32>
      %lt3A_556 = arith.constant 0 : i32
      %lt3A_557 = vector.broadcast %lt3A_556 : i32 to vector<16xi32>
      %lt3A_558 = arith.cmpi slt, %xor3A, %lt3A_557 : vector<16xi32>
      %add3A_559 = arith.constant 16 : i32
      %add3A_560 = vector.broadcast %add3A_559 : i32 to vector<16xi32>
      %add3A_561 = arith.addi %xor3A, %add3A_560 : vector<16xi32>
      %select_n3A_562 = arith.select %lt3A_558, %add3A_561, %xor3A : vector<16xi1>, vector<16xi32>
      %broadcast_in_dim3A_563 = vector.shape_cast %select_n3A_562 : vector<16xi32> to vector<16x1xi32>
      %gather3A_564 = vector.shape_cast %broadcast_in_dim3A_563 : vector<16x1xi32> to vector<16xi32>
      %gather3A_565 = tpu.dynamic_gather %select_n3A_545[%gather3A_564] in [0] : vector<16xi32>, vector<16xi32> -> vector<16xi32>
      %lt3A_566 = arith.cmpi slt, %iota3A, %xor3A : vector<16xi32>
      %eq3A_567 = arith.cmpf oeq, %get3A_223, %gather3A_555 : vector<16xf32>
      %gt3A_568 = arith.cmpi sgt, %select_n3A_545, %gather3A_565 : vector<16xi32>
      %lt3A_569 = arith.cmpi slt, %select_n3A_545, %gather3A_565 : vector<16xi32>
      %select_n3A_570 = arith.select %lt3A_566, %gt3A_568, %lt3A_569 : vector<16xi1>, vector<16xi1>
      %and3A_571 = arith.andi %eq3A_567, %select_n3A_570 : vector<16xi1>
      %select_n3A_572 = arith.select %and3A_571, %gather3A_565, %select_n3A_545 : vector<16xi1>, vector<16xi32>
      %lt3A_573 = arith.constant 0 : i32
      %lt3A_574 = vector.broadcast %lt3A_573 : i32 to vector<16xi32>
      %lt3A_575 = arith.cmpi slt, %min3A_207, %lt3A_574 : vector<16xi32>
      %add3A_576 = arith.constant 16 : i32
      %add3A_577 = vector.broadcast %add3A_576 : i32 to vector<16xi32>
      %add3A_578 = arith.addi %min3A_207, %add3A_577 : vector<16xi32>
      %select_n3A_579 = arith.select %lt3A_575, %add3A_578, %min3A_207 : vector<16xi1>, vector<16xi32>
      %broadcast_in_dim3A_580 = vector.shape_cast %select_n3A_579 : vector<16xi32> to vector<16x1xi32>
      %gather3A_581 = vector.shape_cast %broadcast_in_dim3A_580 : vector<16x1xi32> to vector<16xi32>
      %gather3A_582 = tpu.dynamic_gather %get3A_223[%gather3A_581] in [0] : vector<16xf32>, vector<16xi32> -> vector<16xf32>
      %lt3A_583 = arith.constant 0 : i32
      %lt3A_584 = vector.broadcast %lt3A_583 : i32 to vector<16xi32>
      %lt3A_585 = arith.cmpi slt, %min3A_207, %lt3A_584 : vector<16xi32>
      %add3A_586 = arith.constant 16 : i32
      %add3A_587 = vector.broadcast %add3A_586 : i32 to vector<16xi32>
      %add3A_588 = arith.addi %min3A_207, %add3A_587 : vector<16xi32>
      %select_n3A_589 = arith.select %lt3A_585, %add3A_588, %min3A_207 : vector<16xi1>, vector<16xi32>
      %broadcast_in_dim3A_590 = vector.shape_cast %select_n3A_589 : vector<16xi32> to vector<16x1xi32>
      %gather3A_591 = vector.shape_cast %broadcast_in_dim3A_590 : vector<16x1xi32> to vector<16xi32>
      %gather3A_592 = tpu.dynamic_gather %select_n3A_572[%gather3A_591] in [0] : vector<16xi32>, vector<16xi32> -> vector<16xi32>
      %lt3A_593 = arith.cmpi slt, %iota3A, %min3A_207 : vector<16xi32>
      %eq3A_594 = arith.cmpf oeq, %get3A_223, %gather3A_582 : vector<16xf32>
      %gt3A_595 = arith.cmpi sgt, %select_n3A_572, %gather3A_592 : vector<16xi32>
      %lt3A_596 = arith.cmpi slt, %select_n3A_572, %gather3A_592 : vector<16xi32>
      %select_n3A_597 = arith.select %lt3A_593, %gt3A_595, %lt3A_596 : vector<16xi1>, vector<16xi1>
      %and3A_598 = arith.andi %eq3A_594, %select_n3A_597 : vector<16xi1>
      %select_n3A_599 = arith.select %and3A_598, %gather3A_592, %select_n3A_572 : vector<16xi1>, vector<16xi32>
      %lt3A_600 = arith.constant 0 : i32
      %lt3A_601 = vector.broadcast %lt3A_600 : i32 to vector<16xi32>
      %lt3A_602 = arith.cmpi slt, %xor3A, %lt3A_601 : vector<16xi32>
      %add3A_603 = arith.constant 16 : i32
      %add3A_604 = vector.broadcast %add3A_603 : i32 to vector<16xi32>
      %add3A_605 = arith.addi %xor3A, %add3A_604 : vector<16xi32>
      %select_n3A_606 = arith.select %lt3A_602, %add3A_605, %xor3A : vector<16xi1>, vector<16xi32>
      %broadcast_in_dim3A_607 = vector.shape_cast %select_n3A_606 : vector<16xi32> to vector<16x1xi32>
      %gather3A_608 = vector.shape_cast %broadcast_in_dim3A_607 : vector<16x1xi32> to vector<16xi32>
      %gather3A_609 = tpu.dynamic_gather %get3A_223[%gather3A_608] in [0] : vector<16xf32>, vector<16xi32> -> vector<16xf32>
      %lt3A_610 = arith.constant 0 : i32
      %lt3A_611 = vector.broadcast %lt3A_610 : i32 to vector<16xi32>
      %lt3A_612 = arith.cmpi slt, %xor3A, %lt3A_611 : vector<16xi32>
      %add3A_613 = arith.constant 16 : i32
      %add3A_614 = vector.broadcast %add3A_613 : i32 to vector<16xi32>
      %add3A_615 = arith.addi %xor3A, %add3A_614 : vector<16xi32>
      %select_n3A_616 = arith.select %lt3A_612, %add3A_615, %xor3A : vector<16xi1>, vector<16xi32>
      %broadcast_in_dim3A_617 = vector.shape_cast %select_n3A_616 : vector<16xi32> to vector<16x1xi32>
      %gather3A_618 = vector.shape_cast %broadcast_in_dim3A_617 : vector<16x1xi32> to vector<16xi32>
      %gather3A_619 = tpu.dynamic_gather %select_n3A_599[%gather3A_618] in [0] : vector<16xi32>, vector<16xi32> -> vector<16xi32>
      %lt3A_620 = arith.cmpi slt, %iota3A, %xor3A : vector<16xi32>
      %eq3A_621 = arith.cmpf oeq, %get3A_223, %gather3A_609 : vector<16xf32>
      %gt3A_622 = arith.cmpi sgt, %select_n3A_599, %gather3A_619 : vector<16xi32>
      %lt3A_623 = arith.cmpi slt, %select_n3A_599, %gather3A_619 : vector<16xi32>
      %select_n3A_624 = arith.select %lt3A_620, %gt3A_622, %lt3A_623 : vector<16xi1>, vector<16xi1>
      %and3A_625 = arith.andi %eq3A_621, %select_n3A_624 : vector<16xi1>
      %select_n3A_626 = arith.select %and3A_625, %gather3A_619, %select_n3A_599 : vector<16xi1>, vector<16xi32>
      %lt3A_627 = arith.constant 0 : i32
      %lt3A_628 = vector.broadcast %lt3A_627 : i32 to vector<16xi32>
      %lt3A_629 = arith.cmpi slt, %min3A_207, %lt3A_628 : vector<16xi32>
      %add3A_630 = arith.constant 16 : i32
      %add3A_631 = vector.broadcast %add3A_630 : i32 to vector<16xi32>
      %add3A_632 = arith.addi %min3A_207, %add3A_631 : vector<16xi32>
      %select_n3A_633 = arith.select %lt3A_629, %add3A_632, %min3A_207 : vector<16xi1>, vector<16xi32>
      %broadcast_in_dim3A_634 = vector.shape_cast %select_n3A_633 : vector<16xi32> to vector<16x1xi32>
      %gather3A_635 = vector.shape_cast %broadcast_in_dim3A_634 : vector<16x1xi32> to vector<16xi32>
      %gather3A_636 = tpu.dynamic_gather %get3A_223[%gather3A_635] in [0] : vector<16xf32>, vector<16xi32> -> vector<16xf32>
      %lt3A_637 = arith.constant 0 : i32
      %lt3A_638 = vector.broadcast %lt3A_637 : i32 to vector<16xi32>
      %lt3A_639 = arith.cmpi slt, %min3A_207, %lt3A_638 : vector<16xi32>
      %add3A_640 = arith.constant 16 : i32
      %add3A_641 = vector.broadcast %add3A_640 : i32 to vector<16xi32>
      %add3A_642 = arith.addi %min3A_207, %add3A_641 : vector<16xi32>
      %select_n3A_643 = arith.select %lt3A_639, %add3A_642, %min3A_207 : vector<16xi1>, vector<16xi32>
      %broadcast_in_dim3A_644 = vector.shape_cast %select_n3A_643 : vector<16xi32> to vector<16x1xi32>
      %gather3A_645 = vector.shape_cast %broadcast_in_dim3A_644 : vector<16x1xi32> to vector<16xi32>
      %gather3A_646 = tpu.dynamic_gather %select_n3A_626[%gather3A_645] in [0] : vector<16xi32>, vector<16xi32> -> vector<16xi32>
      %lt3A_647 = arith.cmpi slt, %iota3A, %min3A_207 : vector<16xi32>
      %eq3A_648 = arith.cmpf oeq, %get3A_223, %gather3A_636 : vector<16xf32>
      %gt3A_649 = arith.cmpi sgt, %select_n3A_626, %gather3A_646 : vector<16xi32>
      %lt3A_650 = arith.cmpi slt, %select_n3A_626, %gather3A_646 : vector<16xi32>
      %select_n3A_651 = arith.select %lt3A_647, %gt3A_649, %lt3A_650 : vector<16xi1>, vector<16xi1>
      %and3A_652 = arith.andi %eq3A_648, %select_n3A_651 : vector<16xi1>
      %select_n3A_653 = arith.select %and3A_652, %gather3A_646, %select_n3A_626 : vector<16xi1>, vector<16xi32>
      %mul3A_654 = arith.constant 16 : i32
      %mul3A_655 = arith.muli %scan3A_219, %mul3A_654 : i32
      %swap3A_656 = arith.index_cast %mul3A_655 : i32 to index
      %swap3A_657 = tpu.vector_load %arg21[%swap3A_656] {strides = array<i32>} : memref<512xi32, #tpu.memory_space<vmem>>, vector<16xi32>,
      tpu.vector_store %arg21[%swap3A_656], %select_n3A_653 {strides = array<i32>} : memref<512xi32, #tpu.memory_space<vmem>>, vector<16xi32>,
      %scan3A_658 = arith.constant 0 : i32
      scf.yield %scan3A_658 : i32
    }
    %scan3A_214 = arith.constant 32 : i32
    %mul3A_215 = arith.constant 16 : i32
    %mul3A_216 = arith.muli %mul3A_2, %mul3A_215 : i32
    "tpu.region"() ({
      %run_scoped3A = tpu.sem_alloc : memref<!tpu.dma_semaphore, #tpu.memory_space<semaphore_mem>>
      %dma_start3A = tpu.memref_slice %arg8[%mul3A_216] : memref<16384xi32, #tpu.memory_space<hbm>> -> memref<512xi32, #tpu.memory_space<hbm>>
      %dma_start3A_219 = tpu.memref_slice %arg8[%mul3A_216] : memref<16384xi32, #tpu.memory_space<hbm>> -> memref<512xi32, #tpu.memory_space<hbm>>
      tpu.enqueue_dma source(%arg21 : memref<512xi32, #tpu.memory_space<vmem>>) target(%dma_start3A_219 : memref<512xi32, #tpu.memory_space<hbm>>) target_semaphore(%run_scoped3A : memref<!tpu.dma_semaphore, #tpu.memory_space<semaphore_mem>>)
      %dma_wait3A = tpu.memref_slice %arg8[%mul3A_216] : memref<16384xi32, #tpu.memory_space<hbm>> -> memref<512xi32, #tpu.memory_space<hbm>>
      %dma_wait3A_220 = tpu.memref_slice %arg8[%mul3A_216] : memref<16384xi32, #tpu.memory_space<hbm>> -> memref<512xi32, #tpu.memory_space<hbm>>
      tpu.wait_dma2 semaphore(%run_scoped3A : memref<!tpu.dma_semaphore, #tpu.memory_space<semaphore_mem>>) src(%arg21 : memref<512xi32, #tpu.memory_space<vmem>>) dst(%dma_wait3A_220 : memref<512xi32, #tpu.memory_space<hbm>>)
      tpu.yield
    }) : () -> ()
    %mul3A_217 = arith.constant 16 : i32
    %mul3A_218 = arith.muli %mul3A_2, %mul3A_217 : i32
    "tpu.region"() ({
      %run_scoped3A = tpu.sem_alloc : memref<!tpu.dma_semaphore, #tpu.memory_space<semaphore_mem>>
      %dma_start3A = tpu.memref_slice %arg9[%mul3A_218] : memref<16384xf32, #tpu.memory_space<hbm>> -> memref<512xf32, #tpu.memory_space<hbm>>
      %dma_start3A_219 = tpu.memref_slice %arg9[%mul3A_218] : memref<16384xf32, #tpu.memory_space<hbm>> -> memref<512xf32, #tpu.memory_space<hbm>>
      tpu.enqueue_dma source(%arg20 : memref<512xf32, #tpu.memory_space<vmem>>) target(%dma_start3A_219 : memref<512xf32, #tpu.memory_space<hbm>>) target_semaphore(%run_scoped3A : memref<!tpu.dma_semaphore, #tpu.memory_space<semaphore_mem>>)
      %dma_wait3A = tpu.memref_slice %arg9[%mul3A_218] : memref<16384xf32, #tpu.memory_space<hbm>> -> memref<512xf32, #tpu.memory_space<hbm>>
      %dma_wait3A_220 = tpu.memref_slice %arg9[%mul3A_218] : memref<16384xf32, #tpu.memory_space<hbm>> -> memref<512xf32, #tpu.memory_space<hbm>>
      tpu.wait_dma2 semaphore(%run_scoped3A : memref<!tpu.dma_semaphore, #tpu.memory_space<semaphore_mem>>) src(%arg20 : memref<512xf32, #tpu.memory_space<vmem>>) dst(%dma_wait3A_220 : memref<512xf32, #tpu.memory_space<hbm>>)
      tpu.yield
    }) : () -> ()
    return
  }
}

</mosaic_0001>

<sc_bundles>
// kernel: _knn.3.cloned.1.call-start
scs
__scs_entry_jumppad:
0x0: {  	(pc) =	sbr.rel $0x88, $3  }
0x1: {  	(tag) =	ssettag $0x0;
	lr =	simm.s32 $0x1  }
0x2: {  	[smem:$0x3F9B] =	sst lr;
	_ =	strace $0xD0000000  }
0x3: {  	_ = 	snop  }
0x4: {  	_ = 	snop  }
0x5: {  	_ = 	snop  }
0x6: {  	_ = 	snop  }
0x7: {  	_ = 	snop  }
__scs_overlays_trampoline_lowered:
0x8: {  	[smem:$0x3FAA] =	sst s0  }
0x9: {  	[smem:$0x3FAB] =	sst s1  }
0xa: {  	[smem:$0x3FAC] =	sst s2  }
0xb: {  	[smem:$0x3FAD] =	sst s3  }
0xc: {  	[smem:$0x3FAE] =	sst s4  }
0xd: {  	[smem:$0x3FAF] =	sst s5  }
0xe: {  	[smem:$0x3FB0] =	sst s6  }
0xf: {  	[smem:$0x3FB1] =	sst s7  }
0x10: {  	[smem:$0x3FB2] =	sst s8  }
0x11: {  	[smem:$0x3FB3] =	sst s9;
	s0 =	simm.s32 @!p0 $0x0  }
0x12: {  	s1 =	sld [smem:$0x3F99];
	s0 =	simm.s32 @p0 $0x1  }
0x13: {  	[smem:$0x3FB4] =	sst s0;
	s0 =	simm.s32 @!p1 $0x0  }
0x14: {  	s2 =	sld [smem:$0x3F98];
	s0 =	simm.s32 @p1 $0x1  }
0x15: {  	[smem:$0x3FB5] =	sst s0;
	s0 =	simm.s32 @!p2 $0x0  }
0x16: {  	s3 =	sld [smem:$0x3FDB];
	s0 =	simm.s32 @p2 $0x1  }
0x17: {  	s4 =	simm.s32 $0x1BF5;
	[smem:$0x3FB7] =	sst s0  }
0x18: {  	s0 =	sld [smem:$0x3F9A];
	_ =	swait.ge [sflag:s4], $0x0  }
0x19: {  	s7 =	sld [smem:$0x3F9B]  }
0x1a: {  	s8 =	sadd.s32 $0xFFFFE003, lr  }
0x1b: {  	s9 =	sadd.s32 $0xFFFFFEF7, lr;
	s5 =	simm.s32 $0xFFFFFFFF;
	p2 =	slt.u32 s8, $0xFFFFF086  }
0x1c: {  	p1 =	slt.u32 s9, $0xF7A;
	s5 =	simm.s32 @!p2 $0x0  }
0x1d: {  	s5 =	simm.s32 @p1 $0x1;
	p0 =	seq.s32 s7, s2  }
0x1e: {  	s7 =	smul.u32 @!p0 $0xF7A, s2;
	p2 =	seq.s32 @!p0 s5, $0x0  }
0x1f: {  	s9 =	smul.u32 $0xF7A, s1;
	s8 =	simm.s32 @!p0 $0x1BF5;
	p2 =	por !p2, p0  }
0x20: {  	[sflag:s8] =	ssyncset.s32 @!p0 $0xFFFFF086;
	s6 =	sadd.s32 @!p0 s3, s7;
	s7 =	simm.s32 @!p0 $0x108  }
0x21: {  	s3 =	sadd.s32 s3, s9;
	s6 =	sadd.s32 @!p0 $0x88, s6;
	s7 =	simm.s32 @p2 $0x1082  }
0x22: {  	[simem:s7], [sflag:s8] =	dma.local @!p0 [hbm:s6], $0xF7A  }
0x23: {  	s9 =	sor.u32 $0xD0000000, s2;
	s6 =	simm.s32 $0x108;
	_ =	swait.ge @!p0 [sflag:s8], $0x0  }
0x24: {  	s3 =	sadd.s32 $0x88, s3;
	s6 =	simm.s32 @!p1 $0x1082;
	[sflag:s4] =	ssyncset.s32 $0xFFFFF086  }
0x25: {  	[simem:s6], [sflag:s4] =	dma.local [hbm:s3], $0xF7A  }
0x26: {  	[smem:$0x3F9B] =	sst s1;
	(tag) =	ssettag s2;
	_ =	strace s9  }
0x27: {  	s1 =	sld [smem:$0x3FAB]  }
0x28: {  	s2 =	sld [smem:$0x3FAC]  }
0x29: {  	s4 =	sld [smem:$0x3FAE]  }
0x2a: {  	p0 =	seq.s32 s5, $0x0;
	s5 =	sld [smem:$0x3FAF]  }
0x2b: {  	s6 =	sld [smem:$0x3FB0]  }
0x2c: {  	s7 =	sld [smem:$0x3FB1]  }
0x2d: {  	s3 =	simm.s32 $0x108;
	s8 =	sld [smem:$0x3FB2]  }
0x2e: {  	s3 =	simm.s32 @!p0 $0x1082;
	s9 =	sld [smem:$0x3FB3]  }
0x2f: {  	lr =	sadd.s32 s0, s3;
	s0 =	sld [smem:$0x3FAA]  }
0x30: {  	s3 =	sld [smem:$0x3FAD]  }
0x31: {  	[smem:$0x3FB6] =	sst s10  }
0x32: {  	s10 =	sld [smem:$0x3FB4];
	_ =	sdelay $0x3  }
0x33: {  	p0 =	seq.s32 s10, $0x1;
	s10 =	sld [smem:$0x3FB6];
	_ =	sdelay $0x3  }
0x34: {  	[smem:$0x3FB6] =	sst s10  }
0x35: {  	s10 =	sld [smem:$0x3FB5];
	_ =	sdelay $0x3  }
0x36: {  	p1 =	seq.s32 s10, $0x1;
	s10 =	sld [smem:$0x3FB6];
	_ =	sdelay $0x3  }
0x37: {  	[smem:$0x3FB6] =	sst s10  }
0x38: {  	s10 =	sld [smem:$0x3FB7]  }
0x39: {  	_ = 	snop;
	(pc) =	sbr.ind lr, $3  }
0x3a: {  	_ = 	snop  }
0x3b: {  	_ = 	snop  }
0x3c: {  	p2 =	seq.s32 s10, $0x1;
	s10 =	sld [smem:$0x3FB6]  }
0x3d: {  	_ =	shalt  }
0x3e: {  	_ =	shalt  }
0x3f: {  	_ =	shalt  }
0x40: {  	_ =	shalt  }
0x41: {  	_ =	shalt  }
0x42: {  	_ =	shalt  }
0x43: {  	_ =	shalt  }
0x44: {  	_ =	shalt  }
0x45: {  	_ =	shalt  }
0x46: {  	_ =	shalt  }
0x47: {  	_ =	shalt  }
0x48: {  	_ =	shalt  }
0x49: {  	_ =	shalt  }
0x4a: {  	_ =	shalt  }
0x4b: {  	_ =	shalt  }
0x4c: {  	_ =	shalt  }
0x4d: {  	_ =	shalt  }
0x4e: {  	_ =	shalt  }
0x4f: {  	_ =	shalt  }
0x50: {  	_ =	shalt  }
0x51: {  	_ =	shalt  }
0x52: {  	_ =	shalt  }
0x53: {  	_ =	shalt  }
0x54: {  	_ =	shalt  }
0x55: {  	_ =	shalt  }
0x56: {  	_ =	shalt  }
0x57: {  	_ =	shalt  }
0x58: {  	_ =	shalt  }
0x59: {  	_ =	shalt  }
0x5a: {  	_ =	shalt  }
0x5b: {  	_ =	shalt  }
0x5c: {  	_ =	shalt  }
0x5d: {  	_ =	shalt  }
0x5e: {  	_ =	shalt  }
0x5f: {  	_ =	shalt  }
0x60: {  	_ =	shalt  }
0x61: {  	_ =	shalt  }
0x62: {  	_ =	shalt  }
0x63: {  	_ =	shalt  }
0x64: {  	_ =	shalt  }
0x65: {  	_ =	shalt  }
0x66: {  	_ =	shalt  }
0x67: {  	_ =	shalt  }
0x68: {  	_ =	shalt  }
0x69: {  	_ =	shalt  }
0x6a: {  	_ =	shalt  }
0x6b: {  	_ =	shalt  }
0x6c: {  	_ =	shalt  }
0x6d: {  	_ =	shalt  }
0x6e: {  	_ =	shalt  }
0x6f: {  	_ =	shalt  }
0x70: {  	_ =	shalt  }
0x71: {  	_ =	shalt  }
0x72: {  	_ =	shalt  }
0x73: {  	_ =	shalt  }
0x74: {  	_ =	shalt  }
0x75: {  	_ =	shalt  }
0x76: {  	_ =	shalt  }
0x77: {  	_ =	shalt  }
0x78: {  	_ =	shalt  }
0x79: {  	_ =	shalt  }
0x7a: {  	_ =	shalt  }
0x7b: {  	_ =	shalt  }
0x7c: {  	_ =	shalt  }
0x7d: {  	_ =	shalt  }
0x7e: {  	_ =	shalt  }
0x7f: {  	_ =	shalt  }
0x80: {  	_ =	shalt  }
0x81: {  	_ =	shalt  }
0x82: {  	_ =	shalt  }
0x83: {  	_ =	shalt  }
0x84: {  	_ =	shalt  }
0x85: {  	_ =	shalt  }
0x86: {  	_ =	shalt  }
0x87: {  	_ =	shalt  }
.Lfunc_end0:
.L_simem_size_0:
called_computation_lowered:
.L_overlay_start_0:
0x88: {  	s2 =	sld [smem:$0x3FD9]  }
0x89: {  	s3 =	sld [smem:$0x3FFE];
	_ =	sdelay $0x1  }
0x8a: {  	s1 =	srdreg.scid  }
0x8b: {  	s0 =	sand.u32 $0x1, s1  }
0x8c: {  	s15 =	sshll.u32 s0, $0xA;
	s2 =	sadd.s32 s3, s2  }
0x8d: {  	s2 =	sadd.s32 s2, s15  }
0x8e: {  	[smem:$0x3FC2] =	sst s2  }
0x8f: {  	_ = 	snop  }
0x90: {  	s2 =	sld [smem:$0x3FC9]  }
0x91: {  	s16 =	sld [smem:$0x3FC8]  }
0x92: {  	s4 =	sld [smem:$0x3FC7]  }
0x93: {  	s5 =	sld [smem:$0x3FD0]  }
0x94: {  	s6 =	sld [smem:$0x3FC6]  }
0x95: {  	s7 =	sld [smem:$0x3FC5]  }
0x96: {  	s9 =	simm.s32 $0xA;
	s10 =	simm.s32 $0x10;
	s8 =	sld [smem:$0x3FC4]  }
0x97: {  	[smem:s10], [sflag:s9] =	dma.local [hbm:s5], $0x1  }
0x98: {  	_ =	swait.eq [sflag:s9], $0x1  }
0x99: {  	[sflag:s9] =	ssyncset.done $0x0  }
0x9a: {  	s17 =	sld [smem:$0x10];
	[sflag:s9] =	ssyncadd.s32 $0xFFFFFFFF  }
0x9b: {  	s18 =	sld [smem:$0x11];
	(tm) =	ssettm $0x1  }
0x9c: {  	s19 =	sld [smem:$0x3FFB];
	_ =	sdelay $0x3  }
0x9d: {  	_ =	strace s19  }
0x9e: {  	s10 =	sld [smem:$0x3FFC];
	_ =	sdelay $0x3  }
0x9f: {  	_ =	strace s10  }
0xa0: {  	s10 =	sld [smem:$0x3FFD];
	_ =	sdelay $0x3  }
0xa1: {  	_ =	strace s10  }
0xa2: {  	_ =	strace $0x8FFFFFFF  }
0xa3: {  	s20 =	sld [smem:$0x3FDB];
	_ =	sdelay $0x1  }
0xa4: {  	s11 =	simm.s32 $_scs_section_size  }
0xa5: {  	s12 =	simm.s32 $_size__tile_overlayer_lowered;
	s13 =	simm.s32 $_tile_overlayer_lowered  }
0xa6: {  	s23 =	simm.s32 $0x1BFF;
	s22 =	sshll.u32 s13, $0x1;
	s10 =	sadd.s32 s11, s20  }
0xa7: {  	s14 =	simm.s32 $0x0;
	s21 =	sshll.u32 s12, $0x1;
	s12 =	sadd.s32 s22, s10  }
0xa8: {  	[timem:s14], [sflag:s23] =	dma.local [hbm:s12], s21  }
0xa9: {  	_ =	swait.ge [sflag:s23], s21  }
0xaa: {  	s11 =	ssub.s32 $0x0, s21;
	[sflag:s23] =	ssyncset.done $0x0  }
0xab: {  	[sflag:s23] =	ssyncadd.s32 s11;
	_ =	sdelay $0x1  }
0xac: {  	s24 =	simm.s32 $0x1B8B  }
0xad: {  	_ =	swait.ge [sflag:s24], $0x1  }
0xae: {  	[sflag:s24] =	ssyncset.done $0x0  }
0xaf: {  	s25 =	simm.s32 $0x1B8E;
	[sflag:s24] =	ssyncadd.s32 $0xFFFFFFFF  }
0xb0: {  	s26 =	simm.s32 $execute0_lowered;
	[smem:$0x3FD2] =	sst s25  }
0xb1: {  	s11 =	sshll.u32 s26, $0x1;
	_ =	strace $0x80000046;
	[dreg:$0x1] =	wrdreg $0xFFFFFFFF  }
0xb2: {  	s28 =	simm.s32 $_size_execute0_lowered;
	s10 =	sadd.s32 s10, s11;
	[dreg:$0x0] =	wrdreg $0x0  }
0xb3: {  	s11 =	sshll.u32 s28, $0x1;
	[dreg:$0x2] =	wrdreg s10  }
0xb4: {  	[dreg:$0x3] =	wrdreg s11  }
0xb5: {  	[dreg:$0x4] =	wrdreg $0xC0  }
0xb6: {  	_ =	task [dreg:s14], $0x5FFFF  }
0xb7: {  	[dreg:$0x1] =	wrdreg $0xFFFFFFFF  }
0xb8: {  	[dreg:$0x0] =	wrdreg $0x60  }
0xb9: {  	[dreg:$0x2] =	wrdreg s2  }
0xba: {  	[dreg:$0x3] =	wrdreg s16  }
0xbb: {  	[dreg:$0x4] =	wrdreg s4  }
0xbc: {  	[dreg:$0x5] =	wrdreg s6  }
0xbd: {  	[dreg:$0x6] =	wrdreg s7  }
0xbe: {  	[dreg:$0x7] =	wrdreg s8  }
0xbf: {  	[dreg:$0x8] =	wrdreg s17  }
0xc0: {  	[dreg:$0x9] =	wrdreg s18  }
0xc1: {  	[dreg:$0xa] =	wrdreg $0x9  }
0xc2: {  	_ =	task.clear_ibuf [dreg:s14], $0xBFFFF;
	_ =	strace $0x90000046  }
0xc3: {  	s29 =	simm.s32 $0x9;
	_ =	strace $0x80000048  }
0xc4: {  	_ =	swait.ge [sflag:s29], $0x1  }
0xc5: {  	[sflag:s29] =	ssyncadd.s32 $0xFFFFFFFF  }
0xc6: {  	_ =	strace $0x90000048  }
0xc7: {  	_ =	sfence  }
0xc8: {  	s30 =	sld [smem:$0x0];
	_ =	sdelay $0x2  }
0xc9: {  	s31 =	sshll.u32 s1, $0xD;
	s1 =	sshrl.u32 s1, $0x2  }
0xca: {  	s3 =	sand.u32 $0x4000, s31;
	s1 =	sadd.s32 s1, s30  }
0xcb: {  	s0 =	sor.u32 s3, s0;
	s1 =	sshll.u32 s1, $0x11  }
0xcc: {  	s0 =	sor.u32 s1, s0  }
0xcd: {  	s0 =	sadd.s32 $0x8F2B, s0  }
0xce: {  	[sflag:s0] =	ssyncadd.remote.s32 $0x1  }
0xcf: {  	_ =	sfence.sel $0xFFFF  }
0xd0: {  	[dreg:$0x0] =	wrdreg $0xFFFFFFFF;
	(pc) =	sbr.abs _section_cstart, $3  }
0xd1: {  	[dreg:$0x1] =	wrdreg $0xFFFFFFFF  }
0xd2: {  	_ =	task.clear_ibuf [dreg:s14], $0x2FFFF;
	_ =	strace $0x9FFFFFFF  }
0xd3: {  	(tm) =	ssettm $0x7FFFFFFF  }
tec
execute0_lowered:
.L_overlay_start_1:
0x0: {  	(tag) =	ssettag $0x1  }
0x1: {  	s0 =	rddreg [dreg:$0x0]  }
0x2: {  	s1 =	rddreg [dreg:$0x1]  }
0x3: {  	s2 =	rddreg [dreg:$0x2]  }
0x4: {  	s3 =	rddreg [dreg:$0x3];
	v0 =	vimm.s32 $0xEFCDAB89;
	v3 =	vimm.s32 $0x67452301;
	v1 =	vimm.s32 $0x0  }
0x5: {  	s4 =	rddreg [dreg:$0x4];
	vm2 =	vcmask $0xB08;
	vm0 =	vcmask $0x300;
	vm1 =	vcmask $0x1310  }
0x6: {  	s8 =	rddreg [dreg:$0x5];
	vm4 =	vcmask $0x2320;
	v2 =	vunpack.c.l.s4.s8 v0;
	v3 =	vunpack.c.l.s4.s8 v3  }
0x7: {  	s9 =	rddreg [dreg:$0x6];
	v6 =	vimm.s32 $0x85634120;
	vm5 =	vcmask $0x338;
	vm6 =	vcmask $0x2B28  }
0x8: {  	s10 =	rddreg [dreg:$0x7];
	v0 =	vimm.f32 $+Inf;
	v4 =	vunpack.c.0.s8.s32 v2;
	v5 =	vunpack.c.0.s8.s32 v3  }
0x9: {  	s5 =	srdreg.scid;
	s7 =	stileid.u32;
	vm0 =	vmor vm0, vm2;
	v6 =	vunpack.c.l.s4.s8 v6;
	vm2 =	vmor vm5, vm2  }
0xa: {  	s15 =	simm.s32 $0x16100;
	s16 =	simm.s32 $0x4000;
	s17 =	simm.s32 $0x8000;
	vm3 =	vmor vm0, vm1;
	v4 =	vcombine.low v5, v4;
	v5 =	vimm.s32 $0xFDEBC9A7  }
0xb: {  	s18 =	simm.s32 $0x16380;
	s19 =	simm.s32 $0x16180;
	s20 =	simm.s32 $0x0;
	vm0 =	vcmask $0x1B18;
	vm1 =	vmor vm2, vm1;
	v5 =	vunpack.c.l.s4.s8 v5  }
0xc: {  	s6 =	sand.u32 $0x1, s5;
	s7 =	sshll.u32 s7, $0x1;
	s5 =	simm.s32 $0x0;
	v2 =	vimm.f32 $0.0e+00;
	v3 =	vlaneseq.u32;
	vm3 =	vmor vm3, vm0  }
0xd: {  	s11 =	ssub.s32 $0x2, s6;
	s12 =	sor.u32 s6, s7;
	[smem:$0x7FF] =	sst s5;
	v6 =	vunpack.c.0.s8.s32 v6;
	vm0 =	vmor vm1, vm0;
	v5 =	vunpack.c.0.s8.s32 v5  }
0xe: {  	s30 =	sshrl.u32 s11, $0x1;
	s13 =	sshll.u32 s12, $0x2;
	_ =	strace $0x80000047;
	vm1 =	vcmask $0x3330;
	vm3 =	vmor vm3, vm4;
	vm0 =	vmor vm0, vm4  }
0xf: {  	s31 =	sshll.u32 s12, $0x6;
	s11 =	ssub.s32 s11, s30;
	s6 =	sadd.s32 s3, s13;
	vm2 =	vmor vm3, vm6;
	vm4 =	vmor vm0, vm6;
	v5 =	vcombine.low v6, v5  }
0x10: {  	s7 =	sadd.s32 s4, s13;
	s8 =	sadd.s32 s8, s13;
	s9 =	sadd.s32 s9, s31;
	vm3 =	vcmask $0x3B38;
	vm2 =	vmor vm2, vm1;
	vm1 =	vmor vm4, vm1  }
0x11: {  	s10 =	sadd.s32 s10, s31;
	s13 =	simm.s32 $0x1;
	s11 =	smax.u32 s11, $0x1;
	v4 =	vand.u32 $0xF, v4;
	vm0 =	vmor vm2, vm3;
	v5 =	vand.u32 $0xF, v5  }
.LBB2_1:
0x12: {  	s3 =	simm.s32 $0x16000  }
0x13: {  	[tilespmem:s3], [sflag:$0x1] =	stream.linear.gather [hbm4b:s6+s5], $0x20, $0x38;
	[tilespmem:$0x16580] =	vst v63  }
0x14: {  	_ =	swait.ge [sflag:s13], $0x20  }
0x15: {  	[sflag:s13] =	ssyncset.done $0x0  }
0x16: {  	s31 =	simm.s32 $0x16080;
	[sflag:s13] =	ssyncadd.s32 $0xFFFFFFE0  }
0x17: {  	[tilespmem:s31], [sflag:$0x1] =	stream.linear.gather [hbm4b:s7+s5], $0x20, $0x38;
	[tilespmem:$0x16580] =	vst v63  }
0x18: {  	_ =	swait.ge [sflag:s13], $0x20  }
0x19: {  	[sflag:s13] =	ssyncset.done $0x0  }
0x1a: {  	[sflag:s13] =	ssyncadd.s32 $0xFFFFFFE0  }
0x1b: {  	[tilespmem:s15], [sflag:$0x1] =	stream.linear.gather [hbm4b:s8+s5], $0x20, $0x38;
	[tilespmem:$0x16580] =	vst v63  }
0x1c: {  	_ =	swait.ge [sflag:s13], $0x20  }
0x1d: {  	[sflag:s13] =	ssyncset.done $0x0  }
0x1e: {  	[sflag:s13] =	ssyncadd.s32 $0xFFFFFFE0  }
0x1f: {  	[tilespmem:$0x16180] =	vst v0  }
0x20: {  	[tilespmem:$0x16380] =	vst v1  }
0x21: {  	[tilespmem:$0x16190] =	vst v0  }
0x22: {  	[tilespmem:$0x16390] =	vst v1  }
0x23: {  	[tilespmem:$0x161A0] =	vst v0  }
0x24: {  	[tilespmem:$0x163A0] =	vst v1  }
0x25: {  	[tilespmem:$0x161B0] =	vst v0  }
0x26: {  	[tilespmem:$0x163B0] =	vst v1  }
0x27: {  	[tilespmem:$0x161C0] =	vst v0  }
0x28: {  	[tilespmem:$0x163C0] =	vst v1  }
0x29: {  	[tilespmem:$0x161D0] =	vst v0  }
0x2a: {  	[tilespmem:$0x163D0] =	vst v1  }
0x2b: {  	[tilespmem:$0x161E0] =	vst v0  }
0x2c: {  	[tilespmem:$0x163E0] =	vst v1  }
0x2d: {  	[tilespmem:$0x161F0] =	vst v0  }
0x2e: {  	[tilespmem:$0x163F0] =	vst v1  }
0x2f: {  	[tilespmem:$0x16200] =	vst v0  }
0x30: {  	[tilespmem:$0x16400] =	vst v1  }
0x31: {  	[tilespmem:$0x16210] =	vst v0  }
0x32: {  	[tilespmem:$0x16410] =	vst v1  }
0x33: {  	[tilespmem:$0x16220] =	vst v0  }
0x34: {  	[tilespmem:$0x16420] =	vst v1  }
0x35: {  	[tilespmem:$0x16230] =	vst v0  }
0x36: {  	[tilespmem:$0x16430] =	vst v1  }
0x37: {  	[tilespmem:$0x16240] =	vst v0  }
0x38: {  	[tilespmem:$0x16440] =	vst v1  }
0x39: {  	[tilespmem:$0x16250] =	vst v0  }
0x3a: {  	[tilespmem:$0x16450] =	vst v1  }
0x3b: {  	[tilespmem:$0x16260] =	vst v0  }
0x3c: {  	[tilespmem:$0x16460] =	vst v1  }
0x3d: {  	[tilespmem:$0x16270] =	vst v0  }
0x3e: {  	[tilespmem:$0x16470] =	vst v1  }
0x3f: {  	[tilespmem:$0x16280] =	vst v0  }
0x40: {  	[tilespmem:$0x16480] =	vst v1  }
0x41: {  	[tilespmem:$0x16290] =	vst v0  }
0x42: {  	[tilespmem:$0x16490] =	vst v1  }
0x43: {  	[tilespmem:$0x162A0] =	vst v0  }
0x44: {  	[tilespmem:$0x164A0] =	vst v1  }
0x45: {  	[tilespmem:$0x162B0] =	vst v0  }
0x46: {  	[tilespmem:$0x164B0] =	vst v1  }
0x47: {  	[tilespmem:$0x162C0] =	vst v0  }
0x48: {  	[tilespmem:$0x164C0] =	vst v1  }
0x49: {  	[tilespmem:$0x162D0] =	vst v0  }
0x4a: {  	[tilespmem:$0x164D0] =	vst v1  }
0x4b: {  	[tilespmem:$0x162E0] =	vst v0  }
0x4c: {  	[tilespmem:$0x164E0] =	vst v1  }
0x4d: {  	[tilespmem:$0x162F0] =	vst v0  }
0x4e: {  	[tilespmem:$0x164F0] =	vst v1  }
0x4f: {  	[tilespmem:$0x16300] =	vst v0  }
0x50: {  	[tilespmem:$0x16500] =	vst v1  }
0x51: {  	[tilespmem:$0x16310] =	vst v0  }
0x52: {  	[tilespmem:$0x16510] =	vst v1  }
0x53: {  	[tilespmem:$0x16320] =	vst v0  }
0x54: {  	[tilespmem:$0x16520] =	vst v1  }
0x55: {  	[tilespmem:$0x16330] =	vst v0  }
0x56: {  	[tilespmem:$0x16530] =	vst v1  }
0x57: {  	[tilespmem:$0x16340] =	vst v0  }
0x58: {  	[tilespmem:$0x16540] =	vst v1  }
0x59: {  	[tilespmem:$0x16350] =	vst v0  }
.Ltmp0:
0x5a: {  	[tilespmem:$0x16550] =	vst v1;
	(pc) =	sbr.rel .LBB2_2-.Ltmp0, $4  }
0x5b: {  	[tilespmem:$0x16360] =	vst v0  }
0x5c: {  	[tilespmem:$0x16560] =	vst v1  }
0x5d: {  	[tilespmem:$0x16370] =	vst v0  }
0x5e: {  	s21 =	simm.s32 $0x0;
	[tilespmem:$0x16570] =	vst v1  }
.LBB2_12:
0x5f: {  	s21 =	sadd.s32 $0x1, s21  }
0x60: {  	p0 =	sne.s32 s21, $0x4  }
.Ltmp1:
0x61: {  	_ = 	snop;
	(pc) =	sbr.rel @!p0 .LBB2_13-.Ltmp1, $1  }
0x62: {  	_ =	sdelay $0x3  }
.LBB2_2:
0x63: {  	s3 =	sshll.u32 s21, $0xB  }
0x64: {  	s12 =	simm.s32 $0x0;
	s4 =	sadd.s32 s0, s3  }
0x65: {  	[tilespmem:s12], [sflag:$0x1] =	stream.linear.gather [hbm4b:s4+s12], $0x4000, $0x38;
	[tilespmem:$0x16580] =	vst v63  }
0x66: {  	_ =	swait.ge [sflag:s13], $0x4000  }
0x67: {  	[sflag:s13] =	ssyncset.done $0x0  }
0x68: {  	s26 =	sadd.s32 s1, s3;
	[sflag:s13] =	ssyncadd.s32 $0xFFFFC000  }
0x69: {  	[tilespmem:s16], [sflag:$0x1] =	stream.linear.gather [hbm4b:s26+s12], $0x4000, $0x38;
	[tilespmem:$0x16580] =	vst v63  }
0x6a: {  	_ =	swait.ge [sflag:s13], $0x4000  }
0x6b: {  	[sflag:s13] =	ssyncset.done $0x0  }
0x6c: {  	s3 =	sadd.s32 s2, s3;
	[sflag:s13] =	ssyncadd.s32 $0xFFFFC000  }
0x6d: {  	[tilespmem:s17], [sflag:$0x1] =	stream.linear.gather [hbm4b:s3+s12], $0x4000, $0x38;
	[tilespmem:$0x16580] =	vst v63  }
0x6e: {  	_ =	swait.ge [sflag:s13], $0x4000  }
0x6f: {  	[sflag:s13] =	ssyncset.done $0x0  }
0x70: {  	s25 =	simm.s32 $0x0;
	[sflag:s13] =	ssyncadd.s32 $0xFFFFC000  }
0x71: {  	v6 =	vld [tilespmem:s25+$0x8010]  }
0x72: {  	v7 =	vld [tilespmem:s25+$0x10]  }
0x73: {  	v8 =	vld [tilespmem:s25+$0x0]  }
0x74: {  	v10 =	vld [tilespmem:s25+$0x8000]  }
0x75: {  	v12 =	vld [tilespmem:s25+$0x4000]  }
0x76: {  	v9 =	vld [tilespmem:s25+$0x4010]  }
0x77: {  	v11 =	vshrl.u32 v6, $0x10  }
0x78: {  	v13 =	vmul.f32 v7, v7;
	v14 =	vmul.f32 v6, v6;
	v15 =	vshrl.u32 v7, $0x10  }
0x79: {  	v16 =	vshrl.u32 v8, $0x10;
	v62 =	vshrl.u32 v10, $0x10;
	v18 =	vmul.f32 v10, v10  }
0x7a: {  	v63 =	vmul.f32 v12, v12;
	v15 =	vand.u32 $0x1, v15;
	v11 =	vand.u32 $0x1, v11  }
0x7b: {  	v13 =	vadd.f32 v14, v13;
	v14 =	vshrl.u32 v9, $0x10;
	v17 =	vadd.s32 v11, v6  }
0x7c: {  	v6 =	vmul.f32 v8, v8;
	v11 =	vand.u32 $0x1, v16;
	v15 =	vadd.s32 v15, v7  }
0x7d: {  	v16 =	vand.u32 $0x1, v62;
	v7 =	vand.u32 $0x1, v14;
	v14 =	vshrl.u32 v12, $0x10  }
0x7e: {  	v8 =	vadd.s32 v11, v8;
	v10 =	vadd.s32 v16, v10;
	v7 =	vadd.s32 v7, v9  }
0x7f: {  	v9 =	vmul.f32 v9, v9;
	v11 =	vadd.f32 v18, v6;
	v6 =	vadd.s32 $0x7FFF, v8  }
0x80: {  	v10 =	vadd.s32 $0x7FFF, v10;
	v7 =	vadd.s32 $0x7FFF, v7;
	v8 =	vand.u32 $0xFFFF0000, v6  }
0x81: {  	v7 =	vand.u32 $0xFFFF0000, v7;
	v13 =	vadd.f32 v13, v9;
	v9 =	vadd.s32 $0x7FFF, v15  }
0x82: {  	s29 =	simm.s32 $0x10000;
	s28 =	simm.s32 $0x12000;
	v6 =	vadd.f32 v7, v7;
	v7 =	vadd.f32 v8, v8;
	v8 =	vand.u32 $0x1, v14  }
0x83: {  	s30 =	simm.s32 $0x14000;
	s31 =	simm.s32 $0x10010;
	s24 =	simm.s32 $0x10010;
	v10 =	vand.u32 $0xFFFF0000, v10;
	v9 =	vand.u32 $0xFFFF0000, v9;
	v8 =	vadd.s32 v8, v12  }
0x84: {  	s23 =	simm.s32 $0x12010;
	s22 =	simm.s32 $0x14010;
	s4 =	simm.s32 $0x12010;
	v9 =	vadd.f32 v9, v9;
	v12 =	vadd.s32 $0x7FFF, v8;
	v8 =	vadd.f32 v10, v10  }
0x85: {  	s26 =	simm.s32 $0x20;
	s3 =	simm.s32 $0x14010;
	s12 =	simm.s32 $0x100;
	[tilespmem:s25+$0xC010] =	vst v13;
	v10 =	vadd.f32 v11, v63;
	v11 =	vand.u32 $0xFFFF0000, v12;
	v12 =	vadd.s32 $0x7FFF, v17  }
.LBB2_3:
0x86: {  	s31 =	sadd.s32 $0x10, s31;
	s4 =	sadd.s32 $0x10, s4;
	s3 =	sadd.s32 $0x10, s3;
	v11 =	vadd.f32 v11, v11;
	v12 =	vand.u32 $0xFFFF0000, v12  }
0x87: {  	p0 =	sne.s32 s12, $0xFF80;
	v7 =	vpack.i.f32.bf16 v9, v7;
	s14 =	smov.u32 s12;
	s12 =	sadd.s32 $0x80, s12;
	[tilespmem:s25+$0xC000] =	vst v10;
	v10 =	vadd.f32 v12, v12  }
0x88: {  	s25 =	smov.u32 s26;
	[tilespmem:s29+$0x0] =	vst v7;
	v6 =	vpack.i.f32.bf16 v6, v11;
	s29 =	smov.u32 s24;
	s24 =	smov.u32 s31  }
0x89: {  	[tilespmem:s28+$0x0] =	vst v6;
	v6 =	vpack.i.f32.bf16 v10, v8;
	s28 =	smov.u32 s23;
	s23 =	smov.u32 s4  }
0x8a: {  	[tilespmem:s30+$0x0] =	vst v6;
	s30 =	smov.u32 s22;
	s22 =	smov.u32 s3  }
0x8b: {  	v6 =	vld [tilespmem:s25+$0x8010]  }
0x8c: {  	v7 =	vld [tilespmem:s25+$0x10]  }
0x8d: {  	v8 =	vld [tilespmem:s25+$0x0]  }
0x8e: {  	v9 =	vld [tilespmem:s25+$0x4010]  }
0x8f: {  	s26 =	sshra.s32 s14, $0x2;
	v10 =	vld [tilespmem:s25+$0x8000]  }
0x90: {  	v11 =	vshrl.u32 v6, $0x10  }
0x91: {  	v14 =	vmul.f32 v6, v6;
	v12 =	vld [tilespmem:s25+$0x4000];
	v13 =	vmul.f32 v7, v7;
	v15 =	vshrl.u32 v7, $0x10  }
0x92: {  	v11 =	vand.u32 $0x1, v11;
	v16 =	vshrl.u32 v8, $0x10;
	v15 =	vand.u32 $0x1, v15  }
0x93: {  	v17 =	vadd.s32 v11, v6;
	v13 =	vadd.f32 v14, v13;
	v14 =	vshrl.u32 v9, $0x10  }
0x94: {  	v6 =	vmul.f32 v8, v8;
	v11 =	vand.u32 $0x1, v16;
	v16 =	vshrl.u32 v10, $0x10  }
0x95: {  	v15 =	vadd.s32 v15, v7;
	v18 =	vmul.f32 v10, v10;
	v7 =	vand.u32 $0x1, v14  }
0x96: {  	v16 =	vand.u32 $0x1, v16;
	v7 =	vadd.s32 v7, v9;
	v14 =	vshrl.u32 v12, $0x10  }
0x97: {  	v8 =	vadd.s32 v11, v8;
	v9 =	vmul.f32 v9, v9;
	v7 =	vadd.s32 $0x7FFF, v7  }
0x98: {  	v11 =	vadd.f32 v18, v6;
	v6 =	vadd.s32 $0x7FFF, v8;
	v7 =	vand.u32 $0xFFFF0000, v7  }
0x99: {  	v18 =	vmul.f32 v12, v12;
	v8 =	vand.u32 $0xFFFF0000, v6;
	v6 =	vadd.f32 v7, v7  }
.Ltmp2:
0x9a: {  	v10 =	vadd.s32 v16, v10;
	v7 =	vadd.f32 v8, v8;
	v8 =	vand.u32 $0x1, v14;
	(pc) =	sbr.rel @p0 .LBB2_3-.Ltmp2, $4  }
0x9b: {  	v10 =	vadd.s32 $0x7FFF, v10;
	v9 =	vadd.f32 v13, v9;
	v13 =	vadd.s32 $0x7FFF, v15  }
0x9c: {  	v10 =	vand.u32 $0xFFFF0000, v10;
	v8 =	vadd.s32 v8, v12;
	v12 =	vand.u32 $0xFFFF0000, v13  }
0x9d: {  	v13 =	vadd.s32 $0x7FFF, v8;
	v8 =	vadd.f32 v10, v10;
	[tilespmem:s25+$0xC010] =	vst v9;
	v9 =	vadd.f32 v12, v12  }
0x9e: {  	v10 =	vadd.f32 v11, v18;
	v11 =	vand.u32 $0xFFFF0000, v13;
	v12 =	vadd.s32 $0x7FFF, v17  }
0x9f: {  	v11 =	vadd.f32 v11, v11;
	v12 =	vand.u32 $0xFFFF0000, v12  }
0xa0: {  	v7 =	vpack.i.f32.bf16 v9, v7;
	[tilespmem:s25+$0xC000] =	vst v10;
	v52 =	vadd.f32 v12, v12  }
0xa1: {  	[tilespmem:s29+$0x0] =	vst v7;
	v6 =	vpack.i.f32.bf16 v6, v11  }
0xa2: {  	[tilespmem:s28+$0x0] =	vst v6;
	v6 =	vpack.i.f32.bf16 v52, v8  }
0xa3: {  	[tilespmem:s30+$0x0] =	vst v6  }
0xa4: {  	v6 =	vld [tilespmem:s26+$0x8010]  }
0xa5: {  	v7 =	vld [tilespmem:s26+$0x10]  }
0xa6: {  	v53 =	vld [tilespmem:s26+$0x0]  }
0xa7: {  	v54 =	vld [tilespmem:s26+$0x4010]  }
0xa8: {  	v55 =	vld [tilespmem:s26+$0x8000]  }
0xa9: {  	v56 =	vld [tilespmem:s26+$0x4000];
	_ =	sdelay $0x1  }
0xaa: {  	v57 =	vmul.f32 v7, v7;
	v13 =	vmul.f32 v6, v6  }
0xab: {  	v14 =	vshrl.u32 v6, $0x10;
	v15 =	vshrl.u32 v7, $0x10;
	v16 =	vshrl.u32 v53, $0x10  }
0xac: {  	v58 =	vshrl.u32 v54, $0x10;
	v59 =	vmul.f32 v53, v53;
	v17 =	vshrl.u32 v55, $0x10  }
0xad: {  	v18 =	vmul.f32 v55, v55;
	v60 =	vshrl.u32 v56, $0x10;
	v9 =	vmul.f32 v54, v54  }
0xae: {  	v61 =	vmul.f32 v56, v56;
	v15 =	vand.u32 $0x1, v15;
	v14 =	vand.u32 $0x1, v14  }
0xaf: {  	v16 =	vand.u32 $0x1, v16;
	v17 =	vand.u32 $0x1, v17;
	v12 =	vadd.f32 v13, v57  }
0xb0: {  	v6 =	vadd.s32 v14, v6;
	v7 =	vadd.s32 v15, v7;
	v13 =	vand.u32 $0x1, v58  }
0xb1: {  	v8 =	vadd.s32 v16, v53;
	v14 =	vadd.f32 v18, v59;
	v15 =	vand.u32 $0x1, v60  }
0xb2: {  	v10 =	vadd.s32 v17, v55;
	v13 =	vadd.s32 v13, v54;
	v8 =	vadd.s32 $0x7FFF, v8  }
0xb3: {  	v7 =	vadd.s32 $0x7FFF, v7;
	v10 =	vadd.s32 $0x7FFF, v10;
	v11 =	vadd.s32 v15, v56  }
0xb4: {  	v6 =	vadd.s32 $0x7FFF, v6;
	v13 =	vadd.s32 $0x7FFF, v13;
	v8 =	vand.u32 $0xFFFF0000, v8  }
0xb5: {  	v7 =	vand.u32 $0xFFFF0000, v7;
	v9 =	vadd.f32 v12, v9;
	v11 =	vadd.s32 $0x7FFF, v11  }
0xb6: {  	v62 =	vadd.f32 v14, v61;
	v10 =	vand.u32 $0xFFFF0000, v10;
	v13 =	vand.u32 $0xFFFF0000, v13  }
0xb7: {  	v8 =	vadd.f32 v8, v8;
	v7 =	vadd.f32 v7, v7;
	v11 =	vand.u32 $0xFFFF0000, v11  }
.Ltmp3:
0xb8: {  	v6 =	vand.u32 $0xFFFF0000, v6;
	v13 =	vadd.f32 v13, v13;
	[tilespmem:s26+$0xC010] =	vst v9;
	v63 =	vadd.f32 v11, v11;
	(pc) =	sbr.rel .LBB2_5-.Ltmp3, $4  }
0xb9: {  	v10 =	vadd.f32 v10, v10;
	v6 =	vadd.f32 v6, v6;
	[tilespmem:s26+$0xC000] =	vst v62;
	v7 =	vpack.i.f32.bf16 v7, v8  }
0xba: {  	[tilespmem:s24+$0x0] =	vst v7;
	v7 =	vpack.i.f32.bf16 v13, v63  }
0xbb: {  	v6 =	vpack.i.f32.bf16 v6, v10;
	[tilespmem:s23+$0x0] =	vst v7  }
0xbc: {  	s23 =	simm.s32 $0x0;
	[tilespmem:s22+$0x0] =	vst v6;
	s22 =	sshll.u32 s21, $0xE  }
.LBB2_11:
0xbd: {  	s23 =	sadd.s32 $0x1, s23  }
0xbe: {  	p0 =	sne.s32 s23, $0x20  }
.Ltmp4:
0xbf: {  	_ = 	snop;
	(pc) =	sbr.rel @!p0 .LBB2_12-.Ltmp4, $1  }
0xc0: {  	_ =	sdelay $0x3  }
.LBB2_5:
0xc1: {  	s3 =	sand.u32 $0x10, s23  }
0xc2: {  	v6 =	vld [tilespmem:s3+$0x16000]  }
0xc3: {  	v7 =	vld [tilespmem:s3+$0x16100]  }
0xc4: {  	v8 =	vld [tilespmem:s3+$0x16080];
	_ =	sdelay $0x1  }
0xc5: {  	s31 =	sand.u32 $0xF, s23  }
0xc6: {  	v9 =	vmov s31  }
0xc7: {  	s24 =	sshll.u32 s23, $0x4;
	v11 =	vperm.xlane v6, v9;
	v7 =	vperm.xlane v7, v9  }
0xc8: {  	v10 =	vld [tilespmem:s24+$0x16180];
	v8 =	vperm.xlane v8, v9  }
0xc9: {  	v6 =	vmul.f32 v11, v11;
	v9 =	vmul.f32 v7, v7;
	_ =	sdelay $0x1  }
0xca: {  	v6 =	vadd.f32 v9, v6;
	v9 =	vmul.f32 v8, v8;
	_ =	sdelay $0x1  }
0xcb: {  	(xrf0) =	vmax.scan.msk.f32 $0xffff, v10;
	v6 =	vadd.f32 v6, v9;
	v9 =	vshrl.u32 v11, $0x10  }
0xcc: {  	v10 =	vshrl.u32 v8, $0x10;
	v12 =	vshrl.u32 v7, $0x10;
	v9 =	vand.u32 $0x1, v9  }
0xcd: {  	v10 =	vand.u32 $0x1, v10;
	v9 =	vadd.s32 v9, v11;
	v11 =	vand.u32 $0x1, v12  }
.Ltmp5:
0xce: {  	v8 =	vadd.s32 v10, v8;
	v10 =	vadd.s32 v11, v7;
	(pc) =	sbr.rel .LBB2_6-.Ltmp5, $4  }
0xcf: {  	_ = 	snop  }
0xd0: {  	v9 =	vadd.s32 $0x7FFF, v9  }
0xd1: {  	v8 =	vadd.s32 $0x7FFF, v8;
	v7 =	vand.u32 $0xFFFF0000, v9;
	v9 =	vadd.s32 $0x7FFF, v10;
	v10, _, _ =	vpop (xrf0)  }
0xd2: {  	s25 =	simm.s32 $0x0;
	v8 =	vand.u32 $0xFFFF0000, v8;
	v9 =	vand.u32 $0xFFFF0000, v9;
	v10 =	vbroadcast v10, $0xF  }
.LBB2_10:
0xd3: {  	s25 =	sadd.s32 $0x1, s25  }
0xd4: {  	p0 =	sne.s32 s25, $0x10  }
.Ltmp6:
0xd5: {  	_ = 	snop;
	(pc) =	sbr.rel @!p0 .LBB2_11-.Ltmp6, $1  }
0xd6: {  	_ =	sdelay $0x3  }
.LBB2_6:
0xd7: {  	s28 =	sshll.u32 s25, $0x9  }
0xd8: {  	v11 =	vld [tilespmem:s28+$0x10000]  }
0xd9: {  	v12 =	vld [tilespmem:s28+$0x12000];
	_ =	sdelay $0x1  }
0xda: {  	v13 =	vld [tilespmem:s28+$0x14000];
	_ =	sdelay $0x2  }
0xdb: {  	v16 =	vld [tilespmem:s28+$0x10010];
	v14 =	vunpack.i.u.bf16.f32 v11;
	v11 =	vunpack.i.l.bf16.f32 v11;
	v15 =	vunpack.i.l.bf16.f32 v12  }
0xdc: {  	v17 =	vld [tilespmem:s28+$0x12010];
	v12 =	vunpack.i.u.bf16.f32 v12;
	v11 =	vmul.f32 v7, v11;
	v15 =	vmul.f32 v8, v15  }
0xdd: {  	v19 =	vld [tilespmem:s28+$0x14010];
	v18 =	vunpack.i.l.bf16.f32 v13;
	v14 =	vmul.f32 v7, v14;
	v12 =	vmul.f32 v8, v12  }
0xde: {  	v13 =	vunpack.i.u.bf16.f32 v13;
	v11 =	vadd.f32 v15, v11;
	v15 =	vmul.f32 v9, v18  }
0xdf: {  	v13 =	vmul.f32 v9, v13;
	v12 =	vadd.f32 v12, v14  }
0xe0: {  	s26 =	sshll.u32 s25, $0xA;
	v21 =	vld [tilespmem:s28+$0x10020];
	v11 =	vadd.f32 v15, v11  }
0xe1: {  	v14 =	vld [tilespmem:s26+$0xC000];
	v12 =	vadd.f32 v13, v12;
	v13 =	vunpack.i.l.bf16.f32 v16;
	v15 =	vunpack.i.l.bf16.f32 v17  }
0xe2: {  	v20 =	vunpack.i.l.bf16.f32 v19;
	v18 =	vld [tilespmem:s26+$0xC010];
	v13 =	vmul.f32 v7, v13;
	v15 =	vmul.f32 v8, v15  }
0xe3: {  	v16 =	vunpack.i.u.bf16.f32 v16;
	v17 =	vunpack.i.u.bf16.f32 v17;
	v11 =	vsub.f32 v6, v11  }
0xe4: {  	v13 =	vadd.f32 v15, v13;
	v15 =	vmul.f32 v7, v16;
	v16 =	vmul.f32 v8, v17;
	v17 =	vld [tilespmem:s28+$0x12020]  }
0xe5: {  	v20 =	vmul.f32 v9, v20;
	v22 =	vsub.f32 v6, v12;
	v12 =	vunpack.i.u.bf16.f32 v19  }
0xe6: {  	v15 =	vadd.f32 v16, v15;
	v16 =	vmul.f32 v9, v12;
	v12 =	vadd.f32 v11, v14;
	v14 =	vld [tilespmem:s28+$0x14020]  }
0xe7: {  	v19 =	vunpack.i.u.bf16.f32 v21;
	v11 =	vadd.f32 v18, v22;
	v18 =	vld [tilespmem:s26+$0xC020]  }
0xe8: {  	v19 =	vmul.f32 v7, v19;
	v13 =	vadd.f32 v20, v13;
	v20 =	vunpack.i.l.bf16.f32 v21;
	v22 =	vld [tilespmem:s28+$0x10030]  }
0xe9: {  	v20 =	vmul.f32 v7, v20;
	v15 =	vadd.f32 v16, v15;
	v16 =	vld [tilespmem:s26+$0xC030];
	v21 =	vunpack.i.l.bf16.f32 v17  }
0xea: {  	v23 =	vld [tilespmem:s28+$0x12030];
	v13 =	vsub.f32 v6, v13;
	v17 =	vunpack.i.u.bf16.f32 v17;
	v21 =	vmul.f32 v8, v21  }
0xeb: {  	v17 =	vmul.f32 v8, v17;
	v24 =	vunpack.i.u.bf16.f32 v14;
	v14 =	vunpack.i.l.bf16.f32 v14  }
0xec: {  	v15 =	vsub.f32 v6, v15;
	v20 =	vadd.f32 v21, v20;
	v21 =	vmul.f32 v9, v14  }
0xed: {  	v17 =	vadd.f32 v17, v19;
	v19 =	vmul.f32 v9, v24;
	v24 =	vld [tilespmem:s28+$0x14030];
	v14 =	vadd.f32 v13, v18  }
0xee: {  	v25 =	vld [tilespmem:s28+$0x10040];
	v18 =	vunpack.i.u.bf16.f32 v22;
	v13 =	vadd.f32 v16, v15;
	v15 =	vadd.f32 v21, v20  }
0xef: {  	v35 =	vld [tilespmem:s28+$0x12090];
	v16 =	vadd.f32 v19, v17;
	v19 =	vunpack.i.l.bf16.f32 v22;
	v20 =	vunpack.i.l.bf16.f32 v23  }
0xf0: {  	v17 =	vld [tilespmem:s26+$0xC040];
	v22 =	vunpack.i.u.bf16.f32 v23;
	v19 =	vmul.f32 v7, v19;
	v20 =	vmul.f32 v8, v20  }
0xf1: {  	v18 =	vmul.f32 v7, v18;
	v21 =	vld [tilespmem:s26+$0xC050];
	v22 =	vmul.f32 v8, v22  }
0xf2: {  	v47 =	vld [tilespmem:s28+$0x14090];
	v23 =	vunpack.i.l.bf16.f32 v24;
	v24 =	vunpack.i.u.bf16.f32 v24;
	v19 =	vadd.f32 v20, v19  }
0xf3: {  	v18 =	vadd.f32 v22, v18;
	v20 =	vmul.f32 v9, v23;
	v23 =	vld [tilespmem:s28+$0x12040];
	v22 =	vmul.f32 v9, v24  }
0xf4: {  	v15 =	vsub.f32 v6, v15;
	v16 =	vsub.f32 v6, v16;
	v24 =	vld [tilespmem:s28+$0x14040]  }
0xf5: {  	v26 =	vld [tilespmem:s28+$0x10050];
	v48 =	vunpack.i.l.bf16.f32 v35;
	v19 =	vadd.f32 v20, v19;
	v18 =	vadd.f32 v22, v18  }
0xf6: {  	v50 =	vunpack.i.u.bf16.f32 v35;
	v15 =	vadd.f32 v15, v17;
	v17 =	vld [tilespmem:s26+$0xC060];
	v16 =	vadd.f32 v21, v16  }
0xf7: {  	v51 =	vunpack.i.l.bf16.f32 v47;
	v20 =	vld [tilespmem:s26+$0xC070];
	v19 =	vsub.f32 v6, v19;
	v21 =	vsub.f32 v6, v18  }
0xf8: {  	v53 =	vld [tilespmem:s28+$0x120A0];
	v18 =	vunpack.i.l.bf16.f32 v25;
	v25 =	vunpack.i.u.bf16.f32 v25;
	v22 =	vunpack.i.l.bf16.f32 v23  }
0xf9: {  	v28 =	vld [tilespmem:s28+$0x12050];
	v27 =	vunpack.i.l.bf16.f32 v24;
	v18 =	vmul.f32 v7, v18;
	v22 =	vmul.f32 v8, v22  }
0xfa: {  	v23 =	vunpack.i.u.bf16.f32 v23;
	v25 =	vmul.f32 v7, v25;
	v27 =	vmul.f32 v9, v27  }
0xfb: {  	v55 =	vld [tilespmem:s28+$0x140A0];
	v23 =	vmul.f32 v8, v23;
	v22 =	vadd.f32 v22, v18;
	v18 =	vadd.f32 v19, v17  }
0xfc: {  	v17 =	vadd.f32 v20, v21;
	v19 =	vunpack.i.u.bf16.f32 v24;
	v20 =	vld [tilespmem:s28+$0x14050];
	v24 =	vunpack.i.l.bf16.f32 v26  }
0xfd: {  	v59 =	vld [tilespmem:s28+$0x100B0];
	v58 =	vunpack.i.l.bf16.f32 v53;
	v19 =	vmul.f32 v9, v19;
	v24 =	vmul.f32 v7, v24  }
0xfe: {  	v40 =	vld [tilespmem:s28+$0x120B0];
	v21 =	vadd.f32 v27, v22;
	v22 =	vadd.f32 v23, v25;
	v25 =	vunpack.i.l.bf16.f32 v28  }
0xff: {  	v23 =	vunpack.i.u.bf16.f32 v26;
	v26 =	vld [tilespmem:s26+$0xC080];
	v27 =	vunpack.i.u.bf16.f32 v28;
	v25 =	vmul.f32 v8, v25  }
0x100: {  	v23 =	vmul.f32 v7, v23;
	v27 =	vmul.f32 v8, v27;
	v19 =	vadd.f32 v19, v22;
	v22 =	vld [tilespmem:s26+$0xC090]  }
0x101: {  	v28 =	vunpack.i.u.bf16.f32 v20;
	v20 =	vunpack.i.l.bf16.f32 v20;
	v24 =	vadd.f32 v25, v24;
	v25 =	vld [tilespmem:s28+$0x10060]  }
0x102: {  	v23 =	vadd.f32 v27, v23;
	v20 =	vmul.f32 v9, v20;
	v27 =	vmul.f32 v9, v28;
	v28 =	vld [tilespmem:s28+$0x12060]  }
0x103: {  	v39 =	vunpack.i.l.bf16.f32 v55;
	v35 =	vunpack.i.u.bf16.f32 v53;
	v21 =	vsub.f32 v6, v21  }
0x104: {  	v30 =	vld [tilespmem:s28+$0x10070];
	v63 =	vunpack.i.u.bf16.f32 v59;
	v19 =	vsub.f32 v6, v19;
	v24 =	vadd.f32 v20, v24  }
0x105: {  	v42 =	vunpack.i.l.bf16.f32 v59;
	v23 =	vadd.f32 v27, v23;
	v27 =	vld [tilespmem:s28+$0x14060];
	v20 =	vadd.f32 v21, v26  }
0x106: {  	v43 =	vunpack.i.l.bf16.f32 v40;
	v21 =	vld [tilespmem:s26+$0xC0A0];
	v19 =	vadd.f32 v22, v19;
	v22 =	vsub.f32 v6, v24  }
0x107: {  	v24 =	vld [tilespmem:s26+$0xC0B0];
	v26 =	vunpack.i.u.bf16.f32 v25;
	v25 =	vunpack.i.l.bf16.f32 v25;
	v29 =	vunpack.i.l.bf16.f32 v28  }
0x108: {  	v31 =	vld [tilespmem:s28+$0x12070];
	v28 =	vunpack.i.u.bf16.f32 v28;
	v25 =	vmul.f32 v7, v25;
	v29 =	vmul.f32 v8, v29  }
0x109: {  	v33 =	vld [tilespmem:s28+$0x14070];
	v23 =	vsub.f32 v6, v23;
	v26 =	vmul.f32 v7, v26;
	v28 =	vmul.f32 v8, v28  }
0x10a: {  	v32 =	vunpack.i.l.bf16.f32 v27;
	v27 =	vunpack.i.u.bf16.f32 v27;
	v25 =	vadd.f32 v29, v25  }
0x10b: {  	v29 =	vmul.f32 v9, v32;
	v26 =	vadd.f32 v28, v26;
	v27 =	vmul.f32 v9, v27  }
0x10c: {  	v52 =	vmul.f32 v9, v51;
	v21 =	vadd.f32 v22, v21;
	v28 =	vld [tilespmem:s26+$0xC0D0];
	v22 =	vadd.f32 v24, v23  }
0x10d: {  	v24 =	vld [tilespmem:s26+$0xC0C0];
	v23 =	vadd.f32 v29, v25;
	v25 =	vadd.f32 v27, v26;
	v26 =	vunpack.i.l.bf16.f32 v30  }
0x10e: {  	v27 =	vunpack.i.l.bf16.f32 v31;
	v29 =	vunpack.i.l.bf16.f32 v33;
	v30 =	vunpack.i.u.bf16.f32 v30  }
0x10f: {  	v44 =	vld [tilespmem:s28+$0x10080];
	v31 =	vunpack.i.u.bf16.f32 v31;
	v26 =	vmul.f32 v7, v26;
	v27 =	vmul.f32 v8, v27  }
0x110: {  	v29 =	vmul.f32 v9, v29;
	v23 =	vsub.f32 v6, v23;
	v25 =	vsub.f32 v6, v25  }
0x111: {  	v26 =	vadd.f32 v27, v26;
	v27 =	vmul.f32 v7, v30;
	v30 =	vmul.f32 v8, v31;
	v31 =	vld [tilespmem:s28+$0x12080]  }
0x112: {  	v33 =	vunpack.i.u.bf16.f32 v33;
	v24 =	vadd.f32 v23, v24;
	v23 =	vadd.f32 v28, v25  }
0x113: {  	v25 =	vld [tilespmem:s28+$0x14080];
	v26 =	vadd.f32 v29, v26;
	v27 =	vadd.f32 v30, v27;
	v29 =	vmul.f32 v9, v33  }
0x114: {  	v39 =	vmul.f32 v9, v39;
	v35 =	vmul.f32 v8, v35;
	v32 =	vunpack.i.l.bf16.f32 v44;
	v28 =	vld [tilespmem:s26+$0xC0E0]  }
0x115: {  	v32 =	vmul.f32 v7, v32;
	v30 =	vunpack.i.u.bf16.f32 v44;
	v27 =	vadd.f32 v29, v27  }
0x116: {  	v30 =	vmul.f32 v7, v30;
	v26 =	vsub.f32 v6, v26;
	v29 =	vld [tilespmem:s26+$0xC0F0];
	v45 =	vunpack.i.l.bf16.f32 v31  }
0x117: {  	v34 =	vld [tilespmem:s28+$0x10090];
	v31 =	vunpack.i.u.bf16.f32 v31;
	v33 =	vmul.f32 v8, v45;
	v27 =	vsub.f32 v6, v27  }
0x118: {  	v31 =	vmul.f32 v8, v31;
	v36 =	vunpack.i.u.bf16.f32 v25;
	v25 =	vunpack.i.l.bf16.f32 v25  }
0x119: {  	v26 =	vadd.f32 v26, v28;
	v46 =	vmul.f32 v9, v25;
	v32 =	vadd.f32 v33, v32  }
0x11a: {  	v60 =	vld [tilespmem:s28+$0x140B0];
	v30 =	vadd.f32 v31, v30;
	v31 =	vmul.f32 v9, v36;
	v36 =	vunpack.i.u.bf16.f32 v47  }
0x11b: {  	v49 =	vld [tilespmem:s26+$0xC110];
	v25 =	vadd.f32 v29, v27;
	v54 =	vmul.f32 v9, v36;
	v36 =	vmul.f32 v7, v42  }
0x11c: {  	v29 =	vld [tilespmem:s26+$0xC100];
	v27 =	vadd.f32 v46, v32;
	v28 =	vadd.f32 v31, v30;
	v30 =	vunpack.i.u.bf16.f32 v34  }
0x11d: {  	v37 =	vld [tilespmem:s28+$0x100A0];
	v31 =	vunpack.i.l.bf16.f32 v34;
	v34 =	vmul.f32 v8, v50;
	v30 =	vmul.f32 v7, v30  }
0x11e: {  	v45 =	vunpack.i.u.bf16.f32 v40;
	v42 =	vld [tilespmem:s28+$0x100D0];
	v32 =	vmul.f32 v8, v48;
	v31 =	vmul.f32 v7, v31  }
0x11f: {  	v47 =	vunpack.i.u.bf16.f32 v60;
	v50 =	vld [tilespmem:s28+$0x120C0];
	v27 =	vsub.f32 v6, v27;
	v30 =	vadd.f32 v34, v30  }
0x120: {  	v38 =	vsub.f32 v6, v28;
	v31 =	vadd.f32 v32, v31;
	v34 =	vmul.f32 v8, v58  }
0x121: {  	v56 =	vld [tilespmem:s26+$0xC130];
	v32 =	vunpack.i.l.bf16.f32 v60;
	v28 =	vadd.f32 v27, v29;
	v30 =	vadd.f32 v54, v30  }
0x122: {  	v29 =	vld [tilespmem:s26+$0xC120];
	v27 =	vadd.f32 v49, v38;
	v32 =	vmul.f32 v9, v32;
	v49 =	vmul.f32 v9, v47  }
0x123: {  	v31 =	vadd.f32 v52, v31;
	v57 =	vsub.f32 v6, v30;
	v30 =	vunpack.i.l.bf16.f32 v37  }
0x124: {  	v48 =	vld [tilespmem:s28+$0x100C0];
	v59 =	vunpack.i.u.bf16.f32 v42;
	v41 =	vunpack.i.l.bf16.f32 v50;
	v30 =	vmul.f32 v7, v30  }
0x125: {  	v40 =	vunpack.i.u.bf16.f32 v50;
	v31 =	vsub.f32 v6, v31;
	v37 =	vunpack.i.u.bf16.f32 v37  }
0x126: {  	v41 =	vmul.f32 v8, v41;
	v37 =	vmul.f32 v7, v37;
	v34 =	vadd.f32 v34, v30  }
0x127: {  	v40 =	vmul.f32 v8, v40;
	v30 =	vadd.f32 v31, v29;
	v29 =	vadd.f32 v56, v57  }
0x128: {  	v31 =	vunpack.i.u.bf16.f32 v55;
	v62 =	vadd.f32 v35, v37;
	v37 =	vmul.f32 v8, v43  }
0x129: {  	v51 =	vld [tilespmem:s28+$0x140C0];
	v35 =	vmul.f32 v7, v63;
	v55 =	vunpack.i.u.bf16.f32 v48;
	v31 =	vmul.f32 v9, v31  }
0x12a: {  	v43 =	vld [tilespmem:s28+$0x120D0];
	v38 =	vmul.f32 v7, v55;
	v61 =	vadd.f32 v39, v34;
	v39 =	vmul.f32 v8, v45  }
0x12b: {  	v44 =	vld [tilespmem:s26+$0xC140];
	v36 =	vadd.f32 v37, v36;
	v37 =	vunpack.i.l.bf16.f32 v48;
	v31 =	vadd.f32 v31, v62  }
0x12c: {  	v46 =	vld [tilespmem:s26+$0xC150];
	v37 =	vmul.f32 v7, v37;
	v38 =	vadd.f32 v40, v38;
	v35 =	vadd.f32 v39, v35  }
0x12d: {  	v60 =	vunpack.i.l.bf16.f32 v42;
	v55 =	vld [tilespmem:s28+$0x120E0];
	v33 =	vsub.f32 v6, v61;
	v36 =	vadd.f32 v32, v36  }
0x12e: {  	v45 =	vld [tilespmem:s28+$0x140D0];
	v39 =	vunpack.i.u.bf16.f32 v51;
	v31 =	vsub.f32 v6, v31;
	v37 =	vadd.f32 v41, v37  }
0x12f: {  	v39 =	vmul.f32 v9, v39;
	v61 =	vunpack.i.u.bf16.f32 v43;
	v35 =	vadd.f32 v49, v35  }
0x130: {  	v62 =	vunpack.i.l.bf16.f32 v43;
	v32 =	vadd.f32 v33, v44;
	v53 =	vsub.f32 v6, v36  }
0x131: {  	v52 =	vld [tilespmem:s26+$0xC160];
	v44 =	vunpack.i.l.bf16.f32 v51;
	v40 =	vmul.f32 v8, v62;
	v51 =	vmin.f32 v12, v11  }
0x132: {  	v41 =	vunpack.i.u.bf16.f32 v55;
	v31 =	vadd.f32 v46, v31;
	v56 =	vmul.f32 v9, v44  }
0x133: {  	v54 =	vld [tilespmem:s26+$0xC170];
	v58 =	vadd.f32 v39, v38;
	v63 =	vunpack.i.u.bf16.f32 v45;
	v49 =	vunpack.i.l.bf16.f32 v45  }
0x134: {  	v38 =	vmul.f32 v7, v60;
	v39 =	vmul.f32 v8, v61;
	v45 =	vmin.f32 v51, v14  }
0x135: {  	v60 =	vunpack.i.l.bf16.f32 v55;
	v41 =	vmul.f32 v8, v41;
	v35 =	vsub.f32 v6, v35  }
0x136: {  	v50 =	vld [tilespmem:s26+$0xC190];
	v34 =	vadd.f32 v53, v52;
	v52 =	vmul.f32 v9, v49;
	v45 =	vmin.f32 v45, v13  }
0x137: {  	v48 =	vld [tilespmem:s26+$0xC180];
	v57 =	vadd.f32 v56, v37;
	v37 =	vmul.f32 v7, v59;
	v38 =	vadd.f32 v40, v38  }
0x138: {  	v53 =	vld [tilespmem:s28+$0x100E0];
	v56 =	vmin.f32 v45, v15;
	v33 =	vadd.f32 v54, v35;
	v54 =	vmul.f32 v9, v63  }
0x139: {  	v37 =	vadd.f32 v39, v37;
	v35 =	vsub.f32 v6, v57;
	v57 =	vmin.f32 v56, v16  }
0x13a: {  	v44 =	vmul.f32 v8, v60;
	v46 =	vsub.f32 v6, v58;
	v58 =	vld [tilespmem:s28+$0x140E0];
	v39 =	vmin.f32 v57, v18  }
0x13b: {  	v38 =	vadd.f32 v52, v38;
	v37 =	vadd.f32 v54, v37;
	v39 =	vmin.f32 v39, v17  }
0x13c: {  	v61 =	vld [tilespmem:s26+$0xC1A0];
	v36 =	vadd.f32 v35, v48;
	v35 =	vadd.f32 v50, v46;
	v39 =	vmin.f32 v39, v20  }
0x13d: {  	v63 =	vld [tilespmem:s28+$0x100F0];
	v38 =	vsub.f32 v6, v38;
	v59 =	vunpack.i.l.bf16.f32 v53;
	v39 =	vmin.f32 v39, v19  }
0x13e: {  	v43 =	vunpack.i.u.bf16.f32 v53;
	v42 =	vmul.f32 v7, v59;
	v39 =	vmin.f32 v39, v21  }
0x13f: {  	v52 =	vld [tilespmem:s28+$0x140F0];
	v47 =	vunpack.i.l.bf16.f32 v58;
	v43 =	vmul.f32 v7, v43;
	v39 =	vmin.f32 v39, v22  }
0x140: {  	v62 =	vld [tilespmem:s26+$0xC1B0];
	v40 =	vunpack.i.u.bf16.f32 v58;
	v37 =	vsub.f32 v6, v37;
	v39 =	vmin.f32 v39, v24  }
0x141: {  	v47 =	vmul.f32 v9, v47;
	v40 =	vmul.f32 v9, v40;
	v39 =	vmin.f32 v39, v23  }
0x142: {  	v48 =	vld [tilespmem:s28+$0x120F0];
	v38 =	vadd.f32 v38, v61;
	v53 =	vunpack.i.l.bf16.f32 v63;
	v39 =	vmin.f32 v39, v26  }
0x143: {  	v42 =	vadd.f32 v44, v42;
	v41 =	vadd.f32 v41, v43;
	v39 =	vmin.f32 v39, v25  }
0x144: {  	v44 =	vunpack.i.u.bf16.f32 v63;
	v56 =	vunpack.i.l.bf16.f32 v52;
	v39 =	vmin.f32 v39, v28  }
0x145: {  	v43 =	vunpack.i.u.bf16.f32 v52;
	v37 =	vadd.f32 v62, v37;
	v39 =	vmin.f32 v39, v27  }
0x146: {  	v44 =	vmul.f32 v7, v44;
	v40 =	vadd.f32 v40, v41;
	v39 =	vmin.f32 v39, v30  }
0x147: {  	v54 =	vunpack.i.l.bf16.f32 v48;
	v41 =	vmul.f32 v7, v53;
	v39 =	vmin.f32 v39, v29  }
0x148: {  	v55 =	vunpack.i.u.bf16.f32 v48;
	v45 =	vmul.f32 v8, v54;
	v39 =	vmin.f32 v39, v32  }
0x149: {  	v57 =	vld [tilespmem:s26+$0xC1C0];
	v42 =	vadd.f32 v47, v42;
	v46 =	vmul.f32 v8, v55;
	v39 =	vmin.f32 v39, v31  }
0x14a: {  	v58 =	vld [tilespmem:s26+$0xC1D0];
	v47 =	vmul.f32 v9, v56;
	v41 =	vadd.f32 v45, v41;
	v39 =	vmin.f32 v39, v34  }
0x14b: {  	v59 =	vld [tilespmem:s26+$0xC1E0];
	v43 =	vmul.f32 v9, v43;
	v44 =	vadd.f32 v46, v44;
	v39 =	vmin.f32 v39, v33  }
0x14c: {  	v60 =	vld [tilespmem:s26+$0xC1F0];
	v42 =	vsub.f32 v6, v42;
	v41 =	vadd.f32 v47, v41;
	v39 =	vmin.f32 v39, v36  }
0x14d: {  	v40 =	vsub.f32 v6, v40;
	v43 =	vadd.f32 v43, v44;
	v39 =	vmin.f32 v39, v35  }
0x14e: {  	v42 =	vadd.f32 v42, v57;
	v61 =	vsub.f32 v6, v41;
	v39 =	vmin.f32 v39, v38  }
0x14f: {  	v41 =	vadd.f32 v58, v40;
	v43 =	vsub.f32 v6, v43;
	v39 =	vmin.f32 v39, v37  }
0x150: {  	v40 =	vadd.f32 v61, v59;
	v62 =	vmin.f32 v39, v42  }
0x151: {  	v39 =	vadd.f32 v60, v43;
	v63 =	vmin.f32 v62, v41  }
0x152: {  	v43 =	vmin.f32 v63, v40  }
0x153: {  	v43 =	vmin.f32 v43, v39  }
0x154: {  	vm2 =	vlt.f32 v43, v10  }
0x155: {  	v43 =	vsel vm2, $0x3F800000, v2  }
0x156: {  	(xrf0) =	vmax.scan.msk.f32 $0xffff, v43;
	_ =	sdelay $0x5  }
0x157: {  	v43, _, _ =	vpop (xrf0)  }
0x158: {  	(v2sf) =	vpush v43, $0xF;
	_ =	sdelay $0xe  }
0x159: {  	s3 =	spop (v2sf)  }
0x15a: {  	p0 =	sgt.f32 s3, $0.0e+00  }
.Ltmp7:
0x15b: {  	_ = 	snop;
	(pc) =	sbr.rel @!p0 .LBB2_8-.Ltmp7, $1  }
0x15c: {  	_ =	sdelay $0x3  }
0x15d: {  	s3 =	sor.u32 s22, s26  }
0x15e: {  	v10 =	vor.u32 s3, v3;
	s4 =	sor.u32 $0x10, s3  }
0x15f: {  	s14 =	sor.u32 $0x20, s3;
	(xrf1) =	vsort.ascd.msk.f32 $0xffff, v12, v10;
	v10 =	vor.u32 s4, v3  }
0x160: {  	s28 =	sor.u32 $0x30, s3;
	(xrf1) =	vsort.ascd.msk.f32 $0xffff, v11, v10;
	v10 =	vor.u32 s14, v3  }
0x161: {  	s29 =	sor.u32 $0x40, s3;
	(xrf1) =	vsort.ascd.msk.f32 $0xffff, v14, v10;
	v10 =	vor.u32 s28, v3  }
0x162: {  	s30 =	sor.u32 $0x50, s3;
	(xrf1) =	vsort.ascd.msk.f32 $0xffff, v13, v10;
	v10 =	vor.u32 s29, v3  }
0x163: {  	s31 =	sor.u32 $0x60, s3;
	(xrf1) =	vsort.ascd.msk.f32 $0xffff, v15, v10;
	v10 =	vor.u32 s30, v3  }
0x164: {  	s12 =	sor.u32 $0x70, s3;
	(xrf1) =	vsort.ascd.msk.f32 $0xffff, v16, v10;
	v10 =	vor.u32 s31, v3  }
0x165: {  	s14 =	sor.u32 $0x80, s3;
	(xrf1) =	vsort.ascd.msk.f32 $0xffff, v18, v10;
	v10 =	vor.u32 s12, v3  }
0x166: {  	s28 =	sor.u32 $0x90, s3;
	(xrf1) =	vsort.ascd.msk.f32 $0xffff, v17, v10;
	v10 =	vor.u32 s14, v3  }
0x167: {  	s29 =	sor.u32 $0xA0, s3;
	(xrf1) =	vsort.ascd.msk.f32 $0xffff, v20, v10;
	v10 =	vor.u32 s28, v3  }
0x168: {  	s30 =	sor.u32 $0xB0, s3;
	(xrf1) =	vsort.ascd.msk.f32 $0xffff, v19, v10;
	v10 =	vor.u32 s29, v3  }
0x169: {  	s31 =	sor.u32 $0xC0, s3;
	(xrf1) =	vsort.ascd.msk.f32 $0xffff, v21, v10;
	v10 =	vor.u32 s30, v3  }
0x16a: {  	s12 =	sor.u32 $0xD0, s3;
	(xrf1) =	vsort.ascd.msk.f32 $0xffff, v22, v10;
	v10 =	vor.u32 s31, v3  }
0x16b: {  	s14 =	sor.u32 $0xE0, s3;
	(xrf1) =	vsort.ascd.msk.f32 $0xffff, v24, v10;
	v10 =	vor.u32 s12, v3  }
0x16c: {  	s28 =	sor.u32 $0xF0, s3;
	(xrf1) =	vsort.ascd.msk.f32 $0xffff, v23, v10;
	v10 =	vor.u32 s14, v3  }
0x16d: {  	s29 =	sor.u32 $0x100, s3;
	(xrf1) =	vsort.ascd.msk.f32 $0xffff, v26, v10;
	v10 =	vor.u32 s28, v3  }
0x16e: {  	s30 =	sor.u32 $0x110, s3;
	v11, v12, _ =	vpop (xrf1);
	(xrf1) =	vsort.ascd.msk.f32 $0xffff, v25, v10;
	v10 =	vor.u32 s29, v3  }
0x16f: {  	s31 =	sor.u32 $0x120, s3;
	v63, v14, _ =	vpop (xrf1);
	(xrf1) =	vsort.ascd.msk.f32 $0xffff, v28, v10;
	v10 =	vor.u32 s30, v3  }
0x170: {  	s12 =	sor.u32 $0x130, s3;
	(xrf1) =	vsort.ascd.msk.f32 $0xffff, v27, v10;
	v10 =	vor.u32 s31, v3  }
0x171: {  	s14 =	sor.u32 $0x140, s3;
	v15, v48, _ =	vpop (xrf1);
	(xrf1) =	vsort.ascd.msk.f32 $0xffff, v30, v10;
	v10 =	vor.u32 s12, v3  }
0x172: {  	s28 =	sor.u32 $0x150, s3;
	v50, v49, _ =	vpop (xrf1);
	(xrf1) =	vsort.ascd.msk.f32 $0xffff, v29, v10;
	v10 =	vor.u32 s14, v3  }
0x173: {  	s29 =	sor.u32 $0x160, s3;
	v51, v20, _ =	vpop (xrf1);
	(xrf1) =	vsort.ascd.msk.f32 $0xffff, v32, v10;
	v10 =	vor.u32 s28, v3  }
0x174: {  	s30 =	sor.u32 $0x170, s3;
	v52, v53, _ =	vpop (xrf1);
	(xrf1) =	vsort.ascd.msk.f32 $0xffff, v31, v10;
	v10 =	vor.u32 s29, v3  }
0x175: {  	s31 =	sor.u32 $0x180, s3;
	v23, v24, _ =	vpop (xrf1);
	(xrf1) =	vsort.ascd.msk.f32 $0xffff, v34, v10;
	v10 =	vor.u32 s30, v3  }
0x176: {  	s12 =	sor.u32 $0x190, s3;
	v55, v54, _ =	vpop (xrf1);
	(xrf1) =	vsort.ascd.msk.f32 $0xffff, v33, v10;
	v10 =	vor.u32 s31, v3  }
0x177: {  	s14 =	sor.u32 $0x1A0, s3;
	v27, v28, _ =	vpop (xrf1);
	(xrf1) =	vsort.ascd.msk.f32 $0xffff, v36, v10;
	v10 =	vor.u32 s12, v3  }
0x178: {  	s28 =	sor.u32 $0x1B0, s3;
	v57, v56, _ =	vpop (xrf1);
	(xrf1) =	vsort.ascd.msk.f32 $0xffff, v35, v10;
	v10 =	vor.u32 s14, v3  }
0x179: {  	v60 =	vmul.u32 $0xFFFFFFFF, v3;
	s29 =	sor.u32 $0x1C0, s3;
	v31, v32, _ =	vpop (xrf1);
	(xrf1) =	vsort.ascd.msk.f32 $0xffff, v38, v10;
	v10 =	vor.u32 s28, v3  }
0x17a: {  	v59, v58, _ =	vpop (xrf1);
	(xrf1) =	vsort.ascd.msk.f32 $0xffff, v37, v10;
	v10 =	vor.u32 s29, v3  }
0x17b: {  	v36, v38, _ =	vpop (xrf1);
	(xrf1) =	vsort.ascd.msk.f32 $0xffff, v42, v10;
	v10 =	vadd.s32 $0xF, v60  }
0x17c: {  	v13 =	vperm.xlane v63, v10  }
0x17d: {  	s30 =	sor.u32 $0x1D0, s3;
	v14 =	vperm.xlane v14, v10;
	v17 =	vperm.xlane v50, v10  }
0x17e: {  	v61 =	vor.u32 s30, v3;
	s31 =	sor.u32 $0x1E0, s3;
	v21 =	vperm.xlane v52, v10;
	v50 =	vperm.xlane v54, v10  }
0x17f: {  	s3 =	sor.u32 $0x1F0, s3;
	v62 =	vor.u32 s31, v3;
	v37, v43, _ =	vpop (xrf1);
	(xrf1) =	vsort.ascd.msk.f32 $0xffff, v41, v61;
	v56 =	vperm.xlane v56, v10;
	v58 =	vperm.xlane v58, v10  }
0x180: {  	v35, v44, _ =	vpop (xrf1);
	v63 =	vor.u32 s3, v3;
	v33 =	vperm.xlane v43, v10;
	(xrf1) =	vsort.ascd.msk.f32 $0xffff, v40, v62;
	v40 =	vperm.xlane v49, v10  }
0x181: {  	v49 =	vperm.xlane v55, v10;
	v62 =	vperm.xlane v37, v10;
	vm2 =	vlt.f32 v13, v11  }
0x182: {  	v41, v42, _ =	vpop (xrf1);
	(xrf1) =	vsort.ascd.msk.f32 $0xffff, v39, v63;
	v11 =	vsel vm2, v13, v11;
	v12 =	vsel vm2, v14, v12  }
0x183: {  	v34 =	vperm.xlane v41, v10;
	vm2 =	vlt.f32 v17, v15;
	v14, v18, _ =	vpop (xrf1);
	(xrf1) =	vsort.ascd.msk.f32 $0xffff, v11, v12  }
0x184: {  	v11 =	vsel vm2, v17, v15;
	v45 =	vsel vm2, v40, v48;
	v48 =	vperm.xlane v53, v10  }
0x185: {  	vm2 =	vlt.f32 v21, v51;
	v53 =	vperm.xlane v57, v10;
	v57 =	vperm.xlane v59, v10  }
0x186: {  	v47, v46, _ =	vpop (xrf1);
	(xrf1) =	vsort.ascd.msk.f32 $0xffff, v11, v45;
	v11 =	vsel vm2, v21, v51;
	v16 =	vsel vm2, v48, v20  }
0x187: {  	v51, v52, _ =	vpop (xrf1);
	vm2 =	vlt.f32 v49, v23;
	v13 =	vperm.xlane v47, v10;
	(xrf1) =	vsort.ascd.msk.f32 $0xffff, v11, v16  }
0x188: {  	v11 =	vsel vm2, v49, v23;
	v12 =	vsel vm2, v50, v24;
	vm2 =	vlt.f32 v53, v27  }
0x189: {  	v54, v55, _ =	vpop (xrf1);
	(xrf1) =	vsort.ascd.msk.f32 $0xffff, v11, v12;
	v11 =	vsel vm2, v53, v27;
	v59 =	vsel vm2, v56, v28  }
0x18a: {  	v15 =	vperm.xlane v46, v10;
	v61, v60, _ =	vpop (xrf1);
	vm2 =	vlt.f32 v57, v31;
	(xrf1) =	vsort.ascd.msk.f32 $0xffff, v11, v59  }
0x18b: {  	v11 =	vsel vm2, v57, v31;
	v12 =	vsel vm2, v58, v32;
	vm2 =	vlt.f32 v62, v36  }
0x18c: {  	v16 =	vperm.xlane v54, v10;
	v63, v32, _ =	vpop (xrf1);
	(xrf1) =	vsort.ascd.msk.f32 $0xffff, v11, v12;
	v11 =	vsel vm2, v62, v36  }
0x18d: {  	v36 =	vperm.xlane v42, v10;
	v37 =	vsel vm2, v33, v38;
	v42 =	vperm.xlane v55, v10  }
0x18e: {  	v39, v38, _ =	vpop (xrf1);
	vm2 =	vlt.f32 v34, v35;
	v46 =	vperm.xlane v63, v10;
	v49 =	vperm.xlane v32, v10  }
0x18f: {  	(xrf1) =	vsort.ascd.msk.f32 $0xffff, v11, v37;
	v11 =	vsel vm2, v34, v35;
	v40, v41, _ =	vpop (xrf1);
	v12 =	vsel vm2, v36, v44  }
0x190: {  	vm2 =	vlt.f32 v13, v14;
	v50 =	vperm.xlane v40, v10;
	(xrf1) =	vsort.ascd.msk.f32 $0xffff, v11, v12  }
0x191: {  	v11 =	vsel vm2, v13, v14;
	v43 =	vsel vm2, v15, v18;
	vm2 =	vlt.f32 v16, v51  }
0x192: {  	v44, v45, _ =	vpop (xrf1);
	(xrf1) =	vsort.ascd.msk.f32 $0xffff, v11, v43;
	v11 =	vsel vm2, v16, v51;
	v12 =	vsel vm2, v42, v52  }
0x193: {  	v47, v48, _ =	vpop (xrf1);
	vm2 =	vlt.f32 v46, v61;
	v51 =	vperm.xlane v41, v10;
	(xrf1) =	vsort.ascd.msk.f32 $0xffff, v11, v12  }
0x194: {  	v11 =	vsel vm2, v46, v61;
	v52 =	vsel vm2, v49, v60;
	vm2 =	vlt.f32 v50, v39  }
0x195: {  	v13 =	vperm.xlane v47, v10;
	v16 =	vperm.xlane v48, v10;
	v19 =	vsel vm2, v50, v39  }
0x196: {  	v54, v53, _ =	vpop (xrf1);
	v12 =	vsel vm2, v51, v38  }
0x197: {  	(xrf1) =	vsort.ascd.msk.f32 $0xffff, v11, v52;
	vm2 =	vlt.f32 v13, v44;
	v11, v17, _ =	vpop (xrf1)  }
0x198: {  	v13 =	vsel vm2, v13, v44;
	v55, v56, _ =	vpop (xrf1)  }
0x199: {  	v57 =	vsel vm2, v16, v45;
	(xrf1) =	vsort.ascd.msk.f32 $0xffff, v19, v12;
	v11 =	vperm.xlane v11, v10;
	v12, v19, _ =	vpop (xrf1)  }
0x19a: {  	v17 =	vperm.xlane v17, v10;
	(xrf1) =	vsort.ascd.msk.f32 $0xffff, v13, v57;
	v15, v16, _ =	vpop (xrf1)  }
0x19b: {  	vm2 =	vlt.f32 v11, v54;
	v12 =	vperm.xlane v12, v10;
	v58 =	vperm.xlane v19, v10;
	v13, v14, _ =	vpop (xrf1)  }
0x19c: {  	v11 =	vsel vm2, v11, v54;
	v17 =	vsel vm2, v17, v53;
	v13 =	vperm.xlane v13, v10  }
0x19d: {  	(xrf1) =	vsort.ascd.msk.f32 $0xffff, v11, v17;
	vm2 =	vlt.f32 v12, v55;
	v11 =	vperm.xlane v14, v10  }
0x19e: {  	v12 =	vsel vm2, v12, v55;
	v59 =	vsel vm2, v58, v56;
	vm2 =	vlt.f32 v13, v15  }
0x19f: {  	v11 =	vsel vm2, v11, v16  }
0x1a0: {  	v60, v61, _ =	vpop (xrf1)  }
0x1a1: {  	v23, v63, _ =	vpop (xrf1);
	(xrf1) =	vsort.ascd.msk.f32 $0xffff, v12, v59;
	v62 =	vsel vm2, v13, v15  }
0x1a2: {  	v13 =	vperm.xlane v23, v10;
	(xrf1) =	vsort.ascd.msk.f32 $0xffff, v62, v11;
	v11, v12, _ =	vpop (xrf1)  }
0x1a3: {  	v14 =	vperm.xlane v63, v10;
	v24, v25, _ =	vpop (xrf1)  }
0x1a4: {  	vm2 =	vlt.f32 v13, v60;
	v15 =	vperm.xlane v24, v10  }
0x1a5: {  	v14 =	vsel vm2, v14, v61;
	v16 =	vperm.xlane v25, v10  }
0x1a6: {  	v13 =	vsel vm2, v13, v60;
	v27, v26, _ =	vpop (xrf1);
	vm2 =	vlt.f32 v15, v11  }
0x1a7: {  	v28, v29, _ =	vpop (xrf1);
	v12 =	vsel vm2, v16, v12  }
0x1a8: {  	v30, v31, _ =	vpop (xrf1);
	v21 =	vperm.xlane v28, v10;
	v11 =	vsel vm2, v15, v11  }
0x1a9: {  	(xrf1) =	vsort.ascd.msk.f32 $0xffff, v13, v14;
	v22 =	vperm.xlane v29, v10;
	v13, v14, _ =	vpop (xrf1)  }
0x1aa: {  	v32, v33, _ =	vpop (xrf1);
	vm2 =	vlt.f32 v21, v27;
	v13 =	vperm.xlane v13, v10  }
0x1ab: {  	(xrf1) =	vsort.ascd.msk.f32 $0xffff, v11, v12;
	v14 =	vperm.xlane v14, v10;
	v20 =	vsel vm2, v22, v26;
	v11, v12, _ =	vpop (xrf1)  }
0x1ac: {  	v19 =	vsel vm2, v21, v27;
	vm2 =	vlt.f32 v13, v30;
	v11 =	vperm.xlane v11, v10  }
0x1ad: {  	v14 =	vsel vm2, v14, v31;
	v12 =	vperm.xlane v12, v10  }
0x1ae: {  	v13 =	vsel vm2, v13, v30;
	v34, v35, _ =	vpop (xrf1);
	vm2 =	vlt.f32 v11, v32  }
0x1af: {  	(xrf1) =	vsort.ascd.msk.f32 $0xffff, v19, v20;
	v19, v20, _ =	vpop (xrf1);
	v12 =	vsel vm2, v12, v33  }
0x1b0: {  	v36, v37, _ =	vpop (xrf1);
	v19 =	vperm.xlane v19, v10;
	v11 =	vsel vm2, v11, v32  }
0x1b1: {  	(xrf1) =	vsort.ascd.msk.f32 $0xffff, v13, v14;
	v13, v14, _ =	vpop (xrf1)  }
0x1b2: {  	v20 =	vperm.xlane v20, v10;
	v38, v39, _ =	vpop (xrf1);
	vm2 =	vlt.f32 v19, v34  }
0x1b3: {  	(xrf1) =	vsort.ascd.msk.f32 $0xffff, v11, v12;
	v13 =	vperm.xlane v13, v10;
	v14 =	vperm.xlane v14, v10;
	v11, v12, _ =	vpop (xrf1)  }
0x1b4: {  	v19 =	vsel vm2, v19, v34;
	v20 =	vsel vm2, v20, v35;
	v11 =	vperm.xlane v11, v10  }
0x1b5: {  	(xrf1) =	vsort.ascd.msk.f32 $0xffff, v19, v20;
	vm2 =	vlt.f32 v13, v36;
	v12 =	vperm.xlane v12, v10  }
0x1b6: {  	v13 =	vsel vm2, v13, v36;
	v14 =	vsel vm2, v14, v37;
	vm2 =	vlt.f32 v11, v38  }
0x1b7: {  	(xrf1) =	vsort.ascd.msk.f32 $0xffff, v13, v14;
	v11 =	vsel vm2, v11, v38;
	v12 =	vsel vm2, v12, v39  }
0x1b8: {  	(xrf1) =	vsort.ascd.msk.f32 $0xffff, v11, v12;
	_ =	sdelay $0x6  }
0x1b9: {  	v11, v12, _ =	vpop (xrf1)  }
0x1ba: {  	v13, v14, _ =	vpop (xrf1)  }
0x1bb: {  	v40, v41, _ =	vpop (xrf1)  }
0x1bc: {  	v13 =	vperm.xlane v13, v10;
	v42, v43, _ =	vpop (xrf1)  }
0x1bd: {  	v14 =	vperm.xlane v14, v10;
	v19, v20, _ =	vpop (xrf1);
	v17 =	vperm.xlane v42, v10  }
0x1be: {  	vm2 =	vlt.f32 v13, v11;
	v18 =	vperm.xlane v43, v10;
	v44, v45, _ =	vpop (xrf1)  }
0x1bf: {  	v11 =	vsel vm2, v13, v11;
	v12 =	vsel vm2, v14, v12;
	vm2 =	vlt.f32 v17, v40;
	v46, v47, _ =	vpop (xrf1)  }
0x1c0: {  	(xrf1) =	vsort.ascd.msk.f32 $0xffff, v11, v12;
	v50 =	vperm.xlane v44, v10;
	v51 =	vperm.xlane v45, v10;
	v48, v49, _ =	vpop (xrf1)  }
0x1c1: {  	v11 =	vsel vm2, v17, v40;
	v16 =	vsel vm2, v18, v41;
	v12 =	vperm.xlane v48, v10  }
0x1c2: {  	(xrf1) =	vsort.ascd.msk.f32 $0xffff, v11, v16;
	vm2 =	vlt.f32 v50, v19;
	v11 =	vperm.xlane v49, v10  }
0x1c3: {  	v52 =	vsel vm2, v50, v19;
	v53 =	vsel vm2, v51, v20;
	vm2 =	vlt.f32 v12, v46  }
0x1c4: {  	(xrf1) =	vsort.ascd.msk.f32 $0xffff, v52, v53;
	v12 =	vsel vm2, v12, v46;
	v11 =	vsel vm2, v11, v47  }
0x1c5: {  	(xrf1) =	vsort.ascd.msk.f32 $0xffff, v12, v11;
	_ =	sdelay $0xa  }
0x1c6: {  	v11, v12, _ =	vpop (xrf1)  }
0x1c7: {  	v54, v55, _ =	vpop (xrf1)  }
0x1c8: {  	v15, v16, _ =	vpop (xrf1)  }
0x1c9: {  	v13 =	vperm.xlane v54, v10;
	v56, v57, _ =	vpop (xrf1)  }
0x1ca: {  	v14 =	vperm.xlane v55, v10;
	v17 =	vperm.xlane v56, v10  }
0x1cb: {  	vm2 =	vlt.f32 v13, v11;
	v18 =	vperm.xlane v57, v10  }
0x1cc: {  	v11 =	vsel vm2, v13, v11;
	v12 =	vsel vm2, v14, v12;
	vm2 =	vlt.f32 v17, v15  }
0x1cd: {  	(xrf1) =	vsort.ascd.msk.f32 $0xffff, v11, v12;
	v11 =	vsel vm2, v17, v15;
	v58 =	vsel vm2, v18, v16  }
0x1ce: {  	(xrf1) =	vsort.ascd.msk.f32 $0xffff, v11, v58;
	_ =	sdelay $0xc  }
0x1cf: {  	v11, v12, _ =	vpop (xrf1)  }
0x1d0: {  	v59, v60, _ =	vpop (xrf1)  }
0x1d1: {  	v13 =	vperm.xlane v59, v10  }
0x1d2: {  	v14 =	vperm.xlane v60, v10  }
0x1d3: {  	vm2 =	vlt.f32 v13, v11  }
0x1d4: {  	v11 =	vsel vm2, v13, v11;
	v12 =	vsel vm2, v14, v12  }
0x1d5: {  	(xrf1) =	vsort.ascd.msk.f32 $0xffff, v11, v12;
	_ =	sdelay $0xb  }
0x1d6: {  	v11 =	vld [tilespmem:s24+$0x16180]  }
0x1d7: {  	v61 =	vld [tilespmem:s24+$0x16380]  }
0x1d8: {  	v62, v63, _ =	vpop (xrf1)  }
0x1d9: {  	v13 =	vperm.xlane v62, v10  }
0x1da: {  	v10 =	vperm.xlane v63, v10  }
0x1db: {  	vm2 =	vlt.f32 v13, v11  }
0x1dc: {  	v11 =	vsel vm2, v13, v11;
	v10 =	vsel vm2, v10, v61  }
0x1dd: {  	(xrf1) =	vsort.ascd.msk.f32 $0xffff, v11, v10;
	_ =	sdelay $0xd  }
0x1de: {  	v10, v11, _ =	vpop (xrf1)  }
0x1df: {  	(xrf0) =	vmax.scan.msk.f32 $0xffff, v10;
	_ =	sdelay $0x5  }
0x1e0: {  	[tilespmem:s24+$0x16180] =	vst v10;
	v10, _, _ =	vpop (xrf0)  }
0x1e1: {  	[tilespmem:s24+$0x16380] =	vst v11;
	v10 =	vbroadcast v10, $0xF  }
.LBB2_8:
0x1e2: {  	s28 =	sor.u32 $0x200, s26  }
0x1e3: {  	s29 =	sshrl.u32 s28, $0x1  }
0x1e4: {  	v11 =	vld [tilespmem:s29+$0x10000]  }
0x1e5: {  	v12 =	vld [tilespmem:s29+$0x12000];
	_ =	sdelay $0x1  }
0x1e6: {  	v13 =	vld [tilespmem:s29+$0x14000];
	_ =	sdelay $0x2  }
0x1e7: {  	v16 =	vld [tilespmem:s29+$0x10010];
	v14 =	vunpack.i.u.bf16.f32 v11;
	v11 =	vunpack.i.l.bf16.f32 v11;
	v15 =	vunpack.i.l.bf16.f32 v12  }
0x1e8: {  	v17 =	vld [tilespmem:s29+$0x12010];
	v12 =	vunpack.i.u.bf16.f32 v12;
	v11 =	vmul.f32 v7, v11;
	v15 =	vmul.f32 v8, v15  }
0x1e9: {  	v19 =	vld [tilespmem:s29+$0x14010];
	v18 =	vunpack.i.l.bf16.f32 v13;
	v14 =	vmul.f32 v7, v14;
	v12 =	vmul.f32 v8, v12  }
0x1ea: {  	v13 =	vunpack.i.u.bf16.f32 v13;
	v11 =	vadd.f32 v15, v11;
	v15 =	vmul.f32 v9, v18  }
0x1eb: {  	v13 =	vmul.f32 v9, v13;
	v12 =	vadd.f32 v12, v14  }
0x1ec: {  	v21 =	vld [tilespmem:s29+$0x10020];
	v11 =	vadd.f32 v15, v11  }
0x1ed: {  	v14 =	vld [tilespmem:s26+$0xC200];
	v12 =	vadd.f32 v13, v12;
	v13 =	vunpack.i.l.bf16.f32 v16;
	v15 =	vunpack.i.l.bf16.f32 v17  }
0x1ee: {  	v20 =	vunpack.i.l.bf16.f32 v19;
	v18 =	vld [tilespmem:s26+$0xC210];
	v13 =	vmul.f32 v7, v13;
	v15 =	vmul.f32 v8, v15  }
0x1ef: {  	v16 =	vunpack.i.u.bf16.f32 v16;
	v17 =	vunpack.i.u.bf16.f32 v17;
	v11 =	vsub.f32 v6, v11  }
0x1f0: {  	v13 =	vadd.f32 v15, v13;
	v15 =	vmul.f32 v7, v16;
	v16 =	vmul.f32 v8, v17;
	v17 =	vld [tilespmem:s29+$0x12020]  }
0x1f1: {  	v20 =	vmul.f32 v9, v20;
	v22 =	vsub.f32 v6, v12;
	v12 =	vunpack.i.u.bf16.f32 v19  }
0x1f2: {  	v15 =	vadd.f32 v16, v15;
	v16 =	vmul.f32 v9, v12;
	v12 =	vadd.f32 v11, v14;
	v14 =	vld [tilespmem:s29+$0x14020]  }
0x1f3: {  	v19 =	vunpack.i.u.bf16.f32 v21;
	v11 =	vadd.f32 v18, v22;
	v18 =	vld [tilespmem:s26+$0xC220]  }
0x1f4: {  	v19 =	vmul.f32 v7, v19;
	v13 =	vadd.f32 v20, v13;
	v20 =	vunpack.i.l.bf16.f32 v21;
	v22 =	vld [tilespmem:s29+$0x10030]  }
0x1f5: {  	v20 =	vmul.f32 v7, v20;
	v15 =	vadd.f32 v16, v15;
	v16 =	vld [tilespmem:s26+$0xC230];
	v21 =	vunpack.i.l.bf16.f32 v17  }
0x1f6: {  	v23 =	vld [tilespmem:s29+$0x12030];
	v13 =	vsub.f32 v6, v13;
	v17 =	vunpack.i.u.bf16.f32 v17;
	v21 =	vmul.f32 v8, v21  }
0x1f7: {  	v17 =	vmul.f32 v8, v17;
	v24 =	vunpack.i.u.bf16.f32 v14;
	v14 =	vunpack.i.l.bf16.f32 v14  }
0x1f8: {  	v15 =	vsub.f32 v6, v15;
	v20 =	vadd.f32 v21, v20;
	v21 =	vmul.f32 v9, v14  }
0x1f9: {  	v17 =	vadd.f32 v17, v19;
	v19 =	vmul.f32 v9, v24;
	v24 =	vld [tilespmem:s29+$0x14030];
	v14 =	vadd.f32 v13, v18  }
0x1fa: {  	v25 =	vld [tilespmem:s29+$0x10040];
	v18 =	vunpack.i.u.bf16.f32 v22;
	v13 =	vadd.f32 v16, v15;
	v15 =	vadd.f32 v21, v20  }
0x1fb: {  	v35 =	vld [tilespmem:s29+$0x12090];
	v16 =	vadd.f32 v19, v17;
	v19 =	vunpack.i.l.bf16.f32 v22;
	v20 =	vunpack.i.l.bf16.f32 v23  }
0x1fc: {  	v17 =	vld [tilespmem:s26+$0xC240];
	v22 =	vunpack.i.u.bf16.f32 v23;
	v19 =	vmul.f32 v7, v19;
	v20 =	vmul.f32 v8, v20  }
0x1fd: {  	v18 =	vmul.f32 v7, v18;
	v21 =	vld [tilespmem:s26+$0xC250];
	v22 =	vmul.f32 v8, v22  }
0x1fe: {  	v47 =	vld [tilespmem:s29+$0x14090];
	v23 =	vunpack.i.l.bf16.f32 v24;
	v24 =	vunpack.i.u.bf16.f32 v24;
	v19 =	vadd.f32 v20, v19  }
0x1ff: {  	v18 =	vadd.f32 v22, v18;
	v20 =	vmul.f32 v9, v23;
	v23 =	vld [tilespmem:s29+$0x12040];
	v22 =	vmul.f32 v9, v24  }
0x200: {  	v15 =	vsub.f32 v6, v15;
	v16 =	vsub.f32 v6, v16;
	v24 =	vld [tilespmem:s29+$0x14040]  }
0x201: {  	v26 =	vld [tilespmem:s29+$0x10050];
	v48 =	vunpack.i.l.bf16.f32 v35;
	v19 =	vadd.f32 v20, v19;
	v18 =	vadd.f32 v22, v18  }
0x202: {  	v50 =	vunpack.i.u.bf16.f32 v35;
	v15 =	vadd.f32 v15, v17;
	v17 =	vld [tilespmem:s26+$0xC260];
	v16 =	vadd.f32 v21, v16  }
0x203: {  	v51 =	vunpack.i.l.bf16.f32 v47;
	v20 =	vld [tilespmem:s26+$0xC270];
	v19 =	vsub.f32 v6, v19;
	v21 =	vsub.f32 v6, v18  }
0x204: {  	v53 =	vld [tilespmem:s29+$0x120A0];
	v18 =	vunpack.i.l.bf16.f32 v25;
	v25 =	vunpack.i.u.bf16.f32 v25;
	v22 =	vunpack.i.l.bf16.f32 v23  }
0x205: {  	v28 =	vld [tilespmem:s29+$0x12050];
	v27 =	vunpack.i.l.bf16.f32 v24;
	v18 =	vmul.f32 v7, v18;
	v22 =	vmul.f32 v8, v22  }
0x206: {  	v23 =	vunpack.i.u.bf16.f32 v23;
	v25 =	vmul.f32 v7, v25;
	v27 =	vmul.f32 v9, v27  }
0x207: {  	v55 =	vld [tilespmem:s29+$0x140A0];
	v23 =	vmul.f32 v8, v23;
	v22 =	vadd.f32 v22, v18;
	v18 =	vadd.f32 v19, v17  }
0x208: {  	v17 =	vadd.f32 v20, v21;
	v19 =	vunpack.i.u.bf16.f32 v24;
	v20 =	vld [tilespmem:s29+$0x14050];
	v24 =	vunpack.i.l.bf16.f32 v26  }
0x209: {  	v59 =	vld [tilespmem:s29+$0x100B0];
	v58 =	vunpack.i.l.bf16.f32 v53;
	v19 =	vmul.f32 v9, v19;
	v24 =	vmul.f32 v7, v24  }
0x20a: {  	v40 =	vld [tilespmem:s29+$0x120B0];
	v21 =	vadd.f32 v27, v22;
	v22 =	vadd.f32 v23, v25;
	v25 =	vunpack.i.l.bf16.f32 v28  }
0x20b: {  	v23 =	vunpack.i.u.bf16.f32 v26;
	v26 =	vld [tilespmem:s26+$0xC280];
	v27 =	vunpack.i.u.bf16.f32 v28;
	v25 =	vmul.f32 v8, v25  }
0x20c: {  	v23 =	vmul.f32 v7, v23;
	v27 =	vmul.f32 v8, v27;
	v19 =	vadd.f32 v19, v22;
	v22 =	vld [tilespmem:s26+$0xC290]  }
0x20d: {  	v28 =	vunpack.i.u.bf16.f32 v20;
	v20 =	vunpack.i.l.bf16.f32 v20;
	v24 =	vadd.f32 v25, v24;
	v25 =	vld [tilespmem:s29+$0x10060]  }
0x20e: {  	v23 =	vadd.f32 v27, v23;
	v20 =	vmul.f32 v9, v20;
	v27 =	vmul.f32 v9, v28;
	v28 =	vld [tilespmem:s29+$0x12060]  }
0x20f: {  	v39 =	vunpack.i.l.bf16.f32 v55;
	v35 =	vunpack.i.u.bf16.f32 v53;
	v21 =	vsub.f32 v6, v21  }
0x210: {  	v30 =	vld [tilespmem:s29+$0x10070];
	v63 =	vunpack.i.u.bf16.f32 v59;
	v19 =	vsub.f32 v6, v19;
	v24 =	vadd.f32 v20, v24  }
0x211: {  	v42 =	vunpack.i.l.bf16.f32 v59;
	v23 =	vadd.f32 v27, v23;
	v27 =	vld [tilespmem:s29+$0x14060];
	v20 =	vadd.f32 v21, v26  }
0x212: {  	v43 =	vunpack.i.l.bf16.f32 v40;
	v21 =	vld [tilespmem:s26+$0xC2A0];
	v19 =	vadd.f32 v22, v19;
	v22 =	vsub.f32 v6, v24  }
0x213: {  	v24 =	vld [tilespmem:s26+$0xC2B0];
	v26 =	vunpack.i.u.bf16.f32 v25;
	v25 =	vunpack.i.l.bf16.f32 v25;
	v29 =	vunpack.i.l.bf16.f32 v28  }
0x214: {  	v31 =	vld [tilespmem:s29+$0x12070];
	v28 =	vunpack.i.u.bf16.f32 v28;
	v25 =	vmul.f32 v7, v25;
	v29 =	vmul.f32 v8, v29  }
0x215: {  	v33 =	vld [tilespmem:s29+$0x14070];
	v23 =	vsub.f32 v6, v23;
	v26 =	vmul.f32 v7, v26;
	v28 =	vmul.f32 v8, v28  }
0x216: {  	v32 =	vunpack.i.l.bf16.f32 v27;
	v27 =	vunpack.i.u.bf16.f32 v27;
	v25 =	vadd.f32 v29, v25  }
0x217: {  	v29 =	vmul.f32 v9, v32;
	v26 =	vadd.f32 v28, v26;
	v27 =	vmul.f32 v9, v27  }
0x218: {  	v52 =	vmul.f32 v9, v51;
	v21 =	vadd.f32 v22, v21;
	v28 =	vld [tilespmem:s26+$0xC2D0];
	v22 =	vadd.f32 v24, v23  }
0x219: {  	v24 =	vld [tilespmem:s26+$0xC2C0];
	v23 =	vadd.f32 v29, v25;
	v25 =	vadd.f32 v27, v26;
	v26 =	vunpack.i.l.bf16.f32 v30  }
0x21a: {  	v27 =	vunpack.i.l.bf16.f32 v31;
	v29 =	vunpack.i.l.bf16.f32 v33;
	v30 =	vunpack.i.u.bf16.f32 v30  }
0x21b: {  	v44 =	vld [tilespmem:s29+$0x10080];
	v31 =	vunpack.i.u.bf16.f32 v31;
	v26 =	vmul.f32 v7, v26;
	v27 =	vmul.f32 v8, v27  }
0x21c: {  	v29 =	vmul.f32 v9, v29;
	v23 =	vsub.f32 v6, v23;
	v25 =	vsub.f32 v6, v25  }
0x21d: {  	v26 =	vadd.f32 v27, v26;
	v27 =	vmul.f32 v7, v30;
	v30 =	vmul.f32 v8, v31;
	v31 =	vld [tilespmem:s29+$0x12080]  }
0x21e: {  	v33 =	vunpack.i.u.bf16.f32 v33;
	v24 =	vadd.f32 v23, v24;
	v23 =	vadd.f32 v28, v25  }
0x21f: {  	v25 =	vld [tilespmem:s29+$0x14080];
	v26 =	vadd.f32 v29, v26;
	v27 =	vadd.f32 v30, v27;
	v29 =	vmul.f32 v9, v33  }
0x220: {  	v39 =	vmul.f32 v9, v39;
	v35 =	vmul.f32 v8, v35;
	v32 =	vunpack.i.l.bf16.f32 v44;
	v28 =	vld [tilespmem:s26+$0xC2E0]  }
0x221: {  	v32 =	vmul.f32 v7, v32;
	v30 =	vunpack.i.u.bf16.f32 v44;
	v27 =	vadd.f32 v29, v27  }
0x222: {  	v30 =	vmul.f32 v7, v30;
	v26 =	vsub.f32 v6, v26;
	v29 =	vld [tilespmem:s26+$0xC2F0];
	v45 =	vunpack.i.l.bf16.f32 v31  }
0x223: {  	v34 =	vld [tilespmem:s29+$0x10090];
	v31 =	vunpack.i.u.bf16.f32 v31;
	v33 =	vmul.f32 v8, v45;
	v27 =	vsub.f32 v6, v27  }
0x224: {  	v31 =	vmul.f32 v8, v31;
	v36 =	vunpack.i.u.bf16.f32 v25;
	v25 =	vunpack.i.l.bf16.f32 v25  }
0x225: {  	v26 =	vadd.f32 v26, v28;
	v46 =	vmul.f32 v9, v25;
	v32 =	vadd.f32 v33, v32  }
0x226: {  	v60 =	vld [tilespmem:s29+$0x140B0];
	v30 =	vadd.f32 v31, v30;
	v31 =	vmul.f32 v9, v36;
	v36 =	vunpack.i.u.bf16.f32 v47  }
0x227: {  	v49 =	vld [tilespmem:s26+$0xC310];
	v25 =	vadd.f32 v29, v27;
	v54 =	vmul.f32 v9, v36;
	v36 =	vmul.f32 v7, v42  }
0x228: {  	v29 =	vld [tilespmem:s26+$0xC300];
	v27 =	vadd.f32 v46, v32;
	v28 =	vadd.f32 v31, v30;
	v30 =	vunpack.i.u.bf16.f32 v34  }
0x229: {  	v37 =	vld [tilespmem:s29+$0x100A0];
	v31 =	vunpack.i.l.bf16.f32 v34;
	v34 =	vmul.f32 v8, v50;
	v30 =	vmul.f32 v7, v30  }
0x22a: {  	v45 =	vunpack.i.u.bf16.f32 v40;
	v42 =	vld [tilespmem:s29+$0x100D0];
	v32 =	vmul.f32 v8, v48;
	v31 =	vmul.f32 v7, v31  }
0x22b: {  	v47 =	vunpack.i.u.bf16.f32 v60;
	v50 =	vld [tilespmem:s29+$0x120C0];
	v27 =	vsub.f32 v6, v27;
	v30 =	vadd.f32 v34, v30  }
0x22c: {  	v38 =	vsub.f32 v6, v28;
	v31 =	vadd.f32 v32, v31;
	v34 =	vmul.f32 v8, v58  }
0x22d: {  	v56 =	vld [tilespmem:s26+$0xC330];
	v32 =	vunpack.i.l.bf16.f32 v60;
	v28 =	vadd.f32 v27, v29;
	v30 =	vadd.f32 v54, v30  }
0x22e: {  	v29 =	vld [tilespmem:s26+$0xC320];
	v27 =	vadd.f32 v49, v38;
	v32 =	vmul.f32 v9, v32;
	v49 =	vmul.f32 v9, v47  }
0x22f: {  	v31 =	vadd.f32 v52, v31;
	v57 =	vsub.f32 v6, v30;
	v30 =	vunpack.i.l.bf16.f32 v37  }
0x230: {  	v48 =	vld [tilespmem:s29+$0x100C0];
	v59 =	vunpack.i.u.bf16.f32 v42;
	v41 =	vunpack.i.l.bf16.f32 v50;
	v30 =	vmul.f32 v7, v30  }
0x231: {  	v40 =	vunpack.i.u.bf16.f32 v50;
	v31 =	vsub.f32 v6, v31;
	v37 =	vunpack.i.u.bf16.f32 v37  }
0x232: {  	v41 =	vmul.f32 v8, v41;
	v37 =	vmul.f32 v7, v37;
	v34 =	vadd.f32 v34, v30  }
0x233: {  	v40 =	vmul.f32 v8, v40;
	v30 =	vadd.f32 v31, v29;
	v29 =	vadd.f32 v56, v57  }
0x234: {  	v31 =	vunpack.i.u.bf16.f32 v55;
	v62 =	vadd.f32 v35, v37;
	v37 =	vmul.f32 v8, v43  }
0x235: {  	v51 =	vld [tilespmem:s29+$0x140C0];
	v35 =	vmul.f32 v7, v63;
	v55 =	vunpack.i.u.bf16.f32 v48;
	v31 =	vmul.f32 v9, v31  }
0x236: {  	v43 =	vld [tilespmem:s29+$0x120D0];
	v38 =	vmul.f32 v7, v55;
	v61 =	vadd.f32 v39, v34;
	v39 =	vmul.f32 v8, v45  }
0x237: {  	v44 =	vld [tilespmem:s26+$0xC340];
	v36 =	vadd.f32 v37, v36;
	v37 =	vunpack.i.l.bf16.f32 v48;
	v31 =	vadd.f32 v31, v62  }
0x238: {  	v46 =	vld [tilespmem:s26+$0xC350];
	v37 =	vmul.f32 v7, v37;
	v38 =	vadd.f32 v40, v38;
	v35 =	vadd.f32 v39, v35  }
0x239: {  	v60 =	vunpack.i.l.bf16.f32 v42;
	v55 =	vld [tilespmem:s29+$0x120E0];
	v33 =	vsub.f32 v6, v61;
	v36 =	vadd.f32 v32, v36  }
0x23a: {  	v45 =	vld [tilespmem:s29+$0x140D0];
	v39 =	vunpack.i.u.bf16.f32 v51;
	v31 =	vsub.f32 v6, v31;
	v37 =	vadd.f32 v41, v37  }
0x23b: {  	v39 =	vmul.f32 v9, v39;
	v61 =	vunpack.i.u.bf16.f32 v43;
	v35 =	vadd.f32 v49, v35  }
0x23c: {  	v62 =	vunpack.i.l.bf16.f32 v43;
	v32 =	vadd.f32 v33, v44;
	v53 =	vsub.f32 v6, v36  }
0x23d: {  	v52 =	vld [tilespmem:s26+$0xC360];
	v44 =	vunpack.i.l.bf16.f32 v51;
	v40 =	vmul.f32 v8, v62;
	v51 =	vmin.f32 v12, v11  }
0x23e: {  	v41 =	vunpack.i.u.bf16.f32 v55;
	v31 =	vadd.f32 v46, v31;
	v56 =	vmul.f32 v9, v44  }
0x23f: {  	v54 =	vld [tilespmem:s26+$0xC370];
	v58 =	vadd.f32 v39, v38;
	v63 =	vunpack.i.u.bf16.f32 v45;
	v49 =	vunpack.i.l.bf16.f32 v45  }
0x240: {  	v38 =	vmul.f32 v7, v60;
	v39 =	vmul.f32 v8, v61;
	v45 =	vmin.f32 v51, v14  }
0x241: {  	v60 =	vunpack.i.l.bf16.f32 v55;
	v41 =	vmul.f32 v8, v41;
	v35 =	vsub.f32 v6, v35  }
0x242: {  	v50 =	vld [tilespmem:s26+$0xC390];
	v34 =	vadd.f32 v53, v52;
	v52 =	vmul.f32 v9, v49;
	v45 =	vmin.f32 v45, v13  }
0x243: {  	v48 =	vld [tilespmem:s26+$0xC380];
	v57 =	vadd.f32 v56, v37;
	v37 =	vmul.f32 v7, v59;
	v38 =	vadd.f32 v40, v38  }
0x244: {  	v53 =	vld [tilespmem:s29+$0x100E0];
	v56 =	vmin.f32 v45, v15;
	v33 =	vadd.f32 v54, v35;
	v54 =	vmul.f32 v9, v63  }
0x245: {  	v37 =	vadd.f32 v39, v37;
	v35 =	vsub.f32 v6, v57;
	v57 =	vmin.f32 v56, v16  }
0x246: {  	v44 =	vmul.f32 v8, v60;
	v46 =	vsub.f32 v6, v58;
	v58 =	vld [tilespmem:s29+$0x140E0];
	v39 =	vmin.f32 v57, v18  }
0x247: {  	v38 =	vadd.f32 v52, v38;
	v37 =	vadd.f32 v54, v37;
	v39 =	vmin.f32 v39, v17  }
0x248: {  	v61 =	vld [tilespmem:s26+$0xC3A0];
	v36 =	vadd.f32 v35, v48;
	v35 =	vadd.f32 v50, v46;
	v39 =	vmin.f32 v39, v20  }
0x249: {  	v63 =	vld [tilespmem:s29+$0x100F0];
	v38 =	vsub.f32 v6, v38;
	v59 =	vunpack.i.l.bf16.f32 v53;
	v39 =	vmin.f32 v39, v19  }
0x24a: {  	v43 =	vunpack.i.u.bf16.f32 v53;
	v42 =	vmul.f32 v7, v59;
	v39 =	vmin.f32 v39, v21  }
0x24b: {  	v52 =	vld [tilespmem:s29+$0x140F0];
	v47 =	vunpack.i.l.bf16.f32 v58;
	v43 =	vmul.f32 v7, v43;
	v39 =	vmin.f32 v39, v22  }
0x24c: {  	v62 =	vld [tilespmem:s26+$0xC3B0];
	v40 =	vunpack.i.u.bf16.f32 v58;
	v37 =	vsub.f32 v6, v37;
	v39 =	vmin.f32 v39, v24  }
0x24d: {  	v47 =	vmul.f32 v9, v47;
	v40 =	vmul.f32 v9, v40;
	v39 =	vmin.f32 v39, v23  }
0x24e: {  	v48 =	vld [tilespmem:s29+$0x120F0];
	v38 =	vadd.f32 v38, v61;
	v53 =	vunpack.i.l.bf16.f32 v63;
	v39 =	vmin.f32 v39, v26  }
0x24f: {  	v42 =	vadd.f32 v44, v42;
	v41 =	vadd.f32 v41, v43;
	v39 =	vmin.f32 v39, v25  }
0x250: {  	v44 =	vunpack.i.u.bf16.f32 v63;
	v56 =	vunpack.i.l.bf16.f32 v52;
	v39 =	vmin.f32 v39, v28  }
0x251: {  	v43 =	vunpack.i.u.bf16.f32 v52;
	v37 =	vadd.f32 v62, v37;
	v39 =	vmin.f32 v39, v27  }
0x252: {  	v44 =	vmul.f32 v7, v44;
	v40 =	vadd.f32 v40, v41;
	v39 =	vmin.f32 v39, v30  }
0x253: {  	v54 =	vunpack.i.l.bf16.f32 v48;
	v41 =	vmul.f32 v7, v53;
	v39 =	vmin.f32 v39, v29  }
0x254: {  	v55 =	vunpack.i.u.bf16.f32 v48;
	v45 =	vmul.f32 v8, v54;
	v39 =	vmin.f32 v39, v32  }
0x255: {  	v57 =	vld [tilespmem:s26+$0xC3C0];
	v42 =	vadd.f32 v47, v42;
	v46 =	vmul.f32 v8, v55;
	v39 =	vmin.f32 v39, v31  }
0x256: {  	v58 =	vld [tilespmem:s26+$0xC3D0];
	v47 =	vmul.f32 v9, v56;
	v41 =	vadd.f32 v45, v41;
	v39 =	vmin.f32 v39, v34  }
0x257: {  	v59 =	vld [tilespmem:s26+$0xC3E0];
	v43 =	vmul.f32 v9, v43;
	v44 =	vadd.f32 v46, v44;
	v39 =	vmin.f32 v39, v33  }
0x258: {  	v60 =	vld [tilespmem:s26+$0xC3F0];
	v42 =	vsub.f32 v6, v42;
	v41 =	vadd.f32 v47, v41;
	v39 =	vmin.f32 v39, v36  }
0x259: {  	v40 =	vsub.f32 v6, v40;
	v43 =	vadd.f32 v43, v44;
	v39 =	vmin.f32 v39, v35  }
0x25a: {  	v42 =	vadd.f32 v42, v57;
	v61 =	vsub.f32 v6, v41;
	v39 =	vmin.f32 v39, v38  }
0x25b: {  	v41 =	vadd.f32 v58, v40;
	v43 =	vsub.f32 v6, v43;
	v39 =	vmin.f32 v39, v37  }
0x25c: {  	v40 =	vadd.f32 v61, v59;
	v62 =	vmin.f32 v39, v42  }
0x25d: {  	v39 =	vadd.f32 v60, v43;
	v63 =	vmin.f32 v62, v41  }
0x25e: {  	v43 =	vmin.f32 v63, v40  }
0x25f: {  	v43 =	vmin.f32 v43, v39  }
0x260: {  	vm2 =	vlt.f32 v43, v10  }
0x261: {  	v43 =	vsel vm2, $0x3F800000, v2  }
0x262: {  	(xrf0) =	vmax.scan.msk.f32 $0xffff, v43;
	_ =	sdelay $0x5  }
0x263: {  	v43, _, _ =	vpop (xrf0)  }
0x264: {  	(v2sf) =	vpush v43, $0xF;
	_ =	sdelay $0xe  }
0x265: {  	s3 =	spop (v2sf)  }
0x266: {  	p0 =	sgt.f32 s3, $0.0e+00  }
.Ltmp8:
0x267: {  	_ = 	snop;
	(pc) =	sbr.rel @!p0 .LBB2_10-.Ltmp8, $1  }
0x268: {  	_ =	sdelay $0x3  }
0x269: {  	s3 =	sor.u32 s22, s28  }
0x26a: {  	v10 =	vor.u32 s3, v3;
	s4 =	sor.u32 $0x10, s3  }
0x26b: {  	s31 =	sor.u32 $0x20, s3;
	(xrf1) =	vsort.ascd.msk.f32 $0xffff, v12, v10;
	v10 =	vor.u32 s4, v3  }
0x26c: {  	s12 =	sor.u32 $0x30, s3;
	(xrf1) =	vsort.ascd.msk.f32 $0xffff, v11, v10;
	v10 =	vor.u32 s31, v3  }
0x26d: {  	s14 =	sor.u32 $0x40, s3;
	(xrf1) =	vsort.ascd.msk.f32 $0xffff, v14, v10;
	v10 =	vor.u32 s12, v3  }
0x26e: {  	s26 =	sor.u32 $0x50, s3;
	(xrf1) =	vsort.ascd.msk.f32 $0xffff, v13, v10;
	v10 =	vor.u32 s14, v3  }
0x26f: {  	s28 =	sor.u32 $0x60, s3;
	(xrf1) =	vsort.ascd.msk.f32 $0xffff, v15, v10;
	v10 =	vor.u32 s26, v3  }
0x270: {  	s29 =	sor.u32 $0x70, s3;
	(xrf1) =	vsort.ascd.msk.f32 $0xffff, v16, v10;
	v10 =	vor.u32 s28, v3  }
0x271: {  	s30 =	sor.u32 $0x80, s3;
	(xrf1) =	vsort.ascd.msk.f32 $0xffff, v18, v10;
	v10 =	vor.u32 s29, v3  }
0x272: {  	s31 =	sor.u32 $0x90, s3;
	(xrf1) =	vsort.ascd.msk.f32 $0xffff, v17, v10;
	v10 =	vor.u32 s30, v3  }
0x273: {  	s12 =	sor.u32 $0xA0, s3;
	(xrf1) =	vsort.ascd.msk.f32 $0xffff, v20, v10;
	v10 =	vor.u32 s31, v3  }
0x274: {  	s14 =	sor.u32 $0xB0, s3;
	(xrf1) =	vsort.ascd.msk.f32 $0xffff, v19, v10;
	v10 =	vor.u32 s12, v3  }
0x275: {  	s26 =	sor.u32 $0xC0, s3;
	(xrf1) =	vsort.ascd.msk.f32 $0xffff, v21, v10;
	v10 =	vor.u32 s14, v3  }
0x276: {  	s28 =	sor.u32 $0xD0, s3;
	(xrf1) =	vsort.ascd.msk.f32 $0xffff, v22, v10;
	v10 =	vor.u32 s26, v3  }
0x277: {  	s29 =	sor.u32 $0xE0, s3;
	(xrf1) =	vsort.ascd.msk.f32 $0xffff, v24, v10;
	v10 =	vor.u32 s28, v3  }
0x278: {  	s30 =	sor.u32 $0xF0, s3;
	(xrf1) =	vsort.ascd.msk.f32 $0xffff, v23, v10;
	v10 =	vor.u32 s29, v3  }
0x279: {  	s31 =	sor.u32 $0x100, s3;
	(xrf1) =	vsort.ascd.msk.f32 $0xffff, v26, v10;
	v10 =	vor.u32 s30, v3  }
0x27a: {  	s12 =	sor.u32 $0x110, s3;
	v11, v12, _ =	vpop (xrf1);
	(xrf1) =	vsort.ascd.msk.f32 $0xffff, v25, v10;
	v10 =	vor.u32 s31, v3  }
0x27b: {  	s14 =	sor.u32 $0x120, s3;
	v63, v14, _ =	vpop (xrf1);
	(xrf1) =	vsort.ascd.msk.f32 $0xffff, v28, v10;
	v10 =	vor.u32 s12, v3  }
0x27c: {  	s26 =	sor.u32 $0x130, s3;
	(xrf1) =	vsort.ascd.msk.f32 $0xffff, v27, v10;
	v10 =	vor.u32 s14, v3  }
0x27d: {  	s28 =	sor.u32 $0x140, s3;
	v15, v48, _ =	vpop (xrf1);
	(xrf1) =	vsort.ascd.msk.f32 $0xffff, v30, v10;
	v10 =	vor.u32 s26, v3  }
0x27e: {  	s29 =	sor.u32 $0x150, s3;
	v50, v49, _ =	vpop (xrf1);
	(xrf1) =	vsort.ascd.msk.f32 $0xffff, v29, v10;
	v10 =	vor.u32 s28, v3  }
0x27f: {  	s30 =	sor.u32 $0x160, s3;
	v51, v20, _ =	vpop (xrf1);
	(xrf1) =	vsort.ascd.msk.f32 $0xffff, v32, v10;
	v10 =	vor.u32 s29, v3  }
0x280: {  	s31 =	sor.u32 $0x170, s3;
	v52, v53, _ =	vpop (xrf1);
	(xrf1) =	vsort.ascd.msk.f32 $0xffff, v31, v10;
	v10 =	vor.u32 s30, v3  }
0x281: {  	s12 =	sor.u32 $0x180, s3;
	v23, v24, _ =	vpop (xrf1);
	(xrf1) =	vsort.ascd.msk.f32 $0xffff, v34, v10;
	v10 =	vor.u32 s31, v3  }
0x282: {  	s14 =	sor.u32 $0x190, s3;
	v55, v54, _ =	vpop (xrf1);
	(xrf1) =	vsort.ascd.msk.f32 $0xffff, v33, v10;
	v10 =	vor.u32 s12, v3  }
0x283: {  	s26 =	sor.u32 $0x1A0, s3;
	v27, v28, _ =	vpop (xrf1);
	(xrf1) =	vsort.ascd.msk.f32 $0xffff, v36, v10;
	v10 =	vor.u32 s14, v3  }
0x284: {  	s28 =	sor.u32 $0x1B0, s3;
	v57, v56, _ =	vpop (xrf1);
	(xrf1) =	vsort.ascd.msk.f32 $0xffff, v35, v10;
	v10 =	vor.u32 s26, v3  }
0x285: {  	v60 =	vmul.u32 $0xFFFFFFFF, v3;
	s29 =	sor.u32 $0x1C0, s3;
	v31, v32, _ =	vpop (xrf1);
	(xrf1) =	vsort.ascd.msk.f32 $0xffff, v38, v10;
	v10 =	vor.u32 s28, v3  }
0x286: {  	v59, v58, _ =	vpop (xrf1);
	(xrf1) =	vsort.ascd.msk.f32 $0xffff, v37, v10;
	v10 =	vor.u32 s29, v3  }
0x287: {  	v36, v38, _ =	vpop (xrf1);
	(xrf1) =	vsort.ascd.msk.f32 $0xffff, v42, v10;
	v10 =	vadd.s32 $0xF, v60  }
0x288: {  	v13 =	vperm.xlane v63, v10  }
0x289: {  	s30 =	sor.u32 $0x1D0, s3;
	v14 =	vperm.xlane v14, v10;
	v17 =	vperm.xlane v50, v10  }
0x28a: {  	v61 =	vor.u32 s30, v3;
	s31 =	sor.u32 $0x1E0, s3;
	v21 =	vperm.xlane v52, v10;
	v50 =	vperm.xlane v54, v10  }
0x28b: {  	s3 =	sor.u32 $0x1F0, s3;
	v62 =	vor.u32 s31, v3;
	v37, v43, _ =	vpop (xrf1);
	(xrf1) =	vsort.ascd.msk.f32 $0xffff, v41, v61;
	v56 =	vperm.xlane v56, v10;
	v58 =	vperm.xlane v58, v10  }
0x28c: {  	v35, v44, _ =	vpop (xrf1);
	v63 =	vor.u32 s3, v3;
	v33 =	vperm.xlane v43, v10;
	(xrf1) =	vsort.ascd.msk.f32 $0xffff, v40, v62;
	v40 =	vperm.xlane v49, v10  }
0x28d: {  	v49 =	vperm.xlane v55, v10;
	v62 =	vperm.xlane v37, v10;
	vm2 =	vlt.f32 v13, v11  }
0x28e: {  	v41, v42, _ =	vpop (xrf1);
	(xrf1) =	vsort.ascd.msk.f32 $0xffff, v39, v63;
	v11 =	vsel vm2, v13, v11;
	v12 =	vsel vm2, v14, v12  }
0x28f: {  	v34 =	vperm.xlane v41, v10;
	vm2 =	vlt.f32 v17, v15;
	v14, v18, _ =	vpop (xrf1);
	(xrf1) =	vsort.ascd.msk.f32 $0xffff, v11, v12  }
0x290: {  	v11 =	vsel vm2, v17, v15;
	v45 =	vsel vm2, v40, v48;
	v48 =	vperm.xlane v53, v10  }
0x291: {  	vm2 =	vlt.f32 v21, v51;
	v53 =	vperm.xlane v57, v10;
	v57 =	vperm.xlane v59, v10  }
0x292: {  	v47, v46, _ =	vpop (xrf1);
	(xrf1) =	vsort.ascd.msk.f32 $0xffff, v11, v45;
	v11 =	vsel vm2, v21, v51;
	v16 =	vsel vm2, v48, v20  }
0x293: {  	v51, v52, _ =	vpop (xrf1);
	vm2 =	vlt.f32 v49, v23;
	v13 =	vperm.xlane v47, v10;
	(xrf1) =	vsort.ascd.msk.f32 $0xffff, v11, v16  }
0x294: {  	v11 =	vsel vm2, v49, v23;
	v12 =	vsel vm2, v50, v24;
	vm2 =	vlt.f32 v53, v27  }
0x295: {  	v54, v55, _ =	vpop (xrf1);
	(xrf1) =	vsort.ascd.msk.f32 $0xffff, v11, v12;
	v11 =	vsel vm2, v53, v27;
	v59 =	vsel vm2, v56, v28  }
0x296: {  	v15 =	vperm.xlane v46, v10;
	v61, v60, _ =	vpop (xrf1);
	vm2 =	vlt.f32 v57, v31;
	(xrf1) =	vsort.ascd.msk.f32 $0xffff, v11, v59  }
0x297: {  	v11 =	vsel vm2, v57, v31;
	v12 =	vsel vm2, v58, v32;
	vm2 =	vlt.f32 v62, v36  }
0x298: {  	v16 =	vperm.xlane v54, v10;
	v63, v32, _ =	vpop (xrf1);
	(xrf1) =	vsort.ascd.msk.f32 $0xffff, v11, v12;
	v11 =	vsel vm2, v62, v36  }
0x299: {  	v36 =	vperm.xlane v42, v10;
	v37 =	vsel vm2, v33, v38;
	v42 =	vperm.xlane v55, v10  }
0x29a: {  	v39, v38, _ =	vpop (xrf1);
	vm2 =	vlt.f32 v34, v35;
	v46 =	vperm.xlane v63, v10;
	v49 =	vperm.xlane v32, v10  }
0x29b: {  	(xrf1) =	vsort.ascd.msk.f32 $0xffff, v11, v37;
	v11 =	vsel vm2, v34, v35;
	v40, v41, _ =	vpop (xrf1);
	v12 =	vsel vm2, v36, v44  }
0x29c: {  	vm2 =	vlt.f32 v13, v14;
	v50 =	vperm.xlane v40, v10;
	(xrf1) =	vsort.ascd.msk.f32 $0xffff, v11, v12  }
0x29d: {  	v11 =	vsel vm2, v13, v14;
	v43 =	vsel vm2, v15, v18;
	vm2 =	vlt.f32 v16, v51  }
0x29e: {  	v44, v45, _ =	vpop (xrf1);
	(xrf1) =	vsort.ascd.msk.f32 $0xffff, v11, v43;
	v11 =	vsel vm2, v16, v51;
	v12 =	vsel vm2, v42, v52  }
0x29f: {  	v47, v48, _ =	vpop (xrf1);
	vm2 =	vlt.f32 v46, v61;
	v51 =	vperm.xlane v41, v10;
	(xrf1) =	vsort.ascd.msk.f32 $0xffff, v11, v12  }
0x2a0: {  	v11 =	vsel vm2, v46, v61;
	v52 =	vsel vm2, v49, v60;
	vm2 =	vlt.f32 v50, v39  }
0x2a1: {  	v13 =	vperm.xlane v47, v10;
	v16 =	vperm.xlane v48, v10;
	v19 =	vsel vm2, v50, v39  }
0x2a2: {  	v54, v53, _ =	vpop (xrf1);
	v12 =	vsel vm2, v51, v38  }
0x2a3: {  	(xrf1) =	vsort.ascd.msk.f32 $0xffff, v11, v52;
	vm2 =	vlt.f32 v13, v44;
	v11, v17, _ =	vpop (xrf1)  }
0x2a4: {  	v13 =	vsel vm2, v13, v44;
	v55, v56, _ =	vpop (xrf1)  }
0x2a5: {  	v57 =	vsel vm2, v16, v45;
	(xrf1) =	vsort.ascd.msk.f32 $0xffff, v19, v12;
	v11 =	vperm.xlane v11, v10;
	v12, v19, _ =	vpop (xrf1)  }
0x2a6: {  	v17 =	vperm.xlane v17, v10;
	(xrf1) =	vsort.ascd.msk.f32 $0xffff, v13, v57;
	v15, v16, _ =	vpop (xrf1)  }
0x2a7: {  	vm2 =	vlt.f32 v11, v54;
	v12 =	vperm.xlane v12, v10;
	v58 =	vperm.xlane v19, v10;
	v13, v14, _ =	vpop (xrf1)  }
0x2a8: {  	v11 =	vsel vm2, v11, v54;
	v17 =	vsel vm2, v17, v53;
	v13 =	vperm.xlane v13, v10  }
0x2a9: {  	(xrf1) =	vsort.ascd.msk.f32 $0xffff, v11, v17;
	vm2 =	vlt.f32 v12, v55;
	v11 =	vperm.xlane v14, v10  }
0x2aa: {  	v12 =	vsel vm2, v12, v55;
	v59 =	vsel vm2, v58, v56;
	vm2 =	vlt.f32 v13, v15  }
0x2ab: {  	v11 =	vsel vm2, v11, v16  }
0x2ac: {  	v60, v61, _ =	vpop (xrf1)  }
0x2ad: {  	v23, v63, _ =	vpop (xrf1);
	(xrf1) =	vsort.ascd.msk.f32 $0xffff, v12, v59;
	v62 =	vsel vm2, v13, v15  }
0x2ae: {  	v13 =	vperm.xlane v23, v10;
	(xrf1) =	vsort.ascd.msk.f32 $0xffff, v62, v11;
	v11, v12, _ =	vpop (xrf1)  }
0x2af: {  	v14 =	vperm.xlane v63, v10;
	v24, v25, _ =	vpop (xrf1)  }
0x2b0: {  	vm2 =	vlt.f32 v13, v60;
	v15 =	vperm.xlane v24, v10  }
0x2b1: {  	v14 =	vsel vm2, v14, v61;
	v16 =	vperm.xlane v25, v10  }
0x2b2: {  	v13 =	vsel vm2, v13, v60;
	v27, v26, _ =	vpop (xrf1);
	vm2 =	vlt.f32 v15, v11  }
0x2b3: {  	v28, v29, _ =	vpop (xrf1);
	v12 =	vsel vm2, v16, v12  }
0x2b4: {  	v30, v31, _ =	vpop (xrf1);
	v21 =	vperm.xlane v28, v10;
	v11 =	vsel vm2, v15, v11  }
0x2b5: {  	(xrf1) =	vsort.ascd.msk.f32 $0xffff, v13, v14;
	v22 =	vperm.xlane v29, v10;
	v13, v14, _ =	vpop (xrf1)  }
0x2b6: {  	v32, v33, _ =	vpop (xrf1);
	vm2 =	vlt.f32 v21, v27;
	v13 =	vperm.xlane v13, v10  }
0x2b7: {  	(xrf1) =	vsort.ascd.msk.f32 $0xffff, v11, v12;
	v14 =	vperm.xlane v14, v10;
	v20 =	vsel vm2, v22, v26;
	v11, v12, _ =	vpop (xrf1)  }
0x2b8: {  	v19 =	vsel vm2, v21, v27;
	vm2 =	vlt.f32 v13, v30;
	v11 =	vperm.xlane v11, v10  }
0x2b9: {  	v14 =	vsel vm2, v14, v31;
	v12 =	vperm.xlane v12, v10  }
0x2ba: {  	v13 =	vsel vm2, v13, v30;
	v34, v35, _ =	vpop (xrf1);
	vm2 =	vlt.f32 v11, v32  }
0x2bb: {  	(xrf1) =	vsort.ascd.msk.f32 $0xffff, v19, v20;
	v19, v20, _ =	vpop (xrf1);
	v12 =	vsel vm2, v12, v33  }
0x2bc: {  	v36, v37, _ =	vpop (xrf1);
	v19 =	vperm.xlane v19, v10;
	v11 =	vsel vm2, v11, v32  }
0x2bd: {  	(xrf1) =	vsort.ascd.msk.f32 $0xffff, v13, v14;
	v13, v14, _ =	vpop (xrf1)  }
0x2be: {  	v20 =	vperm.xlane v20, v10;
	v38, v39, _ =	vpop (xrf1);
	vm2 =	vlt.f32 v19, v34  }
0x2bf: {  	(xrf1) =	vsort.ascd.msk.f32 $0xffff, v11, v12;
	v13 =	vperm.xlane v13, v10;
	v14 =	vperm.xlane v14, v10;
	v11, v12, _ =	vpop (xrf1)  }
0x2c0: {  	v19 =	vsel vm2, v19, v34;
	v20 =	vsel vm2, v20, v35;
	v11 =	vperm.xlane v11, v10  }
0x2c1: {  	(xrf1) =	vsort.ascd.msk.f32 $0xffff, v19, v20;
	vm2 =	vlt.f32 v13, v36;
	v12 =	vperm.xlane v12, v10  }
0x2c2: {  	v13 =	vsel vm2, v13, v36;
	v14 =	vsel vm2, v14, v37;
	vm2 =	vlt.f32 v11, v38  }
0x2c3: {  	(xrf1) =	vsort.ascd.msk.f32 $0xffff, v13, v14;
	v11 =	vsel vm2, v11, v38;
	v12 =	vsel vm2, v12, v39  }
0x2c4: {  	(xrf1) =	vsort.ascd.msk.f32 $0xffff, v11, v12;
	_ =	sdelay $0x6  }
0x2c5: {  	v11, v12, _ =	vpop (xrf1)  }
0x2c6: {  	v13, v14, _ =	vpop (xrf1)  }
0x2c7: {  	v40, v41, _ =	vpop (xrf1)  }
0x2c8: {  	v13 =	vperm.xlane v13, v10;
	v42, v43, _ =	vpop (xrf1)  }
0x2c9: {  	v14 =	vperm.xlane v14, v10;
	v19, v20, _ =	vpop (xrf1);
	v17 =	vperm.xlane v42, v10  }
0x2ca: {  	vm2 =	vlt.f32 v13, v11;
	v18 =	vperm.xlane v43, v10;
	v44, v45, _ =	vpop (xrf1)  }
0x2cb: {  	v11 =	vsel vm2, v13, v11;
	v12 =	vsel vm2, v14, v12;
	vm2 =	vlt.f32 v17, v40;
	v46, v47, _ =	vpop (xrf1)  }
0x2cc: {  	(xrf1) =	vsort.ascd.msk.f32 $0xffff, v11, v12;
	v50 =	vperm.xlane v44, v10;
	v51 =	vperm.xlane v45, v10;
	v48, v49, _ =	vpop (xrf1)  }
0x2cd: {  	v11 =	vsel vm2, v17, v40;
	v16 =	vsel vm2, v18, v41;
	v12 =	vperm.xlane v48, v10  }
0x2ce: {  	(xrf1) =	vsort.ascd.msk.f32 $0xffff, v11, v16;
	vm2 =	vlt.f32 v50, v19;
	v11 =	vperm.xlane v49, v10  }
0x2cf: {  	v52 =	vsel vm2, v50, v19;
	v53 =	vsel vm2, v51, v20;
	vm2 =	vlt.f32 v12, v46  }
0x2d0: {  	(xrf1) =	vsort.ascd.msk.f32 $0xffff, v52, v53;
	v12 =	vsel vm2, v12, v46;
	v11 =	vsel vm2, v11, v47  }
0x2d1: {  	(xrf1) =	vsort.ascd.msk.f32 $0xffff, v12, v11;
	_ =	sdelay $0xa  }
0x2d2: {  	v11, v12, _ =	vpop (xrf1)  }
0x2d3: {  	v54, v55, _ =	vpop (xrf1)  }
0x2d4: {  	v15, v16, _ =	vpop (xrf1)  }
0x2d5: {  	v13 =	vperm.xlane v54, v10;
	v56, v57, _ =	vpop (xrf1)  }
0x2d6: {  	v14 =	vperm.xlane v55, v10;
	v17 =	vperm.xlane v56, v10  }
0x2d7: {  	vm2 =	vlt.f32 v13, v11;
	v18 =	vperm.xlane v57, v10  }
0x2d8: {  	v11 =	vsel vm2, v13, v11;
	v12 =	vsel vm2, v14, v12;
	vm2 =	vlt.f32 v17, v15  }
0x2d9: {  	(xrf1) =	vsort.ascd.msk.f32 $0xffff, v11, v12;
	v11 =	vsel vm2, v17, v15;
	v58 =	vsel vm2, v18, v16  }
0x2da: {  	(xrf1) =	vsort.ascd.msk.f32 $0xffff, v11, v58;
	_ =	sdelay $0xc  }
0x2db: {  	v11, v12, _ =	vpop (xrf1)  }
0x2dc: {  	v59, v60, _ =	vpop (xrf1)  }
0x2dd: {  	v13 =	vperm.xlane v59, v10  }
0x2de: {  	v14 =	vperm.xlane v60, v10  }
0x2df: {  	vm2 =	vlt.f32 v13, v11  }
0x2e0: {  	v11 =	vsel vm2, v13, v11;
	v12 =	vsel vm2, v14, v12  }
0x2e1: {  	(xrf1) =	vsort.ascd.msk.f32 $0xffff, v11, v12;
	_ =	sdelay $0xb  }
0x2e2: {  	v11 =	vld [tilespmem:s24+$0x16180]  }
0x2e3: {  	v61 =	vld [tilespmem:s24+$0x16380]  }
0x2e4: {  	v62, v63, _ =	vpop (xrf1)  }
0x2e5: {  	v13 =	vperm.xlane v62, v10  }
0x2e6: {  	v10 =	vperm.xlane v63, v10  }
0x2e7: {  	vm2 =	vlt.f32 v13, v11  }
0x2e8: {  	v11 =	vsel vm2, v13, v11;
	v10 =	vsel vm2, v10, v61  }
0x2e9: {  	(xrf1) =	vsort.ascd.msk.f32 $0xffff, v11, v10;
	_ =	sdelay $0xd  }
0x2ea: {  	v10, v11, _ =	vpop (xrf1)  }
0x2eb: {  	(xrf0) =	vmax.scan.msk.f32 $0xffff, v10;
	_ =	sdelay $0x2  }
.Ltmp9:
0x2ec: {  	_ = 	snop;
	(pc) =	sbr.rel .LBB2_10-.Ltmp9, $3  }
0x2ed: {  	_ =	sdelay $0x1  }
0x2ee: {  	[tilespmem:s24+$0x16180] =	vst v10;
	v10, _, _ =	vpop (xrf0)  }
0x2ef: {  	[tilespmem:s24+$0x16380] =	vst v11;
	v10 =	vbroadcast v10, $0xF  }
.LBB2_13:
0x2f0: {  	s21 =	simm.s32 $0x0;
	s22 =	simm.s32 $0x40  }
.LBB2_14:
0x2f1: {  	p0 =	sne.s32 s22, $0x7C0;
	v6 =	vld [tilespmem:s21+$0x16380];
	_ =	sdelay $0x1  }
0x2f2: {  	v7 =	vld [tilespmem:s21+$0x16180];
	_ =	sdelay $0x2  }
0x2f3: {  	v8 =	vperm.xlane v6, v4  }
0x2f4: {  	vm2 =	vmneg vm0  }
0x2f5: {  	v9 =	vperm.xlane v7, v4;
	vm3 =	vgt.s32 v6, v8;
	vm4 =	vlt.s32 v6, v8  }
0x2f6: {  	vm3 =	vmand vm3, vm0;
	vm5 =	vmand vm2, vm4  }
0x2f7: {  	vm4 =	veq.f32 v7, v9;
	vm3 =	vmor vm3, vm5  }
0x2f8: {  	vm3 =	vmand vm4, vm3  }
0x2f9: {  	v6 =	vsel vm3, v8, v6  }
0x2fa: {  	v8 =	vperm.xlane v6, v5  }
0x2fb: {  	vm3 =	vmneg vm1  }
0x2fc: {  	v9 =	vperm.xlane v7, v5;
	vm5 =	vgt.s32 v6, v8;
	vm6 =	vlt.s32 v6, v8  }
0x2fd: {  	vm7 =	vmand vm3, vm5;
	vm6 =	vmand vm6, vm1  }
0x2fe: {  	vm5 =	veq.f32 v7, v9;
	vm6 =	vmor vm6, vm7  }
0x2ff: {  	vm6 =	vmand vm5, vm6  }
0x300: {  	v6 =	vsel vm6, v8, v6  }
0x301: {  	v7 =	vperm.xlane v6, v4;
	_ =	sdelay $0x1  }
0x302: {  	vm6 =	vgt.s32 v6, v7;
	vm7 =	vlt.s32 v6, v7  }
0x303: {  	vm7 =	vmand vm2, vm7;
	vm6 =	vmand vm6, vm0  }
0x304: {  	vm6 =	vmor vm6, vm7  }
0x305: {  	vm6 =	vmand vm4, vm6  }
0x306: {  	v6 =	vsel vm6, v7, v6  }
0x307: {  	v7 =	vperm.xlane v6, v5;
	_ =	sdelay $0x1  }
0x308: {  	vm6 =	vgt.s32 v6, v7;
	vm7 =	vlt.s32 v6, v7  }
0x309: {  	vm6 =	vmand vm3, vm6;
	vm7 =	vmand vm7, vm1  }
0x30a: {  	vm6 =	vmor vm7, vm6  }
0x30b: {  	vm6 =	vmand vm5, vm6  }
0x30c: {  	v6 =	vsel vm6, v7, v6  }
0x30d: {  	v7 =	vperm.xlane v6, v4;
	_ =	sdelay $0x1  }
0x30e: {  	vm6 =	vgt.s32 v6, v7;
	vm7 =	vlt.s32 v6, v7  }
0x30f: {  	vm7 =	vmand vm2, vm7;
	vm6 =	vmand vm6, vm0  }
0x310: {  	vm6 =	vmor vm6, vm7  }
0x311: {  	vm6 =	vmand vm4, vm6  }
0x312: {  	v6 =	vsel vm6, v7, v6  }
0x313: {  	v7 =	vperm.xlane v6, v5;
	_ =	sdelay $0x1  }
0x314: {  	vm6 =	vgt.s32 v6, v7;
	vm7 =	vlt.s32 v6, v7  }
0x315: {  	vm6 =	vmand vm3, vm6;
	vm7 =	vmand vm7, vm1  }
0x316: {  	vm6 =	vmor vm7, vm6  }
0x317: {  	vm6 =	vmand vm5, vm6  }
0x318: {  	v6 =	vsel vm6, v7, v6  }
0x319: {  	v7 =	vperm.xlane v6, v4;
	_ =	sdelay $0x1  }
0x31a: {  	vm6 =	vgt.s32 v6, v7;
	vm7 =	vlt.s32 v6, v7  }
0x31b: {  	vm7 =	vmand vm2, vm7;
	vm6 =	vmand vm6, vm0  }
0x31c: {  	vm6 =	vmor vm6, vm7  }
0x31d: {  	vm6 =	vmand vm4, vm6  }
0x31e: {  	v6 =	vsel vm6, v7, v6  }
0x31f: {  	v7 =	vperm.xlane v6, v5;
	_ =	sdelay $0x1  }
0x320: {  	vm6 =	vgt.s32 v6, v7;
	vm7 =	vlt.s32 v6, v7  }
0x321: {  	vm6 =	vmand vm3, vm6;
	vm7 =	vmand vm7, vm1  }
0x322: {  	vm6 =	vmor vm7, vm6  }
0x323: {  	vm6 =	vmand vm5, vm6  }
0x324: {  	v6 =	vsel vm6, v7, v6  }
0x325: {  	v7 =	vperm.xlane v6, v4;
	_ =	sdelay $0x1  }
0x326: {  	vm6 =	vgt.s32 v6, v7;
	vm7 =	vlt.s32 v6, v7  }
0x327: {  	vm7 =	vmand vm2, vm7;
	vm6 =	vmand vm6, vm0  }
0x328: {  	vm6 =	vmor vm6, vm7  }
0x329: {  	vm6 =	vmand vm4, vm6  }
0x32a: {  	v6 =	vsel vm6, v7, v6  }
0x32b: {  	v7 =	vperm.xlane v6, v5;
	_ =	sdelay $0x1  }
0x32c: {  	vm6 =	vgt.s32 v6, v7;
	vm7 =	vlt.s32 v6, v7  }
0x32d: {  	vm6 =	vmand vm3, vm6;
	vm7 =	vmand vm7, vm1  }
0x32e: {  	vm6 =	vmor vm7, vm6  }
0x32f: {  	vm6 =	vmand vm5, vm6  }
0x330: {  	v6 =	vsel vm6, v7, v6  }
0x331: {  	v7 =	vperm.xlane v6, v4;
	_ =	sdelay $0x1  }
0x332: {  	vm6 =	vgt.s32 v6, v7;
	vm7 =	vlt.s32 v6, v7  }
0x333: {  	vm7 =	vmand vm2, vm7;
	vm6 =	vmand vm6, vm0  }
0x334: {  	vm6 =	vmor vm6, vm7  }
0x335: {  	vm6 =	vmand vm4, vm6  }
0x336: {  	v6 =	vsel vm6, v7, v6  }
0x337: {  	v7 =	vperm.xlane v6, v5;
	_ =	sdelay $0x1  }
0x338: {  	vm6 =	vgt.s32 v6, v7;
	vm7 =	vlt.s32 v6, v7  }
0x339: {  	vm6 =	vmand vm3, vm6;
	vm7 =	vmand vm7, vm1  }
0x33a: {  	vm6 =	vmor vm7, vm6  }
0x33b: {  	vm6 =	vmand vm5, vm6  }
0x33c: {  	v6 =	vsel vm6, v7, v6  }
0x33d: {  	v7 =	vperm.xlane v6, v4;
	_ =	sdelay $0x1  }
0x33e: {  	vm6 =	vgt.s32 v6, v7;
	vm7 =	vlt.s32 v6, v7  }
0x33f: {  	vm7 =	vmand vm2, vm7;
	vm6 =	vmand vm6, vm0  }
0x340: {  	vm6 =	vmor vm6, vm7  }
0x341: {  	vm6 =	vmand vm4, vm6  }
0x342: {  	v6 =	vsel vm6, v7, v6  }
0x343: {  	v7 =	vperm.xlane v6, v5;
	_ =	sdelay $0x1  }
0x344: {  	vm6 =	vgt.s32 v6, v7;
	vm7 =	vlt.s32 v6, v7  }
0x345: {  	vm6 =	vmand vm3, vm6;
	vm7 =	vmand vm7, vm1  }
0x346: {  	vm6 =	vmor vm7, vm6  }
0x347: {  	vm6 =	vmand vm5, vm6  }
0x348: {  	v6 =	vsel vm6, v7, v6  }
0x349: {  	v7 =	vperm.xlane v6, v4;
	_ =	sdelay $0x1  }
0x34a: {  	vm6 =	vgt.s32 v6, v7;
	vm7 =	vlt.s32 v6, v7  }
0x34b: {  	vm7 =	vmand vm2, vm7;
	vm6 =	vmand vm6, vm0  }
0x34c: {  	vm6 =	vmor vm6, vm7  }
0x34d: {  	vm4 =	vmand vm4, vm6  }
0x34e: {  	v6 =	vsel vm4, v7, v6  }
0x34f: {  	v7 =	vperm.xlane v6, v5;
	_ =	sdelay $0x1  }
0x350: {  	vm4 =	vgt.s32 v6, v7;
	vm6 =	vlt.s32 v6, v7  }
.Ltmp10:
0x351: {  	vm4 =	vmand vm3, vm4;
	vm6 =	vmand vm6, vm1;
	(pc) =	sbr.rel @p0 .LBB2_14-.Ltmp10, $4  }
0x352: {  	vm4 =	vmor vm6, vm4  }
0x353: {  	vm4 =	vmand vm5, vm4  }
0x354: {  	v6 =	vsel vm4, v7, v6  }
0x355: {  	[tilespmem:s21+$0x16380] =	vst v6;
	s21 =	sshra.s32 s22, $0x2;
	s22 =	sadd.s32 $0x40, s22  }
0x356: {  	v6 =	vld [tilespmem:s21+$0x16380];
	_ =	sdelay $0x1  }
0x357: {  	v7 =	vld [tilespmem:s21+$0x16180];
	_ =	sdelay $0x2  }
0x358: {  	v8 =	vperm.xlane v6, v4;
	_ =	sdelay $0x1  }
0x359: {  	v9 =	vperm.xlane v7, v4;
	vm4 =	vgt.s32 v6, v8;
	vm5 =	vlt.s32 v6, v8  }
0x35a: {  	vm6 =	vmand vm4, vm0;
	vm5 =	vmand vm2, vm5  }
0x35b: {  	vm4 =	veq.f32 v7, v9;
	vm5 =	vmor vm6, vm5  }
0x35c: {  	vm5 =	vmand vm4, vm5  }
0x35d: {  	v6 =	vsel vm5, v8, v6  }
0x35e: {  	v8 =	vperm.xlane v6, v5;
	_ =	sdelay $0x1  }
0x35f: {  	v63 =	vperm.xlane v7, v5;
	vm5 =	vgt.s32 v6, v8;
	vm15 =	vlt.s32 v6, v8  }
0x360: {  	vm7 =	vmand vm3, vm5;
	vm6 =	vmand vm15, vm1  }
0x361: {  	vm5 =	veq.f32 v7, v63;
	vm6 =	vmor vm6, vm7  }
0x362: {  	vm6 =	vmand vm5, vm6  }
0x363: {  	v6 =	vsel vm6, v8, v6  }
0x364: {  	v7 =	vperm.xlane v6, v4;
	_ =	sdelay $0x1  }
0x365: {  	vm6 =	vgt.s32 v6, v7;
	vm9 =	vlt.s32 v6, v7  }
0x366: {  	vm7 =	vmand vm2, vm9;
	vm6 =	vmand vm6, vm0  }
0x367: {  	vm6 =	vmor vm6, vm7  }
0x368: {  	vm6 =	vmand vm4, vm6  }
0x369: {  	v6 =	vsel vm6, v7, v6  }
0x36a: {  	v7 =	vperm.xlane v6, v5;
	_ =	sdelay $0x1  }
0x36b: {  	vm6 =	vgt.s32 v6, v7;
	vm10 =	vlt.s32 v6, v7  }
0x36c: {  	vm6 =	vmand vm3, vm6;
	vm7 =	vmand vm10, vm1  }
0x36d: {  	vm6 =	vmor vm7, vm6  }
0x36e: {  	vm6 =	vmand vm5, vm6  }
0x36f: {  	v6 =	vsel vm6, v7, v6  }
0x370: {  	v7 =	vperm.xlane v6, v4;
	_ =	sdelay $0x1  }
0x371: {  	vm6 =	vgt.s32 v6, v7;
	vm11 =	vlt.s32 v6, v7  }
0x372: {  	vm7 =	vmand vm2, vm11;
	vm6 =	vmand vm6, vm0  }
0x373: {  	vm6 =	vmor vm6, vm7  }
0x374: {  	vm6 =	vmand vm4, vm6  }
0x375: {  	v6 =	vsel vm6, v7, v6  }
0x376: {  	v7 =	vperm.xlane v6, v5;
	_ =	sdelay $0x1  }
0x377: {  	vm6 =	vgt.s32 v6, v7;
	vm12 =	vlt.s32 v6, v7  }
0x378: {  	vm6 =	vmand vm3, vm6;
	vm7 =	vmand vm12, vm1  }
0x379: {  	vm6 =	vmor vm7, vm6  }
0x37a: {  	vm6 =	vmand vm5, vm6  }
0x37b: {  	v6 =	vsel vm6, v7, v6  }
0x37c: {  	v7 =	vperm.xlane v6, v4;
	_ =	sdelay $0x1  }
0x37d: {  	vm6 =	vgt.s32 v6, v7;
	vm13 =	vlt.s32 v6, v7  }
0x37e: {  	vm7 =	vmand vm2, vm13;
	vm6 =	vmand vm6, vm0  }
0x37f: {  	vm6 =	vmor vm6, vm7  }
0x380: {  	vm6 =	vmand vm4, vm6  }
0x381: {  	v6 =	vsel vm6, v7, v6  }
0x382: {  	v7 =	vperm.xlane v6, v5;
	_ =	sdelay $0x1  }
0x383: {  	vm6 =	vgt.s32 v6, v7;
	vm14 =	vlt.s32 v6, v7  }
0x384: {  	vm6 =	vmand vm3, vm6;
	vm7 =	vmand vm14, vm1  }
0x385: {  	vm6 =	vmor vm7, vm6  }
0x386: {  	vm6 =	vmand vm5, vm6  }
0x387: {  	v6 =	vsel vm6, v7, v6  }
0x388: {  	v7 =	vperm.xlane v6, v4;
	_ =	sdelay $0x1  }
0x389: {  	vm6 =	vgt.s32 v6, v7;
	vm15 =	vlt.s32 v6, v7  }
0x38a: {  	vm7 =	vmand vm2, vm15;
	vm6 =	vmand vm6, vm0  }
0x38b: {  	vm6 =	vmor vm6, vm7  }
0x38c: {  	vm6 =	vmand vm4, vm6  }
0x38d: {  	v6 =	vsel vm6, v7, v6  }
0x38e: {  	v7 =	vperm.xlane v6, v5;
	_ =	sdelay $0x1  }
0x38f: {  	vm6 =	vgt.s32 v6, v7;
	vm9 =	vlt.s32 v6, v7  }
0x390: {  	vm6 =	vmand vm3, vm6;
	vm7 =	vmand vm9, vm1  }
0x391: {  	vm6 =	vmor vm7, vm6  }
0x392: {  	vm6 =	vmand vm5, vm6  }
0x393: {  	v6 =	vsel vm6, v7, v6  }
0x394: {  	v7 =	vperm.xlane v6, v4;
	_ =	sdelay $0x1  }
0x395: {  	vm6 =	vgt.s32 v6, v7;
	vm10 =	vlt.s32 v6, v7  }
0x396: {  	vm7 =	vmand vm2, vm10;
	vm6 =	vmand vm6, vm0  }
0x397: {  	vm6 =	vmor vm6, vm7  }
0x398: {  	vm6 =	vmand vm4, vm6  }
0x399: {  	v6 =	vsel vm6, v7, v6  }
0x39a: {  	v7 =	vperm.xlane v6, v5;
	_ =	sdelay $0x1  }
0x39b: {  	vm6 =	vgt.s32 v6, v7;
	vm11 =	vlt.s32 v6, v7  }
0x39c: {  	vm6 =	vmand vm3, vm6;
	vm7 =	vmand vm11, vm1  }
0x39d: {  	vm6 =	vmor vm7, vm6  }
0x39e: {  	vm6 =	vmand vm5, vm6  }
0x39f: {  	v6 =	vsel vm6, v7, v6  }
0x3a0: {  	v7 =	vperm.xlane v6, v4;
	_ =	sdelay $0x1  }
0x3a1: {  	vm6 =	vgt.s32 v6, v7;
	vm12 =	vlt.s32 v6, v7  }
0x3a2: {  	vm7 =	vmand vm2, vm12;
	vm6 =	vmand vm6, vm0  }
0x3a3: {  	vm6 =	vmor vm6, vm7  }
0x3a4: {  	vm6 =	vmand vm4, vm6  }
0x3a5: {  	v6 =	vsel vm6, v7, v6  }
0x3a6: {  	v7 =	vperm.xlane v6, v5;
	_ =	sdelay $0x1  }
0x3a7: {  	vm6 =	vgt.s32 v6, v7;
	vm13 =	vlt.s32 v6, v7  }
0x3a8: {  	vm6 =	vmand vm3, vm6;
	vm7 =	vmand vm13, vm1  }
0x3a9: {  	vm6 =	vmor vm7, vm6  }
0x3aa: {  	vm6 =	vmand vm5, vm6  }
0x3ab: {  	v6 =	vsel vm6, v7, v6  }
0x3ac: {  	v7 =	vperm.xlane v6, v4;
	_ =	sdelay $0x1  }
0x3ad: {  	vm6 =	vgt.s32 v6, v7;
	vm14 =	vlt.s32 v6, v7  }
0x3ae: {  	vm2 =	vmand vm2, vm14;
	vm6 =	vmand vm6, vm0  }
0x3af: {  	vm2 =	vmor vm6, vm2  }
0x3b0: {  	vm2 =	vmand vm4, vm2  }
0x3b1: {  	v6 =	vsel vm2, v7, v6  }
0x3b2: {  	v7 =	vperm.xlane v6, v5;
	_ =	sdelay $0x1  }
0x3b3: {  	vm2 =	vgt.s32 v6, v7;
	vm15 =	vlt.s32 v6, v7  }
0x3b4: {  	vm2 =	vmand vm3, vm2;
	vm3 =	vmand vm15, vm1  }
0x3b5: {  	vm2 =	vmor vm3, vm2  }
0x3b6: {  	vm2 =	vmand vm5, vm2  }
0x3b7: {  	v6 =	vsel vm2, v7, v6  }
0x3b8: {  	[tilespmem:s21+$0x16380] =	vst v6  }
0x3b9: {  	[hbm4b:s9+s5] =	stream.linear.scatter [tilespmem:s18], [sflag:$0x1], $0x200, $0x38;
	[tilespmem:$0x16580] =	vst v63  }
0x3ba: {  	s20 =	sadd.s32 $0x1, s20;
	_ =	swait.ge [sflag:s13], $0x200  }
0x3bb: {  	p0 =	sne.s32 s20, s11;
	[sflag:s13] =	ssyncset.done $0x0  }
.Ltmp11:
0x3bc: {  	[sflag:s13] =	ssyncadd.s32 $0xFFFFFE00;
	(pc) =	sbr.rel @p0 .LBB2_1-.Ltmp11, $4  }
0x3bd: {  	[hbm4b:s10+s5] =	stream.linear.scatter [tilespmem:s19], [sflag:$0x1], $0x200, $0x38;
	[tilespmem:$0x16580] =	vst v63  }
0x3be: {  	_ =	swait.ge [sflag:s13], $0x200  }
0x3bf: {  	[sflag:s13] =	ssyncset.done $0x0  }
0x3c0: {  	[sflag:s13] =	ssyncadd.s32 $0xFFFFFE00  }
0x3c1: {  	_ =	sfence.sel $0x180000  }
0x3c2: {  	[bflag:$0x0] =	sbarrier.arrive $0xFFFF  }
0x3c3: {  	_ =	strace $0x90000047  }
0x3c4: {  	s0 =	stileid.u32;
	[bflag:$0x2] =	sbarrier.arrive $0xFFFF  }
0x3c5: {  	p0 =	sne.s32 s0, $0x0;
	s0 =	rddreg [dreg:$0x8]  }
0x3c6: {  	s0 =	sadd.s32 @!p0 $0x100000, s0  }
0x3c7: {  	[sflag:s0] =	ssyncadd.tile.s32 @!p0 $0x1;
	_ =	shalt  }
.Lfunc_end2:
_tile_overlayer_lowered:
.L_overlay_start_2:
0x3c8: {  	(tag) =	ssettag $0x2  }
0x3c9: {  	s0 =	rddreg [dreg:$0x0];
	s2 =	stileid.u32  }
0x3ca: {  	s1 =	rddreg [dreg:$0x1];
	p0 =	sne.s32 s2, $0x0  }
0x3cb: {  	s3 =	rddreg [dreg:$0x2];
	[bflag:$0x3] =	sbarrier.arrive $0xFFFF;
	s2 =	simm.s32 @!p0 $0x1C01  }
0x3cc: {  	[timem:s3], [sflag:s2] =	dma.local @!p0 [hbm:s0], s1  }
0x3cd: {  	s0 =	simm.s32 @!p0 $0x1  }
0x3ce: {  	_ =	swait.ge @!p0 [sflag:s0], s1  }
0x3cf: {  	s1 =	ssub.s32 @!p0 $0x0, s1;
	[sflag:s0] =	ssyncset.done @!p0 $0x0  }
0x3d0: {  	[sflag:s0] =	ssyncadd.s32 @!p0 s1  }
0x3d1: {  	[bflag:$0x3] =	sbarrier.arrive $0xFFFF  }
0x3d2: {  	_ =	shalt  }

</sc_bundles>
